<compile_context>
chip_gen: v7x
topology: tpu7x:2x2x1
jax: 0.10.2.dev20260603
libtpu: 0.0.44.dev20260713+nightly
codegen_flags: <defaults>
</compile_context>

<pallas_src>
import functools

import jax
import jax.numpy as jnp
from jax import lax
from jax.experimental import pallas as pl
from jax.experimental.pallas import tpu as pltpu
from jax.experimental.pallas import tpu_sc as plsc

N = 10000
E = 320000
D = 128
NCLS = 40

NC = 2
NS = 16
NW = NC * NS
EPW = E // NW
CHUNK = 96
WIN = 6
NGRP = 18
NCH = WIN * NGRP
EPAD = NCH * CHUNK
N_P = 10240
RPT = N_P // NS

_MESH = plsc.VectorSubcoreMesh(
    core_axis_name="c", subcore_axis_name="s", num_cores=NC, num_subcores=NS
)


@functools.partial(
    pl.kernel,
    out_type=jax.ShapeDtypeStruct((NC, NS, 2, RPT), jnp.float32),
    mesh=_MESH,
    scratch_types=[
        pltpu.VMEM((2, WIN, CHUNK), jnp.int32),
        pltpu.VMEM((2, WIN, CHUNK), jnp.int32),
        pltpu.VMEM((CHUNK,), jnp.float32),
        pltpu.VMEM((RPT,), jnp.float32),
        pltpu.VMEM_SHARED((N_P,), jnp.float32),
        pltpu.VMEM_SHARED((N_P,), jnp.float32),
        [pltpu.SemaphoreType.DMA] * 2,
        [pltpu.SemaphoreType.DMA] * 2,
        pltpu.SemaphoreType.DMA,
    ],
)
def _deg_kernel(edges_hbm, degp_hbm,
                idxs_w, idxd_w, ones_v, stage_v, degs_sp, degd_sp,
                isems, isemd, dsem):
    c = lax.axis_index("c")
    s = lax.axis_index("s")
    w = c * NS + s
    off = pl.multiple_of(s * RPT, 8)
    for k in range(RPT // 16):
        stage_v[pl.ds(16 * k, 16)] = jnp.zeros((16,), jnp.float32)
    pltpu.sync_copy(stage_v, degs_sp.at[pl.ds(off, RPT)])
    pltpu.sync_copy(stage_v, degd_sp.at[pl.ds(off, RPT)])
    for k in range(CHUNK // 16):
        ones_v[pl.ds(16 * k, 16)] = jnp.ones((16,), jnp.float32)
    plsc.subcore_barrier()

    pltpu.async_copy(edges_hbm.at[0, w, 0], idxs_w.at[0], isems[0])
    pltpu.async_copy(edges_hbm.at[1, w, 0], idxd_w.at[0], isemd[0])

    def outer(g2, carry):
        for gg in range(2):
            g = g2 * 2 + gg
            sl, sl2 = gg, 1 - gg
            pltpu.make_async_copy(
                edges_hbm.at[0, w, 0], idxs_w.at[sl], isems[sl]
            ).wait()
            pltpu.make_async_copy(
                edges_hbm.at[1, w, 0], idxd_w.at[sl], isemd[sl]
            ).wait()

            for k in range(WIN):
                pltpu.async_copy(ones_v, degs_sp.at[idxs_w.at[sl, k]], dsem,
                                 add=True)
                pltpu.async_copy(ones_v, degd_sp.at[idxd_w.at[sl, k]], dsem,
                                 add=True)

            @pl.when(g + 1 < NGRP)
            def _():
                pltpu.async_copy(edges_hbm.at[0, w, g + 1], idxs_w.at[sl2],
                                 isems[sl2])
                pltpu.async_copy(edges_hbm.at[1, w, g + 1], idxd_w.at[sl2],
                                 isemd[sl2])

            for k in range(WIN):
                pltpu.make_async_copy(
                    ones_v, degs_sp.at[idxs_w.at[sl, k]], dsem
                ).wait()
                pltpu.make_async_copy(
                    ones_v, degd_sp.at[idxd_w.at[sl, k]], dsem
                ).wait()
        return carry

    lax.fori_loop(0, NGRP // 2, outer, 0)
    plsc.subcore_barrier()
    pltpu.sync_copy(degs_sp.at[pl.ds(off, RPT)], stage_v)
    pltpu.sync_copy(stage_v, degp_hbm.at[c, s, 0])
    pltpu.sync_copy(degd_sp.at[pl.ds(off, RPT)], stage_v)
    pltpu.sync_copy(stage_v, degp_hbm.at[c, s, 1])


@functools.partial(
    pl.kernel,
    out_type=jax.ShapeDtypeStruct((NC, N_P, D), jnp.float32),
    mesh=_MESH,
    scratch_types=[
        pltpu.VMEM((2, WIN, CHUNK), jnp.int32),
        pltpu.VMEM((2, WIN, CHUNK), jnp.int32),
        [pltpu.VMEM((CHUNK, D), jnp.float32)] * 3,
        pltpu.VMEM_SHARED((N_P, D), jnp.float32),
        [pltpu.SemaphoreType.DMA] * 3,
        [pltpu.SemaphoreType.DMA] * 3,
        [pltpu.SemaphoreType.DMA] * 2,
        [pltpu.SemaphoreType.DMA] * 2,
    ],
)
def _agg_kernel(xh_hbm, edges_hbm, part_hbm,
                idxg_w, idxw_w, rows, acc_sp, gsem, ssem, isemg, isemw):
    c = lax.axis_index("c")
    s = lax.axis_index("s")
    w = c * NS + s
    off = pl.multiple_of(s * RPT, 8)
    def zrow(r, carry):
        for k in range(D // 16):
            rows[0][r, pl.ds(16 * k, 16)] = jnp.zeros((16,), jnp.float32)
        return carry

    lax.fori_loop(0, CHUNK, zrow, 0)
    for i in range(RPT // 80):
        pltpu.async_copy(rows[0].at[pl.ds(0, 80)],
                         acc_sp.at[pl.ds(off + i * 80, 80)], gsem[0])
    for i in range(RPT // 80):
        pltpu.make_async_copy(
            rows[0].at[pl.ds(0, 80)], acc_sp.at[pl.ds(off + i * 80, 80)],
            gsem[0],
        ).wait()
    plsc.subcore_barrier()

    pltpu.async_copy(edges_hbm.at[0, w, 0], idxg_w.at[0], isemg[0])
    pltpu.async_copy(edges_hbm.at[1, w, 0], idxw_w.at[0], isemw[0])
    pltpu.make_async_copy(edges_hbm.at[0, w, 0], idxg_w.at[0], isemg[0]).wait()
    pltpu.make_async_copy(edges_hbm.at[1, w, 0], idxw_w.at[0], isemw[0]).wait()
    pltpu.async_copy(xh_hbm.at[idxg_w.at[0, 0]], rows[0], gsem[0])
    pltpu.async_copy(xh_hbm.at[idxg_w.at[0, 1]], rows[1], gsem[1])

    def outer(g2, carry):
        for gg in range(2):
            g = g2 * 2 + gg
            sl, sl2 = gg, 1 - gg
            for k in range(WIN):
                j = g * WIN + k
                b = k % 3
                bs = (k + 2) % 3
                pltpu.make_async_copy(
                    xh_hbm.at[idxg_w.at[sl, k]], rows[b], gsem[b]
                ).wait()
                pltpu.async_copy(rows[b], acc_sp.at[idxw_w.at[sl, k]],
                                 ssem[b], add=True)

                if k == 0:
                    @pl.when(j >= 1)
                    def _():
                        pltpu.make_async_copy(
                            rows[bs], acc_sp.at[idxw_w.at[sl2, WIN - 1]],
                            ssem[bs],
                        ).wait()
                else:
                    pltpu.make_async_copy(
                        rows[bs], acc_sp.at[idxw_w.at[sl, k - 1]], ssem[bs]
                    ).wait()

                if k == 1:
                    @pl.when(g + 1 < NGRP)
                    def _():
                        pltpu.async_copy(edges_hbm.at[0, w, g + 1],
                                         idxg_w.at[sl2], isemg[sl2])
                        pltpu.async_copy(edges_hbm.at[1, w, g + 1],
                                         idxw_w.at[sl2], isemw[sl2])

                if k < WIN - 2:
                    pltpu.async_copy(xh_hbm.at[idxg_w.at[sl, k + 2]],
                                     rows[bs], gsem[bs])
                elif k == WIN - 2:
                    @pl.when(j + 2 < NCH)
                    def _():
                        pltpu.make_async_copy(
                            edges_hbm.at[0, w, 0], idxg_w.at[sl2], isemg[sl2]
                        ).wait()
                        pltpu.make_async_copy(
                            edges_hbm.at[1, w, 0], idxw_w.at[sl2], isemw[sl2]
                        ).wait()
                        pltpu.async_copy(xh_hbm.at[idxg_w.at[sl2, 0]],
                                         rows[bs], gsem[bs])
                else:
                    @pl.when(j + 2 < NCH)
                    def _():
                        pltpu.async_copy(xh_hbm.at[idxg_w.at[sl2, 1]],
                                         rows[bs], gsem[bs])
        return carry

    lax.fori_loop(0, NGRP // 2, outer, 0)
    pltpu.make_async_copy(
        rows[(NCH - 1) % 3], acc_sp.at[idxw_w.at[(NGRP - 1) % 2, WIN - 1]],
        ssem[(NCH - 1) % 3],
    ).wait()
    plsc.subcore_barrier()
    pltpu.sync_copy(acc_sp.at[pl.ds(off, RPT)], part_hbm.at[c, pl.ds(off, RPT)])


def _norms_body(degp_ref, out_ref):
    d = degp_ref[0] + degp_ref[1]
    out_ref[...] = lax.rsqrt(jnp.maximum(d, 1.0))


_norms_tc = pl.pallas_call(
    _norms_body,
    out_shape=jax.ShapeDtypeStruct((2, N_P // 128, 128), jnp.float32),
)


def _xw_scale_body(x_ref, w_ref, ns_ref, o_ref):
    o_ref[pl.ds(0, N)] = (
        jnp.dot(x_ref[...], w_ref[...], preferred_element_type=jnp.float32)
        * ns_ref[...]
    )
    o_ref[pl.ds(N, N_P - N)] = jnp.zeros((N_P - N, D), jnp.float32)


_xw_scale_tc = pl.pallas_call(
    _xw_scale_body,
    out_shape=jax.ShapeDtypeStruct((N_P, D), jnp.float32),
)


def _mid_body(p_ref, nd_ref, b_ref, w_ref, ns_ref, o_ref):
    agg = (p_ref[0, :N, :] + p_ref[1, :N, :]) * nd_ref[...] + b_ref[...]
    h = jnp.maximum(agg, 0.0)
    o_ref[pl.ds(0, N)] = (
        jnp.dot(h, w_ref[...], preferred_element_type=jnp.float32) * ns_ref[...]
    )
    o_ref[pl.ds(N, N_P - N)] = jnp.zeros((N_P - N, D), jnp.float32)


_mid_tc = pl.pallas_call(
    _mid_body,
    out_shape=jax.ShapeDtypeStruct((N_P, D), jnp.float32),
)


def _final_body(p_ref, nd_ref, b_ref, wfc_ref, bfc_ref, o_ref):
    agg = (p_ref[0, :N, :] + p_ref[1, :N, :]) * nd_ref[...] + b_ref[...]
    o_ref[...] = (
        jnp.dot(agg, wfc_ref[...], preferred_element_type=jnp.float32)
        + bfc_ref[...]
    )


_final_tc = pl.pallas_call(
    _final_body,
    out_shape=jax.ShapeDtypeStruct((N, NCLS), jnp.float32),
)


def kernel(inputs, edge_index, W1, b1, W2, b2, Wfc, bfc):
    pad = EPAD - EPW
    ei = edge_index.reshape(2, NW, EPW)
    pad_rows = jnp.broadcast_to(
        N + (jnp.arange(pad, dtype=jnp.int32) % (N_P - N)), (2, NW, pad))
    edges = jnp.concatenate([ei, pad_rows], axis=2).reshape(
        2, NW, NGRP, WIN, CHUNK)

    degp = _deg_kernel(edges)
    degp = degp.transpose(0, 2, 1, 3).reshape(NC, 2, N_P // 128, 128)
    norms = _norms_tc(degp)
    ns_col = norms[0].reshape(N_P, 1)[:N]
    nd_col = norms[1].reshape(N_P, 1)[:N]

    xh1 = _xw_scale_tc(inputs, W1, ns_col)
    p1 = _agg_kernel(xh1, edges)
    xh2 = _mid_tc(p1, nd_col, b1.reshape(1, D), W2, ns_col)
    p2 = _agg_kernel(xh2, edges)
    out = _final_tc(p2, nd_col, b2.reshape(1, D), Wfc, bfc.reshape(1, NCLS))
    return out

# --- scband reference (transcript-rebuilt; emitter-appended) ---
"""Pipeline reference for scband-model-87892210745352 (READ-ONLY COPY).

The authoritative reference and input builder live on the scoring server;
editing this copy changes nothing except your own understanding.
"""

import jax, jax.numpy as jnp
import numpy as np

N = 10000
E = 320000
D_IN = 128
D_HID = 128
N_CLASSES = 40


def setup_inputs(seed: int = 0) -> dict:
    key = jax.random.key(seed)
    ks = jax.random.split(key, 8)
    inputs = jax.random.normal(ks[0], (N, D_IN), dtype=jnp.float32)
    edge_index = jax.random.randint(ks[1], (2, E), 0, N, dtype=jnp.int32)
    # GraphConv layer 1 params (glorot-ish init)
    W1 = jax.random.normal(ks[2], (D_IN, D_HID), dtype=jnp.float32) * (1.0 / np.sqrt(D_IN))
    b1 = jnp.zeros((D_HID,), dtype=jnp.float32)
    # GraphConv layer 2 params
    W2 = jax.random.normal(ks[3], (D_HID, D_HID), dtype=jnp.float32) * (1.0 / np.sqrt(D_HID))
    b2 = jnp.zeros((D_HID,), dtype=jnp.float32)
    # final fc
    Wfc = jax.random.normal(ks[4], (D_HID, N_CLASSES), dtype=jnp.float32) * (1.0 / np.sqrt(D_HID))
    bfc = jnp.zeros((N_CLASSES,), dtype=jnp.float32)
    return {"inputs": inputs, "edge_index": edge_index, "W1": W1, "b1": b1,
            "W2": W2, "b2": b2, "Wfc": Wfc, "bfc": bfc}


def _graph_conv(h, src, dst, norm_src, norm_dst, W, b, activation=None):
    # DGL GraphConv with norm='both': D_dst^{-1/2} A D_src^{-1/2} (X W) + b
    h = h @ W
    h = h * norm_src[:, None]
    msgs = jnp.take(h, src, axis=0)              # gather over edges
    agg = jax.ops.segment_sum(msgs, dst, num_segments=N)  # scatter-add
    agg = agg * norm_dst[:, None] + b
    if activation is not None:
        agg = activation(agg)
    return agg


def reference(inputs, edge_index, W1, b1, W2, b2, Wfc, bfc):
    src = edge_index[0]
    dst = edge_index[1]
    out_deg = jnp.bincount(src, length=N).astype(jnp.float32)
    in_deg = jnp.bincount(dst, length=N).astype(jnp.float32)
    norm_src = 1.0 / jnp.sqrt(jnp.maximum(out_deg, 1.0))
    norm_dst = 1.0 / jnp.sqrt(jnp.maximum(in_deg, 1.0))
    # dropout is identity in eval mode
    h = _graph_conv(inputs, src, dst, norm_src, norm_dst, W1, b1, activation=jax.nn.relu)
    h = _graph_conv(h, src, dst, norm_src, norm_dst, W2, b2, activation=None)
    out = h @ Wfc + bfc
    return out

if __name__ == "__main__":
    import jax
    _d = setup_inputs()
    print(jax.jit(kernel)(*tuple(_d.values())))

</pallas_src>

<mosaic_0001>
#map = affine_map<(d0, d1) -> (0, 0)>
#map1 = affine_map<(d0, d1) -> (0, 0, 0, 0, 0)>
#map2 = affine_map<(d0, d1) -> (0, 0, 0)>
module attributes {stable_mosaic.version = 14 : i64} {
  func.func @_agg_kernel(%arg0: i32, %arg1: i32, %arg2: memref<10240x128xf32, #tpu.memory_space<hbm>>, %arg3: memref<2x32x18x6x96xi32, #tpu.memory_space<hbm>>, %arg4: memref<2x10240x128xf32, #tpu.memory_space<hbm>>, %arg5: memref<2x6x96xi32, #tpu.memory_space<vmem>>, %arg6: memref<2x6x96xi32, #tpu.memory_space<vmem>>, %arg7: memref<96x128xf32, #tpu.memory_space<vmem>>, %arg8: memref<96x128xf32, #tpu.memory_space<vmem>>, %arg9: memref<96x128xf32, #tpu.memory_space<vmem>>, %arg10: memref<10240x128xf32, #tpu.memory_space<vmem_shared>>, %arg11: memref<!tpu.dma_semaphore, #tpu.memory_space<semaphore_mem>>, %arg12: memref<!tpu.dma_semaphore, #tpu.memory_space<semaphore_mem>>, %arg13: memref<!tpu.dma_semaphore, #tpu.memory_space<semaphore_mem>>, %arg14: memref<!tpu.dma_semaphore, #tpu.memory_space<semaphore_mem>>, %arg15: memref<!tpu.dma_semaphore, #tpu.memory_space<semaphore_mem>>, %arg16: memref<!tpu.dma_semaphore, #tpu.memory_space<semaphore_mem>>, %arg17: memref<!tpu.dma_semaphore, #tpu.memory_space<semaphore_mem>>, %arg18: memref<!tpu.dma_semaphore, #tpu.memory_space<semaphore_mem>>, %arg19: memref<!tpu.dma_semaphore, #tpu.memory_space<semaphore_mem>>, %arg20: memref<!tpu.dma_semaphore, #tpu.memory_space<semaphore_mem>>) attributes {dimension_semantics = [#tpu.dimension_semantics<core_parallel>, #tpu.dimension_semantics<subcore_parallel>], iteration_bounds = array<i64: 2, 16>, scalar_prefetch = 0 : i64, scratch_operands = 16 : i64, tpu.core_type = #tpu.core_type<sc_vector_subcore>, window_params = [{transform_indices = #map}, {transform_indices = #map1}, {transform_indices = #map2}]} {
    %mul3A = arith.constant 16 : i32
    %mul3A_0 = arith.muli %arg0, %mul3A : i32
    %add3A = arith.addi %mul3A_0, %arg1 : i32
    %mul3A_1 = arith.constant 640 : i32
    %mul3A_2 = arith.muli %arg1, %mul3A_1 : i32
    %multiple_of3A = tpu.assume_multiple %mul3A_2, 8 : i32
    %scan3A = arith.constant 0 : i32
    %scan3A_3 = arith.constant 0 : i32
    %scan3A_4 = arith.constant 96 : i32
    %scan3A_5 = arith.addi %scan3A_3, %scan3A_4 : i32
    %scan3A_6 = arith.constant 1 : i32
    scf.for %scan3A_305 = %scan3A_3 to %scan3A_5 step %scan3A_6  : i32 {
      %broadcast_in_dim3A = arith.constant 0.000000e+00 : f32
      %broadcast_in_dim3A_306 = vector.broadcast %broadcast_in_dim3A : f32 to vector<16xf32>
      %swap3A = arith.index_cast %scan3A_305 : i32 to index
      %swap3A_307 = arith.constant 0 : index
      %swap3A_308 = tpu.vector_load %arg7[%swap3A, %swap3A_307] {strides = array<i32>} : memref<96x128xf32, #tpu.memory_space<vmem>>, vector<1x16xf32>,
      %swap3A_309 = vector.shape_cast %swap3A_308 : vector<1x16xf32> to vector<16xf32>
      %swap3A_310 = vector.shape_cast %broadcast_in_dim3A_306 : vector<16xf32> to vector<1x16xf32>
      tpu.vector_store %arg7[%swap3A, %swap3A_307], %swap3A_310 {strides = array<i32>} : memref<96x128xf32, #tpu.memory_space<vmem>>, vector<1x16xf32>,
      %broadcast_in_dim3A_311 = arith.constant 0.000000e+00 : f32
      %broadcast_in_dim3A_312 = vector.broadcast %broadcast_in_dim3A_311 : f32 to vector<16xf32>
      %swap3A_313 = arith.index_cast %scan3A_305 : i32 to index
      %swap3A_314 = arith.constant 16 : index
      %swap3A_315 = tpu.vector_load %arg7[%swap3A_313, %swap3A_314] {strides = array<i32>} : memref<96x128xf32, #tpu.memory_space<vmem>>, vector<1x16xf32>,
      %swap3A_316 = vector.shape_cast %swap3A_315 : vector<1x16xf32> to vector<16xf32>
      %swap3A_317 = vector.shape_cast %broadcast_in_dim3A_312 : vector<16xf32> to vector<1x16xf32>
      tpu.vector_store %arg7[%swap3A_313, %swap3A_314], %swap3A_317 {strides = array<i32>} : memref<96x128xf32, #tpu.memory_space<vmem>>, vector<1x16xf32>,
      %broadcast_in_dim3A_318 = arith.constant 0.000000e+00 : f32
      %broadcast_in_dim3A_319 = vector.broadcast %broadcast_in_dim3A_318 : f32 to vector<16xf32>
      %swap3A_320 = arith.index_cast %scan3A_305 : i32 to index
      %swap3A_321 = arith.constant 32 : index
      %swap3A_322 = tpu.vector_load %arg7[%swap3A_320, %swap3A_321] {strides = array<i32>} : memref<96x128xf32, #tpu.memory_space<vmem>>, vector<1x16xf32>,
      %swap3A_323 = vector.shape_cast %swap3A_322 : vector<1x16xf32> to vector<16xf32>
      %swap3A_324 = vector.shape_cast %broadcast_in_dim3A_319 : vector<16xf32> to vector<1x16xf32>
      tpu.vector_store %arg7[%swap3A_320, %swap3A_321], %swap3A_324 {strides = array<i32>} : memref<96x128xf32, #tpu.memory_space<vmem>>, vector<1x16xf32>,
      %broadcast_in_dim3A_325 = arith.constant 0.000000e+00 : f32
      %broadcast_in_dim3A_326 = vector.broadcast %broadcast_in_dim3A_325 : f32 to vector<16xf32>
      %swap3A_327 = arith.index_cast %scan3A_305 : i32 to index
      %swap3A_328 = arith.constant 48 : index
      %swap3A_329 = tpu.vector_load %arg7[%swap3A_327, %swap3A_328] {strides = array<i32>} : memref<96x128xf32, #tpu.memory_space<vmem>>, vector<1x16xf32>,
      %swap3A_330 = vector.shape_cast %swap3A_329 : vector<1x16xf32> to vector<16xf32>
      %swap3A_331 = vector.shape_cast %broadcast_in_dim3A_326 : vector<16xf32> to vector<1x16xf32>
      tpu.vector_store %arg7[%swap3A_327, %swap3A_328], %swap3A_331 {strides = array<i32>} : memref<96x128xf32, #tpu.memory_space<vmem>>, vector<1x16xf32>,
      %broadcast_in_dim3A_332 = arith.constant 0.000000e+00 : f32
      %broadcast_in_dim3A_333 = vector.broadcast %broadcast_in_dim3A_332 : f32 to vector<16xf32>
      %swap3A_334 = arith.index_cast %scan3A_305 : i32 to index
      %swap3A_335 = arith.constant 64 : index
      %swap3A_336 = tpu.vector_load %arg7[%swap3A_334, %swap3A_335] {strides = array<i32>} : memref<96x128xf32, #tpu.memory_space<vmem>>, vector<1x16xf32>,
      %swap3A_337 = vector.shape_cast %swap3A_336 : vector<1x16xf32> to vector<16xf32>
      %swap3A_338 = vector.shape_cast %broadcast_in_dim3A_333 : vector<16xf32> to vector<1x16xf32>
      tpu.vector_store %arg7[%swap3A_334, %swap3A_335], %swap3A_338 {strides = array<i32>} : memref<96x128xf32, #tpu.memory_space<vmem>>, vector<1x16xf32>,
      %broadcast_in_dim3A_339 = arith.constant 0.000000e+00 : f32
      %broadcast_in_dim3A_340 = vector.broadcast %broadcast_in_dim3A_339 : f32 to vector<16xf32>
      %swap3A_341 = arith.index_cast %scan3A_305 : i32 to index
      %swap3A_342 = arith.constant 80 : index
      %swap3A_343 = tpu.vector_load %arg7[%swap3A_341, %swap3A_342] {strides = array<i32>} : memref<96x128xf32, #tpu.memory_space<vmem>>, vector<1x16xf32>,
      %swap3A_344 = vector.shape_cast %swap3A_343 : vector<1x16xf32> to vector<16xf32>
      %swap3A_345 = vector.shape_cast %broadcast_in_dim3A_340 : vector<16xf32> to vector<1x16xf32>
      tpu.vector_store %arg7[%swap3A_341, %swap3A_342], %swap3A_345 {strides = array<i32>} : memref<96x128xf32, #tpu.memory_space<vmem>>, vector<1x16xf32>,
      %broadcast_in_dim3A_346 = arith.constant 0.000000e+00 : f32
      %broadcast_in_dim3A_347 = vector.broadcast %broadcast_in_dim3A_346 : f32 to vector<16xf32>
      %swap3A_348 = arith.index_cast %scan3A_305 : i32 to index
      %swap3A_349 = arith.constant 96 : index
      %swap3A_350 = tpu.vector_load %arg7[%swap3A_348, %swap3A_349] {strides = array<i32>} : memref<96x128xf32, #tpu.memory_space<vmem>>, vector<1x16xf32>,
      %swap3A_351 = vector.shape_cast %swap3A_350 : vector<1x16xf32> to vector<16xf32>
      %swap3A_352 = vector.shape_cast %broadcast_in_dim3A_347 : vector<16xf32> to vector<1x16xf32>
      tpu.vector_store %arg7[%swap3A_348, %swap3A_349], %swap3A_352 {strides = array<i32>} : memref<96x128xf32, #tpu.memory_space<vmem>>, vector<1x16xf32>,
      %broadcast_in_dim3A_353 = arith.constant 0.000000e+00 : f32
      %broadcast_in_dim3A_354 = vector.broadcast %broadcast_in_dim3A_353 : f32 to vector<16xf32>
      %swap3A_355 = arith.index_cast %scan3A_305 : i32 to index
      %swap3A_356 = arith.constant 112 : index
      %swap3A_357 = tpu.vector_load %arg7[%swap3A_355, %swap3A_356] {strides = array<i32>} : memref<96x128xf32, #tpu.memory_space<vmem>>, vector<1x16xf32>,
      %swap3A_358 = vector.shape_cast %swap3A_357 : vector<1x16xf32> to vector<16xf32>
      %swap3A_359 = vector.shape_cast %broadcast_in_dim3A_354 : vector<16xf32> to vector<1x16xf32>
      tpu.vector_store %arg7[%swap3A_355, %swap3A_356], %swap3A_359 {strides = array<i32>} : memref<96x128xf32, #tpu.memory_space<vmem>>, vector<1x16xf32>,
    }
    %scan3A_7 = arith.constant 96 : i32
    %add3A_8 = arith.constant 0 : i32
    %add3A_9 = arith.addi %multiple_of3A, %add3A_8 : i32
    %dma_start3A = arith.constant 0 : i32
    %dma_start3A_10 = arith.constant 0 : i32
    %dma_start3A_11 = tpu.memref_slice %arg7[%dma_start3A, %dma_start3A_10] : memref<96x128xf32, #tpu.memory_space<vmem>> -> memref<80x128xf32, #tpu.memory_space<vmem>>
    %dma_start3A_12 = arith.constant 0 : i32
    %dma_start3A_13 = tpu.memref_slice %arg10[%add3A_9, %dma_start3A_12] : memref<10240x128xf32, #tpu.memory_space<vmem_shared>> -> memref<80x128xf32, #tpu.memory_space<vmem_shared>>
    %dma_start3A_14 = arith.constant 0 : i32
    %dma_start3A_15 = tpu.memref_slice %arg10[%add3A_9, %dma_start3A_14] : memref<10240x128xf32, #tpu.memory_space<vmem_shared>> -> memref<80x128xf32, #tpu.memory_space<vmem_shared>>
    %dma_start3A_16 = arith.constant 0 : i32
    %dma_start3A_17 = arith.constant 0 : i32
    %dma_start3A_18 = tpu.memref_slice %arg7[%dma_start3A_16, %dma_start3A_17] : memref<96x128xf32, #tpu.memory_space<vmem>> -> memref<80x128xf32, #tpu.memory_space<vmem>>
    tpu.enqueue_dma source(%dma_start3A_18 : memref<80x128xf32, #tpu.memory_space<vmem>>) target(%dma_start3A_15 : memref<80x128xf32, #tpu.memory_space<vmem_shared>>) target_semaphore(%arg11 : memref<!tpu.dma_semaphore, #tpu.memory_space<semaphore_mem>>)
    %add3A_19 = arith.constant 80 : i32
    %add3A_20 = arith.addi %multiple_of3A, %add3A_19 : i32
    %dma_start3A_21 = arith.constant 0 : i32
    %dma_start3A_22 = arith.constant 0 : i32
    %dma_start3A_23 = tpu.memref_slice %arg7[%dma_start3A_21, %dma_start3A_22] : memref<96x128xf32, #tpu.memory_space<vmem>> -> memref<80x128xf32, #tpu.memory_space<vmem>>
    %dma_start3A_24 = arith.constant 0 : i32
    %dma_start3A_25 = tpu.memref_slice %arg10[%add3A_20, %dma_start3A_24] : memref<10240x128xf32, #tpu.memory_space<vmem_shared>> -> memref<80x128xf32, #tpu.memory_space<vmem_shared>>
    %dma_start3A_26 = arith.constant 0 : i32
    %dma_start3A_27 = tpu.memref_slice %arg10[%add3A_20, %dma_start3A_26] : memref<10240x128xf32, #tpu.memory_space<vmem_shared>> -> memref<80x128xf32, #tpu.memory_space<vmem_shared>>
    %dma_start3A_28 = arith.constant 0 : i32
    %dma_start3A_29 = arith.constant 0 : i32
    %dma_start3A_30 = tpu.memref_slice %arg7[%dma_start3A_28, %dma_start3A_29] : memref<96x128xf32, #tpu.memory_space<vmem>> -> memref<80x128xf32, #tpu.memory_space<vmem>>
    tpu.enqueue_dma source(%dma_start3A_30 : memref<80x128xf32, #tpu.memory_space<vmem>>) target(%dma_start3A_27 : memref<80x128xf32, #tpu.memory_space<vmem_shared>>) target_semaphore(%arg11 : memref<!tpu.dma_semaphore, #tpu.memory_space<semaphore_mem>>)
    %add3A_31 = arith.constant 160 : i32
    %add3A_32 = arith.addi %multiple_of3A, %add3A_31 : i32
    %dma_start3A_33 = arith.constant 0 : i32
    %dma_start3A_34 = arith.constant 0 : i32
    %dma_start3A_35 = tpu.memref_slice %arg7[%dma_start3A_33, %dma_start3A_34] : memref<96x128xf32, #tpu.memory_space<vmem>> -> memref<80x128xf32, #tpu.memory_space<vmem>>
    %dma_start3A_36 = arith.constant 0 : i32
    %dma_start3A_37 = tpu.memref_slice %arg10[%add3A_32, %dma_start3A_36] : memref<10240x128xf32, #tpu.memory_space<vmem_shared>> -> memref<80x128xf32, #tpu.memory_space<vmem_shared>>
    %dma_start3A_38 = arith.constant 0 : i32
    %dma_start3A_39 = tpu.memref_slice %arg10[%add3A_32, %dma_start3A_38] : memref<10240x128xf32, #tpu.memory_space<vmem_shared>> -> memref<80x128xf32, #tpu.memory_space<vmem_shared>>
    %dma_start3A_40 = arith.constant 0 : i32
    %dma_start3A_41 = arith.constant 0 : i32
    %dma_start3A_42 = tpu.memref_slice %arg7[%dma_start3A_40, %dma_start3A_41] : memref<96x128xf32, #tpu.memory_space<vmem>> -> memref<80x128xf32, #tpu.memory_space<vmem>>
    tpu.enqueue_dma source(%dma_start3A_42 : memref<80x128xf32, #tpu.memory_space<vmem>>) target(%dma_start3A_39 : memref<80x128xf32, #tpu.memory_space<vmem_shared>>) target_semaphore(%arg11 : memref<!tpu.dma_semaphore, #tpu.memory_space<semaphore_mem>>)
    %add3A_43 = arith.constant 240 : i32
    %add3A_44 = arith.addi %multiple_of3A, %add3A_43 : i32
    %dma_start3A_45 = arith.constant 0 : i32
    %dma_start3A_46 = arith.constant 0 : i32
    %dma_start3A_47 = tpu.memref_slice %arg7[%dma_start3A_45, %dma_start3A_46] : memref<96x128xf32, #tpu.memory_space<vmem>> -> memref<80x128xf32, #tpu.memory_space<vmem>>
    %dma_start3A_48 = arith.constant 0 : i32
    %dma_start3A_49 = tpu.memref_slice %arg10[%add3A_44, %dma_start3A_48] : memref<10240x128xf32, #tpu.memory_space<vmem_shared>> -> memref<80x128xf32, #tpu.memory_space<vmem_shared>>
    %dma_start3A_50 = arith.constant 0 : i32
    %dma_start3A_51 = tpu.memref_slice %arg10[%add3A_44, %dma_start3A_50] : memref<10240x128xf32, #tpu.memory_space<vmem_shared>> -> memref<80x128xf32, #tpu.memory_space<vmem_shared>>
    %dma_start3A_52 = arith.constant 0 : i32
    %dma_start3A_53 = arith.constant 0 : i32
    %dma_start3A_54 = tpu.memref_slice %arg7[%dma_start3A_52, %dma_start3A_53] : memref<96x128xf32, #tpu.memory_space<vmem>> -> memref<80x128xf32, #tpu.memory_space<vmem>>
    tpu.enqueue_dma source(%dma_start3A_54 : memref<80x128xf32, #tpu.memory_space<vmem>>) target(%dma_start3A_51 : memref<80x128xf32, #tpu.memory_space<vmem_shared>>) target_semaphore(%arg11 : memref<!tpu.dma_semaphore, #tpu.memory_space<semaphore_mem>>)
    %add3A_55 = arith.constant 320 : i32
    %add3A_56 = arith.addi %multiple_of3A, %add3A_55 : i32
    %dma_start3A_57 = arith.constant 0 : i32
    %dma_start3A_58 = arith.constant 0 : i32
    %dma_start3A_59 = tpu.memref_slice %arg7[%dma_start3A_57, %dma_start3A_58] : memref<96x128xf32, #tpu.memory_space<vmem>> -> memref<80x128xf32, #tpu.memory_space<vmem>>
    %dma_start3A_60 = arith.constant 0 : i32
    %dma_start3A_61 = tpu.memref_slice %arg10[%add3A_56, %dma_start3A_60] : memref<10240x128xf32, #tpu.memory_space<vmem_shared>> -> memref<80x128xf32, #tpu.memory_space<vmem_shared>>
    %dma_start3A_62 = arith.constant 0 : i32
    %dma_start3A_63 = tpu.memref_slice %arg10[%add3A_56, %dma_start3A_62] : memref<10240x128xf32, #tpu.memory_space<vmem_shared>> -> memref<80x128xf32, #tpu.memory_space<vmem_shared>>
    %dma_start3A_64 = arith.constant 0 : i32
    %dma_start3A_65 = arith.constant 0 : i32
    %dma_start3A_66 = tpu.memref_slice %arg7[%dma_start3A_64, %dma_start3A_65] : memref<96x128xf32, #tpu.memory_space<vmem>> -> memref<80x128xf32, #tpu.memory_space<vmem>>
    tpu.enqueue_dma source(%dma_start3A_66 : memref<80x128xf32, #tpu.memory_space<vmem>>) target(%dma_start3A_63 : memref<80x128xf32, #tpu.memory_space<vmem_shared>>) target_semaphore(%arg11 : memref<!tpu.dma_semaphore, #tpu.memory_space<semaphore_mem>>)
    %add3A_67 = arith.constant 400 : i32
    %add3A_68 = arith.addi %multiple_of3A, %add3A_67 : i32
    %dma_start3A_69 = arith.constant 0 : i32
    %dma_start3A_70 = arith.constant 0 : i32
    %dma_start3A_71 = tpu.memref_slice %arg7[%dma_start3A_69, %dma_start3A_70] : memref<96x128xf32, #tpu.memory_space<vmem>> -> memref<80x128xf32, #tpu.memory_space<vmem>>
    %dma_start3A_72 = arith.constant 0 : i32
    %dma_start3A_73 = tpu.memref_slice %arg10[%add3A_68, %dma_start3A_72] : memref<10240x128xf32, #tpu.memory_space<vmem_shared>> -> memref<80x128xf32, #tpu.memory_space<vmem_shared>>
    %dma_start3A_74 = arith.constant 0 : i32
    %dma_start3A_75 = tpu.memref_slice %arg10[%add3A_68, %dma_start3A_74] : memref<10240x128xf32, #tpu.memory_space<vmem_shared>> -> memref<80x128xf32, #tpu.memory_space<vmem_shared>>
    %dma_start3A_76 = arith.constant 0 : i32
    %dma_start3A_77 = arith.constant 0 : i32
    %dma_start3A_78 = tpu.memref_slice %arg7[%dma_start3A_76, %dma_start3A_77] : memref<96x128xf32, #tpu.memory_space<vmem>> -> memref<80x128xf32, #tpu.memory_space<vmem>>
    tpu.enqueue_dma source(%dma_start3A_78 : memref<80x128xf32, #tpu.memory_space<vmem>>) target(%dma_start3A_75 : memref<80x128xf32, #tpu.memory_space<vmem_shared>>) target_semaphore(%arg11 : memref<!tpu.dma_semaphore, #tpu.memory_space<semaphore_mem>>)
    %add3A_79 = arith.constant 480 : i32
    %add3A_80 = arith.addi %multiple_of3A, %add3A_79 : i32
    %dma_start3A_81 = arith.constant 0 : i32
    %dma_start3A_82 = arith.constant 0 : i32
    %dma_start3A_83 = tpu.memref_slice %arg7[%dma_start3A_81, %dma_start3A_82] : memref<96x128xf32, #tpu.memory_space<vmem>> -> memref<80x128xf32, #tpu.memory_space<vmem>>
    %dma_start3A_84 = arith.constant 0 : i32
    %dma_start3A_85 = tpu.memref_slice %arg10[%add3A_80, %dma_start3A_84] : memref<10240x128xf32, #tpu.memory_space<vmem_shared>> -> memref<80x128xf32, #tpu.memory_space<vmem_shared>>
    %dma_start3A_86 = arith.constant 0 : i32
    %dma_start3A_87 = tpu.memref_slice %arg10[%add3A_80, %dma_start3A_86] : memref<10240x128xf32, #tpu.memory_space<vmem_shared>> -> memref<80x128xf32, #tpu.memory_space<vmem_shared>>
    %dma_start3A_88 = arith.constant 0 : i32
    %dma_start3A_89 = arith.constant 0 : i32
    %dma_start3A_90 = tpu.memref_slice %arg7[%dma_start3A_88, %dma_start3A_89] : memref<96x128xf32, #tpu.memory_space<vmem>> -> memref<80x128xf32, #tpu.memory_space<vmem>>
    tpu.enqueue_dma source(%dma_start3A_90 : memref<80x128xf32, #tpu.memory_space<vmem>>) target(%dma_start3A_87 : memref<80x128xf32, #tpu.memory_space<vmem_shared>>) target_semaphore(%arg11 : memref<!tpu.dma_semaphore, #tpu.memory_space<semaphore_mem>>)
    %add3A_91 = arith.constant 560 : i32
    %add3A_92 = arith.addi %multiple_of3A, %add3A_91 : i32
    %dma_start3A_93 = arith.constant 0 : i32
    %dma_start3A_94 = arith.constant 0 : i32
    %dma_start3A_95 = tpu.memref_slice %arg7[%dma_start3A_93, %dma_start3A_94] : memref<96x128xf32, #tpu.memory_space<vmem>> -> memref<80x128xf32, #tpu.memory_space<vmem>>
    %dma_start3A_96 = arith.constant 0 : i32
    %dma_start3A_97 = tpu.memref_slice %arg10[%add3A_92, %dma_start3A_96] : memref<10240x128xf32, #tpu.memory_space<vmem_shared>> -> memref<80x128xf32, #tpu.memory_space<vmem_shared>>
    %dma_start3A_98 = arith.constant 0 : i32
    %dma_start3A_99 = tpu.memref_slice %arg10[%add3A_92, %dma_start3A_98] : memref<10240x128xf32, #tpu.memory_space<vmem_shared>> -> memref<80x128xf32, #tpu.memory_space<vmem_shared>>
    %dma_start3A_100 = arith.constant 0 : i32
    %dma_start3A_101 = arith.constant 0 : i32
    %dma_start3A_102 = tpu.memref_slice %arg7[%dma_start3A_100, %dma_start3A_101] : memref<96x128xf32, #tpu.memory_space<vmem>> -> memref<80x128xf32, #tpu.memory_space<vmem>>
    tpu.enqueue_dma source(%dma_start3A_102 : memref<80x128xf32, #tpu.memory_space<vmem>>) target(%dma_start3A_99 : memref<80x128xf32, #tpu.memory_space<vmem_shared>>) target_semaphore(%arg11 : memref<!tpu.dma_semaphore, #tpu.memory_space<semaphore_mem>>)
    %add3A_103 = arith.constant 0 : i32
    %add3A_104 = arith.addi %multiple_of3A, %add3A_103 : i32
    %dma_wait3A = arith.constant 0 : i32
    %dma_wait3A_105 = arith.constant 0 : i32
    %dma_wait3A_106 = tpu.memref_slice %arg7[%dma_wait3A, %dma_wait3A_105] : memref<96x128xf32, #tpu.memory_space<vmem>> -> memref<80x128xf32, #tpu.memory_space<vmem>>
    %dma_wait3A_107 = arith.constant 0 : i32
    %dma_wait3A_108 = tpu.memref_slice %arg10[%add3A_104, %dma_wait3A_107] : memref<10240x128xf32, #tpu.memory_space<vmem_shared>> -> memref<80x128xf32, #tpu.memory_space<vmem_shared>>
    %dma_wait3A_109 = arith.constant 0 : i32
    %dma_wait3A_110 = tpu.memref_slice %arg10[%add3A_104, %dma_wait3A_109] : memref<10240x128xf32, #tpu.memory_space<vmem_shared>> -> memref<80x128xf32, #tpu.memory_space<vmem_shared>>
    %dma_wait3A_111 = arith.constant 0 : i32
    %dma_wait3A_112 = arith.constant 0 : i32
    %dma_wait3A_113 = tpu.memref_slice %arg7[%dma_wait3A_111, %dma_wait3A_112] : memref<96x128xf32, #tpu.memory_space<vmem>> -> memref<80x128xf32, #tpu.memory_space<vmem>>
    tpu.wait_dma2 semaphore(%arg11 : memref<!tpu.dma_semaphore, #tpu.memory_space<semaphore_mem>>) src(%dma_wait3A_113 : memref<80x128xf32, #tpu.memory_space<vmem>>) dst(%dma_wait3A_110 : memref<80x128xf32, #tpu.memory_space<vmem_shared>>)
    %add3A_114 = arith.constant 80 : i32
    %add3A_115 = arith.addi %multiple_of3A, %add3A_114 : i32
    %dma_wait3A_116 = arith.constant 0 : i32
    %dma_wait3A_117 = arith.constant 0 : i32
    %dma_wait3A_118 = tpu.memref_slice %arg7[%dma_wait3A_116, %dma_wait3A_117] : memref<96x128xf32, #tpu.memory_space<vmem>> -> memref<80x128xf32, #tpu.memory_space<vmem>>
    %dma_wait3A_119 = arith.constant 0 : i32
    %dma_wait3A_120 = tpu.memref_slice %arg10[%add3A_115, %dma_wait3A_119] : memref<10240x128xf32, #tpu.memory_space<vmem_shared>> -> memref<80x128xf32, #tpu.memory_space<vmem_shared>>
    %dma_wait3A_121 = arith.constant 0 : i32
    %dma_wait3A_122 = tpu.memref_slice %arg10[%add3A_115, %dma_wait3A_121] : memref<10240x128xf32, #tpu.memory_space<vmem_shared>> -> memref<80x128xf32, #tpu.memory_space<vmem_shared>>
    %dma_wait3A_123 = arith.constant 0 : i32
    %dma_wait3A_124 = arith.constant 0 : i32
    %dma_wait3A_125 = tpu.memref_slice %arg7[%dma_wait3A_123, %dma_wait3A_124] : memref<96x128xf32, #tpu.memory_space<vmem>> -> memref<80x128xf32, #tpu.memory_space<vmem>>
    tpu.wait_dma2 semaphore(%arg11 : memref<!tpu.dma_semaphore, #tpu.memory_space<semaphore_mem>>) src(%dma_wait3A_125 : memref<80x128xf32, #tpu.memory_space<vmem>>) dst(%dma_wait3A_122 : memref<80x128xf32, #tpu.memory_space<vmem_shared>>)
    %add3A_126 = arith.constant 160 : i32
    %add3A_127 = arith.addi %multiple_of3A, %add3A_126 : i32
    %dma_wait3A_128 = arith.constant 0 : i32
    %dma_wait3A_129 = arith.constant 0 : i32
    %dma_wait3A_130 = tpu.memref_slice %arg7[%dma_wait3A_128, %dma_wait3A_129] : memref<96x128xf32, #tpu.memory_space<vmem>> -> memref<80x128xf32, #tpu.memory_space<vmem>>
    %dma_wait3A_131 = arith.constant 0 : i32
    %dma_wait3A_132 = tpu.memref_slice %arg10[%add3A_127, %dma_wait3A_131] : memref<10240x128xf32, #tpu.memory_space<vmem_shared>> -> memref<80x128xf32, #tpu.memory_space<vmem_shared>>
    %dma_wait3A_133 = arith.constant 0 : i32
    %dma_wait3A_134 = tpu.memref_slice %arg10[%add3A_127, %dma_wait3A_133] : memref<10240x128xf32, #tpu.memory_space<vmem_shared>> -> memref<80x128xf32, #tpu.memory_space<vmem_shared>>
    %dma_wait3A_135 = arith.constant 0 : i32
    %dma_wait3A_136 = arith.constant 0 : i32
    %dma_wait3A_137 = tpu.memref_slice %arg7[%dma_wait3A_135, %dma_wait3A_136] : memref<96x128xf32, #tpu.memory_space<vmem>> -> memref<80x128xf32, #tpu.memory_space<vmem>>
    tpu.wait_dma2 semaphore(%arg11 : memref<!tpu.dma_semaphore, #tpu.memory_space<semaphore_mem>>) src(%dma_wait3A_137 : memref<80x128xf32, #tpu.memory_space<vmem>>) dst(%dma_wait3A_134 : memref<80x128xf32, #tpu.memory_space<vmem_shared>>)
    %add3A_138 = arith.constant 240 : i32
    %add3A_139 = arith.addi %multiple_of3A, %add3A_138 : i32
    %dma_wait3A_140 = arith.constant 0 : i32
    %dma_wait3A_141 = arith.constant 0 : i32
    %dma_wait3A_142 = tpu.memref_slice %arg7[%dma_wait3A_140, %dma_wait3A_141] : memref<96x128xf32, #tpu.memory_space<vmem>> -> memref<80x128xf32, #tpu.memory_space<vmem>>
    %dma_wait3A_143 = arith.constant 0 : i32
    %dma_wait3A_144 = tpu.memref_slice %arg10[%add3A_139, %dma_wait3A_143] : memref<10240x128xf32, #tpu.memory_space<vmem_shared>> -> memref<80x128xf32, #tpu.memory_space<vmem_shared>>
    %dma_wait3A_145 = arith.constant 0 : i32
    %dma_wait3A_146 = tpu.memref_slice %arg10[%add3A_139, %dma_wait3A_145] : memref<10240x128xf32, #tpu.memory_space<vmem_shared>> -> memref<80x128xf32, #tpu.memory_space<vmem_shared>>
    %dma_wait3A_147 = arith.constant 0 : i32
    %dma_wait3A_148 = arith.constant 0 : i32
    %dma_wait3A_149 = tpu.memref_slice %arg7[%dma_wait3A_147, %dma_wait3A_148] : memref<96x128xf32, #tpu.memory_space<vmem>> -> memref<80x128xf32, #tpu.memory_space<vmem>>
    tpu.wait_dma2 semaphore(%arg11 : memref<!tpu.dma_semaphore, #tpu.memory_space<semaphore_mem>>) src(%dma_wait3A_149 : memref<80x128xf32, #tpu.memory_space<vmem>>) dst(%dma_wait3A_146 : memref<80x128xf32, #tpu.memory_space<vmem_shared>>)
    %add3A_150 = arith.constant 320 : i32
    %add3A_151 = arith.addi %multiple_of3A, %add3A_150 : i32
    %dma_wait3A_152 = arith.constant 0 : i32
    %dma_wait3A_153 = arith.constant 0 : i32
    %dma_wait3A_154 = tpu.memref_slice %arg7[%dma_wait3A_152, %dma_wait3A_153] : memref<96x128xf32, #tpu.memory_space<vmem>> -> memref<80x128xf32, #tpu.memory_space<vmem>>
    %dma_wait3A_155 = arith.constant 0 : i32
    %dma_wait3A_156 = tpu.memref_slice %arg10[%add3A_151, %dma_wait3A_155] : memref<10240x128xf32, #tpu.memory_space<vmem_shared>> -> memref<80x128xf32, #tpu.memory_space<vmem_shared>>
    %dma_wait3A_157 = arith.constant 0 : i32
    %dma_wait3A_158 = tpu.memref_slice %arg10[%add3A_151, %dma_wait3A_157] : memref<10240x128xf32, #tpu.memory_space<vmem_shared>> -> memref<80x128xf32, #tpu.memory_space<vmem_shared>>
    %dma_wait3A_159 = arith.constant 0 : i32
    %dma_wait3A_160 = arith.constant 0 : i32
    %dma_wait3A_161 = tpu.memref_slice %arg7[%dma_wait3A_159, %dma_wait3A_160] : memref<96x128xf32, #tpu.memory_space<vmem>> -> memref<80x128xf32, #tpu.memory_space<vmem>>
    tpu.wait_dma2 semaphore(%arg11 : memref<!tpu.dma_semaphore, #tpu.memory_space<semaphore_mem>>) src(%dma_wait3A_161 : memref<80x128xf32, #tpu.memory_space<vmem>>) dst(%dma_wait3A_158 : memref<80x128xf32, #tpu.memory_space<vmem_shared>>)
    %add3A_162 = arith.constant 400 : i32
    %add3A_163 = arith.addi %multiple_of3A, %add3A_162 : i32
    %dma_wait3A_164 = arith.constant 0 : i32
    %dma_wait3A_165 = arith.constant 0 : i32
    %dma_wait3A_166 = tpu.memref_slice %arg7[%dma_wait3A_164, %dma_wait3A_165] : memref<96x128xf32, #tpu.memory_space<vmem>> -> memref<80x128xf32, #tpu.memory_space<vmem>>
    %dma_wait3A_167 = arith.constant 0 : i32
    %dma_wait3A_168 = tpu.memref_slice %arg10[%add3A_163, %dma_wait3A_167] : memref<10240x128xf32, #tpu.memory_space<vmem_shared>> -> memref<80x128xf32, #tpu.memory_space<vmem_shared>>
    %dma_wait3A_169 = arith.constant 0 : i32
    %dma_wait3A_170 = tpu.memref_slice %arg10[%add3A_163, %dma_wait3A_169] : memref<10240x128xf32, #tpu.memory_space<vmem_shared>> -> memref<80x128xf32, #tpu.memory_space<vmem_shared>>
    %dma_wait3A_171 = arith.constant 0 : i32
    %dma_wait3A_172 = arith.constant 0 : i32
    %dma_wait3A_173 = tpu.memref_slice %arg7[%dma_wait3A_171, %dma_wait3A_172] : memref<96x128xf32, #tpu.memory_space<vmem>> -> memref<80x128xf32, #tpu.memory_space<vmem>>
    tpu.wait_dma2 semaphore(%arg11 : memref<!tpu.dma_semaphore, #tpu.memory_space<semaphore_mem>>) src(%dma_wait3A_173 : memref<80x128xf32, #tpu.memory_space<vmem>>) dst(%dma_wait3A_170 : memref<80x128xf32, #tpu.memory_space<vmem_shared>>)
    %add3A_174 = arith.constant 480 : i32
    %add3A_175 = arith.addi %multiple_of3A, %add3A_174 : i32
    %dma_wait3A_176 = arith.constant 0 : i32
    %dma_wait3A_177 = arith.constant 0 : i32
    %dma_wait3A_178 = tpu.memref_slice %arg7[%dma_wait3A_176, %dma_wait3A_177] : memref<96x128xf32, #tpu.memory_space<vmem>> -> memref<80x128xf32, #tpu.memory_space<vmem>>
    %dma_wait3A_179 = arith.constant 0 : i32
    %dma_wait3A_180 = tpu.memref_slice %arg10[%add3A_175, %dma_wait3A_179] : memref<10240x128xf32, #tpu.memory_space<vmem_shared>> -> memref<80x128xf32, #tpu.memory_space<vmem_shared>>
    %dma_wait3A_181 = arith.constant 0 : i32
    %dma_wait3A_182 = tpu.memref_slice %arg10[%add3A_175, %dma_wait3A_181] : memref<10240x128xf32, #tpu.memory_space<vmem_shared>> -> memref<80x128xf32, #tpu.memory_space<vmem_shared>>
    %dma_wait3A_183 = arith.constant 0 : i32
    %dma_wait3A_184 = arith.constant 0 : i32
    %dma_wait3A_185 = tpu.memref_slice %arg7[%dma_wait3A_183, %dma_wait3A_184] : memref<96x128xf32, #tpu.memory_space<vmem>> -> memref<80x128xf32, #tpu.memory_space<vmem>>
    tpu.wait_dma2 semaphore(%arg11 : memref<!tpu.dma_semaphore, #tpu.memory_space<semaphore_mem>>) src(%dma_wait3A_185 : memref<80x128xf32, #tpu.memory_space<vmem>>) dst(%dma_wait3A_182 : memref<80x128xf32, #tpu.memory_space<vmem_shared>>)
    %add3A_186 = arith.constant 560 : i32
    %add3A_187 = arith.addi %multiple_of3A, %add3A_186 : i32
    %dma_wait3A_188 = arith.constant 0 : i32
    %dma_wait3A_189 = arith.constant 0 : i32
    %dma_wait3A_190 = tpu.memref_slice %arg7[%dma_wait3A_188, %dma_wait3A_189] : memref<96x128xf32, #tpu.memory_space<vmem>> -> memref<80x128xf32, #tpu.memory_space<vmem>>
    %dma_wait3A_191 = arith.constant 0 : i32
    %dma_wait3A_192 = tpu.memref_slice %arg10[%add3A_187, %dma_wait3A_191] : memref<10240x128xf32, #tpu.memory_space<vmem_shared>> -> memref<80x128xf32, #tpu.memory_space<vmem_shared>>
    %dma_wait3A_193 = arith.constant 0 : i32
    %dma_wait3A_194 = tpu.memref_slice %arg10[%add3A_187, %dma_wait3A_193] : memref<10240x128xf32, #tpu.memory_space<vmem_shared>> -> memref<80x128xf32, #tpu.memory_space<vmem_shared>>
    %dma_wait3A_195 = arith.constant 0 : i32
    %dma_wait3A_196 = arith.constant 0 : i32
    %dma_wait3A_197 = tpu.memref_slice %arg7[%dma_wait3A_195, %dma_wait3A_196] : memref<96x128xf32, #tpu.memory_space<vmem>> -> memref<80x128xf32, #tpu.memory_space<vmem>>
    tpu.wait_dma2 semaphore(%arg11 : memref<!tpu.dma_semaphore, #tpu.memory_space<semaphore_mem>>) src(%dma_wait3A_197 : memref<80x128xf32, #tpu.memory_space<vmem>>) dst(%dma_wait3A_194 : memref<80x128xf32, #tpu.memory_space<vmem_shared>>)
    %barrier3A = arith.constant 0 : index
    tpu.barrier barrier_id(%barrier3A)
    %dma_start3A_198 = arith.constant 0 : i32
    %dma_start3A_199 = arith.constant 0 : i32
    %dma_start3A_200 = arith.constant 0 : i32
    %dma_start3A_201 = arith.constant 0 : i32
    %dma_start3A_202 = arith.constant 0 : i32
    %dma_start3A_203 = tpu.memref_slice %arg5[%dma_start3A_200, %dma_start3A_201, %dma_start3A_202] : memref<2x6x96xi32, #tpu.memory_space<vmem>> -> memref<1x6x96xi32, #tpu.memory_space<vmem>>
    %dma_start3A_204 = tpu.memref_squeeze %dma_start3A_203 : memref<1x6x96xi32, #tpu.memory_space<vmem>> -> memref<6x96xi32, #tpu.memory_space<vmem>>
    %dma_start3A_205 = arith.constant 0 : i32
    %dma_start3A_206 = arith.constant 0 : i32
    %dma_start3A_207 = tpu.memref_slice %arg3[%dma_start3A_198, %add3A, %dma_start3A_199, %dma_start3A_205, %dma_start3A_206] : memref<2x32x18x6x96xi32, #tpu.memory_space<hbm>> -> memref<1x1x1x6x96xi32, #tpu.memory_space<hbm>>
    %dma_start3A_208 = tpu.memref_squeeze %dma_start3A_207 : memref<1x1x1x6x96xi32, #tpu.memory_space<hbm>> -> memref<6x96xi32, #tpu.memory_space<hbm>>
    %dma_start3A_209 = arith.constant 0 : i32
    %dma_start3A_210 = arith.constant 0 : i32
    %dma_start3A_211 = tpu.memref_slice %arg5[%dma_start3A_200, %dma_start3A_209, %dma_start3A_210] : memref<2x6x96xi32, #tpu.memory_space<vmem>> -> memref<1x6x96xi32, #tpu.memory_space<vmem>>
    %dma_start3A_212 = tpu.memref_squeeze %dma_start3A_211 : memref<1x6x96xi32, #tpu.memory_space<vmem>> -> memref<6x96xi32, #tpu.memory_space<vmem>>
    %dma_start3A_213 = arith.constant 0 : i32
    %dma_start3A_214 = arith.constant 0 : i32
    %dma_start3A_215 = tpu.memref_slice %arg3[%dma_start3A_198, %add3A, %dma_start3A_199, %dma_start3A_213, %dma_start3A_214] : memref<2x32x18x6x96xi32, #tpu.memory_space<hbm>> -> memref<1x1x1x6x96xi32, #tpu.memory_space<hbm>>
    %dma_start3A_216 = tpu.memref_squeeze %dma_start3A_215 : memref<1x1x1x6x96xi32, #tpu.memory_space<hbm>> -> memref<6x96xi32, #tpu.memory_space<hbm>>
    tpu.enqueue_dma source(%dma_start3A_216 : memref<6x96xi32, #tpu.memory_space<hbm>>) target(%dma_start3A_212 : memref<6x96xi32, #tpu.memory_space<vmem>>) target_semaphore(%arg17 : memref<!tpu.dma_semaphore, #tpu.memory_space<semaphore_mem>>)
    %dma_start3A_217 = arith.constant 1 : i32
    %dma_start3A_218 = arith.constant 0 : i32
    %dma_start3A_219 = arith.constant 0 : i32
    %dma_start3A_220 = arith.constant 0 : i32
    %dma_start3A_221 = arith.constant 0 : i32
    %dma_start3A_222 = tpu.memref_slice %arg6[%dma_start3A_219, %dma_start3A_220, %dma_start3A_221] : memref<2x6x96xi32, #tpu.memory_space<vmem>> -> memref<1x6x96xi32, #tpu.memory_space<vmem>>
    %dma_start3A_223 = tpu.memref_squeeze %dma_start3A_222 : memref<1x6x96xi32, #tpu.memory_space<vmem>> -> memref<6x96xi32, #tpu.memory_space<vmem>>
    %dma_start3A_224 = arith.constant 0 : i32
    %dma_start3A_225 = arith.constant 0 : i32
    %dma_start3A_226 = tpu.memref_slice %arg3[%dma_start3A_217, %add3A, %dma_start3A_218, %dma_start3A_224, %dma_start3A_225] : memref<2x32x18x6x96xi32, #tpu.memory_space<hbm>> -> memref<1x1x1x6x96xi32, #tpu.memory_space<hbm>>
    %dma_start3A_227 = tpu.memref_squeeze %dma_start3A_226 : memref<1x1x1x6x96xi32, #tpu.memory_space<hbm>> -> memref<6x96xi32, #tpu.memory_space<hbm>>
    %dma_start3A_228 = arith.constant 0 : i32
    %dma_start3A_229 = arith.constant 0 : i32
    %dma_start3A_230 = tpu.memref_slice %arg6[%dma_start3A_219, %dma_start3A_228, %dma_start3A_229] : memref<2x6x96xi32, #tpu.memory_space<vmem>> -> memref<1x6x96xi32, #tpu.memory_space<vmem>>
    %dma_start3A_231 = tpu.memref_squeeze %dma_start3A_230 : memref<1x6x96xi32, #tpu.memory_space<vmem>> -> memref<6x96xi32, #tpu.memory_space<vmem>>
    %dma_start3A_232 = arith.constant 0 : i32
    %dma_start3A_233 = arith.constant 0 : i32
    %dma_start3A_234 = tpu.memref_slice %arg3[%dma_start3A_217, %add3A, %dma_start3A_218, %dma_start3A_232, %dma_start3A_233] : memref<2x32x18x6x96xi32, #tpu.memory_space<hbm>> -> memref<1x1x1x6x96xi32, #tpu.memory_space<hbm>>
    %dma_start3A_235 = tpu.memref_squeeze %dma_start3A_234 : memref<1x1x1x6x96xi32, #tpu.memory_space<hbm>> -> memref<6x96xi32, #tpu.memory_space<hbm>>
    tpu.enqueue_dma source(%dma_start3A_235 : memref<6x96xi32, #tpu.memory_space<hbm>>) target(%dma_start3A_231 : memref<6x96xi32, #tpu.memory_space<vmem>>) target_semaphore(%arg19 : memref<!tpu.dma_semaphore, #tpu.memory_space<semaphore_mem>>)
    %dma_wait3A_236 = arith.constant 0 : i32
    %dma_wait3A_237 = arith.constant 0 : i32
    %dma_wait3A_238 = arith.constant 0 : i32
    %dma_wait3A_239 = arith.constant 0 : i32
    %dma_wait3A_240 = arith.constant 0 : i32
    %dma_wait3A_241 = tpu.memref_slice %arg5[%dma_wait3A_238, %dma_wait3A_239, %dma_wait3A_240] : memref<2x6x96xi32, #tpu.memory_space<vmem>> -> memref<1x6x96xi32, #tpu.memory_space<vmem>>
    %dma_wait3A_242 = tpu.memref_squeeze %dma_wait3A_241 : memref<1x6x96xi32, #tpu.memory_space<vmem>> -> memref<6x96xi32, #tpu.memory_space<vmem>>
    %dma_wait3A_243 = arith.constant 0 : i32
    %dma_wait3A_244 = arith.constant 0 : i32
    %dma_wait3A_245 = tpu.memref_slice %arg3[%dma_wait3A_236, %add3A, %dma_wait3A_237, %dma_wait3A_243, %dma_wait3A_244] : memref<2x32x18x6x96xi32, #tpu.memory_space<hbm>> -> memref<1x1x1x6x96xi32, #tpu.memory_space<hbm>>
    %dma_wait3A_246 = tpu.memref_squeeze %dma_wait3A_245 : memref<1x1x1x6x96xi32, #tpu.memory_space<hbm>> -> memref<6x96xi32, #tpu.memory_space<hbm>>
    %dma_wait3A_247 = arith.constant 0 : i32
    %dma_wait3A_248 = arith.constant 0 : i32
    %dma_wait3A_249 = tpu.memref_slice %arg5[%dma_wait3A_238, %dma_wait3A_247, %dma_wait3A_248] : memref<2x6x96xi32, #tpu.memory_space<vmem>> -> memref<1x6x96xi32, #tpu.memory_space<vmem>>
    %dma_wait3A_250 = tpu.memref_squeeze %dma_wait3A_249 : memref<1x6x96xi32, #tpu.memory_space<vmem>> -> memref<6x96xi32, #tpu.memory_space<vmem>>
    %dma_wait3A_251 = arith.constant 0 : i32
    %dma_wait3A_252 = arith.constant 0 : i32
    %dma_wait3A_253 = tpu.memref_slice %arg3[%dma_wait3A_236, %add3A, %dma_wait3A_237, %dma_wait3A_251, %dma_wait3A_252] : memref<2x32x18x6x96xi32, #tpu.memory_space<hbm>> -> memref<1x1x1x6x96xi32, #tpu.memory_space<hbm>>
    %dma_wait3A_254 = tpu.memref_squeeze %dma_wait3A_253 : memref<1x1x1x6x96xi32, #tpu.memory_space<hbm>> -> memref<6x96xi32, #tpu.memory_space<hbm>>
    tpu.wait_dma2 semaphore(%arg17 : memref<!tpu.dma_semaphore, #tpu.memory_space<semaphore_mem>>) src(%dma_wait3A_254 : memref<6x96xi32, #tpu.memory_space<hbm>>) dst(%dma_wait3A_250 : memref<6x96xi32, #tpu.memory_space<vmem>>)
    %dma_wait3A_255 = arith.constant 1 : i32
    %dma_wait3A_256 = arith.constant 0 : i32
    %dma_wait3A_257 = arith.constant 0 : i32
    %dma_wait3A_258 = arith.constant 0 : i32
    %dma_wait3A_259 = arith.constant 0 : i32
    %dma_wait3A_260 = tpu.memref_slice %arg6[%dma_wait3A_257, %dma_wait3A_258, %dma_wait3A_259] : memref<2x6x96xi32, #tpu.memory_space<vmem>> -> memref<1x6x96xi32, #tpu.memory_space<vmem>>
    %dma_wait3A_261 = tpu.memref_squeeze %dma_wait3A_260 : memref<1x6x96xi32, #tpu.memory_space<vmem>> -> memref<6x96xi32, #tpu.memory_space<vmem>>
    %dma_wait3A_262 = arith.constant 0 : i32
    %dma_wait3A_263 = arith.constant 0 : i32
    %dma_wait3A_264 = tpu.memref_slice %arg3[%dma_wait3A_255, %add3A, %dma_wait3A_256, %dma_wait3A_262, %dma_wait3A_263] : memref<2x32x18x6x96xi32, #tpu.memory_space<hbm>> -> memref<1x1x1x6x96xi32, #tpu.memory_space<hbm>>
    %dma_wait3A_265 = tpu.memref_squeeze %dma_wait3A_264 : memref<1x1x1x6x96xi32, #tpu.memory_space<hbm>> -> memref<6x96xi32, #tpu.memory_space<hbm>>
    %dma_wait3A_266 = arith.constant 0 : i32
    %dma_wait3A_267 = arith.constant 0 : i32
    %dma_wait3A_268 = tpu.memref_slice %arg6[%dma_wait3A_257, %dma_wait3A_266, %dma_wait3A_267] : memref<2x6x96xi32, #tpu.memory_space<vmem>> -> memref<1x6x96xi32, #tpu.memory_space<vmem>>
    %dma_wait3A_269 = tpu.memref_squeeze %dma_wait3A_268 : memref<1x6x96xi32, #tpu.memory_space<vmem>> -> memref<6x96xi32, #tpu.memory_space<vmem>>
    %dma_wait3A_270 = arith.constant 0 : i32
    %dma_wait3A_271 = arith.constant 0 : i32
    %dma_wait3A_272 = tpu.memref_slice %arg3[%dma_wait3A_255, %add3A, %dma_wait3A_256, %dma_wait3A_270, %dma_wait3A_271] : memref<2x32x18x6x96xi32, #tpu.memory_space<hbm>> -> memref<1x1x1x6x96xi32, #tpu.memory_space<hbm>>
    %dma_wait3A_273 = tpu.memref_squeeze %dma_wait3A_272 : memref<1x1x1x6x96xi32, #tpu.memory_space<hbm>> -> memref<6x96xi32, #tpu.memory_space<hbm>>
    tpu.wait_dma2 semaphore(%arg19 : memref<!tpu.dma_semaphore, #tpu.memory_space<semaphore_mem>>) src(%dma_wait3A_273 : memref<6x96xi32, #tpu.memory_space<hbm>>) dst(%dma_wait3A_269 : memref<6x96xi32, #tpu.memory_space<vmem>>)
    %dma_start3A_274 = arith.constant 0 : i32
    %dma_start3A_275 = arith.constant 0 : i32
    %dma_start3A_276 = arith.constant 0 : i32
    %dma_start3A_277 = tpu.memref_slice %arg5[%dma_start3A_274, %dma_start3A_275, %dma_start3A_276] : memref<2x6x96xi32, #tpu.memory_space<vmem>> -> memref<1x1x96xi32, #tpu.memory_space<vmem>>
    %dma_start3A_278 = tpu.memref_squeeze %dma_start3A_277 : memref<1x1x96xi32, #tpu.memory_space<vmem>> -> memref<96xi32, #tpu.memory_space<vmem>>
    %dma_start3A_279 = arith.constant 0 : i32
    %dma_start3A_280 = arith.constant 0 : i32
    %dma_start3A_281 = tpu.memref_slice %arg2[%dma_start3A_279, %dma_start3A_280] : memref<10240x128xf32, #tpu.memory_space<hbm>> -> memref<10240x128xf32, #tpu.memory_space<hbm>>
    tpu.enqueue_indirect_dma source(%dma_start3A_281 : memref<10240x128xf32, #tpu.memory_space<hbm>>) target(%arg7 : memref<96x128xf32, #tpu.memory_space<vmem>>) offsets(%dma_start3A_278 : memref<96xi32, #tpu.memory_space<vmem>>) semaphore(%arg11 : memref<!tpu.dma_semaphore, #tpu.memory_space<semaphore_mem>>)
    %dma_start3A_282 = arith.constant 0 : i32
    %dma_start3A_283 = arith.constant 1 : i32
    %dma_start3A_284 = arith.constant 0 : i32
    %dma_start3A_285 = tpu.memref_slice %arg5[%dma_start3A_282, %dma_start3A_283, %dma_start3A_284] : memref<2x6x96xi32, #tpu.memory_space<vmem>> -> memref<1x1x96xi32, #tpu.memory_space<vmem>>
    %dma_start3A_286 = tpu.memref_squeeze %dma_start3A_285 : memref<1x1x96xi32, #tpu.memory_space<vmem>> -> memref<96xi32, #tpu.memory_space<vmem>>
    %dma_start3A_287 = arith.constant 0 : i32
    %dma_start3A_288 = arith.constant 0 : i32
    %dma_start3A_289 = tpu.memref_slice %arg2[%dma_start3A_287, %dma_start3A_288] : memref<10240x128xf32, #tpu.memory_space<hbm>> -> memref<10240x128xf32, #tpu.memory_space<hbm>>
    tpu.enqueue_indirect_dma source(%dma_start3A_289 : memref<10240x128xf32, #tpu.memory_space<hbm>>) target(%arg8 : memref<96x128xf32, #tpu.memory_space<vmem>>) offsets(%dma_start3A_286 : memref<96xi32, #tpu.memory_space<vmem>>) semaphore(%arg12 : memref<!tpu.dma_semaphore, #tpu.memory_space<semaphore_mem>>)
    %scan3A_290 = arith.constant 0 : i32
    %scan3A_291 = arith.constant 0 : i32
    %scan3A_292 = arith.constant 9 : i32
    %scan3A_293 = arith.addi %scan3A_291, %scan3A_292 : i32
    %scan3A_294 = arith.constant 1 : i32
    scf.for %scan3A_305 = %scan3A_291 to %scan3A_293 step %scan3A_294  : i32 {
      %mul3A_306 = arith.constant 2 : i32
      %mul3A_307 = arith.muli %scan3A_305, %mul3A_306 : i32
      %add3A_308 = arith.constant 0 : i32
      %add3A_309 = arith.addi %mul3A_307, %add3A_308 : i32
      %mul3A_310 = arith.constant 6 : i32
      %mul3A_311 = arith.muli %add3A_309, %mul3A_310 : i32
      %add3A_312 = arith.constant 0 : i32
      %add3A_313 = arith.addi %mul3A_311, %add3A_312 : i32
      %dma_wait3A_314 = arith.constant 0 : i32
      %dma_wait3A_315 = arith.constant 0 : i32
      %dma_wait3A_316 = arith.constant 0 : i32
      %dma_wait3A_317 = tpu.memref_slice %arg5[%dma_wait3A_314, %dma_wait3A_315, %dma_wait3A_316] : memref<2x6x96xi32, #tpu.memory_space<vmem>> -> memref<1x1x96xi32, #tpu.memory_space<vmem>>
      %dma_wait3A_318 = tpu.memref_squeeze %dma_wait3A_317 : memref<1x1x96xi32, #tpu.memory_space<vmem>> -> memref<96xi32, #tpu.memory_space<vmem>>
      %dma_wait3A_319 = arith.constant 0 : i32
      %dma_wait3A_320 = arith.constant 0 : i32
      %dma_wait3A_321 = tpu.memref_slice %arg2[%dma_wait3A_319, %dma_wait3A_320] : memref<10240x128xf32, #tpu.memory_space<hbm>> -> memref<10240x128xf32, #tpu.memory_space<hbm>>
      tpu.wait_indirect_dma semaphore(%arg11 : memref<!tpu.dma_semaphore, #tpu.memory_space<semaphore_mem>>) src(%dma_wait3A_321 : memref<10240x128xf32, #tpu.memory_space<hbm>>) dst(%arg7 : memref<96x128xf32, #tpu.memory_space<vmem>>)
      %dma_start3A_322 = arith.constant 0 : i32
      %dma_start3A_323 = arith.constant 0 : i32
      %dma_start3A_324 = arith.constant 0 : i32
      %dma_start3A_325 = tpu.memref_slice %arg6[%dma_start3A_322, %dma_start3A_323, %dma_start3A_324] : memref<2x6x96xi32, #tpu.memory_space<vmem>> -> memref<1x1x96xi32, #tpu.memory_space<vmem>>
      %dma_start3A_326 = tpu.memref_squeeze %dma_start3A_325 : memref<1x1x96xi32, #tpu.memory_space<vmem>> -> memref<96xi32, #tpu.memory_space<vmem>>
      %dma_start3A_327 = arith.constant 0 : i32
      %dma_start3A_328 = arith.constant 0 : i32
      %dma_start3A_329 = tpu.memref_slice %arg10[%dma_start3A_327, %dma_start3A_328] : memref<10240x128xf32, #tpu.memory_space<vmem_shared>> -> memref<10240x128xf32, #tpu.memory_space<vmem_shared>>
      tpu.enqueue_indirect_dma source(%arg7 : memref<96x128xf32, #tpu.memory_space<vmem>>) target(%dma_start3A_329 : memref<10240x128xf32, #tpu.memory_space<vmem_shared>>) offsets(%dma_start3A_326 : memref<96xi32, #tpu.memory_space<vmem>>) semaphore(%arg14 : memref<!tpu.dma_semaphore, #tpu.memory_space<semaphore_mem>>) {add = true}
      %ge3A = arith.constant 1 : i32
      %ge3A_330 = arith.cmpi sge, %add3A_313, %ge3A : i32
      %convert_element_type3A = arith.extui %ge3A_330 : i1 to i32
      %cond3A = arith.constant 0 : i32
      %cond3A_331 = arith.cmpi ne, %convert_element_type3A, %cond3A : i32
      scf.if %cond3A_331 {
        %dma_wait3A_746 = arith.constant 1 : i32
        %dma_wait3A_747 = arith.constant 5 : i32
        %dma_wait3A_748 = arith.constant 0 : i32
        %dma_wait3A_749 = tpu.memref_slice %arg6[%dma_wait3A_746, %dma_wait3A_747, %dma_wait3A_748] : memref<2x6x96xi32, #tpu.memory_space<vmem>> -> memref<1x1x96xi32, #tpu.memory_space<vmem>>
        %dma_wait3A_750 = tpu.memref_squeeze %dma_wait3A_749 : memref<1x1x96xi32, #tpu.memory_space<vmem>> -> memref<96xi32, #tpu.memory_space<vmem>>
        %dma_wait3A_751 = arith.constant 0 : i32
        %dma_wait3A_752 = arith.constant 0 : i32
        %dma_wait3A_753 = tpu.memref_slice %arg10[%dma_wait3A_751, %dma_wait3A_752] : memref<10240x128xf32, #tpu.memory_space<vmem_shared>> -> memref<10240x128xf32, #tpu.memory_space<vmem_shared>>
        tpu.wait_indirect_dma semaphore(%arg16 : memref<!tpu.dma_semaphore, #tpu.memory_space<semaphore_mem>>) src(%arg9 : memref<96x128xf32, #tpu.memory_space<vmem>>) dst(%dma_wait3A_753 : memref<10240x128xf32, #tpu.memory_space<vmem_shared>>)
      } else {
      }
      %dma_start3A_332 = arith.constant 0 : i32
      %dma_start3A_333 = arith.constant 2 : i32
      %dma_start3A_334 = arith.constant 0 : i32
      %dma_start3A_335 = tpu.memref_slice %arg5[%dma_start3A_332, %dma_start3A_333, %dma_start3A_334] : memref<2x6x96xi32, #tpu.memory_space<vmem>> -> memref<1x1x96xi32, #tpu.memory_space<vmem>>
      %dma_start3A_336 = tpu.memref_squeeze %dma_start3A_335 : memref<1x1x96xi32, #tpu.memory_space<vmem>> -> memref<96xi32, #tpu.memory_space<vmem>>
      %dma_start3A_337 = arith.constant 0 : i32
      %dma_start3A_338 = arith.constant 0 : i32
      %dma_start3A_339 = tpu.memref_slice %arg2[%dma_start3A_337, %dma_start3A_338] : memref<10240x128xf32, #tpu.memory_space<hbm>> -> memref<10240x128xf32, #tpu.memory_space<hbm>>
      tpu.enqueue_indirect_dma source(%dma_start3A_339 : memref<10240x128xf32, #tpu.memory_space<hbm>>) target(%arg9 : memref<96x128xf32, #tpu.memory_space<vmem>>) offsets(%dma_start3A_336 : memref<96xi32, #tpu.memory_space<vmem>>) semaphore(%arg13 : memref<!tpu.dma_semaphore, #tpu.memory_space<semaphore_mem>>)
      %mul3A_340 = arith.constant 6 : i32
      %mul3A_341 = arith.muli %add3A_309, %mul3A_340 : i32
      %add3A_342 = arith.constant 1 : i32
      %add3A_343 = arith.addi %mul3A_341, %add3A_342 : i32
      %dma_wait3A_344 = arith.constant 0 : i32
      %dma_wait3A_345 = arith.constant 1 : i32
      %dma_wait3A_346 = arith.constant 0 : i32
      %dma_wait3A_347 = tpu.memref_slice %arg5[%dma_wait3A_344, %dma_wait3A_345, %dma_wait3A_346] : memref<2x6x96xi32, #tpu.memory_space<vmem>> -> memref<1x1x96xi32, #tpu.memory_space<vmem>>
      %dma_wait3A_348 = tpu.memref_squeeze %dma_wait3A_347 : memref<1x1x96xi32, #tpu.memory_space<vmem>> -> memref<96xi32, #tpu.memory_space<vmem>>
      %dma_wait3A_349 = arith.constant 0 : i32
      %dma_wait3A_350 = arith.constant 0 : i32
      %dma_wait3A_351 = tpu.memref_slice %arg2[%dma_wait3A_349, %dma_wait3A_350] : memref<10240x128xf32, #tpu.memory_space<hbm>> -> memref<10240x128xf32, #tpu.memory_space<hbm>>
      tpu.wait_indirect_dma semaphore(%arg12 : memref<!tpu.dma_semaphore, #tpu.memory_space<semaphore_mem>>) src(%dma_wait3A_351 : memref<10240x128xf32, #tpu.memory_space<hbm>>) dst(%arg8 : memref<96x128xf32, #tpu.memory_space<vmem>>)
      %dma_start3A_352 = arith.constant 0 : i32
      %dma_start3A_353 = arith.constant 1 : i32
      %dma_start3A_354 = arith.constant 0 : i32
      %dma_start3A_355 = tpu.memref_slice %arg6[%dma_start3A_352, %dma_start3A_353, %dma_start3A_354] : memref<2x6x96xi32, #tpu.memory_space<vmem>> -> memref<1x1x96xi32, #tpu.memory_space<vmem>>
      %dma_start3A_356 = tpu.memref_squeeze %dma_start3A_355 : memref<1x1x96xi32, #tpu.memory_space<vmem>> -> memref<96xi32, #tpu.memory_space<vmem>>
      %dma_start3A_357 = arith.constant 0 : i32
      %dma_start3A_358 = arith.constant 0 : i32
      %dma_start3A_359 = tpu.memref_slice %arg10[%dma_start3A_357, %dma_start3A_358] : memref<10240x128xf32, #tpu.memory_space<vmem_shared>> -> memref<10240x128xf32, #tpu.memory_space<vmem_shared>>
      tpu.enqueue_indirect_dma source(%arg8 : memref<96x128xf32, #tpu.memory_space<vmem>>) target(%dma_start3A_359 : memref<10240x128xf32, #tpu.memory_space<vmem_shared>>) offsets(%dma_start3A_356 : memref<96xi32, #tpu.memory_space<vmem>>) semaphore(%arg15 : memref<!tpu.dma_semaphore, #tpu.memory_space<semaphore_mem>>) {add = true}
      %dma_wait3A_360 = arith.constant 0 : i32
      %dma_wait3A_361 = arith.constant 0 : i32
      %dma_wait3A_362 = arith.constant 0 : i32
      %dma_wait3A_363 = tpu.memref_slice %arg6[%dma_wait3A_360, %dma_wait3A_361, %dma_wait3A_362] : memref<2x6x96xi32, #tpu.memory_space<vmem>> -> memref<1x1x96xi32, #tpu.memory_space<vmem>>
      %dma_wait3A_364 = tpu.memref_squeeze %dma_wait3A_363 : memref<1x1x96xi32, #tpu.memory_space<vmem>> -> memref<96xi32, #tpu.memory_space<vmem>>
      %dma_wait3A_365 = arith.constant 0 : i32
      %dma_wait3A_366 = arith.constant 0 : i32
      %dma_wait3A_367 = tpu.memref_slice %arg10[%dma_wait3A_365, %dma_wait3A_366] : memref<10240x128xf32, #tpu.memory_space<vmem_shared>> -> memref<10240x128xf32, #tpu.memory_space<vmem_shared>>
      tpu.wait_indirect_dma semaphore(%arg14 : memref<!tpu.dma_semaphore, #tpu.memory_space<semaphore_mem>>) src(%arg7 : memref<96x128xf32, #tpu.memory_space<vmem>>) dst(%dma_wait3A_367 : memref<10240x128xf32, #tpu.memory_space<vmem_shared>>)
      %add3A_368 = arith.constant 1 : i32
      %add3A_369 = arith.addi %add3A_309, %add3A_368 : i32
      %lt3A = arith.constant 18 : i32
      %lt3A_370 = arith.cmpi slt, %add3A_369, %lt3A : i32
      %convert_element_type3A_371 = arith.extui %lt3A_370 : i1 to i32
      %cond3A_372 = arith.constant 0 : i32
      %cond3A_373 = arith.cmpi ne, %convert_element_type3A_371, %cond3A_372 : i32
      scf.if %cond3A_373 {
        %add3A_746 = arith.constant 1 : i32
        %add3A_747 = arith.addi %add3A_309, %add3A_746 : i32
        %dma_start3A_748 = arith.constant 0 : i32
        %dma_start3A_749 = arith.constant 1 : i32
        %dma_start3A_750 = arith.constant 0 : i32
        %dma_start3A_751 = arith.constant 0 : i32
        %dma_start3A_752 = tpu.memref_slice %arg5[%dma_start3A_749, %dma_start3A_750, %dma_start3A_751] : memref<2x6x96xi32, #tpu.memory_space<vmem>> -> memref<1x6x96xi32, #tpu.memory_space<vmem>>
        %dma_start3A_753 = tpu.memref_squeeze %dma_start3A_752 : memref<1x6x96xi32, #tpu.memory_space<vmem>> -> memref<6x96xi32, #tpu.memory_space<vmem>>
        %dma_start3A_754 = arith.constant 0 : i32
        %dma_start3A_755 = arith.constant 0 : i32
        %dma_start3A_756 = tpu.memref_slice %arg3[%dma_start3A_748, %add3A, %add3A_747, %dma_start3A_754, %dma_start3A_755] : memref<2x32x18x6x96xi32, #tpu.memory_space<hbm>> -> memref<1x1x1x6x96xi32, #tpu.memory_space<hbm>>
        %dma_start3A_757 = tpu.memref_squeeze %dma_start3A_756 : memref<1x1x1x6x96xi32, #tpu.memory_space<hbm>> -> memref<6x96xi32, #tpu.memory_space<hbm>>
        %dma_start3A_758 = arith.constant 0 : i32
        %dma_start3A_759 = arith.constant 0 : i32
        %dma_start3A_760 = tpu.memref_slice %arg5[%dma_start3A_749, %dma_start3A_758, %dma_start3A_759] : memref<2x6x96xi32, #tpu.memory_space<vmem>> -> memref<1x6x96xi32, #tpu.memory_space<vmem>>
        %dma_start3A_761 = tpu.memref_squeeze %dma_start3A_760 : memref<1x6x96xi32, #tpu.memory_space<vmem>> -> memref<6x96xi32, #tpu.memory_space<vmem>>
        %dma_start3A_762 = arith.constant 0 : i32
        %dma_start3A_763 = arith.constant 0 : i32
        %dma_start3A_764 = tpu.memref_slice %arg3[%dma_start3A_748, %add3A, %add3A_747, %dma_start3A_762, %dma_start3A_763] : memref<2x32x18x6x96xi32, #tpu.memory_space<hbm>> -> memref<1x1x1x6x96xi32, #tpu.memory_space<hbm>>
        %dma_start3A_765 = tpu.memref_squeeze %dma_start3A_764 : memref<1x1x1x6x96xi32, #tpu.memory_space<hbm>> -> memref<6x96xi32, #tpu.memory_space<hbm>>
        tpu.enqueue_dma source(%dma_start3A_765 : memref<6x96xi32, #tpu.memory_space<hbm>>) target(%dma_start3A_761 : memref<6x96xi32, #tpu.memory_space<vmem>>) target_semaphore(%arg18 : memref<!tpu.dma_semaphore, #tpu.memory_space<semaphore_mem>>)
        %add3A_766 = arith.constant 1 : i32
        %add3A_767 = arith.addi %add3A_309, %add3A_766 : i32
        %dma_start3A_768 = arith.constant 1 : i32
        %dma_start3A_769 = arith.constant 1 : i32
        %dma_start3A_770 = arith.constant 0 : i32
        %dma_start3A_771 = arith.constant 0 : i32
        %dma_start3A_772 = tpu.memref_slice %arg6[%dma_start3A_769, %dma_start3A_770, %dma_start3A_771] : memref<2x6x96xi32, #tpu.memory_space<vmem>> -> memref<1x6x96xi32, #tpu.memory_space<vmem>>
        %dma_start3A_773 = tpu.memref_squeeze %dma_start3A_772 : memref<1x6x96xi32, #tpu.memory_space<vmem>> -> memref<6x96xi32, #tpu.memory_space<vmem>>
        %dma_start3A_774 = arith.constant 0 : i32
        %dma_start3A_775 = arith.constant 0 : i32
        %dma_start3A_776 = tpu.memref_slice %arg3[%dma_start3A_768, %add3A, %add3A_767, %dma_start3A_774, %dma_start3A_775] : memref<2x32x18x6x96xi32, #tpu.memory_space<hbm>> -> memref<1x1x1x6x96xi32, #tpu.memory_space<hbm>>
        %dma_start3A_777 = tpu.memref_squeeze %dma_start3A_776 : memref<1x1x1x6x96xi32, #tpu.memory_space<hbm>> -> memref<6x96xi32, #tpu.memory_space<hbm>>
        %dma_start3A_778 = arith.constant 0 : i32
        %dma_start3A_779 = arith.constant 0 : i32
        %dma_start3A_780 = tpu.memref_slice %arg6[%dma_start3A_769, %dma_start3A_778, %dma_start3A_779] : memref<2x6x96xi32, #tpu.memory_space<vmem>> -> memref<1x6x96xi32, #tpu.memory_space<vmem>>
        %dma_start3A_781 = tpu.memref_squeeze %dma_start3A_780 : memref<1x6x96xi32, #tpu.memory_space<vmem>> -> memref<6x96xi32, #tpu.memory_space<vmem>>
        %dma_start3A_782 = arith.constant 0 : i32
        %dma_start3A_783 = arith.constant 0 : i32
        %dma_start3A_784 = tpu.memref_slice %arg3[%dma_start3A_768, %add3A, %add3A_767, %dma_start3A_782, %dma_start3A_783] : memref<2x32x18x6x96xi32, #tpu.memory_space<hbm>> -> memref<1x1x1x6x96xi32, #tpu.memory_space<hbm>>
        %dma_start3A_785 = tpu.memref_squeeze %dma_start3A_784 : memref<1x1x1x6x96xi32, #tpu.memory_space<hbm>> -> memref<6x96xi32, #tpu.memory_space<hbm>>
        tpu.enqueue_dma source(%dma_start3A_785 : memref<6x96xi32, #tpu.memory_space<hbm>>) target(%dma_start3A_781 : memref<6x96xi32, #tpu.memory_space<vmem>>) target_semaphore(%arg20 : memref<!tpu.dma_semaphore, #tpu.memory_space<semaphore_mem>>)
      } else {
      }
      %dma_start3A_374 = arith.constant 0 : i32
      %dma_start3A_375 = arith.constant 3 : i32
      %dma_start3A_376 = arith.constant 0 : i32
      %dma_start3A_377 = tpu.memref_slice %arg5[%dma_start3A_374, %dma_start3A_375, %dma_start3A_376] : memref<2x6x96xi32, #tpu.memory_space<vmem>> -> memref<1x1x96xi32, #tpu.memory_space<vmem>>
      %dma_start3A_378 = tpu.memref_squeeze %dma_start3A_377 : memref<1x1x96xi32, #tpu.memory_space<vmem>> -> memref<96xi32, #tpu.memory_space<vmem>>
      %dma_start3A_379 = arith.constant 0 : i32
      %dma_start3A_380 = arith.constant 0 : i32
      %dma_start3A_381 = tpu.memref_slice %arg2[%dma_start3A_379, %dma_start3A_380] : memref<10240x128xf32, #tpu.memory_space<hbm>> -> memref<10240x128xf32, #tpu.memory_space<hbm>>
      tpu.enqueue_indirect_dma source(%dma_start3A_381 : memref<10240x128xf32, #tpu.memory_space<hbm>>) target(%arg7 : memref<96x128xf32, #tpu.memory_space<vmem>>) offsets(%dma_start3A_378 : memref<96xi32, #tpu.memory_space<vmem>>) semaphore(%arg11 : memref<!tpu.dma_semaphore, #tpu.memory_space<semaphore_mem>>)
      %mul3A_382 = arith.constant 6 : i32
      %mul3A_383 = arith.muli %add3A_309, %mul3A_382 : i32
      %add3A_384 = arith.constant 2 : i32
      %add3A_385 = arith.addi %mul3A_383, %add3A_384 : i32
      %dma_wait3A_386 = arith.constant 0 : i32
      %dma_wait3A_387 = arith.constant 2 : i32
      %dma_wait3A_388 = arith.constant 0 : i32
      %dma_wait3A_389 = tpu.memref_slice %arg5[%dma_wait3A_386, %dma_wait3A_387, %dma_wait3A_388] : memref<2x6x96xi32, #tpu.memory_space<vmem>> -> memref<1x1x96xi32, #tpu.memory_space<vmem>>
      %dma_wait3A_390 = tpu.memref_squeeze %dma_wait3A_389 : memref<1x1x96xi32, #tpu.memory_space<vmem>> -> memref<96xi32, #tpu.memory_space<vmem>>
      %dma_wait3A_391 = arith.constant 0 : i32
      %dma_wait3A_392 = arith.constant 0 : i32
      %dma_wait3A_393 = tpu.memref_slice %arg2[%dma_wait3A_391, %dma_wait3A_392] : memref<10240x128xf32, #tpu.memory_space<hbm>> -> memref<10240x128xf32, #tpu.memory_space<hbm>>
      tpu.wait_indirect_dma semaphore(%arg13 : memref<!tpu.dma_semaphore, #tpu.memory_space<semaphore_mem>>) src(%dma_wait3A_393 : memref<10240x128xf32, #tpu.memory_space<hbm>>) dst(%arg9 : memref<96x128xf32, #tpu.memory_space<vmem>>)
      %dma_start3A_394 = arith.constant 0 : i32
      %dma_start3A_395 = arith.constant 2 : i32
      %dma_start3A_396 = arith.constant 0 : i32
      %dma_start3A_397 = tpu.memref_slice %arg6[%dma_start3A_394, %dma_start3A_395, %dma_start3A_396] : memref<2x6x96xi32, #tpu.memory_space<vmem>> -> memref<1x1x96xi32, #tpu.memory_space<vmem>>
      %dma_start3A_398 = tpu.memref_squeeze %dma_start3A_397 : memref<1x1x96xi32, #tpu.memory_space<vmem>> -> memref<96xi32, #tpu.memory_space<vmem>>
      %dma_start3A_399 = arith.constant 0 : i32
      %dma_start3A_400 = arith.constant 0 : i32
      %dma_start3A_401 = tpu.memref_slice %arg10[%dma_start3A_399, %dma_start3A_400] : memref<10240x128xf32, #tpu.memory_space<vmem_shared>> -> memref<10240x128xf32, #tpu.memory_space<vmem_shared>>
      tpu.enqueue_indirect_dma source(%arg9 : memref<96x128xf32, #tpu.memory_space<vmem>>) target(%dma_start3A_401 : memref<10240x128xf32, #tpu.memory_space<vmem_shared>>) offsets(%dma_start3A_398 : memref<96xi32, #tpu.memory_space<vmem>>) semaphore(%arg16 : memref<!tpu.dma_semaphore, #tpu.memory_space<semaphore_mem>>) {add = true}
      %dma_wait3A_402 = arith.constant 0 : i32
      %dma_wait3A_403 = arith.constant 1 : i32
      %dma_wait3A_404 = arith.constant 0 : i32
      %dma_wait3A_405 = tpu.memref_slice %arg6[%dma_wait3A_402, %dma_wait3A_403, %dma_wait3A_404] : memref<2x6x96xi32, #tpu.memory_space<vmem>> -> memref<1x1x96xi32, #tpu.memory_space<vmem>>
      %dma_wait3A_406 = tpu.memref_squeeze %dma_wait3A_405 : memref<1x1x96xi32, #tpu.memory_space<vmem>> -> memref<96xi32, #tpu.memory_space<vmem>>
      %dma_wait3A_407 = arith.constant 0 : i32
      %dma_wait3A_408 = arith.constant 0 : i32
      %dma_wait3A_409 = tpu.memref_slice %arg10[%dma_wait3A_407, %dma_wait3A_408] : memref<10240x128xf32, #tpu.memory_space<vmem_shared>> -> memref<10240x128xf32, #tpu.memory_space<vmem_shared>>
      tpu.wait_indirect_dma semaphore(%arg15 : memref<!tpu.dma_semaphore, #tpu.memory_space<semaphore_mem>>) src(%arg8 : memref<96x128xf32, #tpu.memory_space<vmem>>) dst(%dma_wait3A_409 : memref<10240x128xf32, #tpu.memory_space<vmem_shared>>)
      %dma_start3A_410 = arith.constant 0 : i32
      %dma_start3A_411 = arith.constant 4 : i32
      %dma_start3A_412 = arith.constant 0 : i32
      %dma_start3A_413 = tpu.memref_slice %arg5[%dma_start3A_410, %dma_start3A_411, %dma_start3A_412] : memref<2x6x96xi32, #tpu.memory_space<vmem>> -> memref<1x1x96xi32, #tpu.memory_space<vmem>>
      %dma_start3A_414 = tpu.memref_squeeze %dma_start3A_413 : memref<1x1x96xi32, #tpu.memory_space<vmem>> -> memref<96xi32, #tpu.memory_space<vmem>>
      %dma_start3A_415 = arith.constant 0 : i32
      %dma_start3A_416 = arith.constant 0 : i32
      %dma_start3A_417 = tpu.memref_slice %arg2[%dma_start3A_415, %dma_start3A_416] : memref<10240x128xf32, #tpu.memory_space<hbm>> -> memref<10240x128xf32, #tpu.memory_space<hbm>>
      tpu.enqueue_indirect_dma source(%dma_start3A_417 : memref<10240x128xf32, #tpu.memory_space<hbm>>) target(%arg8 : memref<96x128xf32, #tpu.memory_space<vmem>>) offsets(%dma_start3A_414 : memref<96xi32, #tpu.memory_space<vmem>>) semaphore(%arg12 : memref<!tpu.dma_semaphore, #tpu.memory_space<semaphore_mem>>)
      %mul3A_418 = arith.constant 6 : i32
      %mul3A_419 = arith.muli %add3A_309, %mul3A_418 : i32
      %add3A_420 = arith.constant 3 : i32
      %add3A_421 = arith.addi %mul3A_419, %add3A_420 : i32
      %dma_wait3A_422 = arith.constant 0 : i32
      %dma_wait3A_423 = arith.constant 3 : i32
      %dma_wait3A_424 = arith.constant 0 : i32
      %dma_wait3A_425 = tpu.memref_slice %arg5[%dma_wait3A_422, %dma_wait3A_423, %dma_wait3A_424] : memref<2x6x96xi32, #tpu.memory_space<vmem>> -> memref<1x1x96xi32, #tpu.memory_space<vmem>>
      %dma_wait3A_426 = tpu.memref_squeeze %dma_wait3A_425 : memref<1x1x96xi32, #tpu.memory_space<vmem>> -> memref<96xi32, #tpu.memory_space<vmem>>
      %dma_wait3A_427 = arith.constant 0 : i32
      %dma_wait3A_428 = arith.constant 0 : i32
      %dma_wait3A_429 = tpu.memref_slice %arg2[%dma_wait3A_427, %dma_wait3A_428] : memref<10240x128xf32, #tpu.memory_space<hbm>> -> memref<10240x128xf32, #tpu.memory_space<hbm>>
      tpu.wait_indirect_dma semaphore(%arg11 : memref<!tpu.dma_semaphore, #tpu.memory_space<semaphore_mem>>) src(%dma_wait3A_429 : memref<10240x128xf32, #tpu.memory_space<hbm>>) dst(%arg7 : memref<96x128xf32, #tpu.memory_space<vmem>>)
      %dma_start3A_430 = arith.constant 0 : i32
      %dma_start3A_431 = arith.constant 3 : i32
      %dma_start3A_432 = arith.constant 0 : i32
      %dma_start3A_433 = tpu.memref_slice %arg6[%dma_start3A_430, %dma_start3A_431, %dma_start3A_432] : memref<2x6x96xi32, #tpu.memory_space<vmem>> -> memref<1x1x96xi32, #tpu.memory_space<vmem>>
      %dma_start3A_434 = tpu.memref_squeeze %dma_start3A_433 : memref<1x1x96xi32, #tpu.memory_space<vmem>> -> memref<96xi32, #tpu.memory_space<vmem>>
      %dma_start3A_435 = arith.constant 0 : i32
      %dma_start3A_436 = arith.constant 0 : i32
      %dma_start3A_437 = tpu.memref_slice %arg10[%dma_start3A_435, %dma_start3A_436] : memref<10240x128xf32, #tpu.memory_space<vmem_shared>> -> memref<10240x128xf32, #tpu.memory_space<vmem_shared>>
      tpu.enqueue_indirect_dma source(%arg7 : memref<96x128xf32, #tpu.memory_space<vmem>>) target(%dma_start3A_437 : memref<10240x128xf32, #tpu.memory_space<vmem_shared>>) offsets(%dma_start3A_434 : memref<96xi32, #tpu.memory_space<vmem>>) semaphore(%arg14 : memref<!tpu.dma_semaphore, #tpu.memory_space<semaphore_mem>>) {add = true}
      %dma_wait3A_438 = arith.constant 0 : i32
      %dma_wait3A_439 = arith.constant 2 : i32
      %dma_wait3A_440 = arith.constant 0 : i32
      %dma_wait3A_441 = tpu.memref_slice %arg6[%dma_wait3A_438, %dma_wait3A_439, %dma_wait3A_440] : memref<2x6x96xi32, #tpu.memory_space<vmem>> -> memref<1x1x96xi32, #tpu.memory_space<vmem>>
      %dma_wait3A_442 = tpu.memref_squeeze %dma_wait3A_441 : memref<1x1x96xi32, #tpu.memory_space<vmem>> -> memref<96xi32, #tpu.memory_space<vmem>>
      %dma_wait3A_443 = arith.constant 0 : i32
      %dma_wait3A_444 = arith.constant 0 : i32
      %dma_wait3A_445 = tpu.memref_slice %arg10[%dma_wait3A_443, %dma_wait3A_444] : memref<10240x128xf32, #tpu.memory_space<vmem_shared>> -> memref<10240x128xf32, #tpu.memory_space<vmem_shared>>
      tpu.wait_indirect_dma semaphore(%arg16 : memref<!tpu.dma_semaphore, #tpu.memory_space<semaphore_mem>>) src(%arg9 : memref<96x128xf32, #tpu.memory_space<vmem>>) dst(%dma_wait3A_445 : memref<10240x128xf32, #tpu.memory_space<vmem_shared>>)
      %dma_start3A_446 = arith.constant 0 : i32
      %dma_start3A_447 = arith.constant 5 : i32
      %dma_start3A_448 = arith.constant 0 : i32
      %dma_start3A_449 = tpu.memref_slice %arg5[%dma_start3A_446, %dma_start3A_447, %dma_start3A_448] : memref<2x6x96xi32, #tpu.memory_space<vmem>> -> memref<1x1x96xi32, #tpu.memory_space<vmem>>
      %dma_start3A_450 = tpu.memref_squeeze %dma_start3A_449 : memref<1x1x96xi32, #tpu.memory_space<vmem>> -> memref<96xi32, #tpu.memory_space<vmem>>
      %dma_start3A_451 = arith.constant 0 : i32
      %dma_start3A_452 = arith.constant 0 : i32
      %dma_start3A_453 = tpu.memref_slice %arg2[%dma_start3A_451, %dma_start3A_452] : memref<10240x128xf32, #tpu.memory_space<hbm>> -> memref<10240x128xf32, #tpu.memory_space<hbm>>
      tpu.enqueue_indirect_dma source(%dma_start3A_453 : memref<10240x128xf32, #tpu.memory_space<hbm>>) target(%arg9 : memref<96x128xf32, #tpu.memory_space<vmem>>) offsets(%dma_start3A_450 : memref<96xi32, #tpu.memory_space<vmem>>) semaphore(%arg13 : memref<!tpu.dma_semaphore, #tpu.memory_space<semaphore_mem>>)
      %mul3A_454 = arith.constant 6 : i32
      %mul3A_455 = arith.muli %add3A_309, %mul3A_454 : i32
      %add3A_456 = arith.constant 4 : i32
      %add3A_457 = arith.addi %mul3A_455, %add3A_456 : i32
      %dma_wait3A_458 = arith.constant 0 : i32
      %dma_wait3A_459 = arith.constant 4 : i32
      %dma_wait3A_460 = arith.constant 0 : i32
      %dma_wait3A_461 = tpu.memref_slice %arg5[%dma_wait3A_458, %dma_wait3A_459, %dma_wait3A_460] : memref<2x6x96xi32, #tpu.memory_space<vmem>> -> memref<1x1x96xi32, #tpu.memory_space<vmem>>
      %dma_wait3A_462 = tpu.memref_squeeze %dma_wait3A_461 : memref<1x1x96xi32, #tpu.memory_space<vmem>> -> memref<96xi32, #tpu.memory_space<vmem>>
      %dma_wait3A_463 = arith.constant 0 : i32
      %dma_wait3A_464 = arith.constant 0 : i32
      %dma_wait3A_465 = tpu.memref_slice %arg2[%dma_wait3A_463, %dma_wait3A_464] : memref<10240x128xf32, #tpu.memory_space<hbm>> -> memref<10240x128xf32, #tpu.memory_space<hbm>>
      tpu.wait_indirect_dma semaphore(%arg12 : memref<!tpu.dma_semaphore, #tpu.memory_space<semaphore_mem>>) src(%dma_wait3A_465 : memref<10240x128xf32, #tpu.memory_space<hbm>>) dst(%arg8 : memref<96x128xf32, #tpu.memory_space<vmem>>)
      %dma_start3A_466 = arith.constant 0 : i32
      %dma_start3A_467 = arith.constant 4 : i32
      %dma_start3A_468 = arith.constant 0 : i32
      %dma_start3A_469 = tpu.memref_slice %arg6[%dma_start3A_466, %dma_start3A_467, %dma_start3A_468] : memref<2x6x96xi32, #tpu.memory_space<vmem>> -> memref<1x1x96xi32, #tpu.memory_space<vmem>>
      %dma_start3A_470 = tpu.memref_squeeze %dma_start3A_469 : memref<1x1x96xi32, #tpu.memory_space<vmem>> -> memref<96xi32, #tpu.memory_space<vmem>>
      %dma_start3A_471 = arith.constant 0 : i32
      %dma_start3A_472 = arith.constant 0 : i32
      %dma_start3A_473 = tpu.memref_slice %arg10[%dma_start3A_471, %dma_start3A_472] : memref<10240x128xf32, #tpu.memory_space<vmem_shared>> -> memref<10240x128xf32, #tpu.memory_space<vmem_shared>>
      tpu.enqueue_indirect_dma source(%arg8 : memref<96x128xf32, #tpu.memory_space<vmem>>) target(%dma_start3A_473 : memref<10240x128xf32, #tpu.memory_space<vmem_shared>>) offsets(%dma_start3A_470 : memref<96xi32, #tpu.memory_space<vmem>>) semaphore(%arg15 : memref<!tpu.dma_semaphore, #tpu.memory_space<semaphore_mem>>) {add = true}
      %dma_wait3A_474 = arith.constant 0 : i32
      %dma_wait3A_475 = arith.constant 3 : i32
      %dma_wait3A_476 = arith.constant 0 : i32
      %dma_wait3A_477 = tpu.memref_slice %arg6[%dma_wait3A_474, %dma_wait3A_475, %dma_wait3A_476] : memref<2x6x96xi32, #tpu.memory_space<vmem>> -> memref<1x1x96xi32, #tpu.memory_space<vmem>>
      %dma_wait3A_478 = tpu.memref_squeeze %dma_wait3A_477 : memref<1x1x96xi32, #tpu.memory_space<vmem>> -> memref<96xi32, #tpu.memory_space<vmem>>
      %dma_wait3A_479 = arith.constant 0 : i32
      %dma_wait3A_480 = arith.constant 0 : i32
      %dma_wait3A_481 = tpu.memref_slice %arg10[%dma_wait3A_479, %dma_wait3A_480] : memref<10240x128xf32, #tpu.memory_space<vmem_shared>> -> memref<10240x128xf32, #tpu.memory_space<vmem_shared>>
      tpu.wait_indirect_dma semaphore(%arg14 : memref<!tpu.dma_semaphore, #tpu.memory_space<semaphore_mem>>) src(%arg7 : memref<96x128xf32, #tpu.memory_space<vmem>>) dst(%dma_wait3A_481 : memref<10240x128xf32, #tpu.memory_space<vmem_shared>>)
      %add3A_482 = arith.constant 2 : i32
      %add3A_483 = arith.addi %add3A_457, %add3A_482 : i32
      %lt3A_484 = arith.constant 108 : i32
      %lt3A_485 = arith.cmpi slt, %add3A_483, %lt3A_484 : i32
      %convert_element_type3A_486 = arith.extui %lt3A_485 : i1 to i32
      %cond3A_487 = arith.constant 0 : i32
      %cond3A_488 = arith.cmpi ne, %convert_element_type3A_486, %cond3A_487 : i32
      scf.if %cond3A_488 {
        %dma_wait3A_746 = arith.constant 0 : i32
        %dma_wait3A_747 = arith.constant 0 : i32
        %dma_wait3A_748 = arith.constant 1 : i32
        %dma_wait3A_749 = arith.constant 0 : i32
        %dma_wait3A_750 = arith.constant 0 : i32
        %dma_wait3A_751 = tpu.memref_slice %arg5[%dma_wait3A_748, %dma_wait3A_749, %dma_wait3A_750] : memref<2x6x96xi32, #tpu.memory_space<vmem>> -> memref<1x6x96xi32, #tpu.memory_space<vmem>>
        %dma_wait3A_752 = tpu.memref_squeeze %dma_wait3A_751 : memref<1x6x96xi32, #tpu.memory_space<vmem>> -> memref<6x96xi32, #tpu.memory_space<vmem>>
        %dma_wait3A_753 = arith.constant 0 : i32
        %dma_wait3A_754 = arith.constant 0 : i32
        %dma_wait3A_755 = tpu.memref_slice %arg3[%dma_wait3A_746, %add3A, %dma_wait3A_747, %dma_wait3A_753, %dma_wait3A_754] : memref<2x32x18x6x96xi32, #tpu.memory_space<hbm>> -> memref<1x1x1x6x96xi32, #tpu.memory_space<hbm>>
        %dma_wait3A_756 = tpu.memref_squeeze %dma_wait3A_755 : memref<1x1x1x6x96xi32, #tpu.memory_space<hbm>> -> memref<6x96xi32, #tpu.memory_space<hbm>>
        %dma_wait3A_757 = arith.constant 0 : i32
        %dma_wait3A_758 = arith.constant 0 : i32
        %dma_wait3A_759 = tpu.memref_slice %arg5[%dma_wait3A_748, %dma_wait3A_757, %dma_wait3A_758] : memref<2x6x96xi32, #tpu.memory_space<vmem>> -> memref<1x6x96xi32, #tpu.memory_space<vmem>>
        %dma_wait3A_760 = tpu.memref_squeeze %dma_wait3A_759 : memref<1x6x96xi32, #tpu.memory_space<vmem>> -> memref<6x96xi32, #tpu.memory_space<vmem>>
        %dma_wait3A_761 = arith.constant 0 : i32
        %dma_wait3A_762 = arith.constant 0 : i32
        %dma_wait3A_763 = tpu.memref_slice %arg3[%dma_wait3A_746, %add3A, %dma_wait3A_747, %dma_wait3A_761, %dma_wait3A_762] : memref<2x32x18x6x96xi32, #tpu.memory_space<hbm>> -> memref<1x1x1x6x96xi32, #tpu.memory_space<hbm>>
        %dma_wait3A_764 = tpu.memref_squeeze %dma_wait3A_763 : memref<1x1x1x6x96xi32, #tpu.memory_space<hbm>> -> memref<6x96xi32, #tpu.memory_space<hbm>>
        tpu.wait_dma2 semaphore(%arg18 : memref<!tpu.dma_semaphore, #tpu.memory_space<semaphore_mem>>) src(%dma_wait3A_764 : memref<6x96xi32, #tpu.memory_space<hbm>>) dst(%dma_wait3A_760 : memref<6x96xi32, #tpu.memory_space<vmem>>)
        %dma_wait3A_765 = arith.constant 1 : i32
        %dma_wait3A_766 = arith.constant 0 : i32
        %dma_wait3A_767 = arith.constant 1 : i32
        %dma_wait3A_768 = arith.constant 0 : i32
        %dma_wait3A_769 = arith.constant 0 : i32
        %dma_wait3A_770 = tpu.memref_slice %arg6[%dma_wait3A_767, %dma_wait3A_768, %dma_wait3A_769] : memref<2x6x96xi32, #tpu.memory_space<vmem>> -> memref<1x6x96xi32, #tpu.memory_space<vmem>>
        %dma_wait3A_771 = tpu.memref_squeeze %dma_wait3A_770 : memref<1x6x96xi32, #tpu.memory_space<vmem>> -> memref<6x96xi32, #tpu.memory_space<vmem>>
        %dma_wait3A_772 = arith.constant 0 : i32
        %dma_wait3A_773 = arith.constant 0 : i32
        %dma_wait3A_774 = tpu.memref_slice %arg3[%dma_wait3A_765, %add3A, %dma_wait3A_766, %dma_wait3A_772, %dma_wait3A_773] : memref<2x32x18x6x96xi32, #tpu.memory_space<hbm>> -> memref<1x1x1x6x96xi32, #tpu.memory_space<hbm>>
        %dma_wait3A_775 = tpu.memref_squeeze %dma_wait3A_774 : memref<1x1x1x6x96xi32, #tpu.memory_space<hbm>> -> memref<6x96xi32, #tpu.memory_space<hbm>>
        %dma_wait3A_776 = arith.constant 0 : i32
        %dma_wait3A_777 = arith.constant 0 : i32
        %dma_wait3A_778 = tpu.memref_slice %arg6[%dma_wait3A_767, %dma_wait3A_776, %dma_wait3A_777] : memref<2x6x96xi32, #tpu.memory_space<vmem>> -> memref<1x6x96xi32, #tpu.memory_space<vmem>>
        %dma_wait3A_779 = tpu.memref_squeeze %dma_wait3A_778 : memref<1x6x96xi32, #tpu.memory_space<vmem>> -> memref<6x96xi32, #tpu.memory_space<vmem>>
        %dma_wait3A_780 = arith.constant 0 : i32
        %dma_wait3A_781 = arith.constant 0 : i32
        %dma_wait3A_782 = tpu.memref_slice %arg3[%dma_wait3A_765, %add3A, %dma_wait3A_766, %dma_wait3A_780, %dma_wait3A_781] : memref<2x32x18x6x96xi32, #tpu.memory_space<hbm>> -> memref<1x1x1x6x96xi32, #tpu.memory_space<hbm>>
        %dma_wait3A_783 = tpu.memref_squeeze %dma_wait3A_782 : memref<1x1x1x6x96xi32, #tpu.memory_space<hbm>> -> memref<6x96xi32, #tpu.memory_space<hbm>>
        tpu.wait_dma2 semaphore(%arg20 : memref<!tpu.dma_semaphore, #tpu.memory_space<semaphore_mem>>) src(%dma_wait3A_783 : memref<6x96xi32, #tpu.memory_space<hbm>>) dst(%dma_wait3A_779 : memref<6x96xi32, #tpu.memory_space<vmem>>)
        %dma_start3A_784 = arith.constant 1 : i32
        %dma_start3A_785 = arith.constant 0 : i32
        %dma_start3A_786 = arith.constant 0 : i32
        %dma_start3A_787 = tpu.memref_slice %arg5[%dma_start3A_784, %dma_start3A_785, %dma_start3A_786] : memref<2x6x96xi32, #tpu.memory_space<vmem>> -> memref<1x1x96xi32, #tpu.memory_space<vmem>>
        %dma_start3A_788 = tpu.memref_squeeze %dma_start3A_787 : memref<1x1x96xi32, #tpu.memory_space<vmem>> -> memref<96xi32, #tpu.memory_space<vmem>>
        %dma_start3A_789 = arith.constant 0 : i32
        %dma_start3A_790 = arith.constant 0 : i32
        %dma_start3A_791 = tpu.memref_slice %arg2[%dma_start3A_789, %dma_start3A_790] : memref<10240x128xf32, #tpu.memory_space<hbm>> -> memref<10240x128xf32, #tpu.memory_space<hbm>>
        tpu.enqueue_indirect_dma source(%dma_start3A_791 : memref<10240x128xf32, #tpu.memory_space<hbm>>) target(%arg7 : memref<96x128xf32, #tpu.memory_space<vmem>>) offsets(%dma_start3A_788 : memref<96xi32, #tpu.memory_space<vmem>>) semaphore(%arg11 : memref<!tpu.dma_semaphore, #tpu.memory_space<semaphore_mem>>)
      } else {
      }
      %mul3A_489 = arith.constant 6 : i32
      %mul3A_490 = arith.muli %add3A_309, %mul3A_489 : i32
      %add3A_491 = arith.constant 5 : i32
      %add3A_492 = arith.addi %mul3A_490, %add3A_491 : i32
      %dma_wait3A_493 = arith.constant 0 : i32
      %dma_wait3A_494 = arith.constant 5 : i32
      %dma_wait3A_495 = arith.constant 0 : i32
      %dma_wait3A_496 = tpu.memref_slice %arg5[%dma_wait3A_493, %dma_wait3A_494, %dma_wait3A_495] : memref<2x6x96xi32, #tpu.memory_space<vmem>> -> memref<1x1x96xi32, #tpu.memory_space<vmem>>
      %dma_wait3A_497 = tpu.memref_squeeze %dma_wait3A_496 : memref<1x1x96xi32, #tpu.memory_space<vmem>> -> memref<96xi32, #tpu.memory_space<vmem>>
      %dma_wait3A_498 = arith.constant 0 : i32
      %dma_wait3A_499 = arith.constant 0 : i32
      %dma_wait3A_500 = tpu.memref_slice %arg2[%dma_wait3A_498, %dma_wait3A_499] : memref<10240x128xf32, #tpu.memory_space<hbm>> -> memref<10240x128xf32, #tpu.memory_space<hbm>>
      tpu.wait_indirect_dma semaphore(%arg13 : memref<!tpu.dma_semaphore, #tpu.memory_space<semaphore_mem>>) src(%dma_wait3A_500 : memref<10240x128xf32, #tpu.memory_space<hbm>>) dst(%arg9 : memref<96x128xf32, #tpu.memory_space<vmem>>)
      %dma_start3A_501 = arith.constant 0 : i32
      %dma_start3A_502 = arith.constant 5 : i32
      %dma_start3A_503 = arith.constant 0 : i32
      %dma_start3A_504 = tpu.memref_slice %arg6[%dma_start3A_501, %dma_start3A_502, %dma_start3A_503] : memref<2x6x96xi32, #tpu.memory_space<vmem>> -> memref<1x1x96xi32, #tpu.memory_space<vmem>>
      %dma_start3A_505 = tpu.memref_squeeze %dma_start3A_504 : memref<1x1x96xi32, #tpu.memory_space<vmem>> -> memref<96xi32, #tpu.memory_space<vmem>>
      %dma_start3A_506 = arith.constant 0 : i32
      %dma_start3A_507 = arith.constant 0 : i32
      %dma_start3A_508 = tpu.memref_slice %arg10[%dma_start3A_506, %dma_start3A_507] : memref<10240x128xf32, #tpu.memory_space<vmem_shared>> -> memref<10240x128xf32, #tpu.memory_space<vmem_shared>>
      tpu.enqueue_indirect_dma source(%arg9 : memref<96x128xf32, #tpu.memory_space<vmem>>) target(%dma_start3A_508 : memref<10240x128xf32, #tpu.memory_space<vmem_shared>>) offsets(%dma_start3A_505 : memref<96xi32, #tpu.memory_space<vmem>>) semaphore(%arg16 : memref<!tpu.dma_semaphore, #tpu.memory_space<semaphore_mem>>) {add = true}
      %dma_wait3A_509 = arith.constant 0 : i32
      %dma_wait3A_510 = arith.constant 4 : i32
      %dma_wait3A_511 = arith.constant 0 : i32
      %dma_wait3A_512 = tpu.memref_slice %arg6[%dma_wait3A_509, %dma_wait3A_510, %dma_wait3A_511] : memref<2x6x96xi32, #tpu.memory_space<vmem>> -> memref<1x1x96xi32, #tpu.memory_space<vmem>>
      %dma_wait3A_513 = tpu.memref_squeeze %dma_wait3A_512 : memref<1x1x96xi32, #tpu.memory_space<vmem>> -> memref<96xi32, #tpu.memory_space<vmem>>
      %dma_wait3A_514 = arith.constant 0 : i32
      %dma_wait3A_515 = arith.constant 0 : i32
      %dma_wait3A_516 = tpu.memref_slice %arg10[%dma_wait3A_514, %dma_wait3A_515] : memref<10240x128xf32, #tpu.memory_space<vmem_shared>> -> memref<10240x128xf32, #tpu.memory_space<vmem_shared>>
      tpu.wait_indirect_dma semaphore(%arg15 : memref<!tpu.dma_semaphore, #tpu.memory_space<semaphore_mem>>) src(%arg8 : memref<96x128xf32, #tpu.memory_space<vmem>>) dst(%dma_wait3A_516 : memref<10240x128xf32, #tpu.memory_space<vmem_shared>>)
      %add3A_517 = arith.constant 2 : i32
      %add3A_518 = arith.addi %add3A_492, %add3A_517 : i32
      %lt3A_519 = arith.constant 108 : i32
      %lt3A_520 = arith.cmpi slt, %add3A_518, %lt3A_519 : i32
      %convert_element_type3A_521 = arith.extui %lt3A_520 : i1 to i32
      %cond3A_522 = arith.constant 0 : i32
      %cond3A_523 = arith.cmpi ne, %convert_element_type3A_521, %cond3A_522 : i32
      scf.if %cond3A_523 {
        %dma_start3A_746 = arith.constant 1 : i32
        %dma_start3A_747 = arith.constant 1 : i32
        %dma_start3A_748 = arith.constant 0 : i32
        %dma_start3A_749 = tpu.memref_slice %arg5[%dma_start3A_746, %dma_start3A_747, %dma_start3A_748] : memref<2x6x96xi32, #tpu.memory_space<vmem>> -> memref<1x1x96xi32, #tpu.memory_space<vmem>>
        %dma_start3A_750 = tpu.memref_squeeze %dma_start3A_749 : memref<1x1x96xi32, #tpu.memory_space<vmem>> -> memref<96xi32, #tpu.memory_space<vmem>>
        %dma_start3A_751 = arith.constant 0 : i32
        %dma_start3A_752 = arith.constant 0 : i32
        %dma_start3A_753 = tpu.memref_slice %arg2[%dma_start3A_751, %dma_start3A_752] : memref<10240x128xf32, #tpu.memory_space<hbm>> -> memref<10240x128xf32, #tpu.memory_space<hbm>>
        tpu.enqueue_indirect_dma source(%dma_start3A_753 : memref<10240x128xf32, #tpu.memory_space<hbm>>) target(%arg8 : memref<96x128xf32, #tpu.memory_space<vmem>>) offsets(%dma_start3A_750 : memref<96xi32, #tpu.memory_space<vmem>>) semaphore(%arg12 : memref<!tpu.dma_semaphore, #tpu.memory_space<semaphore_mem>>)
      } else {
      }
      %mul3A_524 = arith.constant 2 : i32
      %mul3A_525 = arith.muli %scan3A_305, %mul3A_524 : i32
      %add3A_526 = arith.constant 1 : i32
      %add3A_527 = arith.addi %mul3A_525, %add3A_526 : i32
      %mul3A_528 = arith.constant 6 : i32
      %mul3A_529 = arith.muli %add3A_527, %mul3A_528 : i32
      %add3A_530 = arith.constant 0 : i32
      %add3A_531 = arith.addi %mul3A_529, %add3A_530 : i32
      %dma_wait3A_532 = arith.constant 1 : i32
      %dma_wait3A_533 = arith.constant 0 : i32
      %dma_wait3A_534 = arith.constant 0 : i32
      %dma_wait3A_535 = tpu.memref_slice %arg5[%dma_wait3A_532, %dma_wait3A_533, %dma_wait3A_534] : memref<2x6x96xi32, #tpu.memory_space<vmem>> -> memref<1x1x96xi32, #tpu.memory_space<vmem>>
      %dma_wait3A_536 = tpu.memref_squeeze %dma_wait3A_535 : memref<1x1x96xi32, #tpu.memory_space<vmem>> -> memref<96xi32, #tpu.memory_space<vmem>>
      %dma_wait3A_537 = arith.constant 0 : i32
      %dma_wait3A_538 = arith.constant 0 : i32
      %dma_wait3A_539 = tpu.memref_slice %arg2[%dma_wait3A_537, %dma_wait3A_538] : memref<10240x128xf32, #tpu.memory_space<hbm>> -> memref<10240x128xf32, #tpu.memory_space<hbm>>
      tpu.wait_indirect_dma semaphore(%arg11 : memref<!tpu.dma_semaphore, #tpu.memory_space<semaphore_mem>>) src(%dma_wait3A_539 : memref<10240x128xf32, #tpu.memory_space<hbm>>) dst(%arg7 : memref<96x128xf32, #tpu.memory_space<vmem>>)
      %dma_start3A_540 = arith.constant 1 : i32
      %dma_start3A_541 = arith.constant 0 : i32
      %dma_start3A_542 = arith.constant 0 : i32
      %dma_start3A_543 = tpu.memref_slice %arg6[%dma_start3A_540, %dma_start3A_541, %dma_start3A_542] : memref<2x6x96xi32, #tpu.memory_space<vmem>> -> memref<1x1x96xi32, #tpu.memory_space<vmem>>
      %dma_start3A_544 = tpu.memref_squeeze %dma_start3A_543 : memref<1x1x96xi32, #tpu.memory_space<vmem>> -> memref<96xi32, #tpu.memory_space<vmem>>
      %dma_start3A_545 = arith.constant 0 : i32
      %dma_start3A_546 = arith.constant 0 : i32
      %dma_start3A_547 = tpu.memref_slice %arg10[%dma_start3A_545, %dma_start3A_546] : memref<10240x128xf32, #tpu.memory_space<vmem_shared>> -> memref<10240x128xf32, #tpu.memory_space<vmem_shared>>
      tpu.enqueue_indirect_dma source(%arg7 : memref<96x128xf32, #tpu.memory_space<vmem>>) target(%dma_start3A_547 : memref<10240x128xf32, #tpu.memory_space<vmem_shared>>) offsets(%dma_start3A_544 : memref<96xi32, #tpu.memory_space<vmem>>) semaphore(%arg14 : memref<!tpu.dma_semaphore, #tpu.memory_space<semaphore_mem>>) {add = true}
      %ge3A_548 = arith.constant 1 : i32
      %ge3A_549 = arith.cmpi sge, %add3A_531, %ge3A_548 : i32
      %convert_element_type3A_550 = arith.extui %ge3A_549 : i1 to i32
      %cond3A_551 = arith.constant 0 : i32
      %cond3A_552 = arith.cmpi ne, %convert_element_type3A_550, %cond3A_551 : i32
      scf.if %cond3A_552 {
        %dma_wait3A_746 = arith.constant 0 : i32
        %dma_wait3A_747 = arith.constant 5 : i32
        %dma_wait3A_748 = arith.constant 0 : i32
        %dma_wait3A_749 = tpu.memref_slice %arg6[%dma_wait3A_746, %dma_wait3A_747, %dma_wait3A_748] : memref<2x6x96xi32, #tpu.memory_space<vmem>> -> memref<1x1x96xi32, #tpu.memory_space<vmem>>
        %dma_wait3A_750 = tpu.memref_squeeze %dma_wait3A_749 : memref<1x1x96xi32, #tpu.memory_space<vmem>> -> memref<96xi32, #tpu.memory_space<vmem>>
        %dma_wait3A_751 = arith.constant 0 : i32
        %dma_wait3A_752 = arith.constant 0 : i32
        %dma_wait3A_753 = tpu.memref_slice %arg10[%dma_wait3A_751, %dma_wait3A_752] : memref<10240x128xf32, #tpu.memory_space<vmem_shared>> -> memref<10240x128xf32, #tpu.memory_space<vmem_shared>>
        tpu.wait_indirect_dma semaphore(%arg16 : memref<!tpu.dma_semaphore, #tpu.memory_space<semaphore_mem>>) src(%arg9 : memref<96x128xf32, #tpu.memory_space<vmem>>) dst(%dma_wait3A_753 : memref<10240x128xf32, #tpu.memory_space<vmem_shared>>)
      } else {
      }
      %dma_start3A_553 = arith.constant 1 : i32
      %dma_start3A_554 = arith.constant 2 : i32
      %dma_start3A_555 = arith.constant 0 : i32
      %dma_start3A_556 = tpu.memref_slice %arg5[%dma_start3A_553, %dma_start3A_554, %dma_start3A_555] : memref<2x6x96xi32, #tpu.memory_space<vmem>> -> memref<1x1x96xi32, #tpu.memory_space<vmem>>
      %dma_start3A_557 = tpu.memref_squeeze %dma_start3A_556 : memref<1x1x96xi32, #tpu.memory_space<vmem>> -> memref<96xi32, #tpu.memory_space<vmem>>
      %dma_start3A_558 = arith.constant 0 : i32
      %dma_start3A_559 = arith.constant 0 : i32
      %dma_start3A_560 = tpu.memref_slice %arg2[%dma_start3A_558, %dma_start3A_559] : memref<10240x128xf32, #tpu.memory_space<hbm>> -> memref<10240x128xf32, #tpu.memory_space<hbm>>
      tpu.enqueue_indirect_dma source(%dma_start3A_560 : memref<10240x128xf32, #tpu.memory_space<hbm>>) target(%arg9 : memref<96x128xf32, #tpu.memory_space<vmem>>) offsets(%dma_start3A_557 : memref<96xi32, #tpu.memory_space<vmem>>) semaphore(%arg13 : memref<!tpu.dma_semaphore, #tpu.memory_space<semaphore_mem>>)
      %mul3A_561 = arith.constant 6 : i32
      %mul3A_562 = arith.muli %add3A_527, %mul3A_561 : i32
      %add3A_563 = arith.constant 1 : i32
      %add3A_564 = arith.addi %mul3A_562, %add3A_563 : i32
      %dma_wait3A_565 = arith.constant 1 : i32
      %dma_wait3A_566 = arith.constant 1 : i32
      %dma_wait3A_567 = arith.constant 0 : i32
      %dma_wait3A_568 = tpu.memref_slice %arg5[%dma_wait3A_565, %dma_wait3A_566, %dma_wait3A_567] : memref<2x6x96xi32, #tpu.memory_space<vmem>> -> memref<1x1x96xi32, #tpu.memory_space<vmem>>
      %dma_wait3A_569 = tpu.memref_squeeze %dma_wait3A_568 : memref<1x1x96xi32, #tpu.memory_space<vmem>> -> memref<96xi32, #tpu.memory_space<vmem>>
      %dma_wait3A_570 = arith.constant 0 : i32
      %dma_wait3A_571 = arith.constant 0 : i32
      %dma_wait3A_572 = tpu.memref_slice %arg2[%dma_wait3A_570, %dma_wait3A_571] : memref<10240x128xf32, #tpu.memory_space<hbm>> -> memref<10240x128xf32, #tpu.memory_space<hbm>>
      tpu.wait_indirect_dma semaphore(%arg12 : memref<!tpu.dma_semaphore, #tpu.memory_space<semaphore_mem>>) src(%dma_wait3A_572 : memref<10240x128xf32, #tpu.memory_space<hbm>>) dst(%arg8 : memref<96x128xf32, #tpu.memory_space<vmem>>)
      %dma_start3A_573 = arith.constant 1 : i32
      %dma_start3A_574 = arith.constant 1 : i32
      %dma_start3A_575 = arith.constant 0 : i32
      %dma_start3A_576 = tpu.memref_slice %arg6[%dma_start3A_573, %dma_start3A_574, %dma_start3A_575] : memref<2x6x96xi32, #tpu.memory_space<vmem>> -> memref<1x1x96xi32, #tpu.memory_space<vmem>>
      %dma_start3A_577 = tpu.memref_squeeze %dma_start3A_576 : memref<1x1x96xi32, #tpu.memory_space<vmem>> -> memref<96xi32, #tpu.memory_space<vmem>>
      %dma_start3A_578 = arith.constant 0 : i32
      %dma_start3A_579 = arith.constant 0 : i32
      %dma_start3A_580 = tpu.memref_slice %arg10[%dma_start3A_578, %dma_start3A_579] : memref<10240x128xf32, #tpu.memory_space<vmem_shared>> -> memref<10240x128xf32, #tpu.memory_space<vmem_shared>>
      tpu.enqueue_indirect_dma source(%arg8 : memref<96x128xf32, #tpu.memory_space<vmem>>) target(%dma_start3A_580 : memref<10240x128xf32, #tpu.memory_space<vmem_shared>>) offsets(%dma_start3A_577 : memref<96xi32, #tpu.memory_space<vmem>>) semaphore(%arg15 : memref<!tpu.dma_semaphore, #tpu.memory_space<semaphore_mem>>) {add = true}
      %dma_wait3A_581 = arith.constant 1 : i32
      %dma_wait3A_582 = arith.constant 0 : i32
      %dma_wait3A_583 = arith.constant 0 : i32
      %dma_wait3A_584 = tpu.memref_slice %arg6[%dma_wait3A_581, %dma_wait3A_582, %dma_wait3A_583] : memref<2x6x96xi32, #tpu.memory_space<vmem>> -> memref<1x1x96xi32, #tpu.memory_space<vmem>>
      %dma_wait3A_585 = tpu.memref_squeeze %dma_wait3A_584 : memref<1x1x96xi32, #tpu.memory_space<vmem>> -> memref<96xi32, #tpu.memory_space<vmem>>
      %dma_wait3A_586 = arith.constant 0 : i32
      %dma_wait3A_587 = arith.constant 0 : i32
      %dma_wait3A_588 = tpu.memref_slice %arg10[%dma_wait3A_586, %dma_wait3A_587] : memref<10240x128xf32, #tpu.memory_space<vmem_shared>> -> memref<10240x128xf32, #tpu.memory_space<vmem_shared>>
      tpu.wait_indirect_dma semaphore(%arg14 : memref<!tpu.dma_semaphore, #tpu.memory_space<semaphore_mem>>) src(%arg7 : memref<96x128xf32, #tpu.memory_space<vmem>>) dst(%dma_wait3A_588 : memref<10240x128xf32, #tpu.memory_space<vmem_shared>>)
      %add3A_589 = arith.constant 1 : i32
      %add3A_590 = arith.addi %add3A_527, %add3A_589 : i32
      %lt3A_591 = arith.constant 18 : i32
      %lt3A_592 = arith.cmpi slt, %add3A_590, %lt3A_591 : i32
      %convert_element_type3A_593 = arith.extui %lt3A_592 : i1 to i32
      %cond3A_594 = arith.constant 0 : i32
      %cond3A_595 = arith.cmpi ne, %convert_element_type3A_593, %cond3A_594 : i32
      scf.if %cond3A_595 {
        %add3A_746 = arith.constant 1 : i32
        %add3A_747 = arith.addi %add3A_527, %add3A_746 : i32
        %dma_start3A_748 = arith.constant 0 : i32
        %dma_start3A_749 = arith.constant 0 : i32
        %dma_start3A_750 = arith.constant 0 : i32
        %dma_start3A_751 = arith.constant 0 : i32
        %dma_start3A_752 = tpu.memref_slice %arg5[%dma_start3A_749, %dma_start3A_750, %dma_start3A_751] : memref<2x6x96xi32, #tpu.memory_space<vmem>> -> memref<1x6x96xi32, #tpu.memory_space<vmem>>
        %dma_start3A_753 = tpu.memref_squeeze %dma_start3A_752 : memref<1x6x96xi32, #tpu.memory_space<vmem>> -> memref<6x96xi32, #tpu.memory_space<vmem>>
        %dma_start3A_754 = arith.constant 0 : i32
        %dma_start3A_755 = arith.constant 0 : i32
        %dma_start3A_756 = tpu.memref_slice %arg3[%dma_start3A_748, %add3A, %add3A_747, %dma_start3A_754, %dma_start3A_755] : memref<2x32x18x6x96xi32, #tpu.memory_space<hbm>> -> memref<1x1x1x6x96xi32, #tpu.memory_space<hbm>>
        %dma_start3A_757 = tpu.memref_squeeze %dma_start3A_756 : memref<1x1x1x6x96xi32, #tpu.memory_space<hbm>> -> memref<6x96xi32, #tpu.memory_space<hbm>>
        %dma_start3A_758 = arith.constant 0 : i32
        %dma_start3A_759 = arith.constant 0 : i32
        %dma_start3A_760 = tpu.memref_slice %arg5[%dma_start3A_749, %dma_start3A_758, %dma_start3A_759] : memref<2x6x96xi32, #tpu.memory_space<vmem>> -> memref<1x6x96xi32, #tpu.memory_space<vmem>>
        %dma_start3A_761 = tpu.memref_squeeze %dma_start3A_760 : memref<1x6x96xi32, #tpu.memory_space<vmem>> -> memref<6x96xi32, #tpu.memory_space<vmem>>
        %dma_start3A_762 = arith.constant 0 : i32
        %dma_start3A_763 = arith.constant 0 : i32
        %dma_start3A_764 = tpu.memref_slice %arg3[%dma_start3A_748, %add3A, %add3A_747, %dma_start3A_762, %dma_start3A_763] : memref<2x32x18x6x96xi32, #tpu.memory_space<hbm>> -> memref<1x1x1x6x96xi32, #tpu.memory_space<hbm>>
        %dma_start3A_765 = tpu.memref_squeeze %dma_start3A_764 : memref<1x1x1x6x96xi32, #tpu.memory_space<hbm>> -> memref<6x96xi32, #tpu.memory_space<hbm>>
        tpu.enqueue_dma source(%dma_start3A_765 : memref<6x96xi32, #tpu.memory_space<hbm>>) target(%dma_start3A_761 : memref<6x96xi32, #tpu.memory_space<vmem>>) target_semaphore(%arg17 : memref<!tpu.dma_semaphore, #tpu.memory_space<semaphore_mem>>)
        %add3A_766 = arith.constant 1 : i32
        %add3A_767 = arith.addi %add3A_527, %add3A_766 : i32
        %dma_start3A_768 = arith.constant 1 : i32
        %dma_start3A_769 = arith.constant 0 : i32
        %dma_start3A_770 = arith.constant 0 : i32
        %dma_start3A_771 = arith.constant 0 : i32
        %dma_start3A_772 = tpu.memref_slice %arg6[%dma_start3A_769, %dma_start3A_770, %dma_start3A_771] : memref<2x6x96xi32, #tpu.memory_space<vmem>> -> memref<1x6x96xi32, #tpu.memory_space<vmem>>
        %dma_start3A_773 = tpu.memref_squeeze %dma_start3A_772 : memref<1x6x96xi32, #tpu.memory_space<vmem>> -> memref<6x96xi32, #tpu.memory_space<vmem>>
        %dma_start3A_774 = arith.constant 0 : i32
        %dma_start3A_775 = arith.constant 0 : i32
        %dma_start3A_776 = tpu.memref_slice %arg3[%dma_start3A_768, %add3A, %add3A_767, %dma_start3A_774, %dma_start3A_775] : memref<2x32x18x6x96xi32, #tpu.memory_space<hbm>> -> memref<1x1x1x6x96xi32, #tpu.memory_space<hbm>>
        %dma_start3A_777 = tpu.memref_squeeze %dma_start3A_776 : memref<1x1x1x6x96xi32, #tpu.memory_space<hbm>> -> memref<6x96xi32, #tpu.memory_space<hbm>>
        %dma_start3A_778 = arith.constant 0 : i32
        %dma_start3A_779 = arith.constant 0 : i32
        %dma_start3A_780 = tpu.memref_slice %arg6[%dma_start3A_769, %dma_start3A_778, %dma_start3A_779] : memref<2x6x96xi32, #tpu.memory_space<vmem>> -> memref<1x6x96xi32, #tpu.memory_space<vmem>>
        %dma_start3A_781 = tpu.memref_squeeze %dma_start3A_780 : memref<1x6x96xi32, #tpu.memory_space<vmem>> -> memref<6x96xi32, #tpu.memory_space<vmem>>
        %dma_start3A_782 = arith.constant 0 : i32
        %dma_start3A_783 = arith.constant 0 : i32
        %dma_start3A_784 = tpu.memref_slice %arg3[%dma_start3A_768, %add3A, %add3A_767, %dma_start3A_782, %dma_start3A_783] : memref<2x32x18x6x96xi32, #tpu.memory_space<hbm>> -> memref<1x1x1x6x96xi32, #tpu.memory_space<hbm>>
        %dma_start3A_785 = tpu.memref_squeeze %dma_start3A_784 : memref<1x1x1x6x96xi32, #tpu.memory_space<hbm>> -> memref<6x96xi32, #tpu.memory_space<hbm>>
        tpu.enqueue_dma source(%dma_start3A_785 : memref<6x96xi32, #tpu.memory_space<hbm>>) target(%dma_start3A_781 : memref<6x96xi32, #tpu.memory_space<vmem>>) target_semaphore(%arg19 : memref<!tpu.dma_semaphore, #tpu.memory_space<semaphore_mem>>)
      } else {
      }
      %dma_start3A_596 = arith.constant 1 : i32
      %dma_start3A_597 = arith.constant 3 : i32
      %dma_start3A_598 = arith.constant 0 : i32
      %dma_start3A_599 = tpu.memref_slice %arg5[%dma_start3A_596, %dma_start3A_597, %dma_start3A_598] : memref<2x6x96xi32, #tpu.memory_space<vmem>> -> memref<1x1x96xi32, #tpu.memory_space<vmem>>
      %dma_start3A_600 = tpu.memref_squeeze %dma_start3A_599 : memref<1x1x96xi32, #tpu.memory_space<vmem>> -> memref<96xi32, #tpu.memory_space<vmem>>
      %dma_start3A_601 = arith.constant 0 : i32
      %dma_start3A_602 = arith.constant 0 : i32
      %dma_start3A_603 = tpu.memref_slice %arg2[%dma_start3A_601, %dma_start3A_602] : memref<10240x128xf32, #tpu.memory_space<hbm>> -> memref<10240x128xf32, #tpu.memory_space<hbm>>
      tpu.enqueue_indirect_dma source(%dma_start3A_603 : memref<10240x128xf32, #tpu.memory_space<hbm>>) target(%arg7 : memref<96x128xf32, #tpu.memory_space<vmem>>) offsets(%dma_start3A_600 : memref<96xi32, #tpu.memory_space<vmem>>) semaphore(%arg11 : memref<!tpu.dma_semaphore, #tpu.memory_space<semaphore_mem>>)
      %mul3A_604 = arith.constant 6 : i32
      %mul3A_605 = arith.muli %add3A_527, %mul3A_604 : i32
      %add3A_606 = arith.constant 2 : i32
      %add3A_607 = arith.addi %mul3A_605, %add3A_606 : i32
      %dma_wait3A_608 = arith.constant 1 : i32
      %dma_wait3A_609 = arith.constant 2 : i32
      %dma_wait3A_610 = arith.constant 0 : i32
      %dma_wait3A_611 = tpu.memref_slice %arg5[%dma_wait3A_608, %dma_wait3A_609, %dma_wait3A_610] : memref<2x6x96xi32, #tpu.memory_space<vmem>> -> memref<1x1x96xi32, #tpu.memory_space<vmem>>
      %dma_wait3A_612 = tpu.memref_squeeze %dma_wait3A_611 : memref<1x1x96xi32, #tpu.memory_space<vmem>> -> memref<96xi32, #tpu.memory_space<vmem>>
      %dma_wait3A_613 = arith.constant 0 : i32
      %dma_wait3A_614 = arith.constant 0 : i32
      %dma_wait3A_615 = tpu.memref_slice %arg2[%dma_wait3A_613, %dma_wait3A_614] : memref<10240x128xf32, #tpu.memory_space<hbm>> -> memref<10240x128xf32, #tpu.memory_space<hbm>>
      tpu.wait_indirect_dma semaphore(%arg13 : memref<!tpu.dma_semaphore, #tpu.memory_space<semaphore_mem>>) src(%dma_wait3A_615 : memref<10240x128xf32, #tpu.memory_space<hbm>>) dst(%arg9 : memref<96x128xf32, #tpu.memory_space<vmem>>)
      %dma_start3A_616 = arith.constant 1 : i32
      %dma_start3A_617 = arith.constant 2 : i32
      %dma_start3A_618 = arith.constant 0 : i32
      %dma_start3A_619 = tpu.memref_slice %arg6[%dma_start3A_616, %dma_start3A_617, %dma_start3A_618] : memref<2x6x96xi32, #tpu.memory_space<vmem>> -> memref<1x1x96xi32, #tpu.memory_space<vmem>>
      %dma_start3A_620 = tpu.memref_squeeze %dma_start3A_619 : memref<1x1x96xi32, #tpu.memory_space<vmem>> -> memref<96xi32, #tpu.memory_space<vmem>>
      %dma_start3A_621 = arith.constant 0 : i32
      %dma_start3A_622 = arith.constant 0 : i32
      %dma_start3A_623 = tpu.memref_slice %arg10[%dma_start3A_621, %dma_start3A_622] : memref<10240x128xf32, #tpu.memory_space<vmem_shared>> -> memref<10240x128xf32, #tpu.memory_space<vmem_shared>>
      tpu.enqueue_indirect_dma source(%arg9 : memref<96x128xf32, #tpu.memory_space<vmem>>) target(%dma_start3A_623 : memref<10240x128xf32, #tpu.memory_space<vmem_shared>>) offsets(%dma_start3A_620 : memref<96xi32, #tpu.memory_space<vmem>>) semaphore(%arg16 : memref<!tpu.dma_semaphore, #tpu.memory_space<semaphore_mem>>) {add = true}
      %dma_wait3A_624 = arith.constant 1 : i32
      %dma_wait3A_625 = arith.constant 1 : i32
      %dma_wait3A_626 = arith.constant 0 : i32
      %dma_wait3A_627 = tpu.memref_slice %arg6[%dma_wait3A_624, %dma_wait3A_625, %dma_wait3A_626] : memref<2x6x96xi32, #tpu.memory_space<vmem>> -> memref<1x1x96xi32, #tpu.memory_space<vmem>>
      %dma_wait3A_628 = tpu.memref_squeeze %dma_wait3A_627 : memref<1x1x96xi32, #tpu.memory_space<vmem>> -> memref<96xi32, #tpu.memory_space<vmem>>
      %dma_wait3A_629 = arith.constant 0 : i32
      %dma_wait3A_630 = arith.constant 0 : i32
      %dma_wait3A_631 = tpu.memref_slice %arg10[%dma_wait3A_629, %dma_wait3A_630] : memref<10240x128xf32, #tpu.memory_space<vmem_shared>> -> memref<10240x128xf32, #tpu.memory_space<vmem_shared>>
      tpu.wait_indirect_dma semaphore(%arg15 : memref<!tpu.dma_semaphore, #tpu.memory_space<semaphore_mem>>) src(%arg8 : memref<96x128xf32, #tpu.memory_space<vmem>>) dst(%dma_wait3A_631 : memref<10240x128xf32, #tpu.memory_space<vmem_shared>>)
      %dma_start3A_632 = arith.constant 1 : i32
      %dma_start3A_633 = arith.constant 4 : i32
      %dma_start3A_634 = arith.constant 0 : i32
      %dma_start3A_635 = tpu.memref_slice %arg5[%dma_start3A_632, %dma_start3A_633, %dma_start3A_634] : memref<2x6x96xi32, #tpu.memory_space<vmem>> -> memref<1x1x96xi32, #tpu.memory_space<vmem>>
      %dma_start3A_636 = tpu.memref_squeeze %dma_start3A_635 : memref<1x1x96xi32, #tpu.memory_space<vmem>> -> memref<96xi32, #tpu.memory_space<vmem>>
      %dma_start3A_637 = arith.constant 0 : i32
      %dma_start3A_638 = arith.constant 0 : i32
      %dma_start3A_639 = tpu.memref_slice %arg2[%dma_start3A_637, %dma_start3A_638] : memref<10240x128xf32, #tpu.memory_space<hbm>> -> memref<10240x128xf32, #tpu.memory_space<hbm>>
      tpu.enqueue_indirect_dma source(%dma_start3A_639 : memref<10240x128xf32, #tpu.memory_space<hbm>>) target(%arg8 : memref<96x128xf32, #tpu.memory_space<vmem>>) offsets(%dma_start3A_636 : memref<96xi32, #tpu.memory_space<vmem>>) semaphore(%arg12 : memref<!tpu.dma_semaphore, #tpu.memory_space<semaphore_mem>>)
      %mul3A_640 = arith.constant 6 : i32
      %mul3A_641 = arith.muli %add3A_527, %mul3A_640 : i32
      %add3A_642 = arith.constant 3 : i32
      %add3A_643 = arith.addi %mul3A_641, %add3A_642 : i32
      %dma_wait3A_644 = arith.constant 1 : i32
      %dma_wait3A_645 = arith.constant 3 : i32
      %dma_wait3A_646 = arith.constant 0 : i32
      %dma_wait3A_647 = tpu.memref_slice %arg5[%dma_wait3A_644, %dma_wait3A_645, %dma_wait3A_646] : memref<2x6x96xi32, #tpu.memory_space<vmem>> -> memref<1x1x96xi32, #tpu.memory_space<vmem>>
      %dma_wait3A_648 = tpu.memref_squeeze %dma_wait3A_647 : memref<1x1x96xi32, #tpu.memory_space<vmem>> -> memref<96xi32, #tpu.memory_space<vmem>>
      %dma_wait3A_649 = arith.constant 0 : i32
      %dma_wait3A_650 = arith.constant 0 : i32
      %dma_wait3A_651 = tpu.memref_slice %arg2[%dma_wait3A_649, %dma_wait3A_650] : memref<10240x128xf32, #tpu.memory_space<hbm>> -> memref<10240x128xf32, #tpu.memory_space<hbm>>
      tpu.wait_indirect_dma semaphore(%arg11 : memref<!tpu.dma_semaphore, #tpu.memory_space<semaphore_mem>>) src(%dma_wait3A_651 : memref<10240x128xf32, #tpu.memory_space<hbm>>) dst(%arg7 : memref<96x128xf32, #tpu.memory_space<vmem>>)
      %dma_start3A_652 = arith.constant 1 : i32
      %dma_start3A_653 = arith.constant 3 : i32
      %dma_start3A_654 = arith.constant 0 : i32
      %dma_start3A_655 = tpu.memref_slice %arg6[%dma_start3A_652, %dma_start3A_653, %dma_start3A_654] : memref<2x6x96xi32, #tpu.memory_space<vmem>> -> memref<1x1x96xi32, #tpu.memory_space<vmem>>
      %dma_start3A_656 = tpu.memref_squeeze %dma_start3A_655 : memref<1x1x96xi32, #tpu.memory_space<vmem>> -> memref<96xi32, #tpu.memory_space<vmem>>
      %dma_start3A_657 = arith.constant 0 : i32
      %dma_start3A_658 = arith.constant 0 : i32
      %dma_start3A_659 = tpu.memref_slice %arg10[%dma_start3A_657, %dma_start3A_658] : memref<10240x128xf32, #tpu.memory_space<vmem_shared>> -> memref<10240x128xf32, #tpu.memory_space<vmem_shared>>
      tpu.enqueue_indirect_dma source(%arg7 : memref<96x128xf32, #tpu.memory_space<vmem>>) target(%dma_start3A_659 : memref<10240x128xf32, #tpu.memory_space<vmem_shared>>) offsets(%dma_start3A_656 : memref<96xi32, #tpu.memory_space<vmem>>) semaphore(%arg14 : memref<!tpu.dma_semaphore, #tpu.memory_space<semaphore_mem>>) {add = true}
      %dma_wait3A_660 = arith.constant 1 : i32
      %dma_wait3A_661 = arith.constant 2 : i32
      %dma_wait3A_662 = arith.constant 0 : i32
      %dma_wait3A_663 = tpu.memref_slice %arg6[%dma_wait3A_660, %dma_wait3A_661, %dma_wait3A_662] : memref<2x6x96xi32, #tpu.memory_space<vmem>> -> memref<1x1x96xi32, #tpu.memory_space<vmem>>
      %dma_wait3A_664 = tpu.memref_squeeze %dma_wait3A_663 : memref<1x1x96xi32, #tpu.memory_space<vmem>> -> memref<96xi32, #tpu.memory_space<vmem>>
      %dma_wait3A_665 = arith.constant 0 : i32
      %dma_wait3A_666 = arith.constant 0 : i32
      %dma_wait3A_667 = tpu.memref_slice %arg10[%dma_wait3A_665, %dma_wait3A_666] : memref<10240x128xf32, #tpu.memory_space<vmem_shared>> -> memref<10240x128xf32, #tpu.memory_space<vmem_shared>>
      tpu.wait_indirect_dma semaphore(%arg16 : memref<!tpu.dma_semaphore, #tpu.memory_space<semaphore_mem>>) src(%arg9 : memref<96x128xf32, #tpu.memory_space<vmem>>) dst(%dma_wait3A_667 : memref<10240x128xf32, #tpu.memory_space<vmem_shared>>)
      %dma_start3A_668 = arith.constant 1 : i32
      %dma_start3A_669 = arith.constant 5 : i32
      %dma_start3A_670 = arith.constant 0 : i32
      %dma_start3A_671 = tpu.memref_slice %arg5[%dma_start3A_668, %dma_start3A_669, %dma_start3A_670] : memref<2x6x96xi32, #tpu.memory_space<vmem>> -> memref<1x1x96xi32, #tpu.memory_space<vmem>>
      %dma_start3A_672 = tpu.memref_squeeze %dma_start3A_671 : memref<1x1x96xi32, #tpu.memory_space<vmem>> -> memref<96xi32, #tpu.memory_space<vmem>>
      %dma_start3A_673 = arith.constant 0 : i32
      %dma_start3A_674 = arith.constant 0 : i32
      %dma_start3A_675 = tpu.memref_slice %arg2[%dma_start3A_673, %dma_start3A_674] : memref<10240x128xf32, #tpu.memory_space<hbm>> -> memref<10240x128xf32, #tpu.memory_space<hbm>>
      tpu.enqueue_indirect_dma source(%dma_start3A_675 : memref<10240x128xf32, #tpu.memory_space<hbm>>) target(%arg9 : memref<96x128xf32, #tpu.memory_space<vmem>>) offsets(%dma_start3A_672 : memref<96xi32, #tpu.memory_space<vmem>>) semaphore(%arg13 : memref<!tpu.dma_semaphore, #tpu.memory_space<semaphore_mem>>)
      %mul3A_676 = arith.constant 6 : i32
      %mul3A_677 = arith.muli %add3A_527, %mul3A_676 : i32
      %add3A_678 = arith.constant 4 : i32
      %add3A_679 = arith.addi %mul3A_677, %add3A_678 : i32
      %dma_wait3A_680 = arith.constant 1 : i32
      %dma_wait3A_681 = arith.constant 4 : i32
      %dma_wait3A_682 = arith.constant 0 : i32
      %dma_wait3A_683 = tpu.memref_slice %arg5[%dma_wait3A_680, %dma_wait3A_681, %dma_wait3A_682] : memref<2x6x96xi32, #tpu.memory_space<vmem>> -> memref<1x1x96xi32, #tpu.memory_space<vmem>>
      %dma_wait3A_684 = tpu.memref_squeeze %dma_wait3A_683 : memref<1x1x96xi32, #tpu.memory_space<vmem>> -> memref<96xi32, #tpu.memory_space<vmem>>
      %dma_wait3A_685 = arith.constant 0 : i32
      %dma_wait3A_686 = arith.constant 0 : i32
      %dma_wait3A_687 = tpu.memref_slice %arg2[%dma_wait3A_685, %dma_wait3A_686] : memref<10240x128xf32, #tpu.memory_space<hbm>> -> memref<10240x128xf32, #tpu.memory_space<hbm>>
      tpu.wait_indirect_dma semaphore(%arg12 : memref<!tpu.dma_semaphore, #tpu.memory_space<semaphore_mem>>) src(%dma_wait3A_687 : memref<10240x128xf32, #tpu.memory_space<hbm>>) dst(%arg8 : memref<96x128xf32, #tpu.memory_space<vmem>>)
      %dma_start3A_688 = arith.constant 1 : i32
      %dma_start3A_689 = arith.constant 4 : i32
      %dma_start3A_690 = arith.constant 0 : i32
      %dma_start3A_691 = tpu.memref_slice %arg6[%dma_start3A_688, %dma_start3A_689, %dma_start3A_690] : memref<2x6x96xi32, #tpu.memory_space<vmem>> -> memref<1x1x96xi32, #tpu.memory_space<vmem>>
      %dma_start3A_692 = tpu.memref_squeeze %dma_start3A_691 : memref<1x1x96xi32, #tpu.memory_space<vmem>> -> memref<96xi32, #tpu.memory_space<vmem>>
      %dma_start3A_693 = arith.constant 0 : i32
      %dma_start3A_694 = arith.constant 0 : i32
      %dma_start3A_695 = tpu.memref_slice %arg10[%dma_start3A_693, %dma_start3A_694] : memref<10240x128xf32, #tpu.memory_space<vmem_shared>> -> memref<10240x128xf32, #tpu.memory_space<vmem_shared>>
      tpu.enqueue_indirect_dma source(%arg8 : memref<96x128xf32, #tpu.memory_space<vmem>>) target(%dma_start3A_695 : memref<10240x128xf32, #tpu.memory_space<vmem_shared>>) offsets(%dma_start3A_692 : memref<96xi32, #tpu.memory_space<vmem>>) semaphore(%arg15 : memref<!tpu.dma_semaphore, #tpu.memory_space<semaphore_mem>>) {add = true}
      %dma_wait3A_696 = arith.constant 1 : i32
      %dma_wait3A_697 = arith.constant 3 : i32
      %dma_wait3A_698 = arith.constant 0 : i32
      %dma_wait3A_699 = tpu.memref_slice %arg6[%dma_wait3A_696, %dma_wait3A_697, %dma_wait3A_698] : memref<2x6x96xi32, #tpu.memory_space<vmem>> -> memref<1x1x96xi32, #tpu.memory_space<vmem>>
      %dma_wait3A_700 = tpu.memref_squeeze %dma_wait3A_699 : memref<1x1x96xi32, #tpu.memory_space<vmem>> -> memref<96xi32, #tpu.memory_space<vmem>>
      %dma_wait3A_701 = arith.constant 0 : i32
      %dma_wait3A_702 = arith.constant 0 : i32
      %dma_wait3A_703 = tpu.memref_slice %arg10[%dma_wait3A_701, %dma_wait3A_702] : memref<10240x128xf32, #tpu.memory_space<vmem_shared>> -> memref<10240x128xf32, #tpu.memory_space<vmem_shared>>
      tpu.wait_indirect_dma semaphore(%arg14 : memref<!tpu.dma_semaphore, #tpu.memory_space<semaphore_mem>>) src(%arg7 : memref<96x128xf32, #tpu.memory_space<vmem>>) dst(%dma_wait3A_703 : memref<10240x128xf32, #tpu.memory_space<vmem_shared>>)
      %add3A_704 = arith.constant 2 : i32
      %add3A_705 = arith.addi %add3A_679, %add3A_704 : i32
      %lt3A_706 = arith.constant 108 : i32
      %lt3A_707 = arith.cmpi slt, %add3A_705, %lt3A_706 : i32
      %convert_element_type3A_708 = arith.extui %lt3A_707 : i1 to i32
      %cond3A_709 = arith.constant 0 : i32
      %cond3A_710 = arith.cmpi ne, %convert_element_type3A_708, %cond3A_709 : i32
      scf.if %cond3A_710 {
        %dma_wait3A_746 = arith.constant 0 : i32
        %dma_wait3A_747 = arith.constant 0 : i32
        %dma_wait3A_748 = arith.constant 0 : i32
        %dma_wait3A_749 = arith.constant 0 : i32
        %dma_wait3A_750 = arith.constant 0 : i32
        %dma_wait3A_751 = tpu.memref_slice %arg5[%dma_wait3A_748, %dma_wait3A_749, %dma_wait3A_750] : memref<2x6x96xi32, #tpu.memory_space<vmem>> -> memref<1x6x96xi32, #tpu.memory_space<vmem>>
        %dma_wait3A_752 = tpu.memref_squeeze %dma_wait3A_751 : memref<1x6x96xi32, #tpu.memory_space<vmem>> -> memref<6x96xi32, #tpu.memory_space<vmem>>
        %dma_wait3A_753 = arith.constant 0 : i32
        %dma_wait3A_754 = arith.constant 0 : i32
        %dma_wait3A_755 = tpu.memref_slice %arg3[%dma_wait3A_746, %add3A, %dma_wait3A_747, %dma_wait3A_753, %dma_wait3A_754] : memref<2x32x18x6x96xi32, #tpu.memory_space<hbm>> -> memref<1x1x1x6x96xi32, #tpu.memory_space<hbm>>
        %dma_wait3A_756 = tpu.memref_squeeze %dma_wait3A_755 : memref<1x1x1x6x96xi32, #tpu.memory_space<hbm>> -> memref<6x96xi32, #tpu.memory_space<hbm>>
        %dma_wait3A_757 = arith.constant 0 : i32
        %dma_wait3A_758 = arith.constant 0 : i32
        %dma_wait3A_759 = tpu.memref_slice %arg5[%dma_wait3A_748, %dma_wait3A_757, %dma_wait3A_758] : memref<2x6x96xi32, #tpu.memory_space<vmem>> -> memref<1x6x96xi32, #tpu.memory_space<vmem>>
        %dma_wait3A_760 = tpu.memref_squeeze %dma_wait3A_759 : memref<1x6x96xi32, #tpu.memory_space<vmem>> -> memref<6x96xi32, #tpu.memory_space<vmem>>
        %dma_wait3A_761 = arith.constant 0 : i32
        %dma_wait3A_762 = arith.constant 0 : i32
        %dma_wait3A_763 = tpu.memref_slice %arg3[%dma_wait3A_746, %add3A, %dma_wait3A_747, %dma_wait3A_761, %dma_wait3A_762] : memref<2x32x18x6x96xi32, #tpu.memory_space<hbm>> -> memref<1x1x1x6x96xi32, #tpu.memory_space<hbm>>
        %dma_wait3A_764 = tpu.memref_squeeze %dma_wait3A_763 : memref<1x1x1x6x96xi32, #tpu.memory_space<hbm>> -> memref<6x96xi32, #tpu.memory_space<hbm>>
        tpu.wait_dma2 semaphore(%arg17 : memref<!tpu.dma_semaphore, #tpu.memory_space<semaphore_mem>>) src(%dma_wait3A_764 : memref<6x96xi32, #tpu.memory_space<hbm>>) dst(%dma_wait3A_760 : memref<6x96xi32, #tpu.memory_space<vmem>>)
        %dma_wait3A_765 = arith.constant 1 : i32
        %dma_wait3A_766 = arith.constant 0 : i32
        %dma_wait3A_767 = arith.constant 0 : i32
        %dma_wait3A_768 = arith.constant 0 : i32
        %dma_wait3A_769 = arith.constant 0 : i32
        %dma_wait3A_770 = tpu.memref_slice %arg6[%dma_wait3A_767, %dma_wait3A_768, %dma_wait3A_769] : memref<2x6x96xi32, #tpu.memory_space<vmem>> -> memref<1x6x96xi32, #tpu.memory_space<vmem>>
        %dma_wait3A_771 = tpu.memref_squeeze %dma_wait3A_770 : memref<1x6x96xi32, #tpu.memory_space<vmem>> -> memref<6x96xi32, #tpu.memory_space<vmem>>
        %dma_wait3A_772 = arith.constant 0 : i32
        %dma_wait3A_773 = arith.constant 0 : i32
        %dma_wait3A_774 = tpu.memref_slice %arg3[%dma_wait3A_765, %add3A, %dma_wait3A_766, %dma_wait3A_772, %dma_wait3A_773] : memref<2x32x18x6x96xi32, #tpu.memory_space<hbm>> -> memref<1x1x1x6x96xi32, #tpu.memory_space<hbm>>
        %dma_wait3A_775 = tpu.memref_squeeze %dma_wait3A_774 : memref<1x1x1x6x96xi32, #tpu.memory_space<hbm>> -> memref<6x96xi32, #tpu.memory_space<hbm>>
        %dma_wait3A_776 = arith.constant 0 : i32
        %dma_wait3A_777 = arith.constant 0 : i32
        %dma_wait3A_778 = tpu.memref_slice %arg6[%dma_wait3A_767, %dma_wait3A_776, %dma_wait3A_777] : memref<2x6x96xi32, #tpu.memory_space<vmem>> -> memref<1x6x96xi32, #tpu.memory_space<vmem>>
        %dma_wait3A_779 = tpu.memref_squeeze %dma_wait3A_778 : memref<1x6x96xi32, #tpu.memory_space<vmem>> -> memref<6x96xi32, #tpu.memory_space<vmem>>
        %dma_wait3A_780 = arith.constant 0 : i32
        %dma_wait3A_781 = arith.constant 0 : i32
        %dma_wait3A_782 = tpu.memref_slice %arg3[%dma_wait3A_765, %add3A, %dma_wait3A_766, %dma_wait3A_780, %dma_wait3A_781] : memref<2x32x18x6x96xi32, #tpu.memory_space<hbm>> -> memref<1x1x1x6x96xi32, #tpu.memory_space<hbm>>
        %dma_wait3A_783 = tpu.memref_squeeze %dma_wait3A_782 : memref<1x1x1x6x96xi32, #tpu.memory_space<hbm>> -> memref<6x96xi32, #tpu.memory_space<hbm>>
        tpu.wait_dma2 semaphore(%arg19 : memref<!tpu.dma_semaphore, #tpu.memory_space<semaphore_mem>>) src(%dma_wait3A_783 : memref<6x96xi32, #tpu.memory_space<hbm>>) dst(%dma_wait3A_779 : memref<6x96xi32, #tpu.memory_space<vmem>>)
        %dma_start3A_784 = arith.constant 0 : i32
        %dma_start3A_785 = arith.constant 0 : i32
        %dma_start3A_786 = arith.constant 0 : i32
        %dma_start3A_787 = tpu.memref_slice %arg5[%dma_start3A_784, %dma_start3A_785, %dma_start3A_786] : memref<2x6x96xi32, #tpu.memory_space<vmem>> -> memref<1x1x96xi32, #tpu.memory_space<vmem>>
        %dma_start3A_788 = tpu.memref_squeeze %dma_start3A_787 : memref<1x1x96xi32, #tpu.memory_space<vmem>> -> memref<96xi32, #tpu.memory_space<vmem>>
        %dma_start3A_789 = arith.constant 0 : i32
        %dma_start3A_790 = arith.constant 0 : i32
        %dma_start3A_791 = tpu.memref_slice %arg2[%dma_start3A_789, %dma_start3A_790] : memref<10240x128xf32, #tpu.memory_space<hbm>> -> memref<10240x128xf32, #tpu.memory_space<hbm>>
        tpu.enqueue_indirect_dma source(%dma_start3A_791 : memref<10240x128xf32, #tpu.memory_space<hbm>>) target(%arg7 : memref<96x128xf32, #tpu.memory_space<vmem>>) offsets(%dma_start3A_788 : memref<96xi32, #tpu.memory_space<vmem>>) semaphore(%arg11 : memref<!tpu.dma_semaphore, #tpu.memory_space<semaphore_mem>>)
      } else {
      }
      %mul3A_711 = arith.constant 6 : i32
      %mul3A_712 = arith.muli %add3A_527, %mul3A_711 : i32
      %add3A_713 = arith.constant 5 : i32
      %add3A_714 = arith.addi %mul3A_712, %add3A_713 : i32
      %dma_wait3A_715 = arith.constant 1 : i32
      %dma_wait3A_716 = arith.constant 5 : i32
      %dma_wait3A_717 = arith.constant 0 : i32
      %dma_wait3A_718 = tpu.memref_slice %arg5[%dma_wait3A_715, %dma_wait3A_716, %dma_wait3A_717] : memref<2x6x96xi32, #tpu.memory_space<vmem>> -> memref<1x1x96xi32, #tpu.memory_space<vmem>>
      %dma_wait3A_719 = tpu.memref_squeeze %dma_wait3A_718 : memref<1x1x96xi32, #tpu.memory_space<vmem>> -> memref<96xi32, #tpu.memory_space<vmem>>
      %dma_wait3A_720 = arith.constant 0 : i32
      %dma_wait3A_721 = arith.constant 0 : i32
      %dma_wait3A_722 = tpu.memref_slice %arg2[%dma_wait3A_720, %dma_wait3A_721] : memref<10240x128xf32, #tpu.memory_space<hbm>> -> memref<10240x128xf32, #tpu.memory_space<hbm>>
      tpu.wait_indirect_dma semaphore(%arg13 : memref<!tpu.dma_semaphore, #tpu.memory_space<semaphore_mem>>) src(%dma_wait3A_722 : memref<10240x128xf32, #tpu.memory_space<hbm>>) dst(%arg9 : memref<96x128xf32, #tpu.memory_space<vmem>>)
      %dma_start3A_723 = arith.constant 1 : i32
      %dma_start3A_724 = arith.constant 5 : i32
      %dma_start3A_725 = arith.constant 0 : i32
      %dma_start3A_726 = tpu.memref_slice %arg6[%dma_start3A_723, %dma_start3A_724, %dma_start3A_725] : memref<2x6x96xi32, #tpu.memory_space<vmem>> -> memref<1x1x96xi32, #tpu.memory_space<vmem>>
      %dma_start3A_727 = tpu.memref_squeeze %dma_start3A_726 : memref<1x1x96xi32, #tpu.memory_space<vmem>> -> memref<96xi32, #tpu.memory_space<vmem>>
      %dma_start3A_728 = arith.constant 0 : i32
      %dma_start3A_729 = arith.constant 0 : i32
      %dma_start3A_730 = tpu.memref_slice %arg10[%dma_start3A_728, %dma_start3A_729] : memref<10240x128xf32, #tpu.memory_space<vmem_shared>> -> memref<10240x128xf32, #tpu.memory_space<vmem_shared>>
      tpu.enqueue_indirect_dma source(%arg9 : memref<96x128xf32, #tpu.memory_space<vmem>>) target(%dma_start3A_730 : memref<10240x128xf32, #tpu.memory_space<vmem_shared>>) offsets(%dma_start3A_727 : memref<96xi32, #tpu.memory_space<vmem>>) semaphore(%arg16 : memref<!tpu.dma_semaphore, #tpu.memory_space<semaphore_mem>>) {add = true}
      %dma_wait3A_731 = arith.constant 1 : i32
      %dma_wait3A_732 = arith.constant 4 : i32
      %dma_wait3A_733 = arith.constant 0 : i32
      %dma_wait3A_734 = tpu.memref_slice %arg6[%dma_wait3A_731, %dma_wait3A_732, %dma_wait3A_733] : memref<2x6x96xi32, #tpu.memory_space<vmem>> -> memref<1x1x96xi32, #tpu.memory_space<vmem>>
      %dma_wait3A_735 = tpu.memref_squeeze %dma_wait3A_734 : memref<1x1x96xi32, #tpu.memory_space<vmem>> -> memref<96xi32, #tpu.memory_space<vmem>>
      %dma_wait3A_736 = arith.constant 0 : i32
      %dma_wait3A_737 = arith.constant 0 : i32
      %dma_wait3A_738 = tpu.memref_slice %arg10[%dma_wait3A_736, %dma_wait3A_737] : memref<10240x128xf32, #tpu.memory_space<vmem_shared>> -> memref<10240x128xf32, #tpu.memory_space<vmem_shared>>
      tpu.wait_indirect_dma semaphore(%arg15 : memref<!tpu.dma_semaphore, #tpu.memory_space<semaphore_mem>>) src(%arg8 : memref<96x128xf32, #tpu.memory_space<vmem>>) dst(%dma_wait3A_738 : memref<10240x128xf32, #tpu.memory_space<vmem_shared>>)
      %add3A_739 = arith.constant 2 : i32
      %add3A_740 = arith.addi %add3A_714, %add3A_739 : i32
      %lt3A_741 = arith.constant 108 : i32
      %lt3A_742 = arith.cmpi slt, %add3A_740, %lt3A_741 : i32
      %convert_element_type3A_743 = arith.extui %lt3A_742 : i1 to i32
      %cond3A_744 = arith.constant 0 : i32
      %cond3A_745 = arith.cmpi ne, %convert_element_type3A_743, %cond3A_744 : i32
      scf.if %cond3A_745 {
        %dma_start3A_746 = arith.constant 0 : i32
        %dma_start3A_747 = arith.constant 1 : i32
        %dma_start3A_748 = arith.constant 0 : i32
        %dma_start3A_749 = tpu.memref_slice %arg5[%dma_start3A_746, %dma_start3A_747, %dma_start3A_748] : memref<2x6x96xi32, #tpu.memory_space<vmem>> -> memref<1x1x96xi32, #tpu.memory_space<vmem>>
        %dma_start3A_750 = tpu.memref_squeeze %dma_start3A_749 : memref<1x1x96xi32, #tpu.memory_space<vmem>> -> memref<96xi32, #tpu.memory_space<vmem>>
        %dma_start3A_751 = arith.constant 0 : i32
        %dma_start3A_752 = arith.constant 0 : i32
        %dma_start3A_753 = tpu.memref_slice %arg2[%dma_start3A_751, %dma_start3A_752] : memref<10240x128xf32, #tpu.memory_space<hbm>> -> memref<10240x128xf32, #tpu.memory_space<hbm>>
        tpu.enqueue_indirect_dma source(%dma_start3A_753 : memref<10240x128xf32, #tpu.memory_space<hbm>>) target(%arg8 : memref<96x128xf32, #tpu.memory_space<vmem>>) offsets(%dma_start3A_750 : memref<96xi32, #tpu.memory_space<vmem>>) semaphore(%arg12 : memref<!tpu.dma_semaphore, #tpu.memory_space<semaphore_mem>>)
      } else {
      }
    }
    %scan3A_295 = arith.constant 9 : i32
    %dma_wait3A_296 = arith.constant 1 : i32
    %dma_wait3A_297 = arith.constant 5 : i32
    %dma_wait3A_298 = arith.constant 0 : i32
    %dma_wait3A_299 = tpu.memref_slice %arg6[%dma_wait3A_296, %dma_wait3A_297, %dma_wait3A_298] : memref<2x6x96xi32, #tpu.memory_space<vmem>> -> memref<1x1x96xi32, #tpu.memory_space<vmem>>
    %dma_wait3A_300 = tpu.memref_squeeze %dma_wait3A_299 : memref<1x1x96xi32, #tpu.memory_space<vmem>> -> memref<96xi32, #tpu.memory_space<vmem>>
    %dma_wait3A_301 = arith.constant 0 : i32
    %dma_wait3A_302 = arith.constant 0 : i32
    %dma_wait3A_303 = tpu.memref_slice %arg10[%dma_wait3A_301, %dma_wait3A_302] : memref<10240x128xf32, #tpu.memory_space<vmem_shared>> -> memref<10240x128xf32, #tpu.memory_space<vmem_shared>>
    tpu.wait_indirect_dma semaphore(%arg16 : memref<!tpu.dma_semaphore, #tpu.memory_space<semaphore_mem>>) src(%arg9 : memref<96x128xf32, #tpu.memory_space<vmem>>) dst(%dma_wait3A_303 : memref<10240x128xf32, #tpu.memory_space<vmem_shared>>)
    %barrier3A_304 = arith.constant 0 : index
    tpu.barrier barrier_id(%barrier3A_304)
    "tpu.region"() ({
      %run_scoped3A = tpu.sem_alloc : memref<!tpu.dma_semaphore, #tpu.memory_space<semaphore_mem>>
      %dma_start3A_305 = arith.constant 0 : i32
      %dma_start3A_306 = tpu.memref_slice %arg4[%arg0, %multiple_of3A, %dma_start3A_305] : memref<2x10240x128xf32, #tpu.memory_space<hbm>> -> memref<1x640x128xf32, #tpu.memory_space<hbm>>
      %dma_start3A_307 = tpu.memref_squeeze %dma_start3A_306 : memref<1x640x128xf32, #tpu.memory_space<hbm>> -> memref<640x128xf32, #tpu.memory_space<hbm>>
      %dma_start3A_308 = arith.constant 0 : i32
      %dma_start3A_309 = tpu.memref_slice %arg10[%multiple_of3A, %dma_start3A_308] : memref<10240x128xf32, #tpu.memory_space<vmem_shared>> -> memref<640x128xf32, #tpu.memory_space<vmem_shared>>
      tpu.enqueue_dma source(%dma_start3A_309 : memref<640x128xf32, #tpu.memory_space<vmem_shared>>) target(%dma_start3A_307 : memref<640x128xf32, #tpu.memory_space<hbm>>) target_semaphore(%run_scoped3A : memref<!tpu.dma_semaphore, #tpu.memory_space<semaphore_mem>>)
      %dma_wait3A_310 = arith.constant 0 : i32
      %dma_wait3A_311 = tpu.memref_slice %arg4[%arg0, %multiple_of3A, %dma_wait3A_310] : memref<2x10240x128xf32, #tpu.memory_space<hbm>> -> memref<1x640x128xf32, #tpu.memory_space<hbm>>
      %dma_wait3A_312 = tpu.memref_squeeze %dma_wait3A_311 : memref<1x640x128xf32, #tpu.memory_space<hbm>> -> memref<640x128xf32, #tpu.memory_space<hbm>>
      %dma_wait3A_313 = arith.constant 0 : i32
      %dma_wait3A_314 = tpu.memref_slice %arg10[%multiple_of3A, %dma_wait3A_313] : memref<10240x128xf32, #tpu.memory_space<vmem_shared>> -> memref<640x128xf32, #tpu.memory_space<vmem_shared>>
      tpu.wait_dma2 semaphore(%run_scoped3A : memref<!tpu.dma_semaphore, #tpu.memory_space<semaphore_mem>>) src(%dma_wait3A_314 : memref<640x128xf32, #tpu.memory_space<vmem_shared>>) dst(%dma_wait3A_312 : memref<640x128xf32, #tpu.memory_space<hbm>>)
      tpu.yield
    }) : () -> ()
    return
  }
}

#map = affine_map<(d0, d1) -> (0, 0, 0, 0, 0)>
#map1 = affine_map<(d0, d1) -> (0, 0, 0, 0)>
module attributes {stable_mosaic.version = 14 : i64} {
  func.func @_deg_kernel(%arg0: i32, %arg1: i32, %arg2: memref<2x32x18x6x96xi32, #tpu.memory_space<hbm>>, %arg3: memref<2x16x2x640xf32, #tpu.memory_space<hbm>>, %arg4: memref<2x6x96xi32, #tpu.memory_space<vmem>>, %arg5: memref<2x6x96xi32, #tpu.memory_space<vmem>>, %arg6: memref<96xf32, #tpu.memory_space<vmem>>, %arg7: memref<640xf32, #tpu.memory_space<vmem>>, %arg8: memref<10240xf32, #tpu.memory_space<vmem_shared>>, %arg9: memref<10240xf32, #tpu.memory_space<vmem_shared>>, %arg10: memref<!tpu.dma_semaphore, #tpu.memory_space<semaphore_mem>>, %arg11: memref<!tpu.dma_semaphore, #tpu.memory_space<semaphore_mem>>, %arg12: memref<!tpu.dma_semaphore, #tpu.memory_space<semaphore_mem>>, %arg13: memref<!tpu.dma_semaphore, #tpu.memory_space<semaphore_mem>>, %arg14: memref<!tpu.dma_semaphore, #tpu.memory_space<semaphore_mem>>) attributes {dimension_semantics = [#tpu.dimension_semantics<core_parallel>, #tpu.dimension_semantics<subcore_parallel>], iteration_bounds = array<i64: 2, 16>, scalar_prefetch = 0 : i64, scratch_operands = 11 : i64, tpu.core_type = #tpu.core_type<sc_vector_subcore>, window_params = [{transform_indices = #map}, {transform_indices = #map1}]} {
    %mul3A = arith.constant 16 : i32
    %mul3A_0 = arith.muli %arg0, %mul3A : i32
    %add3A = arith.addi %mul3A_0, %arg1 : i32
    %mul3A_1 = arith.constant 640 : i32
    %mul3A_2 = arith.muli %arg1, %mul3A_1 : i32
    %multiple_of3A = tpu.assume_multiple %mul3A_2, 8 : i32
    %broadcast_in_dim3A = arith.constant 0.000000e+00 : f32
    %broadcast_in_dim3A_3 = vector.broadcast %broadcast_in_dim3A : f32 to vector<16xf32>
    %swap3A = arith.constant 0 : index
    %swap3A_4 = tpu.vector_load %arg7[%swap3A] {strides = array<i32>} : memref<640xf32, #tpu.memory_space<vmem>>, vector<16xf32>,
    %swap3A_5 = vector.shape_cast %swap3A_4 : vector<16xf32> to vector<16xf32>
    %swap3A_6 = vector.shape_cast %broadcast_in_dim3A_3 : vector<16xf32> to vector<16xf32>
    tpu.vector_store %arg7[%swap3A], %swap3A_6 {strides = array<i32>} : memref<640xf32, #tpu.memory_space<vmem>>, vector<16xf32>,
    %broadcast_in_dim3A_7 = arith.constant 0.000000e+00 : f32
    %broadcast_in_dim3A_8 = vector.broadcast %broadcast_in_dim3A_7 : f32 to vector<16xf32>
    %swap3A_9 = arith.constant 16 : index
    %swap3A_10 = tpu.vector_load %arg7[%swap3A_9] {strides = array<i32>} : memref<640xf32, #tpu.memory_space<vmem>>, vector<16xf32>,
    %swap3A_11 = vector.shape_cast %swap3A_10 : vector<16xf32> to vector<16xf32>
    %swap3A_12 = vector.shape_cast %broadcast_in_dim3A_8 : vector<16xf32> to vector<16xf32>
    tpu.vector_store %arg7[%swap3A_9], %swap3A_12 {strides = array<i32>} : memref<640xf32, #tpu.memory_space<vmem>>, vector<16xf32>,
    %broadcast_in_dim3A_13 = arith.constant 0.000000e+00 : f32
    %broadcast_in_dim3A_14 = vector.broadcast %broadcast_in_dim3A_13 : f32 to vector<16xf32>
    %swap3A_15 = arith.constant 32 : index
    %swap3A_16 = tpu.vector_load %arg7[%swap3A_15] {strides = array<i32>} : memref<640xf32, #tpu.memory_space<vmem>>, vector<16xf32>,
    %swap3A_17 = vector.shape_cast %swap3A_16 : vector<16xf32> to vector<16xf32>
    %swap3A_18 = vector.shape_cast %broadcast_in_dim3A_14 : vector<16xf32> to vector<16xf32>
    tpu.vector_store %arg7[%swap3A_15], %swap3A_18 {strides = array<i32>} : memref<640xf32, #tpu.memory_space<vmem>>, vector<16xf32>,
    %broadcast_in_dim3A_19 = arith.constant 0.000000e+00 : f32
    %broadcast_in_dim3A_20 = vector.broadcast %broadcast_in_dim3A_19 : f32 to vector<16xf32>
    %swap3A_21 = arith.constant 48 : index
    %swap3A_22 = tpu.vector_load %arg7[%swap3A_21] {strides = array<i32>} : memref<640xf32, #tpu.memory_space<vmem>>, vector<16xf32>,
    %swap3A_23 = vector.shape_cast %swap3A_22 : vector<16xf32> to vector<16xf32>
    %swap3A_24 = vector.shape_cast %broadcast_in_dim3A_20 : vector<16xf32> to vector<16xf32>
    tpu.vector_store %arg7[%swap3A_21], %swap3A_24 {strides = array<i32>} : memref<640xf32, #tpu.memory_space<vmem>>, vector<16xf32>,
    %broadcast_in_dim3A_25 = arith.constant 0.000000e+00 : f32
    %broadcast_in_dim3A_26 = vector.broadcast %broadcast_in_dim3A_25 : f32 to vector<16xf32>
    %swap3A_27 = arith.constant 64 : index
    %swap3A_28 = tpu.vector_load %arg7[%swap3A_27] {strides = array<i32>} : memref<640xf32, #tpu.memory_space<vmem>>, vector<16xf32>,
    %swap3A_29 = vector.shape_cast %swap3A_28 : vector<16xf32> to vector<16xf32>
    %swap3A_30 = vector.shape_cast %broadcast_in_dim3A_26 : vector<16xf32> to vector<16xf32>
    tpu.vector_store %arg7[%swap3A_27], %swap3A_30 {strides = array<i32>} : memref<640xf32, #tpu.memory_space<vmem>>, vector<16xf32>,
    %broadcast_in_dim3A_31 = arith.constant 0.000000e+00 : f32
    %broadcast_in_dim3A_32 = vector.broadcast %broadcast_in_dim3A_31 : f32 to vector<16xf32>
    %swap3A_33 = arith.constant 80 : index
    %swap3A_34 = tpu.vector_load %arg7[%swap3A_33] {strides = array<i32>} : memref<640xf32, #tpu.memory_space<vmem>>, vector<16xf32>,
    %swap3A_35 = vector.shape_cast %swap3A_34 : vector<16xf32> to vector<16xf32>
    %swap3A_36 = vector.shape_cast %broadcast_in_dim3A_32 : vector<16xf32> to vector<16xf32>
    tpu.vector_store %arg7[%swap3A_33], %swap3A_36 {strides = array<i32>} : memref<640xf32, #tpu.memory_space<vmem>>, vector<16xf32>,
    %broadcast_in_dim3A_37 = arith.constant 0.000000e+00 : f32
    %broadcast_in_dim3A_38 = vector.broadcast %broadcast_in_dim3A_37 : f32 to vector<16xf32>
    %swap3A_39 = arith.constant 96 : index
    %swap3A_40 = tpu.vector_load %arg7[%swap3A_39] {strides = array<i32>} : memref<640xf32, #tpu.memory_space<vmem>>, vector<16xf32>,
    %swap3A_41 = vector.shape_cast %swap3A_40 : vector<16xf32> to vector<16xf32>
    %swap3A_42 = vector.shape_cast %broadcast_in_dim3A_38 : vector<16xf32> to vector<16xf32>
    tpu.vector_store %arg7[%swap3A_39], %swap3A_42 {strides = array<i32>} : memref<640xf32, #tpu.memory_space<vmem>>, vector<16xf32>,
    %broadcast_in_dim3A_43 = arith.constant 0.000000e+00 : f32
    %broadcast_in_dim3A_44 = vector.broadcast %broadcast_in_dim3A_43 : f32 to vector<16xf32>
    %swap3A_45 = arith.constant 112 : index
    %swap3A_46 = tpu.vector_load %arg7[%swap3A_45] {strides = array<i32>} : memref<640xf32, #tpu.memory_space<vmem>>, vector<16xf32>,
    %swap3A_47 = vector.shape_cast %swap3A_46 : vector<16xf32> to vector<16xf32>
    %swap3A_48 = vector.shape_cast %broadcast_in_dim3A_44 : vector<16xf32> to vector<16xf32>
    tpu.vector_store %arg7[%swap3A_45], %swap3A_48 {strides = array<i32>} : memref<640xf32, #tpu.memory_space<vmem>>, vector<16xf32>,
    %broadcast_in_dim3A_49 = arith.constant 0.000000e+00 : f32
    %broadcast_in_dim3A_50 = vector.broadcast %broadcast_in_dim3A_49 : f32 to vector<16xf32>
    %swap3A_51 = arith.constant 128 : index
    %swap3A_52 = tpu.vector_load %arg7[%swap3A_51] {strides = array<i32>} : memref<640xf32, #tpu.memory_space<vmem>>, vector<16xf32>,
    %swap3A_53 = vector.shape_cast %swap3A_52 : vector<16xf32> to vector<16xf32>
    %swap3A_54 = vector.shape_cast %broadcast_in_dim3A_50 : vector<16xf32> to vector<16xf32>
    tpu.vector_store %arg7[%swap3A_51], %swap3A_54 {strides = array<i32>} : memref<640xf32, #tpu.memory_space<vmem>>, vector<16xf32>,
    %broadcast_in_dim3A_55 = arith.constant 0.000000e+00 : f32
    %broadcast_in_dim3A_56 = vector.broadcast %broadcast_in_dim3A_55 : f32 to vector<16xf32>
    %swap3A_57 = arith.constant 144 : index
    %swap3A_58 = tpu.vector_load %arg7[%swap3A_57] {strides = array<i32>} : memref<640xf32, #tpu.memory_space<vmem>>, vector<16xf32>,
    %swap3A_59 = vector.shape_cast %swap3A_58 : vector<16xf32> to vector<16xf32>
    %swap3A_60 = vector.shape_cast %broadcast_in_dim3A_56 : vector<16xf32> to vector<16xf32>
    tpu.vector_store %arg7[%swap3A_57], %swap3A_60 {strides = array<i32>} : memref<640xf32, #tpu.memory_space<vmem>>, vector<16xf32>,
    %broadcast_in_dim3A_61 = arith.constant 0.000000e+00 : f32
    %broadcast_in_dim3A_62 = vector.broadcast %broadcast_in_dim3A_61 : f32 to vector<16xf32>
    %swap3A_63 = arith.constant 160 : index
    %swap3A_64 = tpu.vector_load %arg7[%swap3A_63] {strides = array<i32>} : memref<640xf32, #tpu.memory_space<vmem>>, vector<16xf32>,
    %swap3A_65 = vector.shape_cast %swap3A_64 : vector<16xf32> to vector<16xf32>
    %swap3A_66 = vector.shape_cast %broadcast_in_dim3A_62 : vector<16xf32> to vector<16xf32>
    tpu.vector_store %arg7[%swap3A_63], %swap3A_66 {strides = array<i32>} : memref<640xf32, #tpu.memory_space<vmem>>, vector<16xf32>,
    %broadcast_in_dim3A_67 = arith.constant 0.000000e+00 : f32
    %broadcast_in_dim3A_68 = vector.broadcast %broadcast_in_dim3A_67 : f32 to vector<16xf32>
    %swap3A_69 = arith.constant 176 : index
    %swap3A_70 = tpu.vector_load %arg7[%swap3A_69] {strides = array<i32>} : memref<640xf32, #tpu.memory_space<vmem>>, vector<16xf32>,
    %swap3A_71 = vector.shape_cast %swap3A_70 : vector<16xf32> to vector<16xf32>
    %swap3A_72 = vector.shape_cast %broadcast_in_dim3A_68 : vector<16xf32> to vector<16xf32>
    tpu.vector_store %arg7[%swap3A_69], %swap3A_72 {strides = array<i32>} : memref<640xf32, #tpu.memory_space<vmem>>, vector<16xf32>,
    %broadcast_in_dim3A_73 = arith.constant 0.000000e+00 : f32
    %broadcast_in_dim3A_74 = vector.broadcast %broadcast_in_dim3A_73 : f32 to vector<16xf32>
    %swap3A_75 = arith.constant 192 : index
    %swap3A_76 = tpu.vector_load %arg7[%swap3A_75] {strides = array<i32>} : memref<640xf32, #tpu.memory_space<vmem>>, vector<16xf32>,
    %swap3A_77 = vector.shape_cast %swap3A_76 : vector<16xf32> to vector<16xf32>
    %swap3A_78 = vector.shape_cast %broadcast_in_dim3A_74 : vector<16xf32> to vector<16xf32>
    tpu.vector_store %arg7[%swap3A_75], %swap3A_78 {strides = array<i32>} : memref<640xf32, #tpu.memory_space<vmem>>, vector<16xf32>,
    %broadcast_in_dim3A_79 = arith.constant 0.000000e+00 : f32
    %broadcast_in_dim3A_80 = vector.broadcast %broadcast_in_dim3A_79 : f32 to vector<16xf32>
    %swap3A_81 = arith.constant 208 : index
    %swap3A_82 = tpu.vector_load %arg7[%swap3A_81] {strides = array<i32>} : memref<640xf32, #tpu.memory_space<vmem>>, vector<16xf32>,
    %swap3A_83 = vector.shape_cast %swap3A_82 : vector<16xf32> to vector<16xf32>
    %swap3A_84 = vector.shape_cast %broadcast_in_dim3A_80 : vector<16xf32> to vector<16xf32>
    tpu.vector_store %arg7[%swap3A_81], %swap3A_84 {strides = array<i32>} : memref<640xf32, #tpu.memory_space<vmem>>, vector<16xf32>,
    %broadcast_in_dim3A_85 = arith.constant 0.000000e+00 : f32
    %broadcast_in_dim3A_86 = vector.broadcast %broadcast_in_dim3A_85 : f32 to vector<16xf32>
    %swap3A_87 = arith.constant 224 : index
    %swap3A_88 = tpu.vector_load %arg7[%swap3A_87] {strides = array<i32>} : memref<640xf32, #tpu.memory_space<vmem>>, vector<16xf32>,
    %swap3A_89 = vector.shape_cast %swap3A_88 : vector<16xf32> to vector<16xf32>
    %swap3A_90 = vector.shape_cast %broadcast_in_dim3A_86 : vector<16xf32> to vector<16xf32>
    tpu.vector_store %arg7[%swap3A_87], %swap3A_90 {strides = array<i32>} : memref<640xf32, #tpu.memory_space<vmem>>, vector<16xf32>,
    %broadcast_in_dim3A_91 = arith.constant 0.000000e+00 : f32
    %broadcast_in_dim3A_92 = vector.broadcast %broadcast_in_dim3A_91 : f32 to vector<16xf32>
    %swap3A_93 = arith.constant 240 : index
    %swap3A_94 = tpu.vector_load %arg7[%swap3A_93] {strides = array<i32>} : memref<640xf32, #tpu.memory_space<vmem>>, vector<16xf32>,
    %swap3A_95 = vector.shape_cast %swap3A_94 : vector<16xf32> to vector<16xf32>
    %swap3A_96 = vector.shape_cast %broadcast_in_dim3A_92 : vector<16xf32> to vector<16xf32>
    tpu.vector_store %arg7[%swap3A_93], %swap3A_96 {strides = array<i32>} : memref<640xf32, #tpu.memory_space<vmem>>, vector<16xf32>,
    %broadcast_in_dim3A_97 = arith.constant 0.000000e+00 : f32
    %broadcast_in_dim3A_98 = vector.broadcast %broadcast_in_dim3A_97 : f32 to vector<16xf32>
    %swap3A_99 = arith.constant 256 : index
    %swap3A_100 = tpu.vector_load %arg7[%swap3A_99] {strides = array<i32>} : memref<640xf32, #tpu.memory_space<vmem>>, vector<16xf32>,
    %swap3A_101 = vector.shape_cast %swap3A_100 : vector<16xf32> to vector<16xf32>
    %swap3A_102 = vector.shape_cast %broadcast_in_dim3A_98 : vector<16xf32> to vector<16xf32>
    tpu.vector_store %arg7[%swap3A_99], %swap3A_102 {strides = array<i32>} : memref<640xf32, #tpu.memory_space<vmem>>, vector<16xf32>,
    %broadcast_in_dim3A_103 = arith.constant 0.000000e+00 : f32
    %broadcast_in_dim3A_104 = vector.broadcast %broadcast_in_dim3A_103 : f32 to vector<16xf32>
    %swap3A_105 = arith.constant 272 : index
    %swap3A_106 = tpu.vector_load %arg7[%swap3A_105] {strides = array<i32>} : memref<640xf32, #tpu.memory_space<vmem>>, vector<16xf32>,
    %swap3A_107 = vector.shape_cast %swap3A_106 : vector<16xf32> to vector<16xf32>
    %swap3A_108 = vector.shape_cast %broadcast_in_dim3A_104 : vector<16xf32> to vector<16xf32>
    tpu.vector_store %arg7[%swap3A_105], %swap3A_108 {strides = array<i32>} : memref<640xf32, #tpu.memory_space<vmem>>, vector<16xf32>,
    %broadcast_in_dim3A_109 = arith.constant 0.000000e+00 : f32
    %broadcast_in_dim3A_110 = vector.broadcast %broadcast_in_dim3A_109 : f32 to vector<16xf32>
    %swap3A_111 = arith.constant 288 : index
    %swap3A_112 = tpu.vector_load %arg7[%swap3A_111] {strides = array<i32>} : memref<640xf32, #tpu.memory_space<vmem>>, vector<16xf32>,
    %swap3A_113 = vector.shape_cast %swap3A_112 : vector<16xf32> to vector<16xf32>
    %swap3A_114 = vector.shape_cast %broadcast_in_dim3A_110 : vector<16xf32> to vector<16xf32>
    tpu.vector_store %arg7[%swap3A_111], %swap3A_114 {strides = array<i32>} : memref<640xf32, #tpu.memory_space<vmem>>, vector<16xf32>,
    %broadcast_in_dim3A_115 = arith.constant 0.000000e+00 : f32
    %broadcast_in_dim3A_116 = vector.broadcast %broadcast_in_dim3A_115 : f32 to vector<16xf32>
    %swap3A_117 = arith.constant 304 : index
    %swap3A_118 = tpu.vector_load %arg7[%swap3A_117] {strides = array<i32>} : memref<640xf32, #tpu.memory_space<vmem>>, vector<16xf32>,
    %swap3A_119 = vector.shape_cast %swap3A_118 : vector<16xf32> to vector<16xf32>
    %swap3A_120 = vector.shape_cast %broadcast_in_dim3A_116 : vector<16xf32> to vector<16xf32>
    tpu.vector_store %arg7[%swap3A_117], %swap3A_120 {strides = array<i32>} : memref<640xf32, #tpu.memory_space<vmem>>, vector<16xf32>,
    %broadcast_in_dim3A_121 = arith.constant 0.000000e+00 : f32
    %broadcast_in_dim3A_122 = vector.broadcast %broadcast_in_dim3A_121 : f32 to vector<16xf32>
    %swap3A_123 = arith.constant 320 : index
    %swap3A_124 = tpu.vector_load %arg7[%swap3A_123] {strides = array<i32>} : memref<640xf32, #tpu.memory_space<vmem>>, vector<16xf32>,
    %swap3A_125 = vector.shape_cast %swap3A_124 : vector<16xf32> to vector<16xf32>
    %swap3A_126 = vector.shape_cast %broadcast_in_dim3A_122 : vector<16xf32> to vector<16xf32>
    tpu.vector_store %arg7[%swap3A_123], %swap3A_126 {strides = array<i32>} : memref<640xf32, #tpu.memory_space<vmem>>, vector<16xf32>,
    %broadcast_in_dim3A_127 = arith.constant 0.000000e+00 : f32
    %broadcast_in_dim3A_128 = vector.broadcast %broadcast_in_dim3A_127 : f32 to vector<16xf32>
    %swap3A_129 = arith.constant 336 : index
    %swap3A_130 = tpu.vector_load %arg7[%swap3A_129] {strides = array<i32>} : memref<640xf32, #tpu.memory_space<vmem>>, vector<16xf32>,
    %swap3A_131 = vector.shape_cast %swap3A_130 : vector<16xf32> to vector<16xf32>
    %swap3A_132 = vector.shape_cast %broadcast_in_dim3A_128 : vector<16xf32> to vector<16xf32>
    tpu.vector_store %arg7[%swap3A_129], %swap3A_132 {strides = array<i32>} : memref<640xf32, #tpu.memory_space<vmem>>, vector<16xf32>,
    %broadcast_in_dim3A_133 = arith.constant 0.000000e+00 : f32
    %broadcast_in_dim3A_134 = vector.broadcast %broadcast_in_dim3A_133 : f32 to vector<16xf32>
    %swap3A_135 = arith.constant 352 : index
    %swap3A_136 = tpu.vector_load %arg7[%swap3A_135] {strides = array<i32>} : memref<640xf32, #tpu.memory_space<vmem>>, vector<16xf32>,
    %swap3A_137 = vector.shape_cast %swap3A_136 : vector<16xf32> to vector<16xf32>
    %swap3A_138 = vector.shape_cast %broadcast_in_dim3A_134 : vector<16xf32> to vector<16xf32>
    tpu.vector_store %arg7[%swap3A_135], %swap3A_138 {strides = array<i32>} : memref<640xf32, #tpu.memory_space<vmem>>, vector<16xf32>,
    %broadcast_in_dim3A_139 = arith.constant 0.000000e+00 : f32
    %broadcast_in_dim3A_140 = vector.broadcast %broadcast_in_dim3A_139 : f32 to vector<16xf32>
    %swap3A_141 = arith.constant 368 : index
    %swap3A_142 = tpu.vector_load %arg7[%swap3A_141] {strides = array<i32>} : memref<640xf32, #tpu.memory_space<vmem>>, vector<16xf32>,
    %swap3A_143 = vector.shape_cast %swap3A_142 : vector<16xf32> to vector<16xf32>
    %swap3A_144 = vector.shape_cast %broadcast_in_dim3A_140 : vector<16xf32> to vector<16xf32>
    tpu.vector_store %arg7[%swap3A_141], %swap3A_144 {strides = array<i32>} : memref<640xf32, #tpu.memory_space<vmem>>, vector<16xf32>,
    %broadcast_in_dim3A_145 = arith.constant 0.000000e+00 : f32
    %broadcast_in_dim3A_146 = vector.broadcast %broadcast_in_dim3A_145 : f32 to vector<16xf32>
    %swap3A_147 = arith.constant 384 : index
    %swap3A_148 = tpu.vector_load %arg7[%swap3A_147] {strides = array<i32>} : memref<640xf32, #tpu.memory_space<vmem>>, vector<16xf32>,
    %swap3A_149 = vector.shape_cast %swap3A_148 : vector<16xf32> to vector<16xf32>
    %swap3A_150 = vector.shape_cast %broadcast_in_dim3A_146 : vector<16xf32> to vector<16xf32>
    tpu.vector_store %arg7[%swap3A_147], %swap3A_150 {strides = array<i32>} : memref<640xf32, #tpu.memory_space<vmem>>, vector<16xf32>,
    %broadcast_in_dim3A_151 = arith.constant 0.000000e+00 : f32
    %broadcast_in_dim3A_152 = vector.broadcast %broadcast_in_dim3A_151 : f32 to vector<16xf32>
    %swap3A_153 = arith.constant 400 : index
    %swap3A_154 = tpu.vector_load %arg7[%swap3A_153] {strides = array<i32>} : memref<640xf32, #tpu.memory_space<vmem>>, vector<16xf32>,
    %swap3A_155 = vector.shape_cast %swap3A_154 : vector<16xf32> to vector<16xf32>
    %swap3A_156 = vector.shape_cast %broadcast_in_dim3A_152 : vector<16xf32> to vector<16xf32>
    tpu.vector_store %arg7[%swap3A_153], %swap3A_156 {strides = array<i32>} : memref<640xf32, #tpu.memory_space<vmem>>, vector<16xf32>,
    %broadcast_in_dim3A_157 = arith.constant 0.000000e+00 : f32
    %broadcast_in_dim3A_158 = vector.broadcast %broadcast_in_dim3A_157 : f32 to vector<16xf32>
    %swap3A_159 = arith.constant 416 : index
    %swap3A_160 = tpu.vector_load %arg7[%swap3A_159] {strides = array<i32>} : memref<640xf32, #tpu.memory_space<vmem>>, vector<16xf32>,
    %swap3A_161 = vector.shape_cast %swap3A_160 : vector<16xf32> to vector<16xf32>
    %swap3A_162 = vector.shape_cast %broadcast_in_dim3A_158 : vector<16xf32> to vector<16xf32>
    tpu.vector_store %arg7[%swap3A_159], %swap3A_162 {strides = array<i32>} : memref<640xf32, #tpu.memory_space<vmem>>, vector<16xf32>,
    %broadcast_in_dim3A_163 = arith.constant 0.000000e+00 : f32
    %broadcast_in_dim3A_164 = vector.broadcast %broadcast_in_dim3A_163 : f32 to vector<16xf32>
    %swap3A_165 = arith.constant 432 : index
    %swap3A_166 = tpu.vector_load %arg7[%swap3A_165] {strides = array<i32>} : memref<640xf32, #tpu.memory_space<vmem>>, vector<16xf32>,
    %swap3A_167 = vector.shape_cast %swap3A_166 : vector<16xf32> to vector<16xf32>
    %swap3A_168 = vector.shape_cast %broadcast_in_dim3A_164 : vector<16xf32> to vector<16xf32>
    tpu.vector_store %arg7[%swap3A_165], %swap3A_168 {strides = array<i32>} : memref<640xf32, #tpu.memory_space<vmem>>, vector<16xf32>,
    %broadcast_in_dim3A_169 = arith.constant 0.000000e+00 : f32
    %broadcast_in_dim3A_170 = vector.broadcast %broadcast_in_dim3A_169 : f32 to vector<16xf32>
    %swap3A_171 = arith.constant 448 : index
    %swap3A_172 = tpu.vector_load %arg7[%swap3A_171] {strides = array<i32>} : memref<640xf32, #tpu.memory_space<vmem>>, vector<16xf32>,
    %swap3A_173 = vector.shape_cast %swap3A_172 : vector<16xf32> to vector<16xf32>
    %swap3A_174 = vector.shape_cast %broadcast_in_dim3A_170 : vector<16xf32> to vector<16xf32>
    tpu.vector_store %arg7[%swap3A_171], %swap3A_174 {strides = array<i32>} : memref<640xf32, #tpu.memory_space<vmem>>, vector<16xf32>,
    %broadcast_in_dim3A_175 = arith.constant 0.000000e+00 : f32
    %broadcast_in_dim3A_176 = vector.broadcast %broadcast_in_dim3A_175 : f32 to vector<16xf32>
    %swap3A_177 = arith.constant 464 : index
    %swap3A_178 = tpu.vector_load %arg7[%swap3A_177] {strides = array<i32>} : memref<640xf32, #tpu.memory_space<vmem>>, vector<16xf32>,
    %swap3A_179 = vector.shape_cast %swap3A_178 : vector<16xf32> to vector<16xf32>
    %swap3A_180 = vector.shape_cast %broadcast_in_dim3A_176 : vector<16xf32> to vector<16xf32>
    tpu.vector_store %arg7[%swap3A_177], %swap3A_180 {strides = array<i32>} : memref<640xf32, #tpu.memory_space<vmem>>, vector<16xf32>,
    %broadcast_in_dim3A_181 = arith.constant 0.000000e+00 : f32
    %broadcast_in_dim3A_182 = vector.broadcast %broadcast_in_dim3A_181 : f32 to vector<16xf32>
    %swap3A_183 = arith.constant 480 : index
    %swap3A_184 = tpu.vector_load %arg7[%swap3A_183] {strides = array<i32>} : memref<640xf32, #tpu.memory_space<vmem>>, vector<16xf32>,
    %swap3A_185 = vector.shape_cast %swap3A_184 : vector<16xf32> to vector<16xf32>
    %swap3A_186 = vector.shape_cast %broadcast_in_dim3A_182 : vector<16xf32> to vector<16xf32>
    tpu.vector_store %arg7[%swap3A_183], %swap3A_186 {strides = array<i32>} : memref<640xf32, #tpu.memory_space<vmem>>, vector<16xf32>,
    %broadcast_in_dim3A_187 = arith.constant 0.000000e+00 : f32
    %broadcast_in_dim3A_188 = vector.broadcast %broadcast_in_dim3A_187 : f32 to vector<16xf32>
    %swap3A_189 = arith.constant 496 : index
    %swap3A_190 = tpu.vector_load %arg7[%swap3A_189] {strides = array<i32>} : memref<640xf32, #tpu.memory_space<vmem>>, vector<16xf32>,
    %swap3A_191 = vector.shape_cast %swap3A_190 : vector<16xf32> to vector<16xf32>
    %swap3A_192 = vector.shape_cast %broadcast_in_dim3A_188 : vector<16xf32> to vector<16xf32>
    tpu.vector_store %arg7[%swap3A_189], %swap3A_192 {strides = array<i32>} : memref<640xf32, #tpu.memory_space<vmem>>, vector<16xf32>,
    %broadcast_in_dim3A_193 = arith.constant 0.000000e+00 : f32
    %broadcast_in_dim3A_194 = vector.broadcast %broadcast_in_dim3A_193 : f32 to vector<16xf32>
    %swap3A_195 = arith.constant 512 : index
    %swap3A_196 = tpu.vector_load %arg7[%swap3A_195] {strides = array<i32>} : memref<640xf32, #tpu.memory_space<vmem>>, vector<16xf32>,
    %swap3A_197 = vector.shape_cast %swap3A_196 : vector<16xf32> to vector<16xf32>
    %swap3A_198 = vector.shape_cast %broadcast_in_dim3A_194 : vector<16xf32> to vector<16xf32>
    tpu.vector_store %arg7[%swap3A_195], %swap3A_198 {strides = array<i32>} : memref<640xf32, #tpu.memory_space<vmem>>, vector<16xf32>,
    %broadcast_in_dim3A_199 = arith.constant 0.000000e+00 : f32
    %broadcast_in_dim3A_200 = vector.broadcast %broadcast_in_dim3A_199 : f32 to vector<16xf32>
    %swap3A_201 = arith.constant 528 : index
    %swap3A_202 = tpu.vector_load %arg7[%swap3A_201] {strides = array<i32>} : memref<640xf32, #tpu.memory_space<vmem>>, vector<16xf32>,
    %swap3A_203 = vector.shape_cast %swap3A_202 : vector<16xf32> to vector<16xf32>
    %swap3A_204 = vector.shape_cast %broadcast_in_dim3A_200 : vector<16xf32> to vector<16xf32>
    tpu.vector_store %arg7[%swap3A_201], %swap3A_204 {strides = array<i32>} : memref<640xf32, #tpu.memory_space<vmem>>, vector<16xf32>,
    %broadcast_in_dim3A_205 = arith.constant 0.000000e+00 : f32
    %broadcast_in_dim3A_206 = vector.broadcast %broadcast_in_dim3A_205 : f32 to vector<16xf32>
    %swap3A_207 = arith.constant 544 : index
    %swap3A_208 = tpu.vector_load %arg7[%swap3A_207] {strides = array<i32>} : memref<640xf32, #tpu.memory_space<vmem>>, vector<16xf32>,
    %swap3A_209 = vector.shape_cast %swap3A_208 : vector<16xf32> to vector<16xf32>
    %swap3A_210 = vector.shape_cast %broadcast_in_dim3A_206 : vector<16xf32> to vector<16xf32>
    tpu.vector_store %arg7[%swap3A_207], %swap3A_210 {strides = array<i32>} : memref<640xf32, #tpu.memory_space<vmem>>, vector<16xf32>,
    %broadcast_in_dim3A_211 = arith.constant 0.000000e+00 : f32
    %broadcast_in_dim3A_212 = vector.broadcast %broadcast_in_dim3A_211 : f32 to vector<16xf32>
    %swap3A_213 = arith.constant 560 : index
    %swap3A_214 = tpu.vector_load %arg7[%swap3A_213] {strides = array<i32>} : memref<640xf32, #tpu.memory_space<vmem>>, vector<16xf32>,
    %swap3A_215 = vector.shape_cast %swap3A_214 : vector<16xf32> to vector<16xf32>
    %swap3A_216 = vector.shape_cast %broadcast_in_dim3A_212 : vector<16xf32> to vector<16xf32>
    tpu.vector_store %arg7[%swap3A_213], %swap3A_216 {strides = array<i32>} : memref<640xf32, #tpu.memory_space<vmem>>, vector<16xf32>,
    %broadcast_in_dim3A_217 = arith.constant 0.000000e+00 : f32
    %broadcast_in_dim3A_218 = vector.broadcast %broadcast_in_dim3A_217 : f32 to vector<16xf32>
    %swap3A_219 = arith.constant 576 : index
    %swap3A_220 = tpu.vector_load %arg7[%swap3A_219] {strides = array<i32>} : memref<640xf32, #tpu.memory_space<vmem>>, vector<16xf32>,
    %swap3A_221 = vector.shape_cast %swap3A_220 : vector<16xf32> to vector<16xf32>
    %swap3A_222 = vector.shape_cast %broadcast_in_dim3A_218 : vector<16xf32> to vector<16xf32>
    tpu.vector_store %arg7[%swap3A_219], %swap3A_222 {strides = array<i32>} : memref<640xf32, #tpu.memory_space<vmem>>, vector<16xf32>,
    %broadcast_in_dim3A_223 = arith.constant 0.000000e+00 : f32
    %broadcast_in_dim3A_224 = vector.broadcast %broadcast_in_dim3A_223 : f32 to vector<16xf32>
    %swap3A_225 = arith.constant 592 : index
    %swap3A_226 = tpu.vector_load %arg7[%swap3A_225] {strides = array<i32>} : memref<640xf32, #tpu.memory_space<vmem>>, vector<16xf32>,
    %swap3A_227 = vector.shape_cast %swap3A_226 : vector<16xf32> to vector<16xf32>
    %swap3A_228 = vector.shape_cast %broadcast_in_dim3A_224 : vector<16xf32> to vector<16xf32>
    tpu.vector_store %arg7[%swap3A_225], %swap3A_228 {strides = array<i32>} : memref<640xf32, #tpu.memory_space<vmem>>, vector<16xf32>,
    %broadcast_in_dim3A_229 = arith.constant 0.000000e+00 : f32
    %broadcast_in_dim3A_230 = vector.broadcast %broadcast_in_dim3A_229 : f32 to vector<16xf32>
    %swap3A_231 = arith.constant 608 : index
    %swap3A_232 = tpu.vector_load %arg7[%swap3A_231] {strides = array<i32>} : memref<640xf32, #tpu.memory_space<vmem>>, vector<16xf32>,
    %swap3A_233 = vector.shape_cast %swap3A_232 : vector<16xf32> to vector<16xf32>
    %swap3A_234 = vector.shape_cast %broadcast_in_dim3A_230 : vector<16xf32> to vector<16xf32>
    tpu.vector_store %arg7[%swap3A_231], %swap3A_234 {strides = array<i32>} : memref<640xf32, #tpu.memory_space<vmem>>, vector<16xf32>,
    %broadcast_in_dim3A_235 = arith.constant 0.000000e+00 : f32
    %broadcast_in_dim3A_236 = vector.broadcast %broadcast_in_dim3A_235 : f32 to vector<16xf32>
    %swap3A_237 = arith.constant 624 : index
    %swap3A_238 = tpu.vector_load %arg7[%swap3A_237] {strides = array<i32>} : memref<640xf32, #tpu.memory_space<vmem>>, vector<16xf32>,
    %swap3A_239 = vector.shape_cast %swap3A_238 : vector<16xf32> to vector<16xf32>
    %swap3A_240 = vector.shape_cast %broadcast_in_dim3A_236 : vector<16xf32> to vector<16xf32>
    tpu.vector_store %arg7[%swap3A_237], %swap3A_240 {strides = array<i32>} : memref<640xf32, #tpu.memory_space<vmem>>, vector<16xf32>,
    "tpu.region"() ({
      %run_scoped3A_321 = tpu.sem_alloc : memref<!tpu.dma_semaphore, #tpu.memory_space<semaphore_mem>>
      %dma_start3A_322 = tpu.memref_slice %arg8[%multiple_of3A] : memref<10240xf32, #tpu.memory_space<vmem_shared>> -> memref<640xf32, #tpu.memory_space<vmem_shared>>
      %dma_start3A_323 = tpu.memref_slice %arg8[%multiple_of3A] : memref<10240xf32, #tpu.memory_space<vmem_shared>> -> memref<640xf32, #tpu.memory_space<vmem_shared>>
      tpu.enqueue_dma source(%arg7 : memref<640xf32, #tpu.memory_space<vmem>>) target(%dma_start3A_323 : memref<640xf32, #tpu.memory_space<vmem_shared>>) target_semaphore(%run_scoped3A_321 : memref<!tpu.dma_semaphore, #tpu.memory_space<semaphore_mem>>)
      %dma_wait3A = tpu.memref_slice %arg8[%multiple_of3A] : memref<10240xf32, #tpu.memory_space<vmem_shared>> -> memref<640xf32, #tpu.memory_space<vmem_shared>>
      %dma_wait3A_324 = tpu.memref_slice %arg8[%multiple_of3A] : memref<10240xf32, #tpu.memory_space<vmem_shared>> -> memref<640xf32, #tpu.memory_space<vmem_shared>>
      tpu.wait_dma2 semaphore(%run_scoped3A_321 : memref<!tpu.dma_semaphore, #tpu.memory_space<semaphore_mem>>) src(%arg7 : memref<640xf32, #tpu.memory_space<vmem>>) dst(%dma_wait3A_324 : memref<640xf32, #tpu.memory_space<vmem_shared>>)
      tpu.yield
    }) : () -> ()
    "tpu.region"() ({
      %run_scoped3A_321 = tpu.sem_alloc : memref<!tpu.dma_semaphore, #tpu.memory_space<semaphore_mem>>
      %dma_start3A_322 = tpu.memref_slice %arg9[%multiple_of3A] : memref<10240xf32, #tpu.memory_space<vmem_shared>> -> memref<640xf32, #tpu.memory_space<vmem_shared>>
      %dma_start3A_323 = tpu.memref_slice %arg9[%multiple_of3A] : memref<10240xf32, #tpu.memory_space<vmem_shared>> -> memref<640xf32, #tpu.memory_space<vmem_shared>>
      tpu.enqueue_dma source(%arg7 : memref<640xf32, #tpu.memory_space<vmem>>) target(%dma_start3A_323 : memref<640xf32, #tpu.memory_space<vmem_shared>>) target_semaphore(%run_scoped3A_321 : memref<!tpu.dma_semaphore, #tpu.memory_space<semaphore_mem>>)
      %dma_wait3A = tpu.memref_slice %arg9[%multiple_of3A] : memref<10240xf32, #tpu.memory_space<vmem_shared>> -> memref<640xf32, #tpu.memory_space<vmem_shared>>
      %dma_wait3A_324 = tpu.memref_slice %arg9[%multiple_of3A] : memref<10240xf32, #tpu.memory_space<vmem_shared>> -> memref<640xf32, #tpu.memory_space<vmem_shared>>
      tpu.wait_dma2 semaphore(%run_scoped3A_321 : memref<!tpu.dma_semaphore, #tpu.memory_space<semaphore_mem>>) src(%arg7 : memref<640xf32, #tpu.memory_space<vmem>>) dst(%dma_wait3A_324 : memref<640xf32, #tpu.memory_space<vmem_shared>>)
      tpu.yield
    }) : () -> ()
    %broadcast_in_dim3A_241 = arith.constant 1.000000e+00 : f32
    %broadcast_in_dim3A_242 = vector.broadcast %broadcast_in_dim3A_241 : f32 to vector<16xf32>
    %swap3A_243 = arith.constant 0 : index
    %swap3A_244 = tpu.vector_load %arg6[%swap3A_243] {strides = array<i32>} : memref<96xf32, #tpu.memory_space<vmem>>, vector<16xf32>,
    %swap3A_245 = vector.shape_cast %swap3A_244 : vector<16xf32> to vector<16xf32>
    %swap3A_246 = vector.shape_cast %broadcast_in_dim3A_242 : vector<16xf32> to vector<16xf32>
    tpu.vector_store %arg6[%swap3A_243], %swap3A_246 {strides = array<i32>} : memref<96xf32, #tpu.memory_space<vmem>>, vector<16xf32>,
    %broadcast_in_dim3A_247 = arith.constant 1.000000e+00 : f32
    %broadcast_in_dim3A_248 = vector.broadcast %broadcast_in_dim3A_247 : f32 to vector<16xf32>
    %swap3A_249 = arith.constant 16 : index
    %swap3A_250 = tpu.vector_load %arg6[%swap3A_249] {strides = array<i32>} : memref<96xf32, #tpu.memory_space<vmem>>, vector<16xf32>,
    %swap3A_251 = vector.shape_cast %swap3A_250 : vector<16xf32> to vector<16xf32>
    %swap3A_252 = vector.shape_cast %broadcast_in_dim3A_248 : vector<16xf32> to vector<16xf32>
    tpu.vector_store %arg6[%swap3A_249], %swap3A_252 {strides = array<i32>} : memref<96xf32, #tpu.memory_space<vmem>>, vector<16xf32>,
    %broadcast_in_dim3A_253 = arith.constant 1.000000e+00 : f32
    %broadcast_in_dim3A_254 = vector.broadcast %broadcast_in_dim3A_253 : f32 to vector<16xf32>
    %swap3A_255 = arith.constant 32 : index
    %swap3A_256 = tpu.vector_load %arg6[%swap3A_255] {strides = array<i32>} : memref<96xf32, #tpu.memory_space<vmem>>, vector<16xf32>,
    %swap3A_257 = vector.shape_cast %swap3A_256 : vector<16xf32> to vector<16xf32>
    %swap3A_258 = vector.shape_cast %broadcast_in_dim3A_254 : vector<16xf32> to vector<16xf32>
    tpu.vector_store %arg6[%swap3A_255], %swap3A_258 {strides = array<i32>} : memref<96xf32, #tpu.memory_space<vmem>>, vector<16xf32>,
    %broadcast_in_dim3A_259 = arith.constant 1.000000e+00 : f32
    %broadcast_in_dim3A_260 = vector.broadcast %broadcast_in_dim3A_259 : f32 to vector<16xf32>
    %swap3A_261 = arith.constant 48 : index
    %swap3A_262 = tpu.vector_load %arg6[%swap3A_261] {strides = array<i32>} : memref<96xf32, #tpu.memory_space<vmem>>, vector<16xf32>,
    %swap3A_263 = vector.shape_cast %swap3A_262 : vector<16xf32> to vector<16xf32>
    %swap3A_264 = vector.shape_cast %broadcast_in_dim3A_260 : vector<16xf32> to vector<16xf32>
    tpu.vector_store %arg6[%swap3A_261], %swap3A_264 {strides = array<i32>} : memref<96xf32, #tpu.memory_space<vmem>>, vector<16xf32>,
    %broadcast_in_dim3A_265 = arith.constant 1.000000e+00 : f32
    %broadcast_in_dim3A_266 = vector.broadcast %broadcast_in_dim3A_265 : f32 to vector<16xf32>
    %swap3A_267 = arith.constant 64 : index
    %swap3A_268 = tpu.vector_load %arg6[%swap3A_267] {strides = array<i32>} : memref<96xf32, #tpu.memory_space<vmem>>, vector<16xf32>,
    %swap3A_269 = vector.shape_cast %swap3A_268 : vector<16xf32> to vector<16xf32>
    %swap3A_270 = vector.shape_cast %broadcast_in_dim3A_266 : vector<16xf32> to vector<16xf32>
    tpu.vector_store %arg6[%swap3A_267], %swap3A_270 {strides = array<i32>} : memref<96xf32, #tpu.memory_space<vmem>>, vector<16xf32>,
    %broadcast_in_dim3A_271 = arith.constant 1.000000e+00 : f32
    %broadcast_in_dim3A_272 = vector.broadcast %broadcast_in_dim3A_271 : f32 to vector<16xf32>
    %swap3A_273 = arith.constant 80 : index
    %swap3A_274 = tpu.vector_load %arg6[%swap3A_273] {strides = array<i32>} : memref<96xf32, #tpu.memory_space<vmem>>, vector<16xf32>,
    %swap3A_275 = vector.shape_cast %swap3A_274 : vector<16xf32> to vector<16xf32>
    %swap3A_276 = vector.shape_cast %broadcast_in_dim3A_272 : vector<16xf32> to vector<16xf32>
    tpu.vector_store %arg6[%swap3A_273], %swap3A_276 {strides = array<i32>} : memref<96xf32, #tpu.memory_space<vmem>>, vector<16xf32>,
    %barrier3A = arith.constant 0 : index
    tpu.barrier barrier_id(%barrier3A)
    %dma_start3A = arith.constant 0 : i32
    %dma_start3A_277 = arith.constant 0 : i32
    %dma_start3A_278 = arith.constant 0 : i32
    %dma_start3A_279 = arith.constant 0 : i32
    %dma_start3A_280 = arith.constant 0 : i32
    %dma_start3A_281 = tpu.memref_slice %arg4[%dma_start3A_278, %dma_start3A_279, %dma_start3A_280] : memref<2x6x96xi32, #tpu.memory_space<vmem>> -> memref<1x6x96xi32, #tpu.memory_space<vmem>>
    %dma_start3A_282 = tpu.memref_squeeze %dma_start3A_281 : memref<1x6x96xi32, #tpu.memory_space<vmem>> -> memref<6x96xi32, #tpu.memory_space<vmem>>
    %dma_start3A_283 = arith.constant 0 : i32
    %dma_start3A_284 = arith.constant 0 : i32
    %dma_start3A_285 = tpu.memref_slice %arg2[%dma_start3A, %add3A, %dma_start3A_277, %dma_start3A_283, %dma_start3A_284] : memref<2x32x18x6x96xi32, #tpu.memory_space<hbm>> -> memref<1x1x1x6x96xi32, #tpu.memory_space<hbm>>
    %dma_start3A_286 = tpu.memref_squeeze %dma_start3A_285 : memref<1x1x1x6x96xi32, #tpu.memory_space<hbm>> -> memref<6x96xi32, #tpu.memory_space<hbm>>
    %dma_start3A_287 = arith.constant 0 : i32
    %dma_start3A_288 = arith.constant 0 : i32
    %dma_start3A_289 = tpu.memref_slice %arg4[%dma_start3A_278, %dma_start3A_287, %dma_start3A_288] : memref<2x6x96xi32, #tpu.memory_space<vmem>> -> memref<1x6x96xi32, #tpu.memory_space<vmem>>
    %dma_start3A_290 = tpu.memref_squeeze %dma_start3A_289 : memref<1x6x96xi32, #tpu.memory_space<vmem>> -> memref<6x96xi32, #tpu.memory_space<vmem>>
    %dma_start3A_291 = arith.constant 0 : i32
    %dma_start3A_292 = arith.constant 0 : i32
    %dma_start3A_293 = tpu.memref_slice %arg2[%dma_start3A, %add3A, %dma_start3A_277, %dma_start3A_291, %dma_start3A_292] : memref<2x32x18x6x96xi32, #tpu.memory_space<hbm>> -> memref<1x1x1x6x96xi32, #tpu.memory_space<hbm>>
    %dma_start3A_294 = tpu.memref_squeeze %dma_start3A_293 : memref<1x1x1x6x96xi32, #tpu.memory_space<hbm>> -> memref<6x96xi32, #tpu.memory_space<hbm>>
    tpu.enqueue_dma source(%dma_start3A_294 : memref<6x96xi32, #tpu.memory_space<hbm>>) target(%dma_start3A_290 : memref<6x96xi32, #tpu.memory_space<vmem>>) target_semaphore(%arg10 : memref<!tpu.dma_semaphore, #tpu.memory_space<semaphore_mem>>)
    %dma_start3A_295 = arith.constant 1 : i32
    %dma_start3A_296 = arith.constant 0 : i32
    %dma_start3A_297 = arith.constant 0 : i32
    %dma_start3A_298 = arith.constant 0 : i32
    %dma_start3A_299 = arith.constant 0 : i32
    %dma_start3A_300 = tpu.memref_slice %arg5[%dma_start3A_297, %dma_start3A_298, %dma_start3A_299] : memref<2x6x96xi32, #tpu.memory_space<vmem>> -> memref<1x6x96xi32, #tpu.memory_space<vmem>>
    %dma_start3A_301 = tpu.memref_squeeze %dma_start3A_300 : memref<1x6x96xi32, #tpu.memory_space<vmem>> -> memref<6x96xi32, #tpu.memory_space<vmem>>
    %dma_start3A_302 = arith.constant 0 : i32
    %dma_start3A_303 = arith.constant 0 : i32
    %dma_start3A_304 = tpu.memref_slice %arg2[%dma_start3A_295, %add3A, %dma_start3A_296, %dma_start3A_302, %dma_start3A_303] : memref<2x32x18x6x96xi32, #tpu.memory_space<hbm>> -> memref<1x1x1x6x96xi32, #tpu.memory_space<hbm>>
    %dma_start3A_305 = tpu.memref_squeeze %dma_start3A_304 : memref<1x1x1x6x96xi32, #tpu.memory_space<hbm>> -> memref<6x96xi32, #tpu.memory_space<hbm>>
    %dma_start3A_306 = arith.constant 0 : i32
    %dma_start3A_307 = arith.constant 0 : i32
    %dma_start3A_308 = tpu.memref_slice %arg5[%dma_start3A_297, %dma_start3A_306, %dma_start3A_307] : memref<2x6x96xi32, #tpu.memory_space<vmem>> -> memref<1x6x96xi32, #tpu.memory_space<vmem>>
    %dma_start3A_309 = tpu.memref_squeeze %dma_start3A_308 : memref<1x6x96xi32, #tpu.memory_space<vmem>> -> memref<6x96xi32, #tpu.memory_space<vmem>>
    %dma_start3A_310 = arith.constant 0 : i32
    %dma_start3A_311 = arith.constant 0 : i32
    %dma_start3A_312 = tpu.memref_slice %arg2[%dma_start3A_295, %add3A, %dma_start3A_296, %dma_start3A_310, %dma_start3A_311] : memref<2x32x18x6x96xi32, #tpu.memory_space<hbm>> -> memref<1x1x1x6x96xi32, #tpu.memory_space<hbm>>
    %dma_start3A_313 = tpu.memref_squeeze %dma_start3A_312 : memref<1x1x1x6x96xi32, #tpu.memory_space<hbm>> -> memref<6x96xi32, #tpu.memory_space<hbm>>
    tpu.enqueue_dma source(%dma_start3A_313 : memref<6x96xi32, #tpu.memory_space<hbm>>) target(%dma_start3A_309 : memref<6x96xi32, #tpu.memory_space<vmem>>) target_semaphore(%arg12 : memref<!tpu.dma_semaphore, #tpu.memory_space<semaphore_mem>>)
    %scan3A = arith.constant 0 : i32
    %scan3A_314 = arith.constant 0 : i32
    %scan3A_315 = arith.constant 9 : i32
    %scan3A_316 = arith.addi %scan3A_314, %scan3A_315 : i32
    %scan3A_317 = arith.constant 1 : i32
    scf.for %scan3A_321 = %scan3A_314 to %scan3A_316 step %scan3A_317  : i32 {
      %mul3A_322 = arith.constant 2 : i32
      %mul3A_323 = arith.muli %scan3A_321, %mul3A_322 : i32
      %add3A_324 = arith.constant 0 : i32
      %add3A_325 = arith.addi %mul3A_323, %add3A_324 : i32
      %dma_wait3A = arith.constant 0 : i32
      %dma_wait3A_326 = arith.constant 0 : i32
      %dma_wait3A_327 = arith.constant 0 : i32
      %dma_wait3A_328 = arith.constant 0 : i32
      %dma_wait3A_329 = arith.constant 0 : i32
      %dma_wait3A_330 = tpu.memref_slice %arg4[%dma_wait3A_327, %dma_wait3A_328, %dma_wait3A_329] : memref<2x6x96xi32, #tpu.memory_space<vmem>> -> memref<1x6x96xi32, #tpu.memory_space<vmem>>
      %dma_wait3A_331 = tpu.memref_squeeze %dma_wait3A_330 : memref<1x6x96xi32, #tpu.memory_space<vmem>> -> memref<6x96xi32, #tpu.memory_space<vmem>>
      %dma_wait3A_332 = arith.constant 0 : i32
      %dma_wait3A_333 = arith.constant 0 : i32
      %dma_wait3A_334 = tpu.memref_slice %arg2[%dma_wait3A, %add3A, %dma_wait3A_326, %dma_wait3A_332, %dma_wait3A_333] : memref<2x32x18x6x96xi32, #tpu.memory_space<hbm>> -> memref<1x1x1x6x96xi32, #tpu.memory_space<hbm>>
      %dma_wait3A_335 = tpu.memref_squeeze %dma_wait3A_334 : memref<1x1x1x6x96xi32, #tpu.memory_space<hbm>> -> memref<6x96xi32, #tpu.memory_space<hbm>>
      %dma_wait3A_336 = arith.constant 0 : i32
      %dma_wait3A_337 = arith.constant 0 : i32
      %dma_wait3A_338 = tpu.memref_slice %arg4[%dma_wait3A_327, %dma_wait3A_336, %dma_wait3A_337] : memref<2x6x96xi32, #tpu.memory_space<vmem>> -> memref<1x6x96xi32, #tpu.memory_space<vmem>>
      %dma_wait3A_339 = tpu.memref_squeeze %dma_wait3A_338 : memref<1x6x96xi32, #tpu.memory_space<vmem>> -> memref<6x96xi32, #tpu.memory_space<vmem>>
      %dma_wait3A_340 = arith.constant 0 : i32
      %dma_wait3A_341 = arith.constant 0 : i32
      %dma_wait3A_342 = tpu.memref_slice %arg2[%dma_wait3A, %add3A, %dma_wait3A_326, %dma_wait3A_340, %dma_wait3A_341] : memref<2x32x18x6x96xi32, #tpu.memory_space<hbm>> -> memref<1x1x1x6x96xi32, #tpu.memory_space<hbm>>
      %dma_wait3A_343 = tpu.memref_squeeze %dma_wait3A_342 : memref<1x1x1x6x96xi32, #tpu.memory_space<hbm>> -> memref<6x96xi32, #tpu.memory_space<hbm>>
      tpu.wait_dma2 semaphore(%arg10 : memref<!tpu.dma_semaphore, #tpu.memory_space<semaphore_mem>>) src(%dma_wait3A_343 : memref<6x96xi32, #tpu.memory_space<hbm>>) dst(%dma_wait3A_339 : memref<6x96xi32, #tpu.memory_space<vmem>>)
      %dma_wait3A_344 = arith.constant 1 : i32
      %dma_wait3A_345 = arith.constant 0 : i32
      %dma_wait3A_346 = arith.constant 0 : i32
      %dma_wait3A_347 = arith.constant 0 : i32
      %dma_wait3A_348 = arith.constant 0 : i32
      %dma_wait3A_349 = tpu.memref_slice %arg5[%dma_wait3A_346, %dma_wait3A_347, %dma_wait3A_348] : memref<2x6x96xi32, #tpu.memory_space<vmem>> -> memref<1x6x96xi32, #tpu.memory_space<vmem>>
      %dma_wait3A_350 = tpu.memref_squeeze %dma_wait3A_349 : memref<1x6x96xi32, #tpu.memory_space<vmem>> -> memref<6x96xi32, #tpu.memory_space<vmem>>
      %dma_wait3A_351 = arith.constant 0 : i32
      %dma_wait3A_352 = arith.constant 0 : i32
      %dma_wait3A_353 = tpu.memref_slice %arg2[%dma_wait3A_344, %add3A, %dma_wait3A_345, %dma_wait3A_351, %dma_wait3A_352] : memref<2x32x18x6x96xi32, #tpu.memory_space<hbm>> -> memref<1x1x1x6x96xi32, #tpu.memory_space<hbm>>
      %dma_wait3A_354 = tpu.memref_squeeze %dma_wait3A_353 : memref<1x1x1x6x96xi32, #tpu.memory_space<hbm>> -> memref<6x96xi32, #tpu.memory_space<hbm>>
      %dma_wait3A_355 = arith.constant 0 : i32
      %dma_wait3A_356 = arith.constant 0 : i32
      %dma_wait3A_357 = tpu.memref_slice %arg5[%dma_wait3A_346, %dma_wait3A_355, %dma_wait3A_356] : memref<2x6x96xi32, #tpu.memory_space<vmem>> -> memref<1x6x96xi32, #tpu.memory_space<vmem>>
      %dma_wait3A_358 = tpu.memref_squeeze %dma_wait3A_357 : memref<1x6x96xi32, #tpu.memory_space<vmem>> -> memref<6x96xi32, #tpu.memory_space<vmem>>
      %dma_wait3A_359 = arith.constant 0 : i32
      %dma_wait3A_360 = arith.constant 0 : i32
      %dma_wait3A_361 = tpu.memref_slice %arg2[%dma_wait3A_344, %add3A, %dma_wait3A_345, %dma_wait3A_359, %dma_wait3A_360] : memref<2x32x18x6x96xi32, #tpu.memory_space<hbm>> -> memref<1x1x1x6x96xi32, #tpu.memory_space<hbm>>
      %dma_wait3A_362 = tpu.memref_squeeze %dma_wait3A_361 : memref<1x1x1x6x96xi32, #tpu.memory_space<hbm>> -> memref<6x96xi32, #tpu.memory_space<hbm>>
      tpu.wait_dma2 semaphore(%arg12 : memref<!tpu.dma_semaphore, #tpu.memory_space<semaphore_mem>>) src(%dma_wait3A_362 : memref<6x96xi32, #tpu.memory_space<hbm>>) dst(%dma_wait3A_358 : memref<6x96xi32, #tpu.memory_space<vmem>>)
      %dma_start3A_363 = arith.constant 0 : i32
      %dma_start3A_364 = arith.constant 0 : i32
      %dma_start3A_365 = arith.constant 0 : i32
      %dma_start3A_366 = tpu.memref_slice %arg4[%dma_start3A_363, %dma_start3A_364, %dma_start3A_365] : memref<2x6x96xi32, #tpu.memory_space<vmem>> -> memref<1x1x96xi32, #tpu.memory_space<vmem>>
      %dma_start3A_367 = tpu.memref_squeeze %dma_start3A_366 : memref<1x1x96xi32, #tpu.memory_space<vmem>> -> memref<96xi32, #tpu.memory_space<vmem>>
      %dma_start3A_368 = arith.constant 0 : i32
      %dma_start3A_369 = tpu.memref_slice %arg8[%dma_start3A_368] : memref<10240xf32, #tpu.memory_space<vmem_shared>> -> memref<10240xf32, #tpu.memory_space<vmem_shared>>
      tpu.enqueue_indirect_dma source(%arg6 : memref<96xf32, #tpu.memory_space<vmem>>) target(%dma_start3A_369 : memref<10240xf32, #tpu.memory_space<vmem_shared>>) offsets(%dma_start3A_367 : memref<96xi32, #tpu.memory_space<vmem>>) semaphore(%arg14 : memref<!tpu.dma_semaphore, #tpu.memory_space<semaphore_mem>>) {add = true}
      %dma_start3A_370 = arith.constant 0 : i32
      %dma_start3A_371 = arith.constant 0 : i32
      %dma_start3A_372 = arith.constant 0 : i32
      %dma_start3A_373 = tpu.memref_slice %arg5[%dma_start3A_370, %dma_start3A_371, %dma_start3A_372] : memref<2x6x96xi32, #tpu.memory_space<vmem>> -> memref<1x1x96xi32, #tpu.memory_space<vmem>>
      %dma_start3A_374 = tpu.memref_squeeze %dma_start3A_373 : memref<1x1x96xi32, #tpu.memory_space<vmem>> -> memref<96xi32, #tpu.memory_space<vmem>>
      %dma_start3A_375 = arith.constant 0 : i32
      %dma_start3A_376 = tpu.memref_slice %arg9[%dma_start3A_375] : memref<10240xf32, #tpu.memory_space<vmem_shared>> -> memref<10240xf32, #tpu.memory_space<vmem_shared>>
      tpu.enqueue_indirect_dma source(%arg6 : memref<96xf32, #tpu.memory_space<vmem>>) target(%dma_start3A_376 : memref<10240xf32, #tpu.memory_space<vmem_shared>>) offsets(%dma_start3A_374 : memref<96xi32, #tpu.memory_space<vmem>>) semaphore(%arg14 : memref<!tpu.dma_semaphore, #tpu.memory_space<semaphore_mem>>) {add = true}
      %dma_start3A_377 = arith.constant 0 : i32
      %dma_start3A_378 = arith.constant 1 : i32
      %dma_start3A_379 = arith.constant 0 : i32
      %dma_start3A_380 = tpu.memref_slice %arg4[%dma_start3A_377, %dma_start3A_378, %dma_start3A_379] : memref<2x6x96xi32, #tpu.memory_space<vmem>> -> memref<1x1x96xi32, #tpu.memory_space<vmem>>
      %dma_start3A_381 = tpu.memref_squeeze %dma_start3A_380 : memref<1x1x96xi32, #tpu.memory_space<vmem>> -> memref<96xi32, #tpu.memory_space<vmem>>
      %dma_start3A_382 = arith.constant 0 : i32
      %dma_start3A_383 = tpu.memref_slice %arg8[%dma_start3A_382] : memref<10240xf32, #tpu.memory_space<vmem_shared>> -> memref<10240xf32, #tpu.memory_space<vmem_shared>>
      tpu.enqueue_indirect_dma source(%arg6 : memref<96xf32, #tpu.memory_space<vmem>>) target(%dma_start3A_383 : memref<10240xf32, #tpu.memory_space<vmem_shared>>) offsets(%dma_start3A_381 : memref<96xi32, #tpu.memory_space<vmem>>) semaphore(%arg14 : memref<!tpu.dma_semaphore, #tpu.memory_space<semaphore_mem>>) {add = true}
      %dma_start3A_384 = arith.constant 0 : i32
      %dma_start3A_385 = arith.constant 1 : i32
      %dma_start3A_386 = arith.constant 0 : i32
      %dma_start3A_387 = tpu.memref_slice %arg5[%dma_start3A_384, %dma_start3A_385, %dma_start3A_386] : memref<2x6x96xi32, #tpu.memory_space<vmem>> -> memref<1x1x96xi32, #tpu.memory_space<vmem>>
      %dma_start3A_388 = tpu.memref_squeeze %dma_start3A_387 : memref<1x1x96xi32, #tpu.memory_space<vmem>> -> memref<96xi32, #tpu.memory_space<vmem>>
      %dma_start3A_389 = arith.constant 0 : i32
      %dma_start3A_390 = tpu.memref_slice %arg9[%dma_start3A_389] : memref<10240xf32, #tpu.memory_space<vmem_shared>> -> memref<10240xf32, #tpu.memory_space<vmem_shared>>
      tpu.enqueue_indirect_dma source(%arg6 : memref<96xf32, #tpu.memory_space<vmem>>) target(%dma_start3A_390 : memref<10240xf32, #tpu.memory_space<vmem_shared>>) offsets(%dma_start3A_388 : memref<96xi32, #tpu.memory_space<vmem>>) semaphore(%arg14 : memref<!tpu.dma_semaphore, #tpu.memory_space<semaphore_mem>>) {add = true}
      %dma_start3A_391 = arith.constant 0 : i32
      %dma_start3A_392 = arith.constant 2 : i32
      %dma_start3A_393 = arith.constant 0 : i32
      %dma_start3A_394 = tpu.memref_slice %arg4[%dma_start3A_391, %dma_start3A_392, %dma_start3A_393] : memref<2x6x96xi32, #tpu.memory_space<vmem>> -> memref<1x1x96xi32, #tpu.memory_space<vmem>>
      %dma_start3A_395 = tpu.memref_squeeze %dma_start3A_394 : memref<1x1x96xi32, #tpu.memory_space<vmem>> -> memref<96xi32, #tpu.memory_space<vmem>>
      %dma_start3A_396 = arith.constant 0 : i32
      %dma_start3A_397 = tpu.memref_slice %arg8[%dma_start3A_396] : memref<10240xf32, #tpu.memory_space<vmem_shared>> -> memref<10240xf32, #tpu.memory_space<vmem_shared>>
      tpu.enqueue_indirect_dma source(%arg6 : memref<96xf32, #tpu.memory_space<vmem>>) target(%dma_start3A_397 : memref<10240xf32, #tpu.memory_space<vmem_shared>>) offsets(%dma_start3A_395 : memref<96xi32, #tpu.memory_space<vmem>>) semaphore(%arg14 : memref<!tpu.dma_semaphore, #tpu.memory_space<semaphore_mem>>) {add = true}
      %dma_start3A_398 = arith.constant 0 : i32
      %dma_start3A_399 = arith.constant 2 : i32
      %dma_start3A_400 = arith.constant 0 : i32
      %dma_start3A_401 = tpu.memref_slice %arg5[%dma_start3A_398, %dma_start3A_399, %dma_start3A_400] : memref<2x6x96xi32, #tpu.memory_space<vmem>> -> memref<1x1x96xi32, #tpu.memory_space<vmem>>
      %dma_start3A_402 = tpu.memref_squeeze %dma_start3A_401 : memref<1x1x96xi32, #tpu.memory_space<vmem>> -> memref<96xi32, #tpu.memory_space<vmem>>
      %dma_start3A_403 = arith.constant 0 : i32
      %dma_start3A_404 = tpu.memref_slice %arg9[%dma_start3A_403] : memref<10240xf32, #tpu.memory_space<vmem_shared>> -> memref<10240xf32, #tpu.memory_space<vmem_shared>>
      tpu.enqueue_indirect_dma source(%arg6 : memref<96xf32, #tpu.memory_space<vmem>>) target(%dma_start3A_404 : memref<10240xf32, #tpu.memory_space<vmem_shared>>) offsets(%dma_start3A_402 : memref<96xi32, #tpu.memory_space<vmem>>) semaphore(%arg14 : memref<!tpu.dma_semaphore, #tpu.memory_space<semaphore_mem>>) {add = true}
      %dma_start3A_405 = arith.constant 0 : i32
      %dma_start3A_406 = arith.constant 3 : i32
      %dma_start3A_407 = arith.constant 0 : i32
      %dma_start3A_408 = tpu.memref_slice %arg4[%dma_start3A_405, %dma_start3A_406, %dma_start3A_407] : memref<2x6x96xi32, #tpu.memory_space<vmem>> -> memref<1x1x96xi32, #tpu.memory_space<vmem>>
      %dma_start3A_409 = tpu.memref_squeeze %dma_start3A_408 : memref<1x1x96xi32, #tpu.memory_space<vmem>> -> memref<96xi32, #tpu.memory_space<vmem>>
      %dma_start3A_410 = arith.constant 0 : i32
      %dma_start3A_411 = tpu.memref_slice %arg8[%dma_start3A_410] : memref<10240xf32, #tpu.memory_space<vmem_shared>> -> memref<10240xf32, #tpu.memory_space<vmem_shared>>
      tpu.enqueue_indirect_dma source(%arg6 : memref<96xf32, #tpu.memory_space<vmem>>) target(%dma_start3A_411 : memref<10240xf32, #tpu.memory_space<vmem_shared>>) offsets(%dma_start3A_409 : memref<96xi32, #tpu.memory_space<vmem>>) semaphore(%arg14 : memref<!tpu.dma_semaphore, #tpu.memory_space<semaphore_mem>>) {add = true}
      %dma_start3A_412 = arith.constant 0 : i32
      %dma_start3A_413 = arith.constant 3 : i32
      %dma_start3A_414 = arith.constant 0 : i32
      %dma_start3A_415 = tpu.memref_slice %arg5[%dma_start3A_412, %dma_start3A_413, %dma_start3A_414] : memref<2x6x96xi32, #tpu.memory_space<vmem>> -> memref<1x1x96xi32, #tpu.memory_space<vmem>>
      %dma_start3A_416 = tpu.memref_squeeze %dma_start3A_415 : memref<1x1x96xi32, #tpu.memory_space<vmem>> -> memref<96xi32, #tpu.memory_space<vmem>>
      %dma_start3A_417 = arith.constant 0 : i32
      %dma_start3A_418 = tpu.memref_slice %arg9[%dma_start3A_417] : memref<10240xf32, #tpu.memory_space<vmem_shared>> -> memref<10240xf32, #tpu.memory_space<vmem_shared>>
      tpu.enqueue_indirect_dma source(%arg6 : memref<96xf32, #tpu.memory_space<vmem>>) target(%dma_start3A_418 : memref<10240xf32, #tpu.memory_space<vmem_shared>>) offsets(%dma_start3A_416 : memref<96xi32, #tpu.memory_space<vmem>>) semaphore(%arg14 : memref<!tpu.dma_semaphore, #tpu.memory_space<semaphore_mem>>) {add = true}
      %dma_start3A_419 = arith.constant 0 : i32
      %dma_start3A_420 = arith.constant 4 : i32
      %dma_start3A_421 = arith.constant 0 : i32
      %dma_start3A_422 = tpu.memref_slice %arg4[%dma_start3A_419, %dma_start3A_420, %dma_start3A_421] : memref<2x6x96xi32, #tpu.memory_space<vmem>> -> memref<1x1x96xi32, #tpu.memory_space<vmem>>
      %dma_start3A_423 = tpu.memref_squeeze %dma_start3A_422 : memref<1x1x96xi32, #tpu.memory_space<vmem>> -> memref<96xi32, #tpu.memory_space<vmem>>
      %dma_start3A_424 = arith.constant 0 : i32
      %dma_start3A_425 = tpu.memref_slice %arg8[%dma_start3A_424] : memref<10240xf32, #tpu.memory_space<vmem_shared>> -> memref<10240xf32, #tpu.memory_space<vmem_shared>>
      tpu.enqueue_indirect_dma source(%arg6 : memref<96xf32, #tpu.memory_space<vmem>>) target(%dma_start3A_425 : memref<10240xf32, #tpu.memory_space<vmem_shared>>) offsets(%dma_start3A_423 : memref<96xi32, #tpu.memory_space<vmem>>) semaphore(%arg14 : memref<!tpu.dma_semaphore, #tpu.memory_space<semaphore_mem>>) {add = true}
      %dma_start3A_426 = arith.constant 0 : i32
      %dma_start3A_427 = arith.constant 4 : i32
      %dma_start3A_428 = arith.constant 0 : i32
      %dma_start3A_429 = tpu.memref_slice %arg5[%dma_start3A_426, %dma_start3A_427, %dma_start3A_428] : memref<2x6x96xi32, #tpu.memory_space<vmem>> -> memref<1x1x96xi32, #tpu.memory_space<vmem>>
      %dma_start3A_430 = tpu.memref_squeeze %dma_start3A_429 : memref<1x1x96xi32, #tpu.memory_space<vmem>> -> memref<96xi32, #tpu.memory_space<vmem>>
      %dma_start3A_431 = arith.constant 0 : i32
      %dma_start3A_432 = tpu.memref_slice %arg9[%dma_start3A_431] : memref<10240xf32, #tpu.memory_space<vmem_shared>> -> memref<10240xf32, #tpu.memory_space<vmem_shared>>
      tpu.enqueue_indirect_dma source(%arg6 : memref<96xf32, #tpu.memory_space<vmem>>) target(%dma_start3A_432 : memref<10240xf32, #tpu.memory_space<vmem_shared>>) offsets(%dma_start3A_430 : memref<96xi32, #tpu.memory_space<vmem>>) semaphore(%arg14 : memref<!tpu.dma_semaphore, #tpu.memory_space<semaphore_mem>>) {add = true}
      %dma_start3A_433 = arith.constant 0 : i32
      %dma_start3A_434 = arith.constant 5 : i32
      %dma_start3A_435 = arith.constant 0 : i32
      %dma_start3A_436 = tpu.memref_slice %arg4[%dma_start3A_433, %dma_start3A_434, %dma_start3A_435] : memref<2x6x96xi32, #tpu.memory_space<vmem>> -> memref<1x1x96xi32, #tpu.memory_space<vmem>>
      %dma_start3A_437 = tpu.memref_squeeze %dma_start3A_436 : memref<1x1x96xi32, #tpu.memory_space<vmem>> -> memref<96xi32, #tpu.memory_space<vmem>>
      %dma_start3A_438 = arith.constant 0 : i32
      %dma_start3A_439 = tpu.memref_slice %arg8[%dma_start3A_438] : memref<10240xf32, #tpu.memory_space<vmem_shared>> -> memref<10240xf32, #tpu.memory_space<vmem_shared>>
      tpu.enqueue_indirect_dma source(%arg6 : memref<96xf32, #tpu.memory_space<vmem>>) target(%dma_start3A_439 : memref<10240xf32, #tpu.memory_space<vmem_shared>>) offsets(%dma_start3A_437 : memref<96xi32, #tpu.memory_space<vmem>>) semaphore(%arg14 : memref<!tpu.dma_semaphore, #tpu.memory_space<semaphore_mem>>) {add = true}
      %dma_start3A_440 = arith.constant 0 : i32
      %dma_start3A_441 = arith.constant 5 : i32
      %dma_start3A_442 = arith.constant 0 : i32
      %dma_start3A_443 = tpu.memref_slice %arg5[%dma_start3A_440, %dma_start3A_441, %dma_start3A_442] : memref<2x6x96xi32, #tpu.memory_space<vmem>> -> memref<1x1x96xi32, #tpu.memory_space<vmem>>
      %dma_start3A_444 = tpu.memref_squeeze %dma_start3A_443 : memref<1x1x96xi32, #tpu.memory_space<vmem>> -> memref<96xi32, #tpu.memory_space<vmem>>
      %dma_start3A_445 = arith.constant 0 : i32
      %dma_start3A_446 = tpu.memref_slice %arg9[%dma_start3A_445] : memref<10240xf32, #tpu.memory_space<vmem_shared>> -> memref<10240xf32, #tpu.memory_space<vmem_shared>>
      tpu.enqueue_indirect_dma source(%arg6 : memref<96xf32, #tpu.memory_space<vmem>>) target(%dma_start3A_446 : memref<10240xf32, #tpu.memory_space<vmem_shared>>) offsets(%dma_start3A_444 : memref<96xi32, #tpu.memory_space<vmem>>) semaphore(%arg14 : memref<!tpu.dma_semaphore, #tpu.memory_space<semaphore_mem>>) {add = true}
      %add3A_447 = arith.constant 1 : i32
      %add3A_448 = arith.addi %add3A_325, %add3A_447 : i32
      %lt3A = arith.constant 18 : i32
      %lt3A_449 = arith.cmpi slt, %add3A_448, %lt3A : i32
      %convert_element_type3A = arith.extui %lt3A_449 : i1 to i32
      %cond3A = arith.constant 0 : i32
      %cond3A_450 = arith.cmpi ne, %convert_element_type3A, %cond3A : i32
      scf.if %cond3A_450 {
        %add3A_752 = arith.constant 1 : i32
        %add3A_753 = arith.addi %add3A_325, %add3A_752 : i32
        %dma_start3A_754 = arith.constant 0 : i32
        %dma_start3A_755 = arith.constant 1 : i32
        %dma_start3A_756 = arith.constant 0 : i32
        %dma_start3A_757 = arith.constant 0 : i32
        %dma_start3A_758 = tpu.memref_slice %arg4[%dma_start3A_755, %dma_start3A_756, %dma_start3A_757] : memref<2x6x96xi32, #tpu.memory_space<vmem>> -> memref<1x6x96xi32, #tpu.memory_space<vmem>>
        %dma_start3A_759 = tpu.memref_squeeze %dma_start3A_758 : memref<1x6x96xi32, #tpu.memory_space<vmem>> -> memref<6x96xi32, #tpu.memory_space<vmem>>
        %dma_start3A_760 = arith.constant 0 : i32
        %dma_start3A_761 = arith.constant 0 : i32
        %dma_start3A_762 = tpu.memref_slice %arg2[%dma_start3A_754, %add3A, %add3A_753, %dma_start3A_760, %dma_start3A_761] : memref<2x32x18x6x96xi32, #tpu.memory_space<hbm>> -> memref<1x1x1x6x96xi32, #tpu.memory_space<hbm>>
        %dma_start3A_763 = tpu.memref_squeeze %dma_start3A_762 : memref<1x1x1x6x96xi32, #tpu.memory_space<hbm>> -> memref<6x96xi32, #tpu.memory_space<hbm>>
        %dma_start3A_764 = arith.constant 0 : i32
        %dma_start3A_765 = arith.constant 0 : i32
        %dma_start3A_766 = tpu.memref_slice %arg4[%dma_start3A_755, %dma_start3A_764, %dma_start3A_765] : memref<2x6x96xi32, #tpu.memory_space<vmem>> -> memref<1x6x96xi32, #tpu.memory_space<vmem>>
        %dma_start3A_767 = tpu.memref_squeeze %dma_start3A_766 : memref<1x6x96xi32, #tpu.memory_space<vmem>> -> memref<6x96xi32, #tpu.memory_space<vmem>>
        %dma_start3A_768 = arith.constant 0 : i32
        %dma_start3A_769 = arith.constant 0 : i32
        %dma_start3A_770 = tpu.memref_slice %arg2[%dma_start3A_754, %add3A, %add3A_753, %dma_start3A_768, %dma_start3A_769] : memref<2x32x18x6x96xi32, #tpu.memory_space<hbm>> -> memref<1x1x1x6x96xi32, #tpu.memory_space<hbm>>
        %dma_start3A_771 = tpu.memref_squeeze %dma_start3A_770 : memref<1x1x1x6x96xi32, #tpu.memory_space<hbm>> -> memref<6x96xi32, #tpu.memory_space<hbm>>
        tpu.enqueue_dma source(%dma_start3A_771 : memref<6x96xi32, #tpu.memory_space<hbm>>) target(%dma_start3A_767 : memref<6x96xi32, #tpu.memory_space<vmem>>) target_semaphore(%arg11 : memref<!tpu.dma_semaphore, #tpu.memory_space<semaphore_mem>>)
        %add3A_772 = arith.constant 1 : i32
        %add3A_773 = arith.addi %add3A_325, %add3A_772 : i32
        %dma_start3A_774 = arith.constant 1 : i32
        %dma_start3A_775 = arith.constant 1 : i32
        %dma_start3A_776 = arith.constant 0 : i32
        %dma_start3A_777 = arith.constant 0 : i32
        %dma_start3A_778 = tpu.memref_slice %arg5[%dma_start3A_775, %dma_start3A_776, %dma_start3A_777] : memref<2x6x96xi32, #tpu.memory_space<vmem>> -> memref<1x6x96xi32, #tpu.memory_space<vmem>>
        %dma_start3A_779 = tpu.memref_squeeze %dma_start3A_778 : memref<1x6x96xi32, #tpu.memory_space<vmem>> -> memref<6x96xi32, #tpu.memory_space<vmem>>
        %dma_start3A_780 = arith.constant 0 : i32
        %dma_start3A_781 = arith.constant 0 : i32
        %dma_start3A_782 = tpu.memref_slice %arg2[%dma_start3A_774, %add3A, %add3A_773, %dma_start3A_780, %dma_start3A_781] : memref<2x32x18x6x96xi32, #tpu.memory_space<hbm>> -> memref<1x1x1x6x96xi32, #tpu.memory_space<hbm>>
        %dma_start3A_783 = tpu.memref_squeeze %dma_start3A_782 : memref<1x1x1x6x96xi32, #tpu.memory_space<hbm>> -> memref<6x96xi32, #tpu.memory_space<hbm>>
        %dma_start3A_784 = arith.constant 0 : i32
        %dma_start3A_785 = arith.constant 0 : i32
        %dma_start3A_786 = tpu.memref_slice %arg5[%dma_start3A_775, %dma_start3A_784, %dma_start3A_785] : memref<2x6x96xi32, #tpu.memory_space<vmem>> -> memref<1x6x96xi32, #tpu.memory_space<vmem>>
        %dma_start3A_787 = tpu.memref_squeeze %dma_start3A_786 : memref<1x6x96xi32, #tpu.memory_space<vmem>> -> memref<6x96xi32, #tpu.memory_space<vmem>>
        %dma_start3A_788 = arith.constant 0 : i32
        %dma_start3A_789 = arith.constant 0 : i32
        %dma_start3A_790 = tpu.memref_slice %arg2[%dma_start3A_774, %add3A, %add3A_773, %dma_start3A_788, %dma_start3A_789] : memref<2x32x18x6x96xi32, #tpu.memory_space<hbm>> -> memref<1x1x1x6x96xi32, #tpu.memory_space<hbm>>
        %dma_start3A_791 = tpu.memref_squeeze %dma_start3A_790 : memref<1x1x1x6x96xi32, #tpu.memory_space<hbm>> -> memref<6x96xi32, #tpu.memory_space<hbm>>
        tpu.enqueue_dma source(%dma_start3A_791 : memref<6x96xi32, #tpu.memory_space<hbm>>) target(%dma_start3A_787 : memref<6x96xi32, #tpu.memory_space<vmem>>) target_semaphore(%arg13 : memref<!tpu.dma_semaphore, #tpu.memory_space<semaphore_mem>>)
      } else {
      }
      %dma_wait3A_451 = arith.constant 0 : i32
      %dma_wait3A_452 = arith.constant 0 : i32
      %dma_wait3A_453 = arith.constant 0 : i32
      %dma_wait3A_454 = tpu.memref_slice %arg4[%dma_wait3A_451, %dma_wait3A_452, %dma_wait3A_453] : memref<2x6x96xi32, #tpu.memory_space<vmem>> -> memref<1x1x96xi32, #tpu.memory_space<vmem>>
      %dma_wait3A_455 = tpu.memref_squeeze %dma_wait3A_454 : memref<1x1x96xi32, #tpu.memory_space<vmem>> -> memref<96xi32, #tpu.memory_space<vmem>>
      %dma_wait3A_456 = arith.constant 0 : i32
      %dma_wait3A_457 = tpu.memref_slice %arg8[%dma_wait3A_456] : memref<10240xf32, #tpu.memory_space<vmem_shared>> -> memref<10240xf32, #tpu.memory_space<vmem_shared>>
      tpu.wait_indirect_dma semaphore(%arg14 : memref<!tpu.dma_semaphore, #tpu.memory_space<semaphore_mem>>) src(%arg6 : memref<96xf32, #tpu.memory_space<vmem>>) dst(%dma_wait3A_457 : memref<10240xf32, #tpu.memory_space<vmem_shared>>)
      %dma_wait3A_458 = arith.constant 0 : i32
      %dma_wait3A_459 = arith.constant 0 : i32
      %dma_wait3A_460 = arith.constant 0 : i32
      %dma_wait3A_461 = tpu.memref_slice %arg5[%dma_wait3A_458, %dma_wait3A_459, %dma_wait3A_460] : memref<2x6x96xi32, #tpu.memory_space<vmem>> -> memref<1x1x96xi32, #tpu.memory_space<vmem>>
      %dma_wait3A_462 = tpu.memref_squeeze %dma_wait3A_461 : memref<1x1x96xi32, #tpu.memory_space<vmem>> -> memref<96xi32, #tpu.memory_space<vmem>>
      %dma_wait3A_463 = arith.constant 0 : i32
      %dma_wait3A_464 = tpu.memref_slice %arg9[%dma_wait3A_463] : memref<10240xf32, #tpu.memory_space<vmem_shared>> -> memref<10240xf32, #tpu.memory_space<vmem_shared>>
      tpu.wait_indirect_dma semaphore(%arg14 : memref<!tpu.dma_semaphore, #tpu.memory_space<semaphore_mem>>) src(%arg6 : memref<96xf32, #tpu.memory_space<vmem>>) dst(%dma_wait3A_464 : memref<10240xf32, #tpu.memory_space<vmem_shared>>)
      %dma_wait3A_465 = arith.constant 0 : i32
      %dma_wait3A_466 = arith.constant 1 : i32
      %dma_wait3A_467 = arith.constant 0 : i32
      %dma_wait3A_468 = tpu.memref_slice %arg4[%dma_wait3A_465, %dma_wait3A_466, %dma_wait3A_467] : memref<2x6x96xi32, #tpu.memory_space<vmem>> -> memref<1x1x96xi32, #tpu.memory_space<vmem>>
      %dma_wait3A_469 = tpu.memref_squeeze %dma_wait3A_468 : memref<1x1x96xi32, #tpu.memory_space<vmem>> -> memref<96xi32, #tpu.memory_space<vmem>>
      %dma_wait3A_470 = arith.constant 0 : i32
      %dma_wait3A_471 = tpu.memref_slice %arg8[%dma_wait3A_470] : memref<10240xf32, #tpu.memory_space<vmem_shared>> -> memref<10240xf32, #tpu.memory_space<vmem_shared>>
      tpu.wait_indirect_dma semaphore(%arg14 : memref<!tpu.dma_semaphore, #tpu.memory_space<semaphore_mem>>) src(%arg6 : memref<96xf32, #tpu.memory_space<vmem>>) dst(%dma_wait3A_471 : memref<10240xf32, #tpu.memory_space<vmem_shared>>)
      %dma_wait3A_472 = arith.constant 0 : i32
      %dma_wait3A_473 = arith.constant 1 : i32
      %dma_wait3A_474 = arith.constant 0 : i32
      %dma_wait3A_475 = tpu.memref_slice %arg5[%dma_wait3A_472, %dma_wait3A_473, %dma_wait3A_474] : memref<2x6x96xi32, #tpu.memory_space<vmem>> -> memref<1x1x96xi32, #tpu.memory_space<vmem>>
      %dma_wait3A_476 = tpu.memref_squeeze %dma_wait3A_475 : memref<1x1x96xi32, #tpu.memory_space<vmem>> -> memref<96xi32, #tpu.memory_space<vmem>>
      %dma_wait3A_477 = arith.constant 0 : i32
      %dma_wait3A_478 = tpu.memref_slice %arg9[%dma_wait3A_477] : memref<10240xf32, #tpu.memory_space<vmem_shared>> -> memref<10240xf32, #tpu.memory_space<vmem_shared>>
      tpu.wait_indirect_dma semaphore(%arg14 : memref<!tpu.dma_semaphore, #tpu.memory_space<semaphore_mem>>) src(%arg6 : memref<96xf32, #tpu.memory_space<vmem>>) dst(%dma_wait3A_478 : memref<10240xf32, #tpu.memory_space<vmem_shared>>)
      %dma_wait3A_479 = arith.constant 0 : i32
      %dma_wait3A_480 = arith.constant 2 : i32
      %dma_wait3A_481 = arith.constant 0 : i32
      %dma_wait3A_482 = tpu.memref_slice %arg4[%dma_wait3A_479, %dma_wait3A_480, %dma_wait3A_481] : memref<2x6x96xi32, #tpu.memory_space<vmem>> -> memref<1x1x96xi32, #tpu.memory_space<vmem>>
      %dma_wait3A_483 = tpu.memref_squeeze %dma_wait3A_482 : memref<1x1x96xi32, #tpu.memory_space<vmem>> -> memref<96xi32, #tpu.memory_space<vmem>>
      %dma_wait3A_484 = arith.constant 0 : i32
      %dma_wait3A_485 = tpu.memref_slice %arg8[%dma_wait3A_484] : memref<10240xf32, #tpu.memory_space<vmem_shared>> -> memref<10240xf32, #tpu.memory_space<vmem_shared>>
      tpu.wait_indirect_dma semaphore(%arg14 : memref<!tpu.dma_semaphore, #tpu.memory_space<semaphore_mem>>) src(%arg6 : memref<96xf32, #tpu.memory_space<vmem>>) dst(%dma_wait3A_485 : memref<10240xf32, #tpu.memory_space<vmem_shared>>)
      %dma_wait3A_486 = arith.constant 0 : i32
      %dma_wait3A_487 = arith.constant 2 : i32
      %dma_wait3A_488 = arith.constant 0 : i32
      %dma_wait3A_489 = tpu.memref_slice %arg5[%dma_wait3A_486, %dma_wait3A_487, %dma_wait3A_488] : memref<2x6x96xi32, #tpu.memory_space<vmem>> -> memref<1x1x96xi32, #tpu.memory_space<vmem>>
      %dma_wait3A_490 = tpu.memref_squeeze %dma_wait3A_489 : memref<1x1x96xi32, #tpu.memory_space<vmem>> -> memref<96xi32, #tpu.memory_space<vmem>>
      %dma_wait3A_491 = arith.constant 0 : i32
      %dma_wait3A_492 = tpu.memref_slice %arg9[%dma_wait3A_491] : memref<10240xf32, #tpu.memory_space<vmem_shared>> -> memref<10240xf32, #tpu.memory_space<vmem_shared>>
      tpu.wait_indirect_dma semaphore(%arg14 : memref<!tpu.dma_semaphore, #tpu.memory_space<semaphore_mem>>) src(%arg6 : memref<96xf32, #tpu.memory_space<vmem>>) dst(%dma_wait3A_492 : memref<10240xf32, #tpu.memory_space<vmem_shared>>)
      %dma_wait3A_493 = arith.constant 0 : i32
      %dma_wait3A_494 = arith.constant 3 : i32
      %dma_wait3A_495 = arith.constant 0 : i32
      %dma_wait3A_496 = tpu.memref_slice %arg4[%dma_wait3A_493, %dma_wait3A_494, %dma_wait3A_495] : memref<2x6x96xi32, #tpu.memory_space<vmem>> -> memref<1x1x96xi32, #tpu.memory_space<vmem>>
      %dma_wait3A_497 = tpu.memref_squeeze %dma_wait3A_496 : memref<1x1x96xi32, #tpu.memory_space<vmem>> -> memref<96xi32, #tpu.memory_space<vmem>>
      %dma_wait3A_498 = arith.constant 0 : i32
      %dma_wait3A_499 = tpu.memref_slice %arg8[%dma_wait3A_498] : memref<10240xf32, #tpu.memory_space<vmem_shared>> -> memref<10240xf32, #tpu.memory_space<vmem_shared>>
      tpu.wait_indirect_dma semaphore(%arg14 : memref<!tpu.dma_semaphore, #tpu.memory_space<semaphore_mem>>) src(%arg6 : memref<96xf32, #tpu.memory_space<vmem>>) dst(%dma_wait3A_499 : memref<10240xf32, #tpu.memory_space<vmem_shared>>)
      %dma_wait3A_500 = arith.constant 0 : i32
      %dma_wait3A_501 = arith.constant 3 : i32
      %dma_wait3A_502 = arith.constant 0 : i32
      %dma_wait3A_503 = tpu.memref_slice %arg5[%dma_wait3A_500, %dma_wait3A_501, %dma_wait3A_502] : memref<2x6x96xi32, #tpu.memory_space<vmem>> -> memref<1x1x96xi32, #tpu.memory_space<vmem>>
      %dma_wait3A_504 = tpu.memref_squeeze %dma_wait3A_503 : memref<1x1x96xi32, #tpu.memory_space<vmem>> -> memref<96xi32, #tpu.memory_space<vmem>>
      %dma_wait3A_505 = arith.constant 0 : i32
      %dma_wait3A_506 = tpu.memref_slice %arg9[%dma_wait3A_505] : memref<10240xf32, #tpu.memory_space<vmem_shared>> -> memref<10240xf32, #tpu.memory_space<vmem_shared>>
      tpu.wait_indirect_dma semaphore(%arg14 : memref<!tpu.dma_semaphore, #tpu.memory_space<semaphore_mem>>) src(%arg6 : memref<96xf32, #tpu.memory_space<vmem>>) dst(%dma_wait3A_506 : memref<10240xf32, #tpu.memory_space<vmem_shared>>)
      %dma_wait3A_507 = arith.constant 0 : i32
      %dma_wait3A_508 = arith.constant 4 : i32
      %dma_wait3A_509 = arith.constant 0 : i32
      %dma_wait3A_510 = tpu.memref_slice %arg4[%dma_wait3A_507, %dma_wait3A_508, %dma_wait3A_509] : memref<2x6x96xi32, #tpu.memory_space<vmem>> -> memref<1x1x96xi32, #tpu.memory_space<vmem>>
      %dma_wait3A_511 = tpu.memref_squeeze %dma_wait3A_510 : memref<1x1x96xi32, #tpu.memory_space<vmem>> -> memref<96xi32, #tpu.memory_space<vmem>>
      %dma_wait3A_512 = arith.constant 0 : i32
      %dma_wait3A_513 = tpu.memref_slice %arg8[%dma_wait3A_512] : memref<10240xf32, #tpu.memory_space<vmem_shared>> -> memref<10240xf32, #tpu.memory_space<vmem_shared>>
      tpu.wait_indirect_dma semaphore(%arg14 : memref<!tpu.dma_semaphore, #tpu.memory_space<semaphore_mem>>) src(%arg6 : memref<96xf32, #tpu.memory_space<vmem>>) dst(%dma_wait3A_513 : memref<10240xf32, #tpu.memory_space<vmem_shared>>)
      %dma_wait3A_514 = arith.constant 0 : i32
      %dma_wait3A_515 = arith.constant 4 : i32
      %dma_wait3A_516 = arith.constant 0 : i32
      %dma_wait3A_517 = tpu.memref_slice %arg5[%dma_wait3A_514, %dma_wait3A_515, %dma_wait3A_516] : memref<2x6x96xi32, #tpu.memory_space<vmem>> -> memref<1x1x96xi32, #tpu.memory_space<vmem>>
      %dma_wait3A_518 = tpu.memref_squeeze %dma_wait3A_517 : memref<1x1x96xi32, #tpu.memory_space<vmem>> -> memref<96xi32, #tpu.memory_space<vmem>>
      %dma_wait3A_519 = arith.constant 0 : i32
      %dma_wait3A_520 = tpu.memref_slice %arg9[%dma_wait3A_519] : memref<10240xf32, #tpu.memory_space<vmem_shared>> -> memref<10240xf32, #tpu.memory_space<vmem_shared>>
      tpu.wait_indirect_dma semaphore(%arg14 : memref<!tpu.dma_semaphore, #tpu.memory_space<semaphore_mem>>) src(%arg6 : memref<96xf32, #tpu.memory_space<vmem>>) dst(%dma_wait3A_520 : memref<10240xf32, #tpu.memory_space<vmem_shared>>)
      %dma_wait3A_521 = arith.constant 0 : i32
      %dma_wait3A_522 = arith.constant 5 : i32
      %dma_wait3A_523 = arith.constant 0 : i32
      %dma_wait3A_524 = tpu.memref_slice %arg4[%dma_wait3A_521, %dma_wait3A_522, %dma_wait3A_523] : memref<2x6x96xi32, #tpu.memory_space<vmem>> -> memref<1x1x96xi32, #tpu.memory_space<vmem>>
      %dma_wait3A_525 = tpu.memref_squeeze %dma_wait3A_524 : memref<1x1x96xi32, #tpu.memory_space<vmem>> -> memref<96xi32, #tpu.memory_space<vmem>>
      %dma_wait3A_526 = arith.constant 0 : i32
      %dma_wait3A_527 = tpu.memref_slice %arg8[%dma_wait3A_526] : memref<10240xf32, #tpu.memory_space<vmem_shared>> -> memref<10240xf32, #tpu.memory_space<vmem_shared>>
      tpu.wait_indirect_dma semaphore(%arg14 : memref<!tpu.dma_semaphore, #tpu.memory_space<semaphore_mem>>) src(%arg6 : memref<96xf32, #tpu.memory_space<vmem>>) dst(%dma_wait3A_527 : memref<10240xf32, #tpu.memory_space<vmem_shared>>)
      %dma_wait3A_528 = arith.constant 0 : i32
      %dma_wait3A_529 = arith.constant 5 : i32
      %dma_wait3A_530 = arith.constant 0 : i32
      %dma_wait3A_531 = tpu.memref_slice %arg5[%dma_wait3A_528, %dma_wait3A_529, %dma_wait3A_530] : memref<2x6x96xi32, #tpu.memory_space<vmem>> -> memref<1x1x96xi32, #tpu.memory_space<vmem>>
      %dma_wait3A_532 = tpu.memref_squeeze %dma_wait3A_531 : memref<1x1x96xi32, #tpu.memory_space<vmem>> -> memref<96xi32, #tpu.memory_space<vmem>>
      %dma_wait3A_533 = arith.constant 0 : i32
      %dma_wait3A_534 = tpu.memref_slice %arg9[%dma_wait3A_533] : memref<10240xf32, #tpu.memory_space<vmem_shared>> -> memref<10240xf32, #tpu.memory_space<vmem_shared>>
      tpu.wait_indirect_dma semaphore(%arg14 : memref<!tpu.dma_semaphore, #tpu.memory_space<semaphore_mem>>) src(%arg6 : memref<96xf32, #tpu.memory_space<vmem>>) dst(%dma_wait3A_534 : memref<10240xf32, #tpu.memory_space<vmem_shared>>)
      %mul3A_535 = arith.constant 2 : i32
      %mul3A_536 = arith.muli %scan3A_321, %mul3A_535 : i32
      %add3A_537 = arith.constant 1 : i32
      %add3A_538 = arith.addi %mul3A_536, %add3A_537 : i32
      %dma_wait3A_539 = arith.constant 0 : i32
      %dma_wait3A_540 = arith.constant 0 : i32
      %dma_wait3A_541 = arith.constant 1 : i32
      %dma_wait3A_542 = arith.constant 0 : i32
      %dma_wait3A_543 = arith.constant 0 : i32
      %dma_wait3A_544 = tpu.memref_slice %arg4[%dma_wait3A_541, %dma_wait3A_542, %dma_wait3A_543] : memref<2x6x96xi32, #tpu.memory_space<vmem>> -> memref<1x6x96xi32, #tpu.memory_space<vmem>>
      %dma_wait3A_545 = tpu.memref_squeeze %dma_wait3A_544 : memref<1x6x96xi32, #tpu.memory_space<vmem>> -> memref<6x96xi32, #tpu.memory_space<vmem>>
      %dma_wait3A_546 = arith.constant 0 : i32
      %dma_wait3A_547 = arith.constant 0 : i32
      %dma_wait3A_548 = tpu.memref_slice %arg2[%dma_wait3A_539, %add3A, %dma_wait3A_540, %dma_wait3A_546, %dma_wait3A_547] : memref<2x32x18x6x96xi32, #tpu.memory_space<hbm>> -> memref<1x1x1x6x96xi32, #tpu.memory_space<hbm>>
      %dma_wait3A_549 = tpu.memref_squeeze %dma_wait3A_548 : memref<1x1x1x6x96xi32, #tpu.memory_space<hbm>> -> memref<6x96xi32, #tpu.memory_space<hbm>>
      %dma_wait3A_550 = arith.constant 0 : i32
      %dma_wait3A_551 = arith.constant 0 : i32
      %dma_wait3A_552 = tpu.memref_slice %arg4[%dma_wait3A_541, %dma_wait3A_550, %dma_wait3A_551] : memref<2x6x96xi32, #tpu.memory_space<vmem>> -> memref<1x6x96xi32, #tpu.memory_space<vmem>>
      %dma_wait3A_553 = tpu.memref_squeeze %dma_wait3A_552 : memref<1x6x96xi32, #tpu.memory_space<vmem>> -> memref<6x96xi32, #tpu.memory_space<vmem>>
      %dma_wait3A_554 = arith.constant 0 : i32
      %dma_wait3A_555 = arith.constant 0 : i32
      %dma_wait3A_556 = tpu.memref_slice %arg2[%dma_wait3A_539, %add3A, %dma_wait3A_540, %dma_wait3A_554, %dma_wait3A_555] : memref<2x32x18x6x96xi32, #tpu.memory_space<hbm>> -> memref<1x1x1x6x96xi32, #tpu.memory_space<hbm>>
      %dma_wait3A_557 = tpu.memref_squeeze %dma_wait3A_556 : memref<1x1x1x6x96xi32, #tpu.memory_space<hbm>> -> memref<6x96xi32, #tpu.memory_space<hbm>>
      tpu.wait_dma2 semaphore(%arg11 : memref<!tpu.dma_semaphore, #tpu.memory_space<semaphore_mem>>) src(%dma_wait3A_557 : memref<6x96xi32, #tpu.memory_space<hbm>>) dst(%dma_wait3A_553 : memref<6x96xi32, #tpu.memory_space<vmem>>)
      %dma_wait3A_558 = arith.constant 1 : i32
      %dma_wait3A_559 = arith.constant 0 : i32
      %dma_wait3A_560 = arith.constant 1 : i32
      %dma_wait3A_561 = arith.constant 0 : i32
      %dma_wait3A_562 = arith.constant 0 : i32
      %dma_wait3A_563 = tpu.memref_slice %arg5[%dma_wait3A_560, %dma_wait3A_561, %dma_wait3A_562] : memref<2x6x96xi32, #tpu.memory_space<vmem>> -> memref<1x6x96xi32, #tpu.memory_space<vmem>>
      %dma_wait3A_564 = tpu.memref_squeeze %dma_wait3A_563 : memref<1x6x96xi32, #tpu.memory_space<vmem>> -> memref<6x96xi32, #tpu.memory_space<vmem>>
      %dma_wait3A_565 = arith.constant 0 : i32
      %dma_wait3A_566 = arith.constant 0 : i32
      %dma_wait3A_567 = tpu.memref_slice %arg2[%dma_wait3A_558, %add3A, %dma_wait3A_559, %dma_wait3A_565, %dma_wait3A_566] : memref<2x32x18x6x96xi32, #tpu.memory_space<hbm>> -> memref<1x1x1x6x96xi32, #tpu.memory_space<hbm>>
      %dma_wait3A_568 = tpu.memref_squeeze %dma_wait3A_567 : memref<1x1x1x6x96xi32, #tpu.memory_space<hbm>> -> memref<6x96xi32, #tpu.memory_space<hbm>>
      %dma_wait3A_569 = arith.constant 0 : i32
      %dma_wait3A_570 = arith.constant 0 : i32
      %dma_wait3A_571 = tpu.memref_slice %arg5[%dma_wait3A_560, %dma_wait3A_569, %dma_wait3A_570] : memref<2x6x96xi32, #tpu.memory_space<vmem>> -> memref<1x6x96xi32, #tpu.memory_space<vmem>>
      %dma_wait3A_572 = tpu.memref_squeeze %dma_wait3A_571 : memref<1x6x96xi32, #tpu.memory_space<vmem>> -> memref<6x96xi32, #tpu.memory_space<vmem>>
      %dma_wait3A_573 = arith.constant 0 : i32
      %dma_wait3A_574 = arith.constant 0 : i32
      %dma_wait3A_575 = tpu.memref_slice %arg2[%dma_wait3A_558, %add3A, %dma_wait3A_559, %dma_wait3A_573, %dma_wait3A_574] : memref<2x32x18x6x96xi32, #tpu.memory_space<hbm>> -> memref<1x1x1x6x96xi32, #tpu.memory_space<hbm>>
      %dma_wait3A_576 = tpu.memref_squeeze %dma_wait3A_575 : memref<1x1x1x6x96xi32, #tpu.memory_space<hbm>> -> memref<6x96xi32, #tpu.memory_space<hbm>>
      tpu.wait_dma2 semaphore(%arg13 : memref<!tpu.dma_semaphore, #tpu.memory_space<semaphore_mem>>) src(%dma_wait3A_576 : memref<6x96xi32, #tpu.memory_space<hbm>>) dst(%dma_wait3A_572 : memref<6x96xi32, #tpu.memory_space<vmem>>)
      %dma_start3A_577 = arith.constant 1 : i32
      %dma_start3A_578 = arith.constant 0 : i32
      %dma_start3A_579 = arith.constant 0 : i32
      %dma_start3A_580 = tpu.memref_slice %arg4[%dma_start3A_577, %dma_start3A_578, %dma_start3A_579] : memref<2x6x96xi32, #tpu.memory_space<vmem>> -> memref<1x1x96xi32, #tpu.memory_space<vmem>>
      %dma_start3A_581 = tpu.memref_squeeze %dma_start3A_580 : memref<1x1x96xi32, #tpu.memory_space<vmem>> -> memref<96xi32, #tpu.memory_space<vmem>>
      %dma_start3A_582 = arith.constant 0 : i32
      %dma_start3A_583 = tpu.memref_slice %arg8[%dma_start3A_582] : memref<10240xf32, #tpu.memory_space<vmem_shared>> -> memref<10240xf32, #tpu.memory_space<vmem_shared>>
      tpu.enqueue_indirect_dma source(%arg6 : memref<96xf32, #tpu.memory_space<vmem>>) target(%dma_start3A_583 : memref<10240xf32, #tpu.memory_space<vmem_shared>>) offsets(%dma_start3A_581 : memref<96xi32, #tpu.memory_space<vmem>>) semaphore(%arg14 : memref<!tpu.dma_semaphore, #tpu.memory_space<semaphore_mem>>) {add = true}
      %dma_start3A_584 = arith.constant 1 : i32
      %dma_start3A_585 = arith.constant 0 : i32
      %dma_start3A_586 = arith.constant 0 : i32
      %dma_start3A_587 = tpu.memref_slice %arg5[%dma_start3A_584, %dma_start3A_585, %dma_start3A_586] : memref<2x6x96xi32, #tpu.memory_space<vmem>> -> memref<1x1x96xi32, #tpu.memory_space<vmem>>
      %dma_start3A_588 = tpu.memref_squeeze %dma_start3A_587 : memref<1x1x96xi32, #tpu.memory_space<vmem>> -> memref<96xi32, #tpu.memory_space<vmem>>
      %dma_start3A_589 = arith.constant 0 : i32
      %dma_start3A_590 = tpu.memref_slice %arg9[%dma_start3A_589] : memref<10240xf32, #tpu.memory_space<vmem_shared>> -> memref<10240xf32, #tpu.memory_space<vmem_shared>>
      tpu.enqueue_indirect_dma source(%arg6 : memref<96xf32, #tpu.memory_space<vmem>>) target(%dma_start3A_590 : memref<10240xf32, #tpu.memory_space<vmem_shared>>) offsets(%dma_start3A_588 : memref<96xi32, #tpu.memory_space<vmem>>) semaphore(%arg14 : memref<!tpu.dma_semaphore, #tpu.memory_space<semaphore_mem>>) {add = true}
      %dma_start3A_591 = arith.constant 1 : i32
      %dma_start3A_592 = arith.constant 1 : i32
      %dma_start3A_593 = arith.constant 0 : i32
      %dma_start3A_594 = tpu.memref_slice %arg4[%dma_start3A_591, %dma_start3A_592, %dma_start3A_593] : memref<2x6x96xi32, #tpu.memory_space<vmem>> -> memref<1x1x96xi32, #tpu.memory_space<vmem>>
      %dma_start3A_595 = tpu.memref_squeeze %dma_start3A_594 : memref<1x1x96xi32, #tpu.memory_space<vmem>> -> memref<96xi32, #tpu.memory_space<vmem>>
      %dma_start3A_596 = arith.constant 0 : i32
      %dma_start3A_597 = tpu.memref_slice %arg8[%dma_start3A_596] : memref<10240xf32, #tpu.memory_space<vmem_shared>> -> memref<10240xf32, #tpu.memory_space<vmem_shared>>
      tpu.enqueue_indirect_dma source(%arg6 : memref<96xf32, #tpu.memory_space<vmem>>) target(%dma_start3A_597 : memref<10240xf32, #tpu.memory_space<vmem_shared>>) offsets(%dma_start3A_595 : memref<96xi32, #tpu.memory_space<vmem>>) semaphore(%arg14 : memref<!tpu.dma_semaphore, #tpu.memory_space<semaphore_mem>>) {add = true}
      %dma_start3A_598 = arith.constant 1 : i32
      %dma_start3A_599 = arith.constant 1 : i32
      %dma_start3A_600 = arith.constant 0 : i32
      %dma_start3A_601 = tpu.memref_slice %arg5[%dma_start3A_598, %dma_start3A_599, %dma_start3A_600] : memref<2x6x96xi32, #tpu.memory_space<vmem>> -> memref<1x1x96xi32, #tpu.memory_space<vmem>>
      %dma_start3A_602 = tpu.memref_squeeze %dma_start3A_601 : memref<1x1x96xi32, #tpu.memory_space<vmem>> -> memref<96xi32, #tpu.memory_space<vmem>>
      %dma_start3A_603 = arith.constant 0 : i32
      %dma_start3A_604 = tpu.memref_slice %arg9[%dma_start3A_603] : memref<10240xf32, #tpu.memory_space<vmem_shared>> -> memref<10240xf32, #tpu.memory_space<vmem_shared>>
      tpu.enqueue_indirect_dma source(%arg6 : memref<96xf32, #tpu.memory_space<vmem>>) target(%dma_start3A_604 : memref<10240xf32, #tpu.memory_space<vmem_shared>>) offsets(%dma_start3A_602 : memref<96xi32, #tpu.memory_space<vmem>>) semaphore(%arg14 : memref<!tpu.dma_semaphore, #tpu.memory_space<semaphore_mem>>) {add = true}
      %dma_start3A_605 = arith.constant 1 : i32
      %dma_start3A_606 = arith.constant 2 : i32
      %dma_start3A_607 = arith.constant 0 : i32
      %dma_start3A_608 = tpu.memref_slice %arg4[%dma_start3A_605, %dma_start3A_606, %dma_start3A_607] : memref<2x6x96xi32, #tpu.memory_space<vmem>> -> memref<1x1x96xi32, #tpu.memory_space<vmem>>
      %dma_start3A_609 = tpu.memref_squeeze %dma_start3A_608 : memref<1x1x96xi32, #tpu.memory_space<vmem>> -> memref<96xi32, #tpu.memory_space<vmem>>
      %dma_start3A_610 = arith.constant 0 : i32
      %dma_start3A_611 = tpu.memref_slice %arg8[%dma_start3A_610] : memref<10240xf32, #tpu.memory_space<vmem_shared>> -> memref<10240xf32, #tpu.memory_space<vmem_shared>>
      tpu.enqueue_indirect_dma source(%arg6 : memref<96xf32, #tpu.memory_space<vmem>>) target(%dma_start3A_611 : memref<10240xf32, #tpu.memory_space<vmem_shared>>) offsets(%dma_start3A_609 : memref<96xi32, #tpu.memory_space<vmem>>) semaphore(%arg14 : memref<!tpu.dma_semaphore, #tpu.memory_space<semaphore_mem>>) {add = true}
      %dma_start3A_612 = arith.constant 1 : i32
      %dma_start3A_613 = arith.constant 2 : i32
      %dma_start3A_614 = arith.constant 0 : i32
      %dma_start3A_615 = tpu.memref_slice %arg5[%dma_start3A_612, %dma_start3A_613, %dma_start3A_614] : memref<2x6x96xi32, #tpu.memory_space<vmem>> -> memref<1x1x96xi32, #tpu.memory_space<vmem>>
      %dma_start3A_616 = tpu.memref_squeeze %dma_start3A_615 : memref<1x1x96xi32, #tpu.memory_space<vmem>> -> memref<96xi32, #tpu.memory_space<vmem>>
      %dma_start3A_617 = arith.constant 0 : i32
      %dma_start3A_618 = tpu.memref_slice %arg9[%dma_start3A_617] : memref<10240xf32, #tpu.memory_space<vmem_shared>> -> memref<10240xf32, #tpu.memory_space<vmem_shared>>
      tpu.enqueue_indirect_dma source(%arg6 : memref<96xf32, #tpu.memory_space<vmem>>) target(%dma_start3A_618 : memref<10240xf32, #tpu.memory_space<vmem_shared>>) offsets(%dma_start3A_616 : memref<96xi32, #tpu.memory_space<vmem>>) semaphore(%arg14 : memref<!tpu.dma_semaphore, #tpu.memory_space<semaphore_mem>>) {add = true}
      %dma_start3A_619 = arith.constant 1 : i32
      %dma_start3A_620 = arith.constant 3 : i32
      %dma_start3A_621 = arith.constant 0 : i32
      %dma_start3A_622 = tpu.memref_slice %arg4[%dma_start3A_619, %dma_start3A_620, %dma_start3A_621] : memref<2x6x96xi32, #tpu.memory_space<vmem>> -> memref<1x1x96xi32, #tpu.memory_space<vmem>>
      %dma_start3A_623 = tpu.memref_squeeze %dma_start3A_622 : memref<1x1x96xi32, #tpu.memory_space<vmem>> -> memref<96xi32, #tpu.memory_space<vmem>>
      %dma_start3A_624 = arith.constant 0 : i32
      %dma_start3A_625 = tpu.memref_slice %arg8[%dma_start3A_624] : memref<10240xf32, #tpu.memory_space<vmem_shared>> -> memref<10240xf32, #tpu.memory_space<vmem_shared>>
      tpu.enqueue_indirect_dma source(%arg6 : memref<96xf32, #tpu.memory_space<vmem>>) target(%dma_start3A_625 : memref<10240xf32, #tpu.memory_space<vmem_shared>>) offsets(%dma_start3A_623 : memref<96xi32, #tpu.memory_space<vmem>>) semaphore(%arg14 : memref<!tpu.dma_semaphore, #tpu.memory_space<semaphore_mem>>) {add = true}
      %dma_start3A_626 = arith.constant 1 : i32
      %dma_start3A_627 = arith.constant 3 : i32
      %dma_start3A_628 = arith.constant 0 : i32
      %dma_start3A_629 = tpu.memref_slice %arg5[%dma_start3A_626, %dma_start3A_627, %dma_start3A_628] : memref<2x6x96xi32, #tpu.memory_space<vmem>> -> memref<1x1x96xi32, #tpu.memory_space<vmem>>
      %dma_start3A_630 = tpu.memref_squeeze %dma_start3A_629 : memref<1x1x96xi32, #tpu.memory_space<vmem>> -> memref<96xi32, #tpu.memory_space<vmem>>
      %dma_start3A_631 = arith.constant 0 : i32
      %dma_start3A_632 = tpu.memref_slice %arg9[%dma_start3A_631] : memref<10240xf32, #tpu.memory_space<vmem_shared>> -> memref<10240xf32, #tpu.memory_space<vmem_shared>>
      tpu.enqueue_indirect_dma source(%arg6 : memref<96xf32, #tpu.memory_space<vmem>>) target(%dma_start3A_632 : memref<10240xf32, #tpu.memory_space<vmem_shared>>) offsets(%dma_start3A_630 : memref<96xi32, #tpu.memory_space<vmem>>) semaphore(%arg14 : memref<!tpu.dma_semaphore, #tpu.memory_space<semaphore_mem>>) {add = true}
      %dma_start3A_633 = arith.constant 1 : i32
      %dma_start3A_634 = arith.constant 4 : i32
      %dma_start3A_635 = arith.constant 0 : i32
      %dma_start3A_636 = tpu.memref_slice %arg4[%dma_start3A_633, %dma_start3A_634, %dma_start3A_635] : memref<2x6x96xi32, #tpu.memory_space<vmem>> -> memref<1x1x96xi32, #tpu.memory_space<vmem>>
      %dma_start3A_637 = tpu.memref_squeeze %dma_start3A_636 : memref<1x1x96xi32, #tpu.memory_space<vmem>> -> memref<96xi32, #tpu.memory_space<vmem>>
      %dma_start3A_638 = arith.constant 0 : i32
      %dma_start3A_639 = tpu.memref_slice %arg8[%dma_start3A_638] : memref<10240xf32, #tpu.memory_space<vmem_shared>> -> memref<10240xf32, #tpu.memory_space<vmem_shared>>
      tpu.enqueue_indirect_dma source(%arg6 : memref<96xf32, #tpu.memory_space<vmem>>) target(%dma_start3A_639 : memref<10240xf32, #tpu.memory_space<vmem_shared>>) offsets(%dma_start3A_637 : memref<96xi32, #tpu.memory_space<vmem>>) semaphore(%arg14 : memref<!tpu.dma_semaphore, #tpu.memory_space<semaphore_mem>>) {add = true}
      %dma_start3A_640 = arith.constant 1 : i32
      %dma_start3A_641 = arith.constant 4 : i32
      %dma_start3A_642 = arith.constant 0 : i32
      %dma_start3A_643 = tpu.memref_slice %arg5[%dma_start3A_640, %dma_start3A_641, %dma_start3A_642] : memref<2x6x96xi32, #tpu.memory_space<vmem>> -> memref<1x1x96xi32, #tpu.memory_space<vmem>>
      %dma_start3A_644 = tpu.memref_squeeze %dma_start3A_643 : memref<1x1x96xi32, #tpu.memory_space<vmem>> -> memref<96xi32, #tpu.memory_space<vmem>>
      %dma_start3A_645 = arith.constant 0 : i32
      %dma_start3A_646 = tpu.memref_slice %arg9[%dma_start3A_645] : memref<10240xf32, #tpu.memory_space<vmem_shared>> -> memref<10240xf32, #tpu.memory_space<vmem_shared>>
      tpu.enqueue_indirect_dma source(%arg6 : memref<96xf32, #tpu.memory_space<vmem>>) target(%dma_start3A_646 : memref<10240xf32, #tpu.memory_space<vmem_shared>>) offsets(%dma_start3A_644 : memref<96xi32, #tpu.memory_space<vmem>>) semaphore(%arg14 : memref<!tpu.dma_semaphore, #tpu.memory_space<semaphore_mem>>) {add = true}
      %dma_start3A_647 = arith.constant 1 : i32
      %dma_start3A_648 = arith.constant 5 : i32
      %dma_start3A_649 = arith.constant 0 : i32
      %dma_start3A_650 = tpu.memref_slice %arg4[%dma_start3A_647, %dma_start3A_648, %dma_start3A_649] : memref<2x6x96xi32, #tpu.memory_space<vmem>> -> memref<1x1x96xi32, #tpu.memory_space<vmem>>
      %dma_start3A_651 = tpu.memref_squeeze %dma_start3A_650 : memref<1x1x96xi32, #tpu.memory_space<vmem>> -> memref<96xi32, #tpu.memory_space<vmem>>
      %dma_start3A_652 = arith.constant 0 : i32
      %dma_start3A_653 = tpu.memref_slice %arg8[%dma_start3A_652] : memref<10240xf32, #tpu.memory_space<vmem_shared>> -> memref<10240xf32, #tpu.memory_space<vmem_shared>>
      tpu.enqueue_indirect_dma source(%arg6 : memref<96xf32, #tpu.memory_space<vmem>>) target(%dma_start3A_653 : memref<10240xf32, #tpu.memory_space<vmem_shared>>) offsets(%dma_start3A_651 : memref<96xi32, #tpu.memory_space<vmem>>) semaphore(%arg14 : memref<!tpu.dma_semaphore, #tpu.memory_space<semaphore_mem>>) {add = true}
      %dma_start3A_654 = arith.constant 1 : i32
      %dma_start3A_655 = arith.constant 5 : i32
      %dma_start3A_656 = arith.constant 0 : i32
      %dma_start3A_657 = tpu.memref_slice %arg5[%dma_start3A_654, %dma_start3A_655, %dma_start3A_656] : memref<2x6x96xi32, #tpu.memory_space<vmem>> -> memref<1x1x96xi32, #tpu.memory_space<vmem>>
      %dma_start3A_658 = tpu.memref_squeeze %dma_start3A_657 : memref<1x1x96xi32, #tpu.memory_space<vmem>> -> memref<96xi32, #tpu.memory_space<vmem>>
      %dma_start3A_659 = arith.constant 0 : i32
      %dma_start3A_660 = tpu.memref_slice %arg9[%dma_start3A_659] : memref<10240xf32, #tpu.memory_space<vmem_shared>> -> memref<10240xf32, #tpu.memory_space<vmem_shared>>
      tpu.enqueue_indirect_dma source(%arg6 : memref<96xf32, #tpu.memory_space<vmem>>) target(%dma_start3A_660 : memref<10240xf32, #tpu.memory_space<vmem_shared>>) offsets(%dma_start3A_658 : memref<96xi32, #tpu.memory_space<vmem>>) semaphore(%arg14 : memref<!tpu.dma_semaphore, #tpu.memory_space<semaphore_mem>>) {add = true}
      %add3A_661 = arith.constant 1 : i32
      %add3A_662 = arith.addi %add3A_538, %add3A_661 : i32
      %lt3A_663 = arith.constant 18 : i32
      %lt3A_664 = arith.cmpi slt, %add3A_662, %lt3A_663 : i32
      %convert_element_type3A_665 = arith.extui %lt3A_664 : i1 to i32
      %cond3A_666 = arith.constant 0 : i32
      %cond3A_667 = arith.cmpi ne, %convert_element_type3A_665, %cond3A_666 : i32
      scf.if %cond3A_667 {
        %add3A_752 = arith.constant 1 : i32
        %add3A_753 = arith.addi %add3A_538, %add3A_752 : i32
        %dma_start3A_754 = arith.constant 0 : i32
        %dma_start3A_755 = arith.constant 0 : i32
        %dma_start3A_756 = arith.constant 0 : i32
        %dma_start3A_757 = arith.constant 0 : i32
        %dma_start3A_758 = tpu.memref_slice %arg4[%dma_start3A_755, %dma_start3A_756, %dma_start3A_757] : memref<2x6x96xi32, #tpu.memory_space<vmem>> -> memref<1x6x96xi32, #tpu.memory_space<vmem>>
        %dma_start3A_759 = tpu.memref_squeeze %dma_start3A_758 : memref<1x6x96xi32, #tpu.memory_space<vmem>> -> memref<6x96xi32, #tpu.memory_space<vmem>>
        %dma_start3A_760 = arith.constant 0 : i32
        %dma_start3A_761 = arith.constant 0 : i32
        %dma_start3A_762 = tpu.memref_slice %arg2[%dma_start3A_754, %add3A, %add3A_753, %dma_start3A_760, %dma_start3A_761] : memref<2x32x18x6x96xi32, #tpu.memory_space<hbm>> -> memref<1x1x1x6x96xi32, #tpu.memory_space<hbm>>
        %dma_start3A_763 = tpu.memref_squeeze %dma_start3A_762 : memref<1x1x1x6x96xi32, #tpu.memory_space<hbm>> -> memref<6x96xi32, #tpu.memory_space<hbm>>
        %dma_start3A_764 = arith.constant 0 : i32
        %dma_start3A_765 = arith.constant 0 : i32
        %dma_start3A_766 = tpu.memref_slice %arg4[%dma_start3A_755, %dma_start3A_764, %dma_start3A_765] : memref<2x6x96xi32, #tpu.memory_space<vmem>> -> memref<1x6x96xi32, #tpu.memory_space<vmem>>
        %dma_start3A_767 = tpu.memref_squeeze %dma_start3A_766 : memref<1x6x96xi32, #tpu.memory_space<vmem>> -> memref<6x96xi32, #tpu.memory_space<vmem>>
        %dma_start3A_768 = arith.constant 0 : i32
        %dma_start3A_769 = arith.constant 0 : i32
        %dma_start3A_770 = tpu.memref_slice %arg2[%dma_start3A_754, %add3A, %add3A_753, %dma_start3A_768, %dma_start3A_769] : memref<2x32x18x6x96xi32, #tpu.memory_space<hbm>> -> memref<1x1x1x6x96xi32, #tpu.memory_space<hbm>>
        %dma_start3A_771 = tpu.memref_squeeze %dma_start3A_770 : memref<1x1x1x6x96xi32, #tpu.memory_space<hbm>> -> memref<6x96xi32, #tpu.memory_space<hbm>>
        tpu.enqueue_dma source(%dma_start3A_771 : memref<6x96xi32, #tpu.memory_space<hbm>>) target(%dma_start3A_767 : memref<6x96xi32, #tpu.memory_space<vmem>>) target_semaphore(%arg10 : memref<!tpu.dma_semaphore, #tpu.memory_space<semaphore_mem>>)
        %add3A_772 = arith.constant 1 : i32
        %add3A_773 = arith.addi %add3A_538, %add3A_772 : i32
        %dma_start3A_774 = arith.constant 1 : i32
        %dma_start3A_775 = arith.constant 0 : i32
        %dma_start3A_776 = arith.constant 0 : i32
        %dma_start3A_777 = arith.constant 0 : i32
        %dma_start3A_778 = tpu.memref_slice %arg5[%dma_start3A_775, %dma_start3A_776, %dma_start3A_777] : memref<2x6x96xi32, #tpu.memory_space<vmem>> -> memref<1x6x96xi32, #tpu.memory_space<vmem>>
        %dma_start3A_779 = tpu.memref_squeeze %dma_start3A_778 : memref<1x6x96xi32, #tpu.memory_space<vmem>> -> memref<6x96xi32, #tpu.memory_space<vmem>>
        %dma_start3A_780 = arith.constant 0 : i32
        %dma_start3A_781 = arith.constant 0 : i32
        %dma_start3A_782 = tpu.memref_slice %arg2[%dma_start3A_774, %add3A, %add3A_773, %dma_start3A_780, %dma_start3A_781] : memref<2x32x18x6x96xi32, #tpu.memory_space<hbm>> -> memref<1x1x1x6x96xi32, #tpu.memory_space<hbm>>
        %dma_start3A_783 = tpu.memref_squeeze %dma_start3A_782 : memref<1x1x1x6x96xi32, #tpu.memory_space<hbm>> -> memref<6x96xi32, #tpu.memory_space<hbm>>
        %dma_start3A_784 = arith.constant 0 : i32
        %dma_start3A_785 = arith.constant 0 : i32
        %dma_start3A_786 = tpu.memref_slice %arg5[%dma_start3A_775, %dma_start3A_784, %dma_start3A_785] : memref<2x6x96xi32, #tpu.memory_space<vmem>> -> memref<1x6x96xi32, #tpu.memory_space<vmem>>
        %dma_start3A_787 = tpu.memref_squeeze %dma_start3A_786 : memref<1x6x96xi32, #tpu.memory_space<vmem>> -> memref<6x96xi32, #tpu.memory_space<vmem>>
        %dma_start3A_788 = arith.constant 0 : i32
        %dma_start3A_789 = arith.constant 0 : i32
        %dma_start3A_790 = tpu.memref_slice %arg2[%dma_start3A_774, %add3A, %add3A_773, %dma_start3A_788, %dma_start3A_789] : memref<2x32x18x6x96xi32, #tpu.memory_space<hbm>> -> memref<1x1x1x6x96xi32, #tpu.memory_space<hbm>>
        %dma_start3A_791 = tpu.memref_squeeze %dma_start3A_790 : memref<1x1x1x6x96xi32, #tpu.memory_space<hbm>> -> memref<6x96xi32, #tpu.memory_space<hbm>>
        tpu.enqueue_dma source(%dma_start3A_791 : memref<6x96xi32, #tpu.memory_space<hbm>>) target(%dma_start3A_787 : memref<6x96xi32, #tpu.memory_space<vmem>>) target_semaphore(%arg12 : memref<!tpu.dma_semaphore, #tpu.memory_space<semaphore_mem>>)
      } else {
      }
      %dma_wait3A_668 = arith.constant 1 : i32
      %dma_wait3A_669 = arith.constant 0 : i32
      %dma_wait3A_670 = arith.constant 0 : i32
      %dma_wait3A_671 = tpu.memref_slice %arg4[%dma_wait3A_668, %dma_wait3A_669, %dma_wait3A_670] : memref<2x6x96xi32, #tpu.memory_space<vmem>> -> memref<1x1x96xi32, #tpu.memory_space<vmem>>
      %dma_wait3A_672 = tpu.memref_squeeze %dma_wait3A_671 : memref<1x1x96xi32, #tpu.memory_space<vmem>> -> memref<96xi32, #tpu.memory_space<vmem>>
      %dma_wait3A_673 = arith.constant 0 : i32
      %dma_wait3A_674 = tpu.memref_slice %arg8[%dma_wait3A_673] : memref<10240xf32, #tpu.memory_space<vmem_shared>> -> memref<10240xf32, #tpu.memory_space<vmem_shared>>
      tpu.wait_indirect_dma semaphore(%arg14 : memref<!tpu.dma_semaphore, #tpu.memory_space<semaphore_mem>>) src(%arg6 : memref<96xf32, #tpu.memory_space<vmem>>) dst(%dma_wait3A_674 : memref<10240xf32, #tpu.memory_space<vmem_shared>>)
      %dma_wait3A_675 = arith.constant 1 : i32
      %dma_wait3A_676 = arith.constant 0 : i32
      %dma_wait3A_677 = arith.constant 0 : i32
      %dma_wait3A_678 = tpu.memref_slice %arg5[%dma_wait3A_675, %dma_wait3A_676, %dma_wait3A_677] : memref<2x6x96xi32, #tpu.memory_space<vmem>> -> memref<1x1x96xi32, #tpu.memory_space<vmem>>
      %dma_wait3A_679 = tpu.memref_squeeze %dma_wait3A_678 : memref<1x1x96xi32, #tpu.memory_space<vmem>> -> memref<96xi32, #tpu.memory_space<vmem>>
      %dma_wait3A_680 = arith.constant 0 : i32
      %dma_wait3A_681 = tpu.memref_slice %arg9[%dma_wait3A_680] : memref<10240xf32, #tpu.memory_space<vmem_shared>> -> memref<10240xf32, #tpu.memory_space<vmem_shared>>
      tpu.wait_indirect_dma semaphore(%arg14 : memref<!tpu.dma_semaphore, #tpu.memory_space<semaphore_mem>>) src(%arg6 : memref<96xf32, #tpu.memory_space<vmem>>) dst(%dma_wait3A_681 : memref<10240xf32, #tpu.memory_space<vmem_shared>>)
      %dma_wait3A_682 = arith.constant 1 : i32
      %dma_wait3A_683 = arith.constant 1 : i32
      %dma_wait3A_684 = arith.constant 0 : i32
      %dma_wait3A_685 = tpu.memref_slice %arg4[%dma_wait3A_682, %dma_wait3A_683, %dma_wait3A_684] : memref<2x6x96xi32, #tpu.memory_space<vmem>> -> memref<1x1x96xi32, #tpu.memory_space<vmem>>
      %dma_wait3A_686 = tpu.memref_squeeze %dma_wait3A_685 : memref<1x1x96xi32, #tpu.memory_space<vmem>> -> memref<96xi32, #tpu.memory_space<vmem>>
      %dma_wait3A_687 = arith.constant 0 : i32
      %dma_wait3A_688 = tpu.memref_slice %arg8[%dma_wait3A_687] : memref<10240xf32, #tpu.memory_space<vmem_shared>> -> memref<10240xf32, #tpu.memory_space<vmem_shared>>
      tpu.wait_indirect_dma semaphore(%arg14 : memref<!tpu.dma_semaphore, #tpu.memory_space<semaphore_mem>>) src(%arg6 : memref<96xf32, #tpu.memory_space<vmem>>) dst(%dma_wait3A_688 : memref<10240xf32, #tpu.memory_space<vmem_shared>>)
      %dma_wait3A_689 = arith.constant 1 : i32
      %dma_wait3A_690 = arith.constant 1 : i32
      %dma_wait3A_691 = arith.constant 0 : i32
      %dma_wait3A_692 = tpu.memref_slice %arg5[%dma_wait3A_689, %dma_wait3A_690, %dma_wait3A_691] : memref<2x6x96xi32, #tpu.memory_space<vmem>> -> memref<1x1x96xi32, #tpu.memory_space<vmem>>
      %dma_wait3A_693 = tpu.memref_squeeze %dma_wait3A_692 : memref<1x1x96xi32, #tpu.memory_space<vmem>> -> memref<96xi32, #tpu.memory_space<vmem>>
      %dma_wait3A_694 = arith.constant 0 : i32
      %dma_wait3A_695 = tpu.memref_slice %arg9[%dma_wait3A_694] : memref<10240xf32, #tpu.memory_space<vmem_shared>> -> memref<10240xf32, #tpu.memory_space<vmem_shared>>
      tpu.wait_indirect_dma semaphore(%arg14 : memref<!tpu.dma_semaphore, #tpu.memory_space<semaphore_mem>>) src(%arg6 : memref<96xf32, #tpu.memory_space<vmem>>) dst(%dma_wait3A_695 : memref<10240xf32, #tpu.memory_space<vmem_shared>>)
      %dma_wait3A_696 = arith.constant 1 : i32
      %dma_wait3A_697 = arith.constant 2 : i32
      %dma_wait3A_698 = arith.constant 0 : i32
      %dma_wait3A_699 = tpu.memref_slice %arg4[%dma_wait3A_696, %dma_wait3A_697, %dma_wait3A_698] : memref<2x6x96xi32, #tpu.memory_space<vmem>> -> memref<1x1x96xi32, #tpu.memory_space<vmem>>
      %dma_wait3A_700 = tpu.memref_squeeze %dma_wait3A_699 : memref<1x1x96xi32, #tpu.memory_space<vmem>> -> memref<96xi32, #tpu.memory_space<vmem>>
      %dma_wait3A_701 = arith.constant 0 : i32
      %dma_wait3A_702 = tpu.memref_slice %arg8[%dma_wait3A_701] : memref<10240xf32, #tpu.memory_space<vmem_shared>> -> memref<10240xf32, #tpu.memory_space<vmem_shared>>
      tpu.wait_indirect_dma semaphore(%arg14 : memref<!tpu.dma_semaphore, #tpu.memory_space<semaphore_mem>>) src(%arg6 : memref<96xf32, #tpu.memory_space<vmem>>) dst(%dma_wait3A_702 : memref<10240xf32, #tpu.memory_space<vmem_shared>>)
      %dma_wait3A_703 = arith.constant 1 : i32
      %dma_wait3A_704 = arith.constant 2 : i32
      %dma_wait3A_705 = arith.constant 0 : i32
      %dma_wait3A_706 = tpu.memref_slice %arg5[%dma_wait3A_703, %dma_wait3A_704, %dma_wait3A_705] : memref<2x6x96xi32, #tpu.memory_space<vmem>> -> memref<1x1x96xi32, #tpu.memory_space<vmem>>
      %dma_wait3A_707 = tpu.memref_squeeze %dma_wait3A_706 : memref<1x1x96xi32, #tpu.memory_space<vmem>> -> memref<96xi32, #tpu.memory_space<vmem>>
      %dma_wait3A_708 = arith.constant 0 : i32
      %dma_wait3A_709 = tpu.memref_slice %arg9[%dma_wait3A_708] : memref<10240xf32, #tpu.memory_space<vmem_shared>> -> memref<10240xf32, #tpu.memory_space<vmem_shared>>
      tpu.wait_indirect_dma semaphore(%arg14 : memref<!tpu.dma_semaphore, #tpu.memory_space<semaphore_mem>>) src(%arg6 : memref<96xf32, #tpu.memory_space<vmem>>) dst(%dma_wait3A_709 : memref<10240xf32, #tpu.memory_space<vmem_shared>>)
      %dma_wait3A_710 = arith.constant 1 : i32
      %dma_wait3A_711 = arith.constant 3 : i32
      %dma_wait3A_712 = arith.constant 0 : i32
      %dma_wait3A_713 = tpu.memref_slice %arg4[%dma_wait3A_710, %dma_wait3A_711, %dma_wait3A_712] : memref<2x6x96xi32, #tpu.memory_space<vmem>> -> memref<1x1x96xi32, #tpu.memory_space<vmem>>
      %dma_wait3A_714 = tpu.memref_squeeze %dma_wait3A_713 : memref<1x1x96xi32, #tpu.memory_space<vmem>> -> memref<96xi32, #tpu.memory_space<vmem>>
      %dma_wait3A_715 = arith.constant 0 : i32
      %dma_wait3A_716 = tpu.memref_slice %arg8[%dma_wait3A_715] : memref<10240xf32, #tpu.memory_space<vmem_shared>> -> memref<10240xf32, #tpu.memory_space<vmem_shared>>
      tpu.wait_indirect_dma semaphore(%arg14 : memref<!tpu.dma_semaphore, #tpu.memory_space<semaphore_mem>>) src(%arg6 : memref<96xf32, #tpu.memory_space<vmem>>) dst(%dma_wait3A_716 : memref<10240xf32, #tpu.memory_space<vmem_shared>>)
      %dma_wait3A_717 = arith.constant 1 : i32
      %dma_wait3A_718 = arith.constant 3 : i32
      %dma_wait3A_719 = arith.constant 0 : i32
      %dma_wait3A_720 = tpu.memref_slice %arg5[%dma_wait3A_717, %dma_wait3A_718, %dma_wait3A_719] : memref<2x6x96xi32, #tpu.memory_space<vmem>> -> memref<1x1x96xi32, #tpu.memory_space<vmem>>
      %dma_wait3A_721 = tpu.memref_squeeze %dma_wait3A_720 : memref<1x1x96xi32, #tpu.memory_space<vmem>> -> memref<96xi32, #tpu.memory_space<vmem>>
      %dma_wait3A_722 = arith.constant 0 : i32
      %dma_wait3A_723 = tpu.memref_slice %arg9[%dma_wait3A_722] : memref<10240xf32, #tpu.memory_space<vmem_shared>> -> memref<10240xf32, #tpu.memory_space<vmem_shared>>
      tpu.wait_indirect_dma semaphore(%arg14 : memref<!tpu.dma_semaphore, #tpu.memory_space<semaphore_mem>>) src(%arg6 : memref<96xf32, #tpu.memory_space<vmem>>) dst(%dma_wait3A_723 : memref<10240xf32, #tpu.memory_space<vmem_shared>>)
      %dma_wait3A_724 = arith.constant 1 : i32
      %dma_wait3A_725 = arith.constant 4 : i32
      %dma_wait3A_726 = arith.constant 0 : i32
      %dma_wait3A_727 = tpu.memref_slice %arg4[%dma_wait3A_724, %dma_wait3A_725, %dma_wait3A_726] : memref<2x6x96xi32, #tpu.memory_space<vmem>> -> memref<1x1x96xi32, #tpu.memory_space<vmem>>
      %dma_wait3A_728 = tpu.memref_squeeze %dma_wait3A_727 : memref<1x1x96xi32, #tpu.memory_space<vmem>> -> memref<96xi32, #tpu.memory_space<vmem>>
      %dma_wait3A_729 = arith.constant 0 : i32
      %dma_wait3A_730 = tpu.memref_slice %arg8[%dma_wait3A_729] : memref<10240xf32, #tpu.memory_space<vmem_shared>> -> memref<10240xf32, #tpu.memory_space<vmem_shared>>
      tpu.wait_indirect_dma semaphore(%arg14 : memref<!tpu.dma_semaphore, #tpu.memory_space<semaphore_mem>>) src(%arg6 : memref<96xf32, #tpu.memory_space<vmem>>) dst(%dma_wait3A_730 : memref<10240xf32, #tpu.memory_space<vmem_shared>>)
      %dma_wait3A_731 = arith.constant 1 : i32
      %dma_wait3A_732 = arith.constant 4 : i32
      %dma_wait3A_733 = arith.constant 0 : i32
      %dma_wait3A_734 = tpu.memref_slice %arg5[%dma_wait3A_731, %dma_wait3A_732, %dma_wait3A_733] : memref<2x6x96xi32, #tpu.memory_space<vmem>> -> memref<1x1x96xi32, #tpu.memory_space<vmem>>
      %dma_wait3A_735 = tpu.memref_squeeze %dma_wait3A_734 : memref<1x1x96xi32, #tpu.memory_space<vmem>> -> memref<96xi32, #tpu.memory_space<vmem>>
      %dma_wait3A_736 = arith.constant 0 : i32
      %dma_wait3A_737 = tpu.memref_slice %arg9[%dma_wait3A_736] : memref<10240xf32, #tpu.memory_space<vmem_shared>> -> memref<10240xf32, #tpu.memory_space<vmem_shared>>
      tpu.wait_indirect_dma semaphore(%arg14 : memref<!tpu.dma_semaphore, #tpu.memory_space<semaphore_mem>>) src(%arg6 : memref<96xf32, #tpu.memory_space<vmem>>) dst(%dma_wait3A_737 : memref<10240xf32, #tpu.memory_space<vmem_shared>>)
      %dma_wait3A_738 = arith.constant 1 : i32
      %dma_wait3A_739 = arith.constant 5 : i32
      %dma_wait3A_740 = arith.constant 0 : i32
      %dma_wait3A_741 = tpu.memref_slice %arg4[%dma_wait3A_738, %dma_wait3A_739, %dma_wait3A_740] : memref<2x6x96xi32, #tpu.memory_space<vmem>> -> memref<1x1x96xi32, #tpu.memory_space<vmem>>
      %dma_wait3A_742 = tpu.memref_squeeze %dma_wait3A_741 : memref<1x1x96xi32, #tpu.memory_space<vmem>> -> memref<96xi32, #tpu.memory_space<vmem>>
      %dma_wait3A_743 = arith.constant 0 : i32
      %dma_wait3A_744 = tpu.memref_slice %arg8[%dma_wait3A_743] : memref<10240xf32, #tpu.memory_space<vmem_shared>> -> memref<10240xf32, #tpu.memory_space<vmem_shared>>
      tpu.wait_indirect_dma semaphore(%arg14 : memref<!tpu.dma_semaphore, #tpu.memory_space<semaphore_mem>>) src(%arg6 : memref<96xf32, #tpu.memory_space<vmem>>) dst(%dma_wait3A_744 : memref<10240xf32, #tpu.memory_space<vmem_shared>>)
      %dma_wait3A_745 = arith.constant 1 : i32
      %dma_wait3A_746 = arith.constant 5 : i32
      %dma_wait3A_747 = arith.constant 0 : i32
      %dma_wait3A_748 = tpu.memref_slice %arg5[%dma_wait3A_745, %dma_wait3A_746, %dma_wait3A_747] : memref<2x6x96xi32, #tpu.memory_space<vmem>> -> memref<1x1x96xi32, #tpu.memory_space<vmem>>
      %dma_wait3A_749 = tpu.memref_squeeze %dma_wait3A_748 : memref<1x1x96xi32, #tpu.memory_space<vmem>> -> memref<96xi32, #tpu.memory_space<vmem>>
      %dma_wait3A_750 = arith.constant 0 : i32
      %dma_wait3A_751 = tpu.memref_slice %arg9[%dma_wait3A_750] : memref<10240xf32, #tpu.memory_space<vmem_shared>> -> memref<10240xf32, #tpu.memory_space<vmem_shared>>
      tpu.wait_indirect_dma semaphore(%arg14 : memref<!tpu.dma_semaphore, #tpu.memory_space<semaphore_mem>>) src(%arg6 : memref<96xf32, #tpu.memory_space<vmem>>) dst(%dma_wait3A_751 : memref<10240xf32, #tpu.memory_space<vmem_shared>>)
    }
    %scan3A_318 = arith.constant 9 : i32
    %barrier3A_319 = arith.constant 0 : index
    tpu.barrier barrier_id(%barrier3A_319)
    "tpu.region"() ({
      %run_scoped3A_321 = tpu.sem_alloc : memref<!tpu.dma_semaphore, #tpu.memory_space<semaphore_mem>>
      %dma_start3A_322 = tpu.memref_slice %arg8[%multiple_of3A] : memref<10240xf32, #tpu.memory_space<vmem_shared>> -> memref<640xf32, #tpu.memory_space<vmem_shared>>
      %dma_start3A_323 = tpu.memref_slice %arg8[%multiple_of3A] : memref<10240xf32, #tpu.memory_space<vmem_shared>> -> memref<640xf32, #tpu.memory_space<vmem_shared>>
      tpu.enqueue_dma source(%dma_start3A_323 : memref<640xf32, #tpu.memory_space<vmem_shared>>) target(%arg7 : memref<640xf32, #tpu.memory_space<vmem>>) target_semaphore(%run_scoped3A_321 : memref<!tpu.dma_semaphore, #tpu.memory_space<semaphore_mem>>)
      %dma_wait3A = tpu.memref_slice %arg8[%multiple_of3A] : memref<10240xf32, #tpu.memory_space<vmem_shared>> -> memref<640xf32, #tpu.memory_space<vmem_shared>>
      %dma_wait3A_324 = tpu.memref_slice %arg8[%multiple_of3A] : memref<10240xf32, #tpu.memory_space<vmem_shared>> -> memref<640xf32, #tpu.memory_space<vmem_shared>>
      tpu.wait_dma2 semaphore(%run_scoped3A_321 : memref<!tpu.dma_semaphore, #tpu.memory_space<semaphore_mem>>) src(%dma_wait3A_324 : memref<640xf32, #tpu.memory_space<vmem_shared>>) dst(%arg7 : memref<640xf32, #tpu.memory_space<vmem>>)
      tpu.yield
    }) : () -> ()
    %run_scoped3A = arith.constant 0 : i32
    "tpu.region"() ({
      %run_scoped3A_321 = tpu.sem_alloc : memref<!tpu.dma_semaphore, #tpu.memory_space<semaphore_mem>>
      %dma_start3A_322 = arith.constant 0 : i32
      %dma_start3A_323 = tpu.memref_slice %arg3[%arg0, %arg1, %run_scoped3A, %dma_start3A_322] : memref<2x16x2x640xf32, #tpu.memory_space<hbm>> -> memref<1x1x1x640xf32, #tpu.memory_space<hbm>>
      %dma_start3A_324 = tpu.memref_squeeze %dma_start3A_323 : memref<1x1x1x640xf32, #tpu.memory_space<hbm>> -> memref<640xf32, #tpu.memory_space<hbm>>
      %dma_start3A_325 = arith.constant 0 : i32
      %dma_start3A_326 = tpu.memref_slice %arg3[%arg0, %arg1, %run_scoped3A, %dma_start3A_325] : memref<2x16x2x640xf32, #tpu.memory_space<hbm>> -> memref<1x1x1x640xf32, #tpu.memory_space<hbm>>
      %dma_start3A_327 = tpu.memref_squeeze %dma_start3A_326 : memref<1x1x1x640xf32, #tpu.memory_space<hbm>> -> memref<640xf32, #tpu.memory_space<hbm>>
      tpu.enqueue_dma source(%arg7 : memref<640xf32, #tpu.memory_space<vmem>>) target(%dma_start3A_327 : memref<640xf32, #tpu.memory_space<hbm>>) target_semaphore(%run_scoped3A_321 : memref<!tpu.dma_semaphore, #tpu.memory_space<semaphore_mem>>)
      %dma_wait3A = arith.constant 0 : i32
      %dma_wait3A_328 = tpu.memref_slice %arg3[%arg0, %arg1, %run_scoped3A, %dma_wait3A] : memref<2x16x2x640xf32, #tpu.memory_space<hbm>> -> memref<1x1x1x640xf32, #tpu.memory_space<hbm>>
      %dma_wait3A_329 = tpu.memref_squeeze %dma_wait3A_328 : memref<1x1x1x640xf32, #tpu.memory_space<hbm>> -> memref<640xf32, #tpu.memory_space<hbm>>
      %dma_wait3A_330 = arith.constant 0 : i32
      %dma_wait3A_331 = tpu.memref_slice %arg3[%arg0, %arg1, %run_scoped3A, %dma_wait3A_330] : memref<2x16x2x640xf32, #tpu.memory_space<hbm>> -> memref<1x1x1x640xf32, #tpu.memory_space<hbm>>
      %dma_wait3A_332 = tpu.memref_squeeze %dma_wait3A_331 : memref<1x1x1x640xf32, #tpu.memory_space<hbm>> -> memref<640xf32, #tpu.memory_space<hbm>>
      tpu.wait_dma2 semaphore(%run_scoped3A_321 : memref<!tpu.dma_semaphore, #tpu.memory_space<semaphore_mem>>) src(%arg7 : memref<640xf32, #tpu.memory_space<vmem>>) dst(%dma_wait3A_332 : memref<640xf32, #tpu.memory_space<hbm>>)
      tpu.yield
    }) : () -> ()
    "tpu.region"() ({
      %run_scoped3A_321 = tpu.sem_alloc : memref<!tpu.dma_semaphore, #tpu.memory_space<semaphore_mem>>
      %dma_start3A_322 = tpu.memref_slice %arg9[%multiple_of3A] : memref<10240xf32, #tpu.memory_space<vmem_shared>> -> memref<640xf32, #tpu.memory_space<vmem_shared>>
      %dma_start3A_323 = tpu.memref_slice %arg9[%multiple_of3A] : memref<10240xf32, #tpu.memory_space<vmem_shared>> -> memref<640xf32, #tpu.memory_space<vmem_shared>>
      tpu.enqueue_dma source(%dma_start3A_323 : memref<640xf32, #tpu.memory_space<vmem_shared>>) target(%arg7 : memref<640xf32, #tpu.memory_space<vmem>>) target_semaphore(%run_scoped3A_321 : memref<!tpu.dma_semaphore, #tpu.memory_space<semaphore_mem>>)
      %dma_wait3A = tpu.memref_slice %arg9[%multiple_of3A] : memref<10240xf32, #tpu.memory_space<vmem_shared>> -> memref<640xf32, #tpu.memory_space<vmem_shared>>
      %dma_wait3A_324 = tpu.memref_slice %arg9[%multiple_of3A] : memref<10240xf32, #tpu.memory_space<vmem_shared>> -> memref<640xf32, #tpu.memory_space<vmem_shared>>
      tpu.wait_dma2 semaphore(%run_scoped3A_321 : memref<!tpu.dma_semaphore, #tpu.memory_space<semaphore_mem>>) src(%dma_wait3A_324 : memref<640xf32, #tpu.memory_space<vmem_shared>>) dst(%arg7 : memref<640xf32, #tpu.memory_space<vmem>>)
      tpu.yield
    }) : () -> ()
    %run_scoped3A_320 = arith.constant 1 : i32
    "tpu.region"() ({
      %run_scoped3A_321 = tpu.sem_alloc : memref<!tpu.dma_semaphore, #tpu.memory_space<semaphore_mem>>
      %dma_start3A_322 = arith.constant 0 : i32
      %dma_start3A_323 = tpu.memref_slice %arg3[%arg0, %arg1, %run_scoped3A_320, %dma_start3A_322] : memref<2x16x2x640xf32, #tpu.memory_space<hbm>> -> memref<1x1x1x640xf32, #tpu.memory_space<hbm>>
      %dma_start3A_324 = tpu.memref_squeeze %dma_start3A_323 : memref<1x1x1x640xf32, #tpu.memory_space<hbm>> -> memref<640xf32, #tpu.memory_space<hbm>>
      %dma_start3A_325 = arith.constant 0 : i32
      %dma_start3A_326 = tpu.memref_slice %arg3[%arg0, %arg1, %run_scoped3A_320, %dma_start3A_325] : memref<2x16x2x640xf32, #tpu.memory_space<hbm>> -> memref<1x1x1x640xf32, #tpu.memory_space<hbm>>
      %dma_start3A_327 = tpu.memref_squeeze %dma_start3A_326 : memref<1x1x1x640xf32, #tpu.memory_space<hbm>> -> memref<640xf32, #tpu.memory_space<hbm>>
      tpu.enqueue_dma source(%arg7 : memref<640xf32, #tpu.memory_space<vmem>>) target(%dma_start3A_327 : memref<640xf32, #tpu.memory_space<hbm>>) target_semaphore(%run_scoped3A_321 : memref<!tpu.dma_semaphore, #tpu.memory_space<semaphore_mem>>)
      %dma_wait3A = arith.constant 0 : i32
      %dma_wait3A_328 = tpu.memref_slice %arg3[%arg0, %arg1, %run_scoped3A_320, %dma_wait3A] : memref<2x16x2x640xf32, #tpu.memory_space<hbm>> -> memref<1x1x1x640xf32, #tpu.memory_space<hbm>>
      %dma_wait3A_329 = tpu.memref_squeeze %dma_wait3A_328 : memref<1x1x1x640xf32, #tpu.memory_space<hbm>> -> memref<640xf32, #tpu.memory_space<hbm>>
      %dma_wait3A_330 = arith.constant 0 : i32
      %dma_wait3A_331 = tpu.memref_slice %arg3[%arg0, %arg1, %run_scoped3A_320, %dma_wait3A_330] : memref<2x16x2x640xf32, #tpu.memory_space<hbm>> -> memref<1x1x1x640xf32, #tpu.memory_space<hbm>>
      %dma_wait3A_332 = tpu.memref_squeeze %dma_wait3A_331 : memref<1x1x1x640xf32, #tpu.memory_space<hbm>> -> memref<640xf32, #tpu.memory_space<hbm>>
      tpu.wait_dma2 semaphore(%run_scoped3A_321 : memref<!tpu.dma_semaphore, #tpu.memory_space<semaphore_mem>>) src(%arg7 : memref<640xf32, #tpu.memory_space<vmem>>) dst(%dma_wait3A_332 : memref<640xf32, #tpu.memory_space<hbm>>)
      tpu.yield
    }) : () -> ()
    return
  }
}

#map = affine_map<(d0, d1) -> (0, 0)>
#map1 = affine_map<(d0, d1) -> (0, 0, 0, 0, 0)>
#map2 = affine_map<(d0, d1) -> (0, 0, 0)>
module attributes {stable_mosaic.version = 14 : i64} {
  func.func @_agg_kernel(%arg0: i32, %arg1: i32, %arg2: memref<10240x128xf32, #tpu.memory_space<hbm>>, %arg3: memref<2x32x18x6x96xi32, #tpu.memory_space<hbm>>, %arg4: memref<2x10240x128xf32, #tpu.memory_space<hbm>>, %arg5: memref<2x6x96xi32, #tpu.memory_space<vmem>>, %arg6: memref<2x6x96xi32, #tpu.memory_space<vmem>>, %arg7: memref<96x128xf32, #tpu.memory_space<vmem>>, %arg8: memref<96x128xf32, #tpu.memory_space<vmem>>, %arg9: memref<96x128xf32, #tpu.memory_space<vmem>>, %arg10: memref<10240x128xf32, #tpu.memory_space<vmem_shared>>, %arg11: memref<!tpu.dma_semaphore, #tpu.memory_space<semaphore_mem>>, %arg12: memref<!tpu.dma_semaphore, #tpu.memory_space<semaphore_mem>>, %arg13: memref<!tpu.dma_semaphore, #tpu.memory_space<semaphore_mem>>, %arg14: memref<!tpu.dma_semaphore, #tpu.memory_space<semaphore_mem>>, %arg15: memref<!tpu.dma_semaphore, #tpu.memory_space<semaphore_mem>>, %arg16: memref<!tpu.dma_semaphore, #tpu.memory_space<semaphore_mem>>, %arg17: memref<!tpu.dma_semaphore, #tpu.memory_space<semaphore_mem>>, %arg18: memref<!tpu.dma_semaphore, #tpu.memory_space<semaphore_mem>>, %arg19: memref<!tpu.dma_semaphore, #tpu.memory_space<semaphore_mem>>, %arg20: memref<!tpu.dma_semaphore, #tpu.memory_space<semaphore_mem>>) attributes {dimension_semantics = [#tpu.dimension_semantics<core_parallel>, #tpu.dimension_semantics<subcore_parallel>], iteration_bounds = array<i64: 2, 16>, scalar_prefetch = 0 : i64, scratch_operands = 16 : i64, tpu.core_type = #tpu.core_type<sc_vector_subcore>, window_params = [{transform_indices = #map}, {transform_indices = #map1}, {transform_indices = #map2}]} {
    %mul3A = arith.constant 16 : i32
    %mul3A_0 = arith.muli %arg0, %mul3A : i32
    %add3A = arith.addi %mul3A_0, %arg1 : i32
    %mul3A_1 = arith.constant 640 : i32
    %mul3A_2 = arith.muli %arg1, %mul3A_1 : i32
    %multiple_of3A = tpu.assume_multiple %mul3A_2, 8 : i32
    %scan3A = arith.constant 0 : i32
    %scan3A_3 = arith.constant 0 : i32
    %scan3A_4 = arith.constant 96 : i32
    %scan3A_5 = arith.addi %scan3A_3, %scan3A_4 : i32
    %scan3A_6 = arith.constant 1 : i32
    scf.for %scan3A_305 = %scan3A_3 to %scan3A_5 step %scan3A_6  : i32 {
      %broadcast_in_dim3A = arith.constant 0.000000e+00 : f32
      %broadcast_in_dim3A_306 = vector.broadcast %broadcast_in_dim3A : f32 to vector<16xf32>
      %swap3A = arith.index_cast %scan3A_305 : i32 to index
      %swap3A_307 = arith.constant 0 : index
      %swap3A_308 = tpu.vector_load %arg7[%swap3A, %swap3A_307] {strides = array<i32>} : memref<96x128xf32, #tpu.memory_space<vmem>>, vector<1x16xf32>,
      %swap3A_309 = vector.shape_cast %swap3A_308 : vector<1x16xf32> to vector<16xf32>
      %swap3A_310 = vector.shape_cast %broadcast_in_dim3A_306 : vector<16xf32> to vector<1x16xf32>
      tpu.vector_store %arg7[%swap3A, %swap3A_307], %swap3A_310 {strides = array<i32>} : memref<96x128xf32, #tpu.memory_space<vmem>>, vector<1x16xf32>,
      %broadcast_in_dim3A_311 = arith.constant 0.000000e+00 : f32
      %broadcast_in_dim3A_312 = vector.broadcast %broadcast_in_dim3A_311 : f32 to vector<16xf32>
      %swap3A_313 = arith.index_cast %scan3A_305 : i32 to index
      %swap3A_314 = arith.constant 16 : index
      %swap3A_315 = tpu.vector_load %arg7[%swap3A_313, %swap3A_314] {strides = array<i32>} : memref<96x128xf32, #tpu.memory_space<vmem>>, vector<1x16xf32>,
      %swap3A_316 = vector.shape_cast %swap3A_315 : vector<1x16xf32> to vector<16xf32>
      %swap3A_317 = vector.shape_cast %broadcast_in_dim3A_312 : vector<16xf32> to vector<1x16xf32>
      tpu.vector_store %arg7[%swap3A_313, %swap3A_314], %swap3A_317 {strides = array<i32>} : memref<96x128xf32, #tpu.memory_space<vmem>>, vector<1x16xf32>,
      %broadcast_in_dim3A_318 = arith.constant 0.000000e+00 : f32
      %broadcast_in_dim3A_319 = vector.broadcast %broadcast_in_dim3A_318 : f32 to vector<16xf32>
      %swap3A_320 = arith.index_cast %scan3A_305 : i32 to index
      %swap3A_321 = arith.constant 32 : index
      %swap3A_322 = tpu.vector_load %arg7[%swap3A_320, %swap3A_321] {strides = array<i32>} : memref<96x128xf32, #tpu.memory_space<vmem>>, vector<1x16xf32>,
      %swap3A_323 = vector.shape_cast %swap3A_322 : vector<1x16xf32> to vector<16xf32>
      %swap3A_324 = vector.shape_cast %broadcast_in_dim3A_319 : vector<16xf32> to vector<1x16xf32>
      tpu.vector_store %arg7[%swap3A_320, %swap3A_321], %swap3A_324 {strides = array<i32>} : memref<96x128xf32, #tpu.memory_space<vmem>>, vector<1x16xf32>,
      %broadcast_in_dim3A_325 = arith.constant 0.000000e+00 : f32
      %broadcast_in_dim3A_326 = vector.broadcast %broadcast_in_dim3A_325 : f32 to vector<16xf32>
      %swap3A_327 = arith.index_cast %scan3A_305 : i32 to index
      %swap3A_328 = arith.constant 48 : index
      %swap3A_329 = tpu.vector_load %arg7[%swap3A_327, %swap3A_328] {strides = array<i32>} : memref<96x128xf32, #tpu.memory_space<vmem>>, vector<1x16xf32>,
      %swap3A_330 = vector.shape_cast %swap3A_329 : vector<1x16xf32> to vector<16xf32>
      %swap3A_331 = vector.shape_cast %broadcast_in_dim3A_326 : vector<16xf32> to vector<1x16xf32>
      tpu.vector_store %arg7[%swap3A_327, %swap3A_328], %swap3A_331 {strides = array<i32>} : memref<96x128xf32, #tpu.memory_space<vmem>>, vector<1x16xf32>,
      %broadcast_in_dim3A_332 = arith.constant 0.000000e+00 : f32
      %broadcast_in_dim3A_333 = vector.broadcast %broadcast_in_dim3A_332 : f32 to vector<16xf32>
      %swap3A_334 = arith.index_cast %scan3A_305 : i32 to index
      %swap3A_335 = arith.constant 64 : index
      %swap3A_336 = tpu.vector_load %arg7[%swap3A_334, %swap3A_335] {strides = array<i32>} : memref<96x128xf32, #tpu.memory_space<vmem>>, vector<1x16xf32>,
      %swap3A_337 = vector.shape_cast %swap3A_336 : vector<1x16xf32> to vector<16xf32>
      %swap3A_338 = vector.shape_cast %broadcast_in_dim3A_333 : vector<16xf32> to vector<1x16xf32>
      tpu.vector_store %arg7[%swap3A_334, %swap3A_335], %swap3A_338 {strides = array<i32>} : memref<96x128xf32, #tpu.memory_space<vmem>>, vector<1x16xf32>,
      %broadcast_in_dim3A_339 = arith.constant 0.000000e+00 : f32
      %broadcast_in_dim3A_340 = vector.broadcast %broadcast_in_dim3A_339 : f32 to vector<16xf32>
      %swap3A_341 = arith.index_cast %scan3A_305 : i32 to index
      %swap3A_342 = arith.constant 80 : index
      %swap3A_343 = tpu.vector_load %arg7[%swap3A_341, %swap3A_342] {strides = array<i32>} : memref<96x128xf32, #tpu.memory_space<vmem>>, vector<1x16xf32>,
      %swap3A_344 = vector.shape_cast %swap3A_343 : vector<1x16xf32> to vector<16xf32>
      %swap3A_345 = vector.shape_cast %broadcast_in_dim3A_340 : vector<16xf32> to vector<1x16xf32>
      tpu.vector_store %arg7[%swap3A_341, %swap3A_342], %swap3A_345 {strides = array<i32>} : memref<96x128xf32, #tpu.memory_space<vmem>>, vector<1x16xf32>,
      %broadcast_in_dim3A_346 = arith.constant 0.000000e+00 : f32
      %broadcast_in_dim3A_347 = vector.broadcast %broadcast_in_dim3A_346 : f32 to vector<16xf32>
      %swap3A_348 = arith.index_cast %scan3A_305 : i32 to index
      %swap3A_349 = arith.constant 96 : index
      %swap3A_350 = tpu.vector_load %arg7[%swap3A_348, %swap3A_349] {strides = array<i32>} : memref<96x128xf32, #tpu.memory_space<vmem>>, vector<1x16xf32>,
      %swap3A_351 = vector.shape_cast %swap3A_350 : vector<1x16xf32> to vector<16xf32>
      %swap3A_352 = vector.shape_cast %broadcast_in_dim3A_347 : vector<16xf32> to vector<1x16xf32>
      tpu.vector_store %arg7[%swap3A_348, %swap3A_349], %swap3A_352 {strides = array<i32>} : memref<96x128xf32, #tpu.memory_space<vmem>>, vector<1x16xf32>,
      %broadcast_in_dim3A_353 = arith.constant 0.000000e+00 : f32
      %broadcast_in_dim3A_354 = vector.broadcast %broadcast_in_dim3A_353 : f32 to vector<16xf32>
      %swap3A_355 = arith.index_cast %scan3A_305 : i32 to index
      %swap3A_356 = arith.constant 112 : index
      %swap3A_357 = tpu.vector_load %arg7[%swap3A_355, %swap3A_356] {strides = array<i32>} : memref<96x128xf32, #tpu.memory_space<vmem>>, vector<1x16xf32>,
      %swap3A_358 = vector.shape_cast %swap3A_357 : vector<1x16xf32> to vector<16xf32>
      %swap3A_359 = vector.shape_cast %broadcast_in_dim3A_354 : vector<16xf32> to vector<1x16xf32>
      tpu.vector_store %arg7[%swap3A_355, %swap3A_356], %swap3A_359 {strides = array<i32>} : memref<96x128xf32, #tpu.memory_space<vmem>>, vector<1x16xf32>,
    }
    %scan3A_7 = arith.constant 96 : i32
    %add3A_8 = arith.constant 0 : i32
    %add3A_9 = arith.addi %multiple_of3A, %add3A_8 : i32
    %dma_start3A = arith.constant 0 : i32
    %dma_start3A_10 = arith.constant 0 : i32
    %dma_start3A_11 = tpu.memref_slice %arg7[%dma_start3A, %dma_start3A_10] : memref<96x128xf32, #tpu.memory_space<vmem>> -> memref<80x128xf32, #tpu.memory_space<vmem>>
    %dma_start3A_12 = arith.constant 0 : i32
    %dma_start3A_13 = tpu.memref_slice %arg10[%add3A_9, %dma_start3A_12] : memref<10240x128xf32, #tpu.memory_space<vmem_shared>> -> memref<80x128xf32, #tpu.memory_space<vmem_shared>>
    %dma_start3A_14 = arith.constant 0 : i32
    %dma_start3A_15 = tpu.memref_slice %arg10[%add3A_9, %dma_start3A_14] : memref<10240x128xf32, #tpu.memory_space<vmem_shared>> -> memref<80x128xf32, #tpu.memory_space<vmem_shared>>
    %dma_start3A_16 = arith.constant 0 : i32
    %dma_start3A_17 = arith.constant 0 : i32
    %dma_start3A_18 = tpu.memref_slice %arg7[%dma_start3A_16, %dma_start3A_17] : memref<96x128xf32, #tpu.memory_space<vmem>> -> memref<80x128xf32, #tpu.memory_space<vmem>>
    tpu.enqueue_dma source(%dma_start3A_18 : memref<80x128xf32, #tpu.memory_space<vmem>>) target(%dma_start3A_15 : memref<80x128xf32, #tpu.memory_space<vmem_shared>>) target_semaphore(%arg11 : memref<!tpu.dma_semaphore, #tpu.memory_space<semaphore_mem>>)
    %add3A_19 = arith.constant 80 : i32
    %add3A_20 = arith.addi %multiple_of3A, %add3A_19 : i32
    %dma_start3A_21 = arith.constant 0 : i32
    %dma_start3A_22 = arith.constant 0 : i32
    %dma_start3A_23 = tpu.memref_slice %arg7[%dma_start3A_21, %dma_start3A_22] : memref<96x128xf32, #tpu.memory_space<vmem>> -> memref<80x128xf32, #tpu.memory_space<vmem>>
    %dma_start3A_24 = arith.constant 0 : i32
    %dma_start3A_25 = tpu.memref_slice %arg10[%add3A_20, %dma_start3A_24] : memref<10240x128xf32, #tpu.memory_space<vmem_shared>> -> memref<80x128xf32, #tpu.memory_space<vmem_shared>>
    %dma_start3A_26 = arith.constant 0 : i32
    %dma_start3A_27 = tpu.memref_slice %arg10[%add3A_20, %dma_start3A_26] : memref<10240x128xf32, #tpu.memory_space<vmem_shared>> -> memref<80x128xf32, #tpu.memory_space<vmem_shared>>
    %dma_start3A_28 = arith.constant 0 : i32
    %dma_start3A_29 = arith.constant 0 : i32
    %dma_start3A_30 = tpu.memref_slice %arg7[%dma_start3A_28, %dma_start3A_29] : memref<96x128xf32, #tpu.memory_space<vmem>> -> memref<80x128xf32, #tpu.memory_space<vmem>>
    tpu.enqueue_dma source(%dma_start3A_30 : memref<80x128xf32, #tpu.memory_space<vmem>>) target(%dma_start3A_27 : memref<80x128xf32, #tpu.memory_space<vmem_shared>>) target_semaphore(%arg11 : memref<!tpu.dma_semaphore, #tpu.memory_space<semaphore_mem>>)
    %add3A_31 = arith.constant 160 : i32
    %add3A_32 = arith.addi %multiple_of3A, %add3A_31 : i32
    %dma_start3A_33 = arith.constant 0 : i32
    %dma_start3A_34 = arith.constant 0 : i32
    %dma_start3A_35 = tpu.memref_slice %arg7[%dma_start3A_33, %dma_start3A_34] : memref<96x128xf32, #tpu.memory_space<vmem>> -> memref<80x128xf32, #tpu.memory_space<vmem>>
    %dma_start3A_36 = arith.constant 0 : i32
    %dma_start3A_37 = tpu.memref_slice %arg10[%add3A_32, %dma_start3A_36] : memref<10240x128xf32, #tpu.memory_space<vmem_shared>> -> memref<80x128xf32, #tpu.memory_space<vmem_shared>>
    %dma_start3A_38 = arith.constant 0 : i32
    %dma_start3A_39 = tpu.memref_slice %arg10[%add3A_32, %dma_start3A_38] : memref<10240x128xf32, #tpu.memory_space<vmem_shared>> -> memref<80x128xf32, #tpu.memory_space<vmem_shared>>
    %dma_start3A_40 = arith.constant 0 : i32
    %dma_start3A_41 = arith.constant 0 : i32
    %dma_start3A_42 = tpu.memref_slice %arg7[%dma_start3A_40, %dma_start3A_41] : memref<96x128xf32, #tpu.memory_space<vmem>> -> memref<80x128xf32, #tpu.memory_space<vmem>>
    tpu.enqueue_dma source(%dma_start3A_42 : memref<80x128xf32, #tpu.memory_space<vmem>>) target(%dma_start3A_39 : memref<80x128xf32, #tpu.memory_space<vmem_shared>>) target_semaphore(%arg11 : memref<!tpu.dma_semaphore, #tpu.memory_space<semaphore_mem>>)
    %add3A_43 = arith.constant 240 : i32
    %add3A_44 = arith.addi %multiple_of3A, %add3A_43 : i32
    %dma_start3A_45 = arith.constant 0 : i32
    %dma_start3A_46 = arith.constant 0 : i32
    %dma_start3A_47 = tpu.memref_slice %arg7[%dma_start3A_45, %dma_start3A_46] : memref<96x128xf32, #tpu.memory_space<vmem>> -> memref<80x128xf32, #tpu.memory_space<vmem>>
    %dma_start3A_48 = arith.constant 0 : i32
    %dma_start3A_49 = tpu.memref_slice %arg10[%add3A_44, %dma_start3A_48] : memref<10240x128xf32, #tpu.memory_space<vmem_shared>> -> memref<80x128xf32, #tpu.memory_space<vmem_shared>>
    %dma_start3A_50 = arith.constant 0 : i32
    %dma_start3A_51 = tpu.memref_slice %arg10[%add3A_44, %dma_start3A_50] : memref<10240x128xf32, #tpu.memory_space<vmem_shared>> -> memref<80x128xf32, #tpu.memory_space<vmem_shared>>
    %dma_start3A_52 = arith.constant 0 : i32
    %dma_start3A_53 = arith.constant 0 : i32
    %dma_start3A_54 = tpu.memref_slice %arg7[%dma_start3A_52, %dma_start3A_53] : memref<96x128xf32, #tpu.memory_space<vmem>> -> memref<80x128xf32, #tpu.memory_space<vmem>>
    tpu.enqueue_dma source(%dma_start3A_54 : memref<80x128xf32, #tpu.memory_space<vmem>>) target(%dma_start3A_51 : memref<80x128xf32, #tpu.memory_space<vmem_shared>>) target_semaphore(%arg11 : memref<!tpu.dma_semaphore, #tpu.memory_space<semaphore_mem>>)
    %add3A_55 = arith.constant 320 : i32
    %add3A_56 = arith.addi %multiple_of3A, %add3A_55 : i32
    %dma_start3A_57 = arith.constant 0 : i32
    %dma_start3A_58 = arith.constant 0 : i32
    %dma_start3A_59 = tpu.memref_slice %arg7[%dma_start3A_57, %dma_start3A_58] : memref<96x128xf32, #tpu.memory_space<vmem>> -> memref<80x128xf32, #tpu.memory_space<vmem>>
    %dma_start3A_60 = arith.constant 0 : i32
    %dma_start3A_61 = tpu.memref_slice %arg10[%add3A_56, %dma_start3A_60] : memref<10240x128xf32, #tpu.memory_space<vmem_shared>> -> memref<80x128xf32, #tpu.memory_space<vmem_shared>>
    %dma_start3A_62 = arith.constant 0 : i32
    %dma_start3A_63 = tpu.memref_slice %arg10[%add3A_56, %dma_start3A_62] : memref<10240x128xf32, #tpu.memory_space<vmem_shared>> -> memref<80x128xf32, #tpu.memory_space<vmem_shared>>
    %dma_start3A_64 = arith.constant 0 : i32
    %dma_start3A_65 = arith.constant 0 : i32
    %dma_start3A_66 = tpu.memref_slice %arg7[%dma_start3A_64, %dma_start3A_65] : memref<96x128xf32, #tpu.memory_space<vmem>> -> memref<80x128xf32, #tpu.memory_space<vmem>>
    tpu.enqueue_dma source(%dma_start3A_66 : memref<80x128xf32, #tpu.memory_space<vmem>>) target(%dma_start3A_63 : memref<80x128xf32, #tpu.memory_space<vmem_shared>>) target_semaphore(%arg11 : memref<!tpu.dma_semaphore, #tpu.memory_space<semaphore_mem>>)
    %add3A_67 = arith.constant 400 : i32
    %add3A_68 = arith.addi %multiple_of3A, %add3A_67 : i32
    %dma_start3A_69 = arith.constant 0 : i32
    %dma_start3A_70 = arith.constant 0 : i32
    %dma_start3A_71 = tpu.memref_slice %arg7[%dma_start3A_69, %dma_start3A_70] : memref<96x128xf32, #tpu.memory_space<vmem>> -> memref<80x128xf32, #tpu.memory_space<vmem>>
    %dma_start3A_72 = arith.constant 0 : i32
    %dma_start3A_73 = tpu.memref_slice %arg10[%add3A_68, %dma_start3A_72] : memref<10240x128xf32, #tpu.memory_space<vmem_shared>> -> memref<80x128xf32, #tpu.memory_space<vmem_shared>>
    %dma_start3A_74 = arith.constant 0 : i32
    %dma_start3A_75 = tpu.memref_slice %arg10[%add3A_68, %dma_start3A_74] : memref<10240x128xf32, #tpu.memory_space<vmem_shared>> -> memref<80x128xf32, #tpu.memory_space<vmem_shared>>
    %dma_start3A_76 = arith.constant 0 : i32
    %dma_start3A_77 = arith.constant 0 : i32
    %dma_start3A_78 = tpu.memref_slice %arg7[%dma_start3A_76, %dma_start3A_77] : memref<96x128xf32, #tpu.memory_space<vmem>> -> memref<80x128xf32, #tpu.memory_space<vmem>>
    tpu.enqueue_dma source(%dma_start3A_78 : memref<80x128xf32, #tpu.memory_space<vmem>>) target(%dma_start3A_75 : memref<80x128xf32, #tpu.memory_space<vmem_shared>>) target_semaphore(%arg11 : memref<!tpu.dma_semaphore, #tpu.memory_space<semaphore_mem>>)
    %add3A_79 = arith.constant 480 : i32
    %add3A_80 = arith.addi %multiple_of3A, %add3A_79 : i32
    %dma_start3A_81 = arith.constant 0 : i32
    %dma_start3A_82 = arith.constant 0 : i32
    %dma_start3A_83 = tpu.memref_slice %arg7[%dma_start3A_81, %dma_start3A_82] : memref<96x128xf32, #tpu.memory_space<vmem>> -> memref<80x128xf32, #tpu.memory_space<vmem>>
    %dma_start3A_84 = arith.constant 0 : i32
    %dma_start3A_85 = tpu.memref_slice %arg10[%add3A_80, %dma_start3A_84] : memref<10240x128xf32, #tpu.memory_space<vmem_shared>> -> memref<80x128xf32, #tpu.memory_space<vmem_shared>>
    %dma_start3A_86 = arith.constant 0 : i32
    %dma_start3A_87 = tpu.memref_slice %arg10[%add3A_80, %dma_start3A_86] : memref<10240x128xf32, #tpu.memory_space<vmem_shared>> -> memref<80x128xf32, #tpu.memory_space<vmem_shared>>
    %dma_start3A_88 = arith.constant 0 : i32
    %dma_start3A_89 = arith.constant 0 : i32
    %dma_start3A_90 = tpu.memref_slice %arg7[%dma_start3A_88, %dma_start3A_89] : memref<96x128xf32, #tpu.memory_space<vmem>> -> memref<80x128xf32, #tpu.memory_space<vmem>>
    tpu.enqueue_dma source(%dma_start3A_90 : memref<80x128xf32, #tpu.memory_space<vmem>>) target(%dma_start3A_87 : memref<80x128xf32, #tpu.memory_space<vmem_shared>>) target_semaphore(%arg11 : memref<!tpu.dma_semaphore, #tpu.memory_space<semaphore_mem>>)
    %add3A_91 = arith.constant 560 : i32
    %add3A_92 = arith.addi %multiple_of3A, %add3A_91 : i32
    %dma_start3A_93 = arith.constant 0 : i32
    %dma_start3A_94 = arith.constant 0 : i32
    %dma_start3A_95 = tpu.memref_slice %arg7[%dma_start3A_93, %dma_start3A_94] : memref<96x128xf32, #tpu.memory_space<vmem>> -> memref<80x128xf32, #tpu.memory_space<vmem>>
    %dma_start3A_96 = arith.constant 0 : i32
    %dma_start3A_97 = tpu.memref_slice %arg10[%add3A_92, %dma_start3A_96] : memref<10240x128xf32, #tpu.memory_space<vmem_shared>> -> memref<80x128xf32, #tpu.memory_space<vmem_shared>>
    %dma_start3A_98 = arith.constant 0 : i32
    %dma_start3A_99 = tpu.memref_slice %arg10[%add3A_92, %dma_start3A_98] : memref<10240x128xf32, #tpu.memory_space<vmem_shared>> -> memref<80x128xf32, #tpu.memory_space<vmem_shared>>
    %dma_start3A_100 = arith.constant 0 : i32
    %dma_start3A_101 = arith.constant 0 : i32
    %dma_start3A_102 = tpu.memref_slice %arg7[%dma_start3A_100, %dma_start3A_101] : memref<96x128xf32, #tpu.memory_space<vmem>> -> memref<80x128xf32, #tpu.memory_space<vmem>>
    tpu.enqueue_dma source(%dma_start3A_102 : memref<80x128xf32, #tpu.memory_space<vmem>>) target(%dma_start3A_99 : memref<80x128xf32, #tpu.memory_space<vmem_shared>>) target_semaphore(%arg11 : memref<!tpu.dma_semaphore, #tpu.memory_space<semaphore_mem>>)
    %add3A_103 = arith.constant 0 : i32
    %add3A_104 = arith.addi %multiple_of3A, %add3A_103 : i32
    %dma_wait3A = arith.constant 0 : i32
    %dma_wait3A_105 = arith.constant 0 : i32
    %dma_wait3A_106 = tpu.memref_slice %arg7[%dma_wait3A, %dma_wait3A_105] : memref<96x128xf32, #tpu.memory_space<vmem>> -> memref<80x128xf32, #tpu.memory_space<vmem>>
    %dma_wait3A_107 = arith.constant 0 : i32
    %dma_wait3A_108 = tpu.memref_slice %arg10[%add3A_104, %dma_wait3A_107] : memref<10240x128xf32, #tpu.memory_space<vmem_shared>> -> memref<80x128xf32, #tpu.memory_space<vmem_shared>>
    %dma_wait3A_109 = arith.constant 0 : i32
    %dma_wait3A_110 = tpu.memref_slice %arg10[%add3A_104, %dma_wait3A_109] : memref<10240x128xf32, #tpu.memory_space<vmem_shared>> -> memref<80x128xf32, #tpu.memory_space<vmem_shared>>
    %dma_wait3A_111 = arith.constant 0 : i32
    %dma_wait3A_112 = arith.constant 0 : i32
    %dma_wait3A_113 = tpu.memref_slice %arg7[%dma_wait3A_111, %dma_wait3A_112] : memref<96x128xf32, #tpu.memory_space<vmem>> -> memref<80x128xf32, #tpu.memory_space<vmem>>
    tpu.wait_dma2 semaphore(%arg11 : memref<!tpu.dma_semaphore, #tpu.memory_space<semaphore_mem>>) src(%dma_wait3A_113 : memref<80x128xf32, #tpu.memory_space<vmem>>) dst(%dma_wait3A_110 : memref<80x128xf32, #tpu.memory_space<vmem_shared>>)
    %add3A_114 = arith.constant 80 : i32
    %add3A_115 = arith.addi %multiple_of3A, %add3A_114 : i32
    %dma_wait3A_116 = arith.constant 0 : i32
    %dma_wait3A_117 = arith.constant 0 : i32
    %dma_wait3A_118 = tpu.memref_slice %arg7[%dma_wait3A_116, %dma_wait3A_117] : memref<96x128xf32, #tpu.memory_space<vmem>> -> memref<80x128xf32, #tpu.memory_space<vmem>>
    %dma_wait3A_119 = arith.constant 0 : i32
    %dma_wait3A_120 = tpu.memref_slice %arg10[%add3A_115, %dma_wait3A_119] : memref<10240x128xf32, #tpu.memory_space<vmem_shared>> -> memref<80x128xf32, #tpu.memory_space<vmem_shared>>
    %dma_wait3A_121 = arith.constant 0 : i32
    %dma_wait3A_122 = tpu.memref_slice %arg10[%add3A_115, %dma_wait3A_121] : memref<10240x128xf32, #tpu.memory_space<vmem_shared>> -> memref<80x128xf32, #tpu.memory_space<vmem_shared>>
    %dma_wait3A_123 = arith.constant 0 : i32
    %dma_wait3A_124 = arith.constant 0 : i32
    %dma_wait3A_125 = tpu.memref_slice %arg7[%dma_wait3A_123, %dma_wait3A_124] : memref<96x128xf32, #tpu.memory_space<vmem>> -> memref<80x128xf32, #tpu.memory_space<vmem>>
    tpu.wait_dma2 semaphore(%arg11 : memref<!tpu.dma_semaphore, #tpu.memory_space<semaphore_mem>>) src(%dma_wait3A_125 : memref<80x128xf32, #tpu.memory_space<vmem>>) dst(%dma_wait3A_122 : memref<80x128xf32, #tpu.memory_space<vmem_shared>>)
    %add3A_126 = arith.constant 160 : i32
    %add3A_127 = arith.addi %multiple_of3A, %add3A_126 : i32
    %dma_wait3A_128 = arith.constant 0 : i32
    %dma_wait3A_129 = arith.constant 0 : i32
    %dma_wait3A_130 = tpu.memref_slice %arg7[%dma_wait3A_128, %dma_wait3A_129] : memref<96x128xf32, #tpu.memory_space<vmem>> -> memref<80x128xf32, #tpu.memory_space<vmem>>
    %dma_wait3A_131 = arith.constant 0 : i32
    %dma_wait3A_132 = tpu.memref_slice %arg10[%add3A_127, %dma_wait3A_131] : memref<10240x128xf32, #tpu.memory_space<vmem_shared>> -> memref<80x128xf32, #tpu.memory_space<vmem_shared>>
    %dma_wait3A_133 = arith.constant 0 : i32
    %dma_wait3A_134 = tpu.memref_slice %arg10[%add3A_127, %dma_wait3A_133] : memref<10240x128xf32, #tpu.memory_space<vmem_shared>> -> memref<80x128xf32, #tpu.memory_space<vmem_shared>>
    %dma_wait3A_135 = arith.constant 0 : i32
    %dma_wait3A_136 = arith.constant 0 : i32
    %dma_wait3A_137 = tpu.memref_slice %arg7[%dma_wait3A_135, %dma_wait3A_136] : memref<96x128xf32, #tpu.memory_space<vmem>> -> memref<80x128xf32, #tpu.memory_space<vmem>>
    tpu.wait_dma2 semaphore(%arg11 : memref<!tpu.dma_semaphore, #tpu.memory_space<semaphore_mem>>) src(%dma_wait3A_137 : memref<80x128xf32, #tpu.memory_space<vmem>>) dst(%dma_wait3A_134 : memref<80x128xf32, #tpu.memory_space<vmem_shared>>)
    %add3A_138 = arith.constant 240 : i32
    %add3A_139 = arith.addi %multiple_of3A, %add3A_138 : i32
    %dma_wait3A_140 = arith.constant 0 : i32
    %dma_wait3A_141 = arith.constant 0 : i32
    %dma_wait3A_142 = tpu.memref_slice %arg7[%dma_wait3A_140, %dma_wait3A_141] : memref<96x128xf32, #tpu.memory_space<vmem>> -> memref<80x128xf32, #tpu.memory_space<vmem>>
    %dma_wait3A_143 = arith.constant 0 : i32
    %dma_wait3A_144 = tpu.memref_slice %arg10[%add3A_139, %dma_wait3A_143] : memref<10240x128xf32, #tpu.memory_space<vmem_shared>> -> memref<80x128xf32, #tpu.memory_space<vmem_shared>>
    %dma_wait3A_145 = arith.constant 0 : i32
    %dma_wait3A_146 = tpu.memref_slice %arg10[%add3A_139, %dma_wait3A_145] : memref<10240x128xf32, #tpu.memory_space<vmem_shared>> -> memref<80x128xf32, #tpu.memory_space<vmem_shared>>
    %dma_wait3A_147 = arith.constant 0 : i32
    %dma_wait3A_148 = arith.constant 0 : i32
    %dma_wait3A_149 = tpu.memref_slice %arg7[%dma_wait3A_147, %dma_wait3A_148] : memref<96x128xf32, #tpu.memory_space<vmem>> -> memref<80x128xf32, #tpu.memory_space<vmem>>
    tpu.wait_dma2 semaphore(%arg11 : memref<!tpu.dma_semaphore, #tpu.memory_space<semaphore_mem>>) src(%dma_wait3A_149 : memref<80x128xf32, #tpu.memory_space<vmem>>) dst(%dma_wait3A_146 : memref<80x128xf32, #tpu.memory_space<vmem_shared>>)
    %add3A_150 = arith.constant 320 : i32
    %add3A_151 = arith.addi %multiple_of3A, %add3A_150 : i32
    %dma_wait3A_152 = arith.constant 0 : i32
    %dma_wait3A_153 = arith.constant 0 : i32
    %dma_wait3A_154 = tpu.memref_slice %arg7[%dma_wait3A_152, %dma_wait3A_153] : memref<96x128xf32, #tpu.memory_space<vmem>> -> memref<80x128xf32, #tpu.memory_space<vmem>>
    %dma_wait3A_155 = arith.constant 0 : i32
    %dma_wait3A_156 = tpu.memref_slice %arg10[%add3A_151, %dma_wait3A_155] : memref<10240x128xf32, #tpu.memory_space<vmem_shared>> -> memref<80x128xf32, #tpu.memory_space<vmem_shared>>
    %dma_wait3A_157 = arith.constant 0 : i32
    %dma_wait3A_158 = tpu.memref_slice %arg10[%add3A_151, %dma_wait3A_157] : memref<10240x128xf32, #tpu.memory_space<vmem_shared>> -> memref<80x128xf32, #tpu.memory_space<vmem_shared>>
    %dma_wait3A_159 = arith.constant 0 : i32
    %dma_wait3A_160 = arith.constant 0 : i32
    %dma_wait3A_161 = tpu.memref_slice %arg7[%dma_wait3A_159, %dma_wait3A_160] : memref<96x128xf32, #tpu.memory_space<vmem>> -> memref<80x128xf32, #tpu.memory_space<vmem>>
    tpu.wait_dma2 semaphore(%arg11 : memref<!tpu.dma_semaphore, #tpu.memory_space<semaphore_mem>>) src(%dma_wait3A_161 : memref<80x128xf32, #tpu.memory_space<vmem>>) dst(%dma_wait3A_158 : memref<80x128xf32, #tpu.memory_space<vmem_shared>>)
    %add3A_162 = arith.constant 400 : i32
    %add3A_163 = arith.addi %multiple_of3A, %add3A_162 : i32
    %dma_wait3A_164 = arith.constant 0 : i32
    %dma_wait3A_165 = arith.constant 0 : i32
    %dma_wait3A_166 = tpu.memref_slice %arg7[%dma_wait3A_164, %dma_wait3A_165] : memref<96x128xf32, #tpu.memory_space<vmem>> -> memref<80x128xf32, #tpu.memory_space<vmem>>
    %dma_wait3A_167 = arith.constant 0 : i32
    %dma_wait3A_168 = tpu.memref_slice %arg10[%add3A_163, %dma_wait3A_167] : memref<10240x128xf32, #tpu.memory_space<vmem_shared>> -> memref<80x128xf32, #tpu.memory_space<vmem_shared>>
    %dma_wait3A_169 = arith.constant 0 : i32
    %dma_wait3A_170 = tpu.memref_slice %arg10[%add3A_163, %dma_wait3A_169] : memref<10240x128xf32, #tpu.memory_space<vmem_shared>> -> memref<80x128xf32, #tpu.memory_space<vmem_shared>>
    %dma_wait3A_171 = arith.constant 0 : i32
    %dma_wait3A_172 = arith.constant 0 : i32
    %dma_wait3A_173 = tpu.memref_slice %arg7[%dma_wait3A_171, %dma_wait3A_172] : memref<96x128xf32, #tpu.memory_space<vmem>> -> memref<80x128xf32, #tpu.memory_space<vmem>>
    tpu.wait_dma2 semaphore(%arg11 : memref<!tpu.dma_semaphore, #tpu.memory_space<semaphore_mem>>) src(%dma_wait3A_173 : memref<80x128xf32, #tpu.memory_space<vmem>>) dst(%dma_wait3A_170 : memref<80x128xf32, #tpu.memory_space<vmem_shared>>)
    %add3A_174 = arith.constant 480 : i32
    %add3A_175 = arith.addi %multiple_of3A, %add3A_174 : i32
    %dma_wait3A_176 = arith.constant 0 : i32
    %dma_wait3A_177 = arith.constant 0 : i32
    %dma_wait3A_178 = tpu.memref_slice %arg7[%dma_wait3A_176, %dma_wait3A_177] : memref<96x128xf32, #tpu.memory_space<vmem>> -> memref<80x128xf32, #tpu.memory_space<vmem>>
    %dma_wait3A_179 = arith.constant 0 : i32
    %dma_wait3A_180 = tpu.memref_slice %arg10[%add3A_175, %dma_wait3A_179] : memref<10240x128xf32, #tpu.memory_space<vmem_shared>> -> memref<80x128xf32, #tpu.memory_space<vmem_shared>>
    %dma_wait3A_181 = arith.constant 0 : i32
    %dma_wait3A_182 = tpu.memref_slice %arg10[%add3A_175, %dma_wait3A_181] : memref<10240x128xf32, #tpu.memory_space<vmem_shared>> -> memref<80x128xf32, #tpu.memory_space<vmem_shared>>
    %dma_wait3A_183 = arith.constant 0 : i32
    %dma_wait3A_184 = arith.constant 0 : i32
    %dma_wait3A_185 = tpu.memref_slice %arg7[%dma_wait3A_183, %dma_wait3A_184] : memref<96x128xf32, #tpu.memory_space<vmem>> -> memref<80x128xf32, #tpu.memory_space<vmem>>
    tpu.wait_dma2 semaphore(%arg11 : memref<!tpu.dma_semaphore, #tpu.memory_space<semaphore_mem>>) src(%dma_wait3A_185 : memref<80x128xf32, #tpu.memory_space<vmem>>) dst(%dma_wait3A_182 : memref<80x128xf32, #tpu.memory_space<vmem_shared>>)
    %add3A_186 = arith.constant 560 : i32
    %add3A_187 = arith.addi %multiple_of3A, %add3A_186 : i32
    %dma_wait3A_188 = arith.constant 0 : i32
    %dma_wait3A_189 = arith.constant 0 : i32
    %dma_wait3A_190 = tpu.memref_slice %arg7[%dma_wait3A_188, %dma_wait3A_189] : memref<96x128xf32, #tpu.memory_space<vmem>> -> memref<80x128xf32, #tpu.memory_space<vmem>>
    %dma_wait3A_191 = arith.constant 0 : i32
    %dma_wait3A_192 = tpu.memref_slice %arg10[%add3A_187, %dma_wait3A_191] : memref<10240x128xf32, #tpu.memory_space<vmem_shared>> -> memref<80x128xf32, #tpu.memory_space<vmem_shared>>
    %dma_wait3A_193 = arith.constant 0 : i32
    %dma_wait3A_194 = tpu.memref_slice %arg10[%add3A_187, %dma_wait3A_193] : memref<10240x128xf32, #tpu.memory_space<vmem_shared>> -> memref<80x128xf32, #tpu.memory_space<vmem_shared>>
    %dma_wait3A_195 = arith.constant 0 : i32
    %dma_wait3A_196 = arith.constant 0 : i32
    %dma_wait3A_197 = tpu.memref_slice %arg7[%dma_wait3A_195, %dma_wait3A_196] : memref<96x128xf32, #tpu.memory_space<vmem>> -> memref<80x128xf32, #tpu.memory_space<vmem>>
    tpu.wait_dma2 semaphore(%arg11 : memref<!tpu.dma_semaphore, #tpu.memory_space<semaphore_mem>>) src(%dma_wait3A_197 : memref<80x128xf32, #tpu.memory_space<vmem>>) dst(%dma_wait3A_194 : memref<80x128xf32, #tpu.memory_space<vmem_shared>>)
    %barrier3A = arith.constant 0 : index
    tpu.barrier barrier_id(%barrier3A)
    %dma_start3A_198 = arith.constant 0 : i32
    %dma_start3A_199 = arith.constant 0 : i32
    %dma_start3A_200 = arith.constant 0 : i32
    %dma_start3A_201 = arith.constant 0 : i32
    %dma_start3A_202 = arith.constant 0 : i32
    %dma_start3A_203 = tpu.memref_slice %arg5[%dma_start3A_200, %dma_start3A_201, %dma_start3A_202] : memref<2x6x96xi32, #tpu.memory_space<vmem>> -> memref<1x6x96xi32, #tpu.memory_space<vmem>>
    %dma_start3A_204 = tpu.memref_squeeze %dma_start3A_203 : memref<1x6x96xi32, #tpu.memory_space<vmem>> -> memref<6x96xi32, #tpu.memory_space<vmem>>
    %dma_start3A_205 = arith.constant 0 : i32
    %dma_start3A_206 = arith.constant 0 : i32
    %dma_start3A_207 = tpu.memref_slice %arg3[%dma_start3A_198, %add3A, %dma_start3A_199, %dma_start3A_205, %dma_start3A_206] : memref<2x32x18x6x96xi32, #tpu.memory_space<hbm>> -> memref<1x1x1x6x96xi32, #tpu.memory_space<hbm>>
    %dma_start3A_208 = tpu.memref_squeeze %dma_start3A_207 : memref<1x1x1x6x96xi32, #tpu.memory_space<hbm>> -> memref<6x96xi32, #tpu.memory_space<hbm>>
    %dma_start3A_209 = arith.constant 0 : i32
    %dma_start3A_210 = arith.constant 0 : i32
    %dma_start3A_211 = tpu.memref_slice %arg5[%dma_start3A_200, %dma_start3A_209, %dma_start3A_210] : memref<2x6x96xi32, #tpu.memory_space<vmem>> -> memref<1x6x96xi32, #tpu.memory_space<vmem>>
    %dma_start3A_212 = tpu.memref_squeeze %dma_start3A_211 : memref<1x6x96xi32, #tpu.memory_space<vmem>> -> memref<6x96xi32, #tpu.memory_space<vmem>>
    %dma_start3A_213 = arith.constant 0 : i32
    %dma_start3A_214 = arith.constant 0 : i32
    %dma_start3A_215 = tpu.memref_slice %arg3[%dma_start3A_198, %add3A, %dma_start3A_199, %dma_start3A_213, %dma_start3A_214] : memref<2x32x18x6x96xi32, #tpu.memory_space<hbm>> -> memref<1x1x1x6x96xi32, #tpu.memory_space<hbm>>
    %dma_start3A_216 = tpu.memref_squeeze %dma_start3A_215 : memref<1x1x1x6x96xi32, #tpu.memory_space<hbm>> -> memref<6x96xi32, #tpu.memory_space<hbm>>
    tpu.enqueue_dma source(%dma_start3A_216 : memref<6x96xi32, #tpu.memory_space<hbm>>) target(%dma_start3A_212 : memref<6x96xi32, #tpu.memory_space<vmem>>) target_semaphore(%arg17 : memref<!tpu.dma_semaphore, #tpu.memory_space<semaphore_mem>>)
    %dma_start3A_217 = arith.constant 1 : i32
    %dma_start3A_218 = arith.constant 0 : i32
    %dma_start3A_219 = arith.constant 0 : i32
    %dma_start3A_220 = arith.constant 0 : i32
    %dma_start3A_221 = arith.constant 0 : i32
    %dma_start3A_222 = tpu.memref_slice %arg6[%dma_start3A_219, %dma_start3A_220, %dma_start3A_221] : memref<2x6x96xi32, #tpu.memory_space<vmem>> -> memref<1x6x96xi32, #tpu.memory_space<vmem>>
    %dma_start3A_223 = tpu.memref_squeeze %dma_start3A_222 : memref<1x6x96xi32, #tpu.memory_space<vmem>> -> memref<6x96xi32, #tpu.memory_space<vmem>>
    %dma_start3A_224 = arith.constant 0 : i32
    %dma_start3A_225 = arith.constant 0 : i32
    %dma_start3A_226 = tpu.memref_slice %arg3[%dma_start3A_217, %add3A, %dma_start3A_218, %dma_start3A_224, %dma_start3A_225] : memref<2x32x18x6x96xi32, #tpu.memory_space<hbm>> -> memref<1x1x1x6x96xi32, #tpu.memory_space<hbm>>
    %dma_start3A_227 = tpu.memref_squeeze %dma_start3A_226 : memref<1x1x1x6x96xi32, #tpu.memory_space<hbm>> -> memref<6x96xi32, #tpu.memory_space<hbm>>
    %dma_start3A_228 = arith.constant 0 : i32
    %dma_start3A_229 = arith.constant 0 : i32
    %dma_start3A_230 = tpu.memref_slice %arg6[%dma_start3A_219, %dma_start3A_228, %dma_start3A_229] : memref<2x6x96xi32, #tpu.memory_space<vmem>> -> memref<1x6x96xi32, #tpu.memory_space<vmem>>
    %dma_start3A_231 = tpu.memref_squeeze %dma_start3A_230 : memref<1x6x96xi32, #tpu.memory_space<vmem>> -> memref<6x96xi32, #tpu.memory_space<vmem>>
    %dma_start3A_232 = arith.constant 0 : i32
    %dma_start3A_233 = arith.constant 0 : i32
    %dma_start3A_234 = tpu.memref_slice %arg3[%dma_start3A_217, %add3A, %dma_start3A_218, %dma_start3A_232, %dma_start3A_233] : memref<2x32x18x6x96xi32, #tpu.memory_space<hbm>> -> memref<1x1x1x6x96xi32, #tpu.memory_space<hbm>>
    %dma_start3A_235 = tpu.memref_squeeze %dma_start3A_234 : memref<1x1x1x6x96xi32, #tpu.memory_space<hbm>> -> memref<6x96xi32, #tpu.memory_space<hbm>>
    tpu.enqueue_dma source(%dma_start3A_235 : memref<6x96xi32, #tpu.memory_space<hbm>>) target(%dma_start3A_231 : memref<6x96xi32, #tpu.memory_space<vmem>>) target_semaphore(%arg19 : memref<!tpu.dma_semaphore, #tpu.memory_space<semaphore_mem>>)
    %dma_wait3A_236 = arith.constant 0 : i32
    %dma_wait3A_237 = arith.constant 0 : i32
    %dma_wait3A_238 = arith.constant 0 : i32
    %dma_wait3A_239 = arith.constant 0 : i32
    %dma_wait3A_240 = arith.constant 0 : i32
    %dma_wait3A_241 = tpu.memref_slice %arg5[%dma_wait3A_238, %dma_wait3A_239, %dma_wait3A_240] : memref<2x6x96xi32, #tpu.memory_space<vmem>> -> memref<1x6x96xi32, #tpu.memory_space<vmem>>
    %dma_wait3A_242 = tpu.memref_squeeze %dma_wait3A_241 : memref<1x6x96xi32, #tpu.memory_space<vmem>> -> memref<6x96xi32, #tpu.memory_space<vmem>>
    %dma_wait3A_243 = arith.constant 0 : i32
    %dma_wait3A_244 = arith.constant 0 : i32
    %dma_wait3A_245 = tpu.memref_slice %arg3[%dma_wait3A_236, %add3A, %dma_wait3A_237, %dma_wait3A_243, %dma_wait3A_244] : memref<2x32x18x6x96xi32, #tpu.memory_space<hbm>> -> memref<1x1x1x6x96xi32, #tpu.memory_space<hbm>>
    %dma_wait3A_246 = tpu.memref_squeeze %dma_wait3A_245 : memref<1x1x1x6x96xi32, #tpu.memory_space<hbm>> -> memref<6x96xi32, #tpu.memory_space<hbm>>
    %dma_wait3A_247 = arith.constant 0 : i32
    %dma_wait3A_248 = arith.constant 0 : i32
    %dma_wait3A_249 = tpu.memref_slice %arg5[%dma_wait3A_238, %dma_wait3A_247, %dma_wait3A_248] : memref<2x6x96xi32, #tpu.memory_space<vmem>> -> memref<1x6x96xi32, #tpu.memory_space<vmem>>
    %dma_wait3A_250 = tpu.memref_squeeze %dma_wait3A_249 : memref<1x6x96xi32, #tpu.memory_space<vmem>> -> memref<6x96xi32, #tpu.memory_space<vmem>>
    %dma_wait3A_251 = arith.constant 0 : i32
    %dma_wait3A_252 = arith.constant 0 : i32
    %dma_wait3A_253 = tpu.memref_slice %arg3[%dma_wait3A_236, %add3A, %dma_wait3A_237, %dma_wait3A_251, %dma_wait3A_252] : memref<2x32x18x6x96xi32, #tpu.memory_space<hbm>> -> memref<1x1x1x6x96xi32, #tpu.memory_space<hbm>>
    %dma_wait3A_254 = tpu.memref_squeeze %dma_wait3A_253 : memref<1x1x1x6x96xi32, #tpu.memory_space<hbm>> -> memref<6x96xi32, #tpu.memory_space<hbm>>
    tpu.wait_dma2 semaphore(%arg17 : memref<!tpu.dma_semaphore, #tpu.memory_space<semaphore_mem>>) src(%dma_wait3A_254 : memref<6x96xi32, #tpu.memory_space<hbm>>) dst(%dma_wait3A_250 : memref<6x96xi32, #tpu.memory_space<vmem>>)
    %dma_wait3A_255 = arith.constant 1 : i32
    %dma_wait3A_256 = arith.constant 0 : i32
    %dma_wait3A_257 = arith.constant 0 : i32
    %dma_wait3A_258 = arith.constant 0 : i32
    %dma_wait3A_259 = arith.constant 0 : i32
    %dma_wait3A_260 = tpu.memref_slice %arg6[%dma_wait3A_257, %dma_wait3A_258, %dma_wait3A_259] : memref<2x6x96xi32, #tpu.memory_space<vmem>> -> memref<1x6x96xi32, #tpu.memory_space<vmem>>
    %dma_wait3A_261 = tpu.memref_squeeze %dma_wait3A_260 : memref<1x6x96xi32, #tpu.memory_space<vmem>> -> memref<6x96xi32, #tpu.memory_space<vmem>>
    %dma_wait3A_262 = arith.constant 0 : i32
    %dma_wait3A_263 = arith.constant 0 : i32
    %dma_wait3A_264 = tpu.memref_slice %arg3[%dma_wait3A_255, %add3A, %dma_wait3A_256, %dma_wait3A_262, %dma_wait3A_263] : memref<2x32x18x6x96xi32, #tpu.memory_space<hbm>> -> memref<1x1x1x6x96xi32, #tpu.memory_space<hbm>>
    %dma_wait3A_265 = tpu.memref_squeeze %dma_wait3A_264 : memref<1x1x1x6x96xi32, #tpu.memory_space<hbm>> -> memref<6x96xi32, #tpu.memory_space<hbm>>
    %dma_wait3A_266 = arith.constant 0 : i32
    %dma_wait3A_267 = arith.constant 0 : i32
    %dma_wait3A_268 = tpu.memref_slice %arg6[%dma_wait3A_257, %dma_wait3A_266, %dma_wait3A_267] : memref<2x6x96xi32, #tpu.memory_space<vmem>> -> memref<1x6x96xi32, #tpu.memory_space<vmem>>
    %dma_wait3A_269 = tpu.memref_squeeze %dma_wait3A_268 : memref<1x6x96xi32, #tpu.memory_space<vmem>> -> memref<6x96xi32, #tpu.memory_space<vmem>>
    %dma_wait3A_270 = arith.constant 0 : i32
    %dma_wait3A_271 = arith.constant 0 : i32
    %dma_wait3A_272 = tpu.memref_slice %arg3[%dma_wait3A_255, %add3A, %dma_wait3A_256, %dma_wait3A_270, %dma_wait3A_271] : memref<2x32x18x6x96xi32, #tpu.memory_space<hbm>> -> memref<1x1x1x6x96xi32, #tpu.memory_space<hbm>>
    %dma_wait3A_273 = tpu.memref_squeeze %dma_wait3A_272 : memref<1x1x1x6x96xi32, #tpu.memory_space<hbm>> -> memref<6x96xi32, #tpu.memory_space<hbm>>
    tpu.wait_dma2 semaphore(%arg19 : memref<!tpu.dma_semaphore, #tpu.memory_space<semaphore_mem>>) src(%dma_wait3A_273 : memref<6x96xi32, #tpu.memory_space<hbm>>) dst(%dma_wait3A_269 : memref<6x96xi32, #tpu.memory_space<vmem>>)
    %dma_start3A_274 = arith.constant 0 : i32
    %dma_start3A_275 = arith.constant 0 : i32
    %dma_start3A_276 = arith.constant 0 : i32
    %dma_start3A_277 = tpu.memref_slice %arg5[%dma_start3A_274, %dma_start3A_275, %dma_start3A_276] : memref<2x6x96xi32, #tpu.memory_space<vmem>> -> memref<1x1x96xi32, #tpu.memory_space<vmem>>
    %dma_start3A_278 = tpu.memref_squeeze %dma_start3A_277 : memref<1x1x96xi32, #tpu.memory_space<vmem>> -> memref<96xi32, #tpu.memory_space<vmem>>
    %dma_start3A_279 = arith.constant 0 : i32
    %dma_start3A_280 = arith.constant 0 : i32
    %dma_start3A_281 = tpu.memref_slice %arg2[%dma_start3A_279, %dma_start3A_280] : memref<10240x128xf32, #tpu.memory_space<hbm>> -> memref<10240x128xf32, #tpu.memory_space<hbm>>
    tpu.enqueue_indirect_dma source(%dma_start3A_281 : memref<10240x128xf32, #tpu.memory_space<hbm>>) target(%arg7 : memref<96x128xf32, #tpu.memory_space<vmem>>) offsets(%dma_start3A_278 : memref<96xi32, #tpu.memory_space<vmem>>) semaphore(%arg11 : memref<!tpu.dma_semaphore, #tpu.memory_space<semaphore_mem>>)
    %dma_start3A_282 = arith.constant 0 : i32
    %dma_start3A_283 = arith.constant 1 : i32
    %dma_start3A_284 = arith.constant 0 : i32
    %dma_start3A_285 = tpu.memref_slice %arg5[%dma_start3A_282, %dma_start3A_283, %dma_start3A_284] : memref<2x6x96xi32, #tpu.memory_space<vmem>> -> memref<1x1x96xi32, #tpu.memory_space<vmem>>
    %dma_start3A_286 = tpu.memref_squeeze %dma_start3A_285 : memref<1x1x96xi32, #tpu.memory_space<vmem>> -> memref<96xi32, #tpu.memory_space<vmem>>
    %dma_start3A_287 = arith.constant 0 : i32
    %dma_start3A_288 = arith.constant 0 : i32
    %dma_start3A_289 = tpu.memref_slice %arg2[%dma_start3A_287, %dma_start3A_288] : memref<10240x128xf32, #tpu.memory_space<hbm>> -> memref<10240x128xf32, #tpu.memory_space<hbm>>
    tpu.enqueue_indirect_dma source(%dma_start3A_289 : memref<10240x128xf32, #tpu.memory_space<hbm>>) target(%arg8 : memref<96x128xf32, #tpu.memory_space<vmem>>) offsets(%dma_start3A_286 : memref<96xi32, #tpu.memory_space<vmem>>) semaphore(%arg12 : memref<!tpu.dma_semaphore, #tpu.memory_space<semaphore_mem>>)
    %scan3A_290 = arith.constant 0 : i32
    %scan3A_291 = arith.constant 0 : i32
    %scan3A_292 = arith.constant 9 : i32
    %scan3A_293 = arith.addi %scan3A_291, %scan3A_292 : i32
    %scan3A_294 = arith.constant 1 : i32
    scf.for %scan3A_305 = %scan3A_291 to %scan3A_293 step %scan3A_294  : i32 {
      %mul3A_306 = arith.constant 2 : i32
      %mul3A_307 = arith.muli %scan3A_305, %mul3A_306 : i32
      %add3A_308 = arith.constant 0 : i32
      %add3A_309 = arith.addi %mul3A_307, %add3A_308 : i32
      %mul3A_310 = arith.constant 6 : i32
      %mul3A_311 = arith.muli %add3A_309, %mul3A_310 : i32
      %add3A_312 = arith.constant 0 : i32
      %add3A_313 = arith.addi %mul3A_311, %add3A_312 : i32
      %dma_wait3A_314 = arith.constant 0 : i32
      %dma_wait3A_315 = arith.constant 0 : i32
      %dma_wait3A_316 = arith.constant 0 : i32
      %dma_wait3A_317 = tpu.memref_slice %arg5[%dma_wait3A_314, %dma_wait3A_315, %dma_wait3A_316] : memref<2x6x96xi32, #tpu.memory_space<vmem>> -> memref<1x1x96xi32, #tpu.memory_space<vmem>>
      %dma_wait3A_318 = tpu.memref_squeeze %dma_wait3A_317 : memref<1x1x96xi32, #tpu.memory_space<vmem>> -> memref<96xi32, #tpu.memory_space<vmem>>
      %dma_wait3A_319 = arith.constant 0 : i32
      %dma_wait3A_320 = arith.constant 0 : i32
      %dma_wait3A_321 = tpu.memref_slice %arg2[%dma_wait3A_319, %dma_wait3A_320] : memref<10240x128xf32, #tpu.memory_space<hbm>> -> memref<10240x128xf32, #tpu.memory_space<hbm>>
      tpu.wait_indirect_dma semaphore(%arg11 : memref<!tpu.dma_semaphore, #tpu.memory_space<semaphore_mem>>) src(%dma_wait3A_321 : memref<10240x128xf32, #tpu.memory_space<hbm>>) dst(%arg7 : memref<96x128xf32, #tpu.memory_space<vmem>>)
      %dma_start3A_322 = arith.constant 0 : i32
      %dma_start3A_323 = arith.constant 0 : i32
      %dma_start3A_324 = arith.constant 0 : i32
      %dma_start3A_325 = tpu.memref_slice %arg6[%dma_start3A_322, %dma_start3A_323, %dma_start3A_324] : memref<2x6x96xi32, #tpu.memory_space<vmem>> -> memref<1x1x96xi32, #tpu.memory_space<vmem>>
      %dma_start3A_326 = tpu.memref_squeeze %dma_start3A_325 : memref<1x1x96xi32, #tpu.memory_space<vmem>> -> memref<96xi32, #tpu.memory_space<vmem>>
      %dma_start3A_327 = arith.constant 0 : i32
      %dma_start3A_328 = arith.constant 0 : i32
      %dma_start3A_329 = tpu.memref_slice %arg10[%dma_start3A_327, %dma_start3A_328] : memref<10240x128xf32, #tpu.memory_space<vmem_shared>> -> memref<10240x128xf32, #tpu.memory_space<vmem_shared>>
      tpu.enqueue_indirect_dma source(%arg7 : memref<96x128xf32, #tpu.memory_space<vmem>>) target(%dma_start3A_329 : memref<10240x128xf32, #tpu.memory_space<vmem_shared>>) offsets(%dma_start3A_326 : memref<96xi32, #tpu.memory_space<vmem>>) semaphore(%arg14 : memref<!tpu.dma_semaphore, #tpu.memory_space<semaphore_mem>>) {add = true}
      %ge3A = arith.constant 1 : i32
      %ge3A_330 = arith.cmpi sge, %add3A_313, %ge3A : i32
      %convert_element_type3A = arith.extui %ge3A_330 : i1 to i32
      %cond3A = arith.constant 0 : i32
      %cond3A_331 = arith.cmpi ne, %convert_element_type3A, %cond3A : i32
      scf.if %cond3A_331 {
        %dma_wait3A_746 = arith.constant 1 : i32
        %dma_wait3A_747 = arith.constant 5 : i32
        %dma_wait3A_748 = arith.constant 0 : i32
        %dma_wait3A_749 = tpu.memref_slice %arg6[%dma_wait3A_746, %dma_wait3A_747, %dma_wait3A_748] : memref<2x6x96xi32, #tpu.memory_space<vmem>> -> memref<1x1x96xi32, #tpu.memory_space<vmem>>
        %dma_wait3A_750 = tpu.memref_squeeze %dma_wait3A_749 : memref<1x1x96xi32, #tpu.memory_space<vmem>> -> memref<96xi32, #tpu.memory_space<vmem>>
        %dma_wait3A_751 = arith.constant 0 : i32
        %dma_wait3A_752 = arith.constant 0 : i32
        %dma_wait3A_753 = tpu.memref_slice %arg10[%dma_wait3A_751, %dma_wait3A_752] : memref<10240x128xf32, #tpu.memory_space<vmem_shared>> -> memref<10240x128xf32, #tpu.memory_space<vmem_shared>>
        tpu.wait_indirect_dma semaphore(%arg16 : memref<!tpu.dma_semaphore, #tpu.memory_space<semaphore_mem>>) src(%arg9 : memref<96x128xf32, #tpu.memory_space<vmem>>) dst(%dma_wait3A_753 : memref<10240x128xf32, #tpu.memory_space<vmem_shared>>)
      } else {
      }
      %dma_start3A_332 = arith.constant 0 : i32
      %dma_start3A_333 = arith.constant 2 : i32
      %dma_start3A_334 = arith.constant 0 : i32
      %dma_start3A_335 = tpu.memref_slice %arg5[%dma_start3A_332, %dma_start3A_333, %dma_start3A_334] : memref<2x6x96xi32, #tpu.memory_space<vmem>> -> memref<1x1x96xi32, #tpu.memory_space<vmem>>
      %dma_start3A_336 = tpu.memref_squeeze %dma_start3A_335 : memref<1x1x96xi32, #tpu.memory_space<vmem>> -> memref<96xi32, #tpu.memory_space<vmem>>
      %dma_start3A_337 = arith.constant 0 : i32
      %dma_start3A_338 = arith.constant 0 : i32
      %dma_start3A_339 = tpu.memref_slice %arg2[%dma_start3A_337, %dma_start3A_338] : memref<10240x128xf32, #tpu.memory_space<hbm>> -> memref<10240x128xf32, #tpu.memory_space<hbm>>
      tpu.enqueue_indirect_dma source(%dma_start3A_339 : memref<10240x128xf32, #tpu.memory_space<hbm>>) target(%arg9 : memref<96x128xf32, #tpu.memory_space<vmem>>) offsets(%dma_start3A_336 : memref<96xi32, #tpu.memory_space<vmem>>) semaphore(%arg13 : memref<!tpu.dma_semaphore, #tpu.memory_space<semaphore_mem>>)
      %mul3A_340 = arith.constant 6 : i32
      %mul3A_341 = arith.muli %add3A_309, %mul3A_340 : i32
      %add3A_342 = arith.constant 1 : i32
      %add3A_343 = arith.addi %mul3A_341, %add3A_342 : i32
      %dma_wait3A_344 = arith.constant 0 : i32
      %dma_wait3A_345 = arith.constant 1 : i32
      %dma_wait3A_346 = arith.constant 0 : i32
      %dma_wait3A_347 = tpu.memref_slice %arg5[%dma_wait3A_344, %dma_wait3A_345, %dma_wait3A_346] : memref<2x6x96xi32, #tpu.memory_space<vmem>> -> memref<1x1x96xi32, #tpu.memory_space<vmem>>
      %dma_wait3A_348 = tpu.memref_squeeze %dma_wait3A_347 : memref<1x1x96xi32, #tpu.memory_space<vmem>> -> memref<96xi32, #tpu.memory_space<vmem>>
      %dma_wait3A_349 = arith.constant 0 : i32
      %dma_wait3A_350 = arith.constant 0 : i32
      %dma_wait3A_351 = tpu.memref_slice %arg2[%dma_wait3A_349, %dma_wait3A_350] : memref<10240x128xf32, #tpu.memory_space<hbm>> -> memref<10240x128xf32, #tpu.memory_space<hbm>>
      tpu.wait_indirect_dma semaphore(%arg12 : memref<!tpu.dma_semaphore, #tpu.memory_space<semaphore_mem>>) src(%dma_wait3A_351 : memref<10240x128xf32, #tpu.memory_space<hbm>>) dst(%arg8 : memref<96x128xf32, #tpu.memory_space<vmem>>)
      %dma_start3A_352 = arith.constant 0 : i32
      %dma_start3A_353 = arith.constant 1 : i32
      %dma_start3A_354 = arith.constant 0 : i32
      %dma_start3A_355 = tpu.memref_slice %arg6[%dma_start3A_352, %dma_start3A_353, %dma_start3A_354] : memref<2x6x96xi32, #tpu.memory_space<vmem>> -> memref<1x1x96xi32, #tpu.memory_space<vmem>>
      %dma_start3A_356 = tpu.memref_squeeze %dma_start3A_355 : memref<1x1x96xi32, #tpu.memory_space<vmem>> -> memref<96xi32, #tpu.memory_space<vmem>>
      %dma_start3A_357 = arith.constant 0 : i32
      %dma_start3A_358 = arith.constant 0 : i32
      %dma_start3A_359 = tpu.memref_slice %arg10[%dma_start3A_357, %dma_start3A_358] : memref<10240x128xf32, #tpu.memory_space<vmem_shared>> -> memref<10240x128xf32, #tpu.memory_space<vmem_shared>>
      tpu.enqueue_indirect_dma source(%arg8 : memref<96x128xf32, #tpu.memory_space<vmem>>) target(%dma_start3A_359 : memref<10240x128xf32, #tpu.memory_space<vmem_shared>>) offsets(%dma_start3A_356 : memref<96xi32, #tpu.memory_space<vmem>>) semaphore(%arg15 : memref<!tpu.dma_semaphore, #tpu.memory_space<semaphore_mem>>) {add = true}
      %dma_wait3A_360 = arith.constant 0 : i32
      %dma_wait3A_361 = arith.constant 0 : i32
      %dma_wait3A_362 = arith.constant 0 : i32
      %dma_wait3A_363 = tpu.memref_slice %arg6[%dma_wait3A_360, %dma_wait3A_361, %dma_wait3A_362] : memref<2x6x96xi32, #tpu.memory_space<vmem>> -> memref<1x1x96xi32, #tpu.memory_space<vmem>>
      %dma_wait3A_364 = tpu.memref_squeeze %dma_wait3A_363 : memref<1x1x96xi32, #tpu.memory_space<vmem>> -> memref<96xi32, #tpu.memory_space<vmem>>
      %dma_wait3A_365 = arith.constant 0 : i32
      %dma_wait3A_366 = arith.constant 0 : i32
      %dma_wait3A_367 = tpu.memref_slice %arg10[%dma_wait3A_365, %dma_wait3A_366] : memref<10240x128xf32, #tpu.memory_space<vmem_shared>> -> memref<10240x128xf32, #tpu.memory_space<vmem_shared>>
      tpu.wait_indirect_dma semaphore(%arg14 : memref<!tpu.dma_semaphore, #tpu.memory_space<semaphore_mem>>) src(%arg7 : memref<96x128xf32, #tpu.memory_space<vmem>>) dst(%dma_wait3A_367 : memref<10240x128xf32, #tpu.memory_space<vmem_shared>>)
      %add3A_368 = arith.constant 1 : i32
      %add3A_369 = arith.addi %add3A_309, %add3A_368 : i32
      %lt3A = arith.constant 18 : i32
      %lt3A_370 = arith.cmpi slt, %add3A_369, %lt3A : i32
      %convert_element_type3A_371 = arith.extui %lt3A_370 : i1 to i32
      %cond3A_372 = arith.constant 0 : i32
      %cond3A_373 = arith.cmpi ne, %convert_element_type3A_371, %cond3A_372 : i32
      scf.if %cond3A_373 {
        %add3A_746 = arith.constant 1 : i32
        %add3A_747 = arith.addi %add3A_309, %add3A_746 : i32
        %dma_start3A_748 = arith.constant 0 : i32
        %dma_start3A_749 = arith.constant 1 : i32
        %dma_start3A_750 = arith.constant 0 : i32
        %dma_start3A_751 = arith.constant 0 : i32
        %dma_start3A_752 = tpu.memref_slice %arg5[%dma_start3A_749, %dma_start3A_750, %dma_start3A_751] : memref<2x6x96xi32, #tpu.memory_space<vmem>> -> memref<1x6x96xi32, #tpu.memory_space<vmem>>
        %dma_start3A_753 = tpu.memref_squeeze %dma_start3A_752 : memref<1x6x96xi32, #tpu.memory_space<vmem>> -> memref<6x96xi32, #tpu.memory_space<vmem>>
        %dma_start3A_754 = arith.constant 0 : i32
        %dma_start3A_755 = arith.constant 0 : i32
        %dma_start3A_756 = tpu.memref_slice %arg3[%dma_start3A_748, %add3A, %add3A_747, %dma_start3A_754, %dma_start3A_755] : memref<2x32x18x6x96xi32, #tpu.memory_space<hbm>> -> memref<1x1x1x6x96xi32, #tpu.memory_space<hbm>>
        %dma_start3A_757 = tpu.memref_squeeze %dma_start3A_756 : memref<1x1x1x6x96xi32, #tpu.memory_space<hbm>> -> memref<6x96xi32, #tpu.memory_space<hbm>>
        %dma_start3A_758 = arith.constant 0 : i32
        %dma_start3A_759 = arith.constant 0 : i32
        %dma_start3A_760 = tpu.memref_slice %arg5[%dma_start3A_749, %dma_start3A_758, %dma_start3A_759] : memref<2x6x96xi32, #tpu.memory_space<vmem>> -> memref<1x6x96xi32, #tpu.memory_space<vmem>>
        %dma_start3A_761 = tpu.memref_squeeze %dma_start3A_760 : memref<1x6x96xi32, #tpu.memory_space<vmem>> -> memref<6x96xi32, #tpu.memory_space<vmem>>
        %dma_start3A_762 = arith.constant 0 : i32
        %dma_start3A_763 = arith.constant 0 : i32
        %dma_start3A_764 = tpu.memref_slice %arg3[%dma_start3A_748, %add3A, %add3A_747, %dma_start3A_762, %dma_start3A_763] : memref<2x32x18x6x96xi32, #tpu.memory_space<hbm>> -> memref<1x1x1x6x96xi32, #tpu.memory_space<hbm>>
        %dma_start3A_765 = tpu.memref_squeeze %dma_start3A_764 : memref<1x1x1x6x96xi32, #tpu.memory_space<hbm>> -> memref<6x96xi32, #tpu.memory_space<hbm>>
        tpu.enqueue_dma source(%dma_start3A_765 : memref<6x96xi32, #tpu.memory_space<hbm>>) target(%dma_start3A_761 : memref<6x96xi32, #tpu.memory_space<vmem>>) target_semaphore(%arg18 : memref<!tpu.dma_semaphore, #tpu.memory_space<semaphore_mem>>)
        %add3A_766 = arith.constant 1 : i32
        %add3A_767 = arith.addi %add3A_309, %add3A_766 : i32
        %dma_start3A_768 = arith.constant 1 : i32
        %dma_start3A_769 = arith.constant 1 : i32
        %dma_start3A_770 = arith.constant 0 : i32
        %dma_start3A_771 = arith.constant 0 : i32
        %dma_start3A_772 = tpu.memref_slice %arg6[%dma_start3A_769, %dma_start3A_770, %dma_start3A_771] : memref<2x6x96xi32, #tpu.memory_space<vmem>> -> memref<1x6x96xi32, #tpu.memory_space<vmem>>
        %dma_start3A_773 = tpu.memref_squeeze %dma_start3A_772 : memref<1x6x96xi32, #tpu.memory_space<vmem>> -> memref<6x96xi32, #tpu.memory_space<vmem>>
        %dma_start3A_774 = arith.constant 0 : i32
        %dma_start3A_775 = arith.constant 0 : i32
        %dma_start3A_776 = tpu.memref_slice %arg3[%dma_start3A_768, %add3A, %add3A_767, %dma_start3A_774, %dma_start3A_775] : memref<2x32x18x6x96xi32, #tpu.memory_space<hbm>> -> memref<1x1x1x6x96xi32, #tpu.memory_space<hbm>>
        %dma_start3A_777 = tpu.memref_squeeze %dma_start3A_776 : memref<1x1x1x6x96xi32, #tpu.memory_space<hbm>> -> memref<6x96xi32, #tpu.memory_space<hbm>>
        %dma_start3A_778 = arith.constant 0 : i32
        %dma_start3A_779 = arith.constant 0 : i32
        %dma_start3A_780 = tpu.memref_slice %arg6[%dma_start3A_769, %dma_start3A_778, %dma_start3A_779] : memref<2x6x96xi32, #tpu.memory_space<vmem>> -> memref<1x6x96xi32, #tpu.memory_space<vmem>>
        %dma_start3A_781 = tpu.memref_squeeze %dma_start3A_780 : memref<1x6x96xi32, #tpu.memory_space<vmem>> -> memref<6x96xi32, #tpu.memory_space<vmem>>
        %dma_start3A_782 = arith.constant 0 : i32
        %dma_start3A_783 = arith.constant 0 : i32
        %dma_start3A_784 = tpu.memref_slice %arg3[%dma_start3A_768, %add3A, %add3A_767, %dma_start3A_782, %dma_start3A_783] : memref<2x32x18x6x96xi32, #tpu.memory_space<hbm>> -> memref<1x1x1x6x96xi32, #tpu.memory_space<hbm>>
        %dma_start3A_785 = tpu.memref_squeeze %dma_start3A_784 : memref<1x1x1x6x96xi32, #tpu.memory_space<hbm>> -> memref<6x96xi32, #tpu.memory_space<hbm>>
        tpu.enqueue_dma source(%dma_start3A_785 : memref<6x96xi32, #tpu.memory_space<hbm>>) target(%dma_start3A_781 : memref<6x96xi32, #tpu.memory_space<vmem>>) target_semaphore(%arg20 : memref<!tpu.dma_semaphore, #tpu.memory_space<semaphore_mem>>)
      } else {
      }
      %dma_start3A_374 = arith.constant 0 : i32
      %dma_start3A_375 = arith.constant 3 : i32
      %dma_start3A_376 = arith.constant 0 : i32
      %dma_start3A_377 = tpu.memref_slice %arg5[%dma_start3A_374, %dma_start3A_375, %dma_start3A_376] : memref<2x6x96xi32, #tpu.memory_space<vmem>> -> memref<1x1x96xi32, #tpu.memory_space<vmem>>
      %dma_start3A_378 = tpu.memref_squeeze %dma_start3A_377 : memref<1x1x96xi32, #tpu.memory_space<vmem>> -> memref<96xi32, #tpu.memory_space<vmem>>
      %dma_start3A_379 = arith.constant 0 : i32
      %dma_start3A_380 = arith.constant 0 : i32
      %dma_start3A_381 = tpu.memref_slice %arg2[%dma_start3A_379, %dma_start3A_380] : memref<10240x128xf32, #tpu.memory_space<hbm>> -> memref<10240x128xf32, #tpu.memory_space<hbm>>
      tpu.enqueue_indirect_dma source(%dma_start3A_381 : memref<10240x128xf32, #tpu.memory_space<hbm>>) target(%arg7 : memref<96x128xf32, #tpu.memory_space<vmem>>) offsets(%dma_start3A_378 : memref<96xi32, #tpu.memory_space<vmem>>) semaphore(%arg11 : memref<!tpu.dma_semaphore, #tpu.memory_space<semaphore_mem>>)
      %mul3A_382 = arith.constant 6 : i32
      %mul3A_383 = arith.muli %add3A_309, %mul3A_382 : i32
      %add3A_384 = arith.constant 2 : i32
      %add3A_385 = arith.addi %mul3A_383, %add3A_384 : i32
      %dma_wait3A_386 = arith.constant 0 : i32
      %dma_wait3A_387 = arith.constant 2 : i32
      %dma_wait3A_388 = arith.constant 0 : i32
      %dma_wait3A_389 = tpu.memref_slice %arg5[%dma_wait3A_386, %dma_wait3A_387, %dma_wait3A_388] : memref<2x6x96xi32, #tpu.memory_space<vmem>> -> memref<1x1x96xi32, #tpu.memory_space<vmem>>
      %dma_wait3A_390 = tpu.memref_squeeze %dma_wait3A_389 : memref<1x1x96xi32, #tpu.memory_space<vmem>> -> memref<96xi32, #tpu.memory_space<vmem>>
      %dma_wait3A_391 = arith.constant 0 : i32
      %dma_wait3A_392 = arith.constant 0 : i32
      %dma_wait3A_393 = tpu.memref_slice %arg2[%dma_wait3A_391, %dma_wait3A_392] : memref<10240x128xf32, #tpu.memory_space<hbm>> -> memref<10240x128xf32, #tpu.memory_space<hbm>>
      tpu.wait_indirect_dma semaphore(%arg13 : memref<!tpu.dma_semaphore, #tpu.memory_space<semaphore_mem>>) src(%dma_wait3A_393 : memref<10240x128xf32, #tpu.memory_space<hbm>>) dst(%arg9 : memref<96x128xf32, #tpu.memory_space<vmem>>)
      %dma_start3A_394 = arith.constant 0 : i32
      %dma_start3A_395 = arith.constant 2 : i32
      %dma_start3A_396 = arith.constant 0 : i32
      %dma_start3A_397 = tpu.memref_slice %arg6[%dma_start3A_394, %dma_start3A_395, %dma_start3A_396] : memref<2x6x96xi32, #tpu.memory_space<vmem>> -> memref<1x1x96xi32, #tpu.memory_space<vmem>>
      %dma_start3A_398 = tpu.memref_squeeze %dma_start3A_397 : memref<1x1x96xi32, #tpu.memory_space<vmem>> -> memref<96xi32, #tpu.memory_space<vmem>>
      %dma_start3A_399 = arith.constant 0 : i32
      %dma_start3A_400 = arith.constant 0 : i32
      %dma_start3A_401 = tpu.memref_slice %arg10[%dma_start3A_399, %dma_start3A_400] : memref<10240x128xf32, #tpu.memory_space<vmem_shared>> -> memref<10240x128xf32, #tpu.memory_space<vmem_shared>>
      tpu.enqueue_indirect_dma source(%arg9 : memref<96x128xf32, #tpu.memory_space<vmem>>) target(%dma_start3A_401 : memref<10240x128xf32, #tpu.memory_space<vmem_shared>>) offsets(%dma_start3A_398 : memref<96xi32, #tpu.memory_space<vmem>>) semaphore(%arg16 : memref<!tpu.dma_semaphore, #tpu.memory_space<semaphore_mem>>) {add = true}
      %dma_wait3A_402 = arith.constant 0 : i32
      %dma_wait3A_403 = arith.constant 1 : i32
      %dma_wait3A_404 = arith.constant 0 : i32
      %dma_wait3A_405 = tpu.memref_slice %arg6[%dma_wait3A_402, %dma_wait3A_403, %dma_wait3A_404] : memref<2x6x96xi32, #tpu.memory_space<vmem>> -> memref<1x1x96xi32, #tpu.memory_space<vmem>>
      %dma_wait3A_406 = tpu.memref_squeeze %dma_wait3A_405 : memref<1x1x96xi32, #tpu.memory_space<vmem>> -> memref<96xi32, #tpu.memory_space<vmem>>
      %dma_wait3A_407 = arith.constant 0 : i32
      %dma_wait3A_408 = arith.constant 0 : i32
      %dma_wait3A_409 = tpu.memref_slice %arg10[%dma_wait3A_407, %dma_wait3A_408] : memref<10240x128xf32, #tpu.memory_space<vmem_shared>> -> memref<10240x128xf32, #tpu.memory_space<vmem_shared>>
      tpu.wait_indirect_dma semaphore(%arg15 : memref<!tpu.dma_semaphore, #tpu.memory_space<semaphore_mem>>) src(%arg8 : memref<96x128xf32, #tpu.memory_space<vmem>>) dst(%dma_wait3A_409 : memref<10240x128xf32, #tpu.memory_space<vmem_shared>>)
      %dma_start3A_410 = arith.constant 0 : i32
      %dma_start3A_411 = arith.constant 4 : i32
      %dma_start3A_412 = arith.constant 0 : i32
      %dma_start3A_413 = tpu.memref_slice %arg5[%dma_start3A_410, %dma_start3A_411, %dma_start3A_412] : memref<2x6x96xi32, #tpu.memory_space<vmem>> -> memref<1x1x96xi32, #tpu.memory_space<vmem>>
      %dma_start3A_414 = tpu.memref_squeeze %dma_start3A_413 : memref<1x1x96xi32, #tpu.memory_space<vmem>> -> memref<96xi32, #tpu.memory_space<vmem>>
      %dma_start3A_415 = arith.constant 0 : i32
      %dma_start3A_416 = arith.constant 0 : i32
      %dma_start3A_417 = tpu.memref_slice %arg2[%dma_start3A_415, %dma_start3A_416] : memref<10240x128xf32, #tpu.memory_space<hbm>> -> memref<10240x128xf32, #tpu.memory_space<hbm>>
      tpu.enqueue_indirect_dma source(%dma_start3A_417 : memref<10240x128xf32, #tpu.memory_space<hbm>>) target(%arg8 : memref<96x128xf32, #tpu.memory_space<vmem>>) offsets(%dma_start3A_414 : memref<96xi32, #tpu.memory_space<vmem>>) semaphore(%arg12 : memref<!tpu.dma_semaphore, #tpu.memory_space<semaphore_mem>>)
      %mul3A_418 = arith.constant 6 : i32
      %mul3A_419 = arith.muli %add3A_309, %mul3A_418 : i32
      %add3A_420 = arith.constant 3 : i32
      %add3A_421 = arith.addi %mul3A_419, %add3A_420 : i32
      %dma_wait3A_422 = arith.constant 0 : i32
      %dma_wait3A_423 = arith.constant 3 : i32
      %dma_wait3A_424 = arith.constant 0 : i32
      %dma_wait3A_425 = tpu.memref_slice %arg5[%dma_wait3A_422, %dma_wait3A_423, %dma_wait3A_424] : memref<2x6x96xi32, #tpu.memory_space<vmem>> -> memref<1x1x96xi32, #tpu.memory_space<vmem>>
      %dma_wait3A_426 = tpu.memref_squeeze %dma_wait3A_425 : memref<1x1x96xi32, #tpu.memory_space<vmem>> -> memref<96xi32, #tpu.memory_space<vmem>>
      %dma_wait3A_427 = arith.constant 0 : i32
      %dma_wait3A_428 = arith.constant 0 : i32
      %dma_wait3A_429 = tpu.memref_slice %arg2[%dma_wait3A_427, %dma_wait3A_428] : memref<10240x128xf32, #tpu.memory_space<hbm>> -> memref<10240x128xf32, #tpu.memory_space<hbm>>
      tpu.wait_indirect_dma semaphore(%arg11 : memref<!tpu.dma_semaphore, #tpu.memory_space<semaphore_mem>>) src(%dma_wait3A_429 : memref<10240x128xf32, #tpu.memory_space<hbm>>) dst(%arg7 : memref<96x128xf32, #tpu.memory_space<vmem>>)
      %dma_start3A_430 = arith.constant 0 : i32
      %dma_start3A_431 = arith.constant 3 : i32
      %dma_start3A_432 = arith.constant 0 : i32
      %dma_start3A_433 = tpu.memref_slice %arg6[%dma_start3A_430, %dma_start3A_431, %dma_start3A_432] : memref<2x6x96xi32, #tpu.memory_space<vmem>> -> memref<1x1x96xi32, #tpu.memory_space<vmem>>
      %dma_start3A_434 = tpu.memref_squeeze %dma_start3A_433 : memref<1x1x96xi32, #tpu.memory_space<vmem>> -> memref<96xi32, #tpu.memory_space<vmem>>
      %dma_start3A_435 = arith.constant 0 : i32
      %dma_start3A_436 = arith.constant 0 : i32
      %dma_start3A_437 = tpu.memref_slice %arg10[%dma_start3A_435, %dma_start3A_436] : memref<10240x128xf32, #tpu.memory_space<vmem_shared>> -> memref<10240x128xf32, #tpu.memory_space<vmem_shared>>
      tpu.enqueue_indirect_dma source(%arg7 : memref<96x128xf32, #tpu.memory_space<vmem>>) target(%dma_start3A_437 : memref<10240x128xf32, #tpu.memory_space<vmem_shared>>) offsets(%dma_start3A_434 : memref<96xi32, #tpu.memory_space<vmem>>) semaphore(%arg14 : memref<!tpu.dma_semaphore, #tpu.memory_space<semaphore_mem>>) {add = true}
      %dma_wait3A_438 = arith.constant 0 : i32
      %dma_wait3A_439 = arith.constant 2 : i32
      %dma_wait3A_440 = arith.constant 0 : i32
      %dma_wait3A_441 = tpu.memref_slice %arg6[%dma_wait3A_438, %dma_wait3A_439, %dma_wait3A_440] : memref<2x6x96xi32, #tpu.memory_space<vmem>> -> memref<1x1x96xi32, #tpu.memory_space<vmem>>
      %dma_wait3A_442 = tpu.memref_squeeze %dma_wait3A_441 : memref<1x1x96xi32, #tpu.memory_space<vmem>> -> memref<96xi32, #tpu.memory_space<vmem>>
      %dma_wait3A_443 = arith.constant 0 : i32
      %dma_wait3A_444 = arith.constant 0 : i32
      %dma_wait3A_445 = tpu.memref_slice %arg10[%dma_wait3A_443, %dma_wait3A_444] : memref<10240x128xf32, #tpu.memory_space<vmem_shared>> -> memref<10240x128xf32, #tpu.memory_space<vmem_shared>>
      tpu.wait_indirect_dma semaphore(%arg16 : memref<!tpu.dma_semaphore, #tpu.memory_space<semaphore_mem>>) src(%arg9 : memref<96x128xf32, #tpu.memory_space<vmem>>) dst(%dma_wait3A_445 : memref<10240x128xf32, #tpu.memory_space<vmem_shared>>)
      %dma_start3A_446 = arith.constant 0 : i32
      %dma_start3A_447 = arith.constant 5 : i32
      %dma_start3A_448 = arith.constant 0 : i32
      %dma_start3A_449 = tpu.memref_slice %arg5[%dma_start3A_446, %dma_start3A_447, %dma_start3A_448] : memref<2x6x96xi32, #tpu.memory_space<vmem>> -> memref<1x1x96xi32, #tpu.memory_space<vmem>>
      %dma_start3A_450 = tpu.memref_squeeze %dma_start3A_449 : memref<1x1x96xi32, #tpu.memory_space<vmem>> -> memref<96xi32, #tpu.memory_space<vmem>>
      %dma_start3A_451 = arith.constant 0 : i32
      %dma_start3A_452 = arith.constant 0 : i32
      %dma_start3A_453 = tpu.memref_slice %arg2[%dma_start3A_451, %dma_start3A_452] : memref<10240x128xf32, #tpu.memory_space<hbm>> -> memref<10240x128xf32, #tpu.memory_space<hbm>>
      tpu.enqueue_indirect_dma source(%dma_start3A_453 : memref<10240x128xf32, #tpu.memory_space<hbm>>) target(%arg9 : memref<96x128xf32, #tpu.memory_space<vmem>>) offsets(%dma_start3A_450 : memref<96xi32, #tpu.memory_space<vmem>>) semaphore(%arg13 : memref<!tpu.dma_semaphore, #tpu.memory_space<semaphore_mem>>)
      %mul3A_454 = arith.constant 6 : i32
      %mul3A_455 = arith.muli %add3A_309, %mul3A_454 : i32
      %add3A_456 = arith.constant 4 : i32
      %add3A_457 = arith.addi %mul3A_455, %add3A_456 : i32
      %dma_wait3A_458 = arith.constant 0 : i32
      %dma_wait3A_459 = arith.constant 4 : i32
      %dma_wait3A_460 = arith.constant 0 : i32
      %dma_wait3A_461 = tpu.memref_slice %arg5[%dma_wait3A_458, %dma_wait3A_459, %dma_wait3A_460] : memref<2x6x96xi32, #tpu.memory_space<vmem>> -> memref<1x1x96xi32, #tpu.memory_space<vmem>>
      %dma_wait3A_462 = tpu.memref_squeeze %dma_wait3A_461 : memref<1x1x96xi32, #tpu.memory_space<vmem>> -> memref<96xi32, #tpu.memory_space<vmem>>
      %dma_wait3A_463 = arith.constant 0 : i32
      %dma_wait3A_464 = arith.constant 0 : i32
      %dma_wait3A_465 = tpu.memref_slice %arg2[%dma_wait3A_463, %dma_wait3A_464] : memref<10240x128xf32, #tpu.memory_space<hbm>> -> memref<10240x128xf32, #tpu.memory_space<hbm>>
      tpu.wait_indirect_dma semaphore(%arg12 : memref<!tpu.dma_semaphore, #tpu.memory_space<semaphore_mem>>) src(%dma_wait3A_465 : memref<10240x128xf32, #tpu.memory_space<hbm>>) dst(%arg8 : memref<96x128xf32, #tpu.memory_space<vmem>>)
      %dma_start3A_466 = arith.constant 0 : i32
      %dma_start3A_467 = arith.constant 4 : i32
      %dma_start3A_468 = arith.constant 0 : i32
      %dma_start3A_469 = tpu.memref_slice %arg6[%dma_start3A_466, %dma_start3A_467, %dma_start3A_468] : memref<2x6x96xi32, #tpu.memory_space<vmem>> -> memref<1x1x96xi32, #tpu.memory_space<vmem>>
      %dma_start3A_470 = tpu.memref_squeeze %dma_start3A_469 : memref<1x1x96xi32, #tpu.memory_space<vmem>> -> memref<96xi32, #tpu.memory_space<vmem>>
      %dma_start3A_471 = arith.constant 0 : i32
      %dma_start3A_472 = arith.constant 0 : i32
      %dma_start3A_473 = tpu.memref_slice %arg10[%dma_start3A_471, %dma_start3A_472] : memref<10240x128xf32, #tpu.memory_space<vmem_shared>> -> memref<10240x128xf32, #tpu.memory_space<vmem_shared>>
      tpu.enqueue_indirect_dma source(%arg8 : memref<96x128xf32, #tpu.memory_space<vmem>>) target(%dma_start3A_473 : memref<10240x128xf32, #tpu.memory_space<vmem_shared>>) offsets(%dma_start3A_470 : memref<96xi32, #tpu.memory_space<vmem>>) semaphore(%arg15 : memref<!tpu.dma_semaphore, #tpu.memory_space<semaphore_mem>>) {add = true}
      %dma_wait3A_474 = arith.constant 0 : i32
      %dma_wait3A_475 = arith.constant 3 : i32
      %dma_wait3A_476 = arith.constant 0 : i32
      %dma_wait3A_477 = tpu.memref_slice %arg6[%dma_wait3A_474, %dma_wait3A_475, %dma_wait3A_476] : memref<2x6x96xi32, #tpu.memory_space<vmem>> -> memref<1x1x96xi32, #tpu.memory_space<vmem>>
      %dma_wait3A_478 = tpu.memref_squeeze %dma_wait3A_477 : memref<1x1x96xi32, #tpu.memory_space<vmem>> -> memref<96xi32, #tpu.memory_space<vmem>>
      %dma_wait3A_479 = arith.constant 0 : i32
      %dma_wait3A_480 = arith.constant 0 : i32
      %dma_wait3A_481 = tpu.memref_slice %arg10[%dma_wait3A_479, %dma_wait3A_480] : memref<10240x128xf32, #tpu.memory_space<vmem_shared>> -> memref<10240x128xf32, #tpu.memory_space<vmem_shared>>
      tpu.wait_indirect_dma semaphore(%arg14 : memref<!tpu.dma_semaphore, #tpu.memory_space<semaphore_mem>>) src(%arg7 : memref<96x128xf32, #tpu.memory_space<vmem>>) dst(%dma_wait3A_481 : memref<10240x128xf32, #tpu.memory_space<vmem_shared>>)
      %add3A_482 = arith.constant 2 : i32
      %add3A_483 = arith.addi %add3A_457, %add3A_482 : i32
      %lt3A_484 = arith.constant 108 : i32
      %lt3A_485 = arith.cmpi slt, %add3A_483, %lt3A_484 : i32
      %convert_element_type3A_486 = arith.extui %lt3A_485 : i1 to i32
      %cond3A_487 = arith.constant 0 : i32
      %cond3A_488 = arith.cmpi ne, %convert_element_type3A_486, %cond3A_487 : i32
      scf.if %cond3A_488 {
        %dma_wait3A_746 = arith.constant 0 : i32
        %dma_wait3A_747 = arith.constant 0 : i32
        %dma_wait3A_748 = arith.constant 1 : i32
        %dma_wait3A_749 = arith.constant 0 : i32
        %dma_wait3A_750 = arith.constant 0 : i32
        %dma_wait3A_751 = tpu.memref_slice %arg5[%dma_wait3A_748, %dma_wait3A_749, %dma_wait3A_750] : memref<2x6x96xi32, #tpu.memory_space<vmem>> -> memref<1x6x96xi32, #tpu.memory_space<vmem>>
        %dma_wait3A_752 = tpu.memref_squeeze %dma_wait3A_751 : memref<1x6x96xi32, #tpu.memory_space<vmem>> -> memref<6x96xi32, #tpu.memory_space<vmem>>
        %dma_wait3A_753 = arith.constant 0 : i32
        %dma_wait3A_754 = arith.constant 0 : i32
        %dma_wait3A_755 = tpu.memref_slice %arg3[%dma_wait3A_746, %add3A, %dma_wait3A_747, %dma_wait3A_753, %dma_wait3A_754] : memref<2x32x18x6x96xi32, #tpu.memory_space<hbm>> -> memref<1x1x1x6x96xi32, #tpu.memory_space<hbm>>
        %dma_wait3A_756 = tpu.memref_squeeze %dma_wait3A_755 : memref<1x1x1x6x96xi32, #tpu.memory_space<hbm>> -> memref<6x96xi32, #tpu.memory_space<hbm>>
        %dma_wait3A_757 = arith.constant 0 : i32
        %dma_wait3A_758 = arith.constant 0 : i32
        %dma_wait3A_759 = tpu.memref_slice %arg5[%dma_wait3A_748, %dma_wait3A_757, %dma_wait3A_758] : memref<2x6x96xi32, #tpu.memory_space<vmem>> -> memref<1x6x96xi32, #tpu.memory_space<vmem>>
        %dma_wait3A_760 = tpu.memref_squeeze %dma_wait3A_759 : memref<1x6x96xi32, #tpu.memory_space<vmem>> -> memref<6x96xi32, #tpu.memory_space<vmem>>
        %dma_wait3A_761 = arith.constant 0 : i32
        %dma_wait3A_762 = arith.constant 0 : i32
        %dma_wait3A_763 = tpu.memref_slice %arg3[%dma_wait3A_746, %add3A, %dma_wait3A_747, %dma_wait3A_761, %dma_wait3A_762] : memref<2x32x18x6x96xi32, #tpu.memory_space<hbm>> -> memref<1x1x1x6x96xi32, #tpu.memory_space<hbm>>
        %dma_wait3A_764 = tpu.memref_squeeze %dma_wait3A_763 : memref<1x1x1x6x96xi32, #tpu.memory_space<hbm>> -> memref<6x96xi32, #tpu.memory_space<hbm>>
        tpu.wait_dma2 semaphore(%arg18 : memref<!tpu.dma_semaphore, #tpu.memory_space<semaphore_mem>>) src(%dma_wait3A_764 : memref<6x96xi32, #tpu.memory_space<hbm>>) dst(%dma_wait3A_760 : memref<6x96xi32, #tpu.memory_space<vmem>>)
        %dma_wait3A_765 = arith.constant 1 : i32
        %dma_wait3A_766 = arith.constant 0 : i32
        %dma_wait3A_767 = arith.constant 1 : i32
        %dma_wait3A_768 = arith.constant 0 : i32
        %dma_wait3A_769 = arith.constant 0 : i32
        %dma_wait3A_770 = tpu.memref_slice %arg6[%dma_wait3A_767, %dma_wait3A_768, %dma_wait3A_769] : memref<2x6x96xi32, #tpu.memory_space<vmem>> -> memref<1x6x96xi32, #tpu.memory_space<vmem>>
        %dma_wait3A_771 = tpu.memref_squeeze %dma_wait3A_770 : memref<1x6x96xi32, #tpu.memory_space<vmem>> -> memref<6x96xi32, #tpu.memory_space<vmem>>
        %dma_wait3A_772 = arith.constant 0 : i32
        %dma_wait3A_773 = arith.constant 0 : i32
        %dma_wait3A_774 = tpu.memref_slice %arg3[%dma_wait3A_765, %add3A, %dma_wait3A_766, %dma_wait3A_772, %dma_wait3A_773] : memref<2x32x18x6x96xi32, #tpu.memory_space<hbm>> -> memref<1x1x1x6x96xi32, #tpu.memory_space<hbm>>
        %dma_wait3A_775 = tpu.memref_squeeze %dma_wait3A_774 : memref<1x1x1x6x96xi32, #tpu.memory_space<hbm>> -> memref<6x96xi32, #tpu.memory_space<hbm>>
        %dma_wait3A_776 = arith.constant 0 : i32
        %dma_wait3A_777 = arith.constant 0 : i32
        %dma_wait3A_778 = tpu.memref_slice %arg6[%dma_wait3A_767, %dma_wait3A_776, %dma_wait3A_777] : memref<2x6x96xi32, #tpu.memory_space<vmem>> -> memref<1x6x96xi32, #tpu.memory_space<vmem>>
        %dma_wait3A_779 = tpu.memref_squeeze %dma_wait3A_778 : memref<1x6x96xi32, #tpu.memory_space<vmem>> -> memref<6x96xi32, #tpu.memory_space<vmem>>
        %dma_wait3A_780 = arith.constant 0 : i32
        %dma_wait3A_781 = arith.constant 0 : i32
        %dma_wait3A_782 = tpu.memref_slice %arg3[%dma_wait3A_765, %add3A, %dma_wait3A_766, %dma_wait3A_780, %dma_wait3A_781] : memref<2x32x18x6x96xi32, #tpu.memory_space<hbm>> -> memref<1x1x1x6x96xi32, #tpu.memory_space<hbm>>
        %dma_wait3A_783 = tpu.memref_squeeze %dma_wait3A_782 : memref<1x1x1x6x96xi32, #tpu.memory_space<hbm>> -> memref<6x96xi32, #tpu.memory_space<hbm>>
        tpu.wait_dma2 semaphore(%arg20 : memref<!tpu.dma_semaphore, #tpu.memory_space<semaphore_mem>>) src(%dma_wait3A_783 : memref<6x96xi32, #tpu.memory_space<hbm>>) dst(%dma_wait3A_779 : memref<6x96xi32, #tpu.memory_space<vmem>>)
        %dma_start3A_784 = arith.constant 1 : i32
        %dma_start3A_785 = arith.constant 0 : i32
        %dma_start3A_786 = arith.constant 0 : i32
        %dma_start3A_787 = tpu.memref_slice %arg5[%dma_start3A_784, %dma_start3A_785, %dma_start3A_786] : memref<2x6x96xi32, #tpu.memory_space<vmem>> -> memref<1x1x96xi32, #tpu.memory_space<vmem>>
        %dma_start3A_788 = tpu.memref_squeeze %dma_start3A_787 : memref<1x1x96xi32, #tpu.memory_space<vmem>> -> memref<96xi32, #tpu.memory_space<vmem>>
        %dma_start3A_789 = arith.constant 0 : i32
        %dma_start3A_790 = arith.constant 0 : i32
        %dma_start3A_791 = tpu.memref_slice %arg2[%dma_start3A_789, %dma_start3A_790] : memref<10240x128xf32, #tpu.memory_space<hbm>> -> memref<10240x128xf32, #tpu.memory_space<hbm>>
        tpu.enqueue_indirect_dma source(%dma_start3A_791 : memref<10240x128xf32, #tpu.memory_space<hbm>>) target(%arg7 : memref<96x128xf32, #tpu.memory_space<vmem>>) offsets(%dma_start3A_788 : memref<96xi32, #tpu.memory_space<vmem>>) semaphore(%arg11 : memref<!tpu.dma_semaphore, #tpu.memory_space<semaphore_mem>>)
      } else {
      }
      %mul3A_489 = arith.constant 6 : i32
      %mul3A_490 = arith.muli %add3A_309, %mul3A_489 : i32
      %add3A_491 = arith.constant 5 : i32
      %add3A_492 = arith.addi %mul3A_490, %add3A_491 : i32
      %dma_wait3A_493 = arith.constant 0 : i32
      %dma_wait3A_494 = arith.constant 5 : i32
      %dma_wait3A_495 = arith.constant 0 : i32
      %dma_wait3A_496 = tpu.memref_slice %arg5[%dma_wait3A_493, %dma_wait3A_494, %dma_wait3A_495] : memref<2x6x96xi32, #tpu.memory_space<vmem>> -> memref<1x1x96xi32, #tpu.memory_space<vmem>>
      %dma_wait3A_497 = tpu.memref_squeeze %dma_wait3A_496 : memref<1x1x96xi32, #tpu.memory_space<vmem>> -> memref<96xi32, #tpu.memory_space<vmem>>
      %dma_wait3A_498 = arith.constant 0 : i32
      %dma_wait3A_499 = arith.constant 0 : i32
      %dma_wait3A_500 = tpu.memref_slice %arg2[%dma_wait3A_498, %dma_wait3A_499] : memref<10240x128xf32, #tpu.memory_space<hbm>> -> memref<10240x128xf32, #tpu.memory_space<hbm>>
      tpu.wait_indirect_dma semaphore(%arg13 : memref<!tpu.dma_semaphore, #tpu.memory_space<semaphore_mem>>) src(%dma_wait3A_500 : memref<10240x128xf32, #tpu.memory_space<hbm>>) dst(%arg9 : memref<96x128xf32, #tpu.memory_space<vmem>>)
      %dma_start3A_501 = arith.constant 0 : i32
      %dma_start3A_502 = arith.constant 5 : i32
      %dma_start3A_503 = arith.constant 0 : i32
      %dma_start3A_504 = tpu.memref_slice %arg6[%dma_start3A_501, %dma_start3A_502, %dma_start3A_503] : memref<2x6x96xi32, #tpu.memory_space<vmem>> -> memref<1x1x96xi32, #tpu.memory_space<vmem>>
      %dma_start3A_505 = tpu.memref_squeeze %dma_start3A_504 : memref<1x1x96xi32, #tpu.memory_space<vmem>> -> memref<96xi32, #tpu.memory_space<vmem>>
      %dma_start3A_506 = arith.constant 0 : i32
      %dma_start3A_507 = arith.constant 0 : i32
      %dma_start3A_508 = tpu.memref_slice %arg10[%dma_start3A_506, %dma_start3A_507] : memref<10240x128xf32, #tpu.memory_space<vmem_shared>> -> memref<10240x128xf32, #tpu.memory_space<vmem_shared>>
      tpu.enqueue_indirect_dma source(%arg9 : memref<96x128xf32, #tpu.memory_space<vmem>>) target(%dma_start3A_508 : memref<10240x128xf32, #tpu.memory_space<vmem_shared>>) offsets(%dma_start3A_505 : memref<96xi32, #tpu.memory_space<vmem>>) semaphore(%arg16 : memref<!tpu.dma_semaphore, #tpu.memory_space<semaphore_mem>>) {add = true}
      %dma_wait3A_509 = arith.constant 0 : i32
      %dma_wait3A_510 = arith.constant 4 : i32
      %dma_wait3A_511 = arith.constant 0 : i32
      %dma_wait3A_512 = tpu.memref_slice %arg6[%dma_wait3A_509, %dma_wait3A_510, %dma_wait3A_511] : memref<2x6x96xi32, #tpu.memory_space<vmem>> -> memref<1x1x96xi32, #tpu.memory_space<vmem>>
      %dma_wait3A_513 = tpu.memref_squeeze %dma_wait3A_512 : memref<1x1x96xi32, #tpu.memory_space<vmem>> -> memref<96xi32, #tpu.memory_space<vmem>>
      %dma_wait3A_514 = arith.constant 0 : i32
      %dma_wait3A_515 = arith.constant 0 : i32
      %dma_wait3A_516 = tpu.memref_slice %arg10[%dma_wait3A_514, %dma_wait3A_515] : memref<10240x128xf32, #tpu.memory_space<vmem_shared>> -> memref<10240x128xf32, #tpu.memory_space<vmem_shared>>
      tpu.wait_indirect_dma semaphore(%arg15 : memref<!tpu.dma_semaphore, #tpu.memory_space<semaphore_mem>>) src(%arg8 : memref<96x128xf32, #tpu.memory_space<vmem>>) dst(%dma_wait3A_516 : memref<10240x128xf32, #tpu.memory_space<vmem_shared>>)
      %add3A_517 = arith.constant 2 : i32
      %add3A_518 = arith.addi %add3A_492, %add3A_517 : i32
      %lt3A_519 = arith.constant 108 : i32
      %lt3A_520 = arith.cmpi slt, %add3A_518, %lt3A_519 : i32
      %convert_element_type3A_521 = arith.extui %lt3A_520 : i1 to i32
      %cond3A_522 = arith.constant 0 : i32
      %cond3A_523 = arith.cmpi ne, %convert_element_type3A_521, %cond3A_522 : i32
      scf.if %cond3A_523 {
        %dma_start3A_746 = arith.constant 1 : i32
        %dma_start3A_747 = arith.constant 1 : i32
        %dma_start3A_748 = arith.constant 0 : i32
        %dma_start3A_749 = tpu.memref_slice %arg5[%dma_start3A_746, %dma_start3A_747, %dma_start3A_748] : memref<2x6x96xi32, #tpu.memory_space<vmem>> -> memref<1x1x96xi32, #tpu.memory_space<vmem>>
        %dma_start3A_750 = tpu.memref_squeeze %dma_start3A_749 : memref<1x1x96xi32, #tpu.memory_space<vmem>> -> memref<96xi32, #tpu.memory_space<vmem>>
        %dma_start3A_751 = arith.constant 0 : i32
        %dma_start3A_752 = arith.constant 0 : i32
        %dma_start3A_753 = tpu.memref_slice %arg2[%dma_start3A_751, %dma_start3A_752] : memref<10240x128xf32, #tpu.memory_space<hbm>> -> memref<10240x128xf32, #tpu.memory_space<hbm>>
        tpu.enqueue_indirect_dma source(%dma_start3A_753 : memref<10240x128xf32, #tpu.memory_space<hbm>>) target(%arg8 : memref<96x128xf32, #tpu.memory_space<vmem>>) offsets(%dma_start3A_750 : memref<96xi32, #tpu.memory_space<vmem>>) semaphore(%arg12 : memref<!tpu.dma_semaphore, #tpu.memory_space<semaphore_mem>>)
      } else {
      }
      %mul3A_524 = arith.constant 2 : i32
      %mul3A_525 = arith.muli %scan3A_305, %mul3A_524 : i32
      %add3A_526 = arith.constant 1 : i32
      %add3A_527 = arith.addi %mul3A_525, %add3A_526 : i32
      %mul3A_528 = arith.constant 6 : i32
      %mul3A_529 = arith.muli %add3A_527, %mul3A_528 : i32
      %add3A_530 = arith.constant 0 : i32
      %add3A_531 = arith.addi %mul3A_529, %add3A_530 : i32
      %dma_wait3A_532 = arith.constant 1 : i32
      %dma_wait3A_533 = arith.constant 0 : i32
      %dma_wait3A_534 = arith.constant 0 : i32
      %dma_wait3A_535 = tpu.memref_slice %arg5[%dma_wait3A_532, %dma_wait3A_533, %dma_wait3A_534] : memref<2x6x96xi32, #tpu.memory_space<vmem>> -> memref<1x1x96xi32, #tpu.memory_space<vmem>>
      %dma_wait3A_536 = tpu.memref_squeeze %dma_wait3A_535 : memref<1x1x96xi32, #tpu.memory_space<vmem>> -> memref<96xi32, #tpu.memory_space<vmem>>
      %dma_wait3A_537 = arith.constant 0 : i32
      %dma_wait3A_538 = arith.constant 0 : i32
      %dma_wait3A_539 = tpu.memref_slice %arg2[%dma_wait3A_537, %dma_wait3A_538] : memref<10240x128xf32, #tpu.memory_space<hbm>> -> memref<10240x128xf32, #tpu.memory_space<hbm>>
      tpu.wait_indirect_dma semaphore(%arg11 : memref<!tpu.dma_semaphore, #tpu.memory_space<semaphore_mem>>) src(%dma_wait3A_539 : memref<10240x128xf32, #tpu.memory_space<hbm>>) dst(%arg7 : memref<96x128xf32, #tpu.memory_space<vmem>>)
      %dma_start3A_540 = arith.constant 1 : i32
      %dma_start3A_541 = arith.constant 0 : i32
      %dma_start3A_542 = arith.constant 0 : i32
      %dma_start3A_543 = tpu.memref_slice %arg6[%dma_start3A_540, %dma_start3A_541, %dma_start3A_542] : memref<2x6x96xi32, #tpu.memory_space<vmem>> -> memref<1x1x96xi32, #tpu.memory_space<vmem>>
      %dma_start3A_544 = tpu.memref_squeeze %dma_start3A_543 : memref<1x1x96xi32, #tpu.memory_space<vmem>> -> memref<96xi32, #tpu.memory_space<vmem>>
      %dma_start3A_545 = arith.constant 0 : i32
      %dma_start3A_546 = arith.constant 0 : i32
      %dma_start3A_547 = tpu.memref_slice %arg10[%dma_start3A_545, %dma_start3A_546] : memref<10240x128xf32, #tpu.memory_space<vmem_shared>> -> memref<10240x128xf32, #tpu.memory_space<vmem_shared>>
      tpu.enqueue_indirect_dma source(%arg7 : memref<96x128xf32, #tpu.memory_space<vmem>>) target(%dma_start3A_547 : memref<10240x128xf32, #tpu.memory_space<vmem_shared>>) offsets(%dma_start3A_544 : memref<96xi32, #tpu.memory_space<vmem>>) semaphore(%arg14 : memref<!tpu.dma_semaphore, #tpu.memory_space<semaphore_mem>>) {add = true}
      %ge3A_548 = arith.constant 1 : i32
      %ge3A_549 = arith.cmpi sge, %add3A_531, %ge3A_548 : i32
      %convert_element_type3A_550 = arith.extui %ge3A_549 : i1 to i32
      %cond3A_551 = arith.constant 0 : i32
      %cond3A_552 = arith.cmpi ne, %convert_element_type3A_550, %cond3A_551 : i32
      scf.if %cond3A_552 {
        %dma_wait3A_746 = arith.constant 0 : i32
        %dma_wait3A_747 = arith.constant 5 : i32
        %dma_wait3A_748 = arith.constant 0 : i32
        %dma_wait3A_749 = tpu.memref_slice %arg6[%dma_wait3A_746, %dma_wait3A_747, %dma_wait3A_748] : memref<2x6x96xi32, #tpu.memory_space<vmem>> -> memref<1x1x96xi32, #tpu.memory_space<vmem>>
        %dma_wait3A_750 = tpu.memref_squeeze %dma_wait3A_749 : memref<1x1x96xi32, #tpu.memory_space<vmem>> -> memref<96xi32, #tpu.memory_space<vmem>>
        %dma_wait3A_751 = arith.constant 0 : i32
        %dma_wait3A_752 = arith.constant 0 : i32
        %dma_wait3A_753 = tpu.memref_slice %arg10[%dma_wait3A_751, %dma_wait3A_752] : memref<10240x128xf32, #tpu.memory_space<vmem_shared>> -> memref<10240x128xf32, #tpu.memory_space<vmem_shared>>
        tpu.wait_indirect_dma semaphore(%arg16 : memref<!tpu.dma_semaphore, #tpu.memory_space<semaphore_mem>>) src(%arg9 : memref<96x128xf32, #tpu.memory_space<vmem>>) dst(%dma_wait3A_753 : memref<10240x128xf32, #tpu.memory_space<vmem_shared>>)
      } else {
      }
      %dma_start3A_553 = arith.constant 1 : i32
      %dma_start3A_554 = arith.constant 2 : i32
      %dma_start3A_555 = arith.constant 0 : i32
      %dma_start3A_556 = tpu.memref_slice %arg5[%dma_start3A_553, %dma_start3A_554, %dma_start3A_555] : memref<2x6x96xi32, #tpu.memory_space<vmem>> -> memref<1x1x96xi32, #tpu.memory_space<vmem>>
      %dma_start3A_557 = tpu.memref_squeeze %dma_start3A_556 : memref<1x1x96xi32, #tpu.memory_space<vmem>> -> memref<96xi32, #tpu.memory_space<vmem>>
      %dma_start3A_558 = arith.constant 0 : i32
      %dma_start3A_559 = arith.constant 0 : i32
      %dma_start3A_560 = tpu.memref_slice %arg2[%dma_start3A_558, %dma_start3A_559] : memref<10240x128xf32, #tpu.memory_space<hbm>> -> memref<10240x128xf32, #tpu.memory_space<hbm>>
      tpu.enqueue_indirect_dma source(%dma_start3A_560 : memref<10240x128xf32, #tpu.memory_space<hbm>>) target(%arg9 : memref<96x128xf32, #tpu.memory_space<vmem>>) offsets(%dma_start3A_557 : memref<96xi32, #tpu.memory_space<vmem>>) semaphore(%arg13 : memref<!tpu.dma_semaphore, #tpu.memory_space<semaphore_mem>>)
      %mul3A_561 = arith.constant 6 : i32
      %mul3A_562 = arith.muli %add3A_527, %mul3A_561 : i32
      %add3A_563 = arith.constant 1 : i32
      %add3A_564 = arith.addi %mul3A_562, %add3A_563 : i32
      %dma_wait3A_565 = arith.constant 1 : i32
      %dma_wait3A_566 = arith.constant 1 : i32
      %dma_wait3A_567 = arith.constant 0 : i32
      %dma_wait3A_568 = tpu.memref_slice %arg5[%dma_wait3A_565, %dma_wait3A_566, %dma_wait3A_567] : memref<2x6x96xi32, #tpu.memory_space<vmem>> -> memref<1x1x96xi32, #tpu.memory_space<vmem>>
      %dma_wait3A_569 = tpu.memref_squeeze %dma_wait3A_568 : memref<1x1x96xi32, #tpu.memory_space<vmem>> -> memref<96xi32, #tpu.memory_space<vmem>>
      %dma_wait3A_570 = arith.constant 0 : i32
      %dma_wait3A_571 = arith.constant 0 : i32
      %dma_wait3A_572 = tpu.memref_slice %arg2[%dma_wait3A_570, %dma_wait3A_571] : memref<10240x128xf32, #tpu.memory_space<hbm>> -> memref<10240x128xf32, #tpu.memory_space<hbm>>
      tpu.wait_indirect_dma semaphore(%arg12 : memref<!tpu.dma_semaphore, #tpu.memory_space<semaphore_mem>>) src(%dma_wait3A_572 : memref<10240x128xf32, #tpu.memory_space<hbm>>) dst(%arg8 : memref<96x128xf32, #tpu.memory_space<vmem>>)
      %dma_start3A_573 = arith.constant 1 : i32
      %dma_start3A_574 = arith.constant 1 : i32
      %dma_start3A_575 = arith.constant 0 : i32
      %dma_start3A_576 = tpu.memref_slice %arg6[%dma_start3A_573, %dma_start3A_574, %dma_start3A_575] : memref<2x6x96xi32, #tpu.memory_space<vmem>> -> memref<1x1x96xi32, #tpu.memory_space<vmem>>
      %dma_start3A_577 = tpu.memref_squeeze %dma_start3A_576 : memref<1x1x96xi32, #tpu.memory_space<vmem>> -> memref<96xi32, #tpu.memory_space<vmem>>
      %dma_start3A_578 = arith.constant 0 : i32
      %dma_start3A_579 = arith.constant 0 : i32
      %dma_start3A_580 = tpu.memref_slice %arg10[%dma_start3A_578, %dma_start3A_579] : memref<10240x128xf32, #tpu.memory_space<vmem_shared>> -> memref<10240x128xf32, #tpu.memory_space<vmem_shared>>
      tpu.enqueue_indirect_dma source(%arg8 : memref<96x128xf32, #tpu.memory_space<vmem>>) target(%dma_start3A_580 : memref<10240x128xf32, #tpu.memory_space<vmem_shared>>) offsets(%dma_start3A_577 : memref<96xi32, #tpu.memory_space<vmem>>) semaphore(%arg15 : memref<!tpu.dma_semaphore, #tpu.memory_space<semaphore_mem>>) {add = true}
      %dma_wait3A_581 = arith.constant 1 : i32
      %dma_wait3A_582 = arith.constant 0 : i32
      %dma_wait3A_583 = arith.constant 0 : i32
      %dma_wait3A_584 = tpu.memref_slice %arg6[%dma_wait3A_581, %dma_wait3A_582, %dma_wait3A_583] : memref<2x6x96xi32, #tpu.memory_space<vmem>> -> memref<1x1x96xi32, #tpu.memory_space<vmem>>
      %dma_wait3A_585 = tpu.memref_squeeze %dma_wait3A_584 : memref<1x1x96xi32, #tpu.memory_space<vmem>> -> memref<96xi32, #tpu.memory_space<vmem>>
      %dma_wait3A_586 = arith.constant 0 : i32
      %dma_wait3A_587 = arith.constant 0 : i32
      %dma_wait3A_588 = tpu.memref_slice %arg10[%dma_wait3A_586, %dma_wait3A_587] : memref<10240x128xf32, #tpu.memory_space<vmem_shared>> -> memref<10240x128xf32, #tpu.memory_space<vmem_shared>>
      tpu.wait_indirect_dma semaphore(%arg14 : memref<!tpu.dma_semaphore, #tpu.memory_space<semaphore_mem>>) src(%arg7 : memref<96x128xf32, #tpu.memory_space<vmem>>) dst(%dma_wait3A_588 : memref<10240x128xf32, #tpu.memory_space<vmem_shared>>)
      %add3A_589 = arith.constant 1 : i32
      %add3A_590 = arith.addi %add3A_527, %add3A_589 : i32
      %lt3A_591 = arith.constant 18 : i32
      %lt3A_592 = arith.cmpi slt, %add3A_590, %lt3A_591 : i32
      %convert_element_type3A_593 = arith.extui %lt3A_592 : i1 to i32
      %cond3A_594 = arith.constant 0 : i32
      %cond3A_595 = arith.cmpi ne, %convert_element_type3A_593, %cond3A_594 : i32
      scf.if %cond3A_595 {
        %add3A_746 = arith.constant 1 : i32
        %add3A_747 = arith.addi %add3A_527, %add3A_746 : i32
        %dma_start3A_748 = arith.constant 0 : i32
        %dma_start3A_749 = arith.constant 0 : i32
        %dma_start3A_750 = arith.constant 0 : i32
        %dma_start3A_751 = arith.constant 0 : i32
        %dma_start3A_752 = tpu.memref_slice %arg5[%dma_start3A_749, %dma_start3A_750, %dma_start3A_751] : memref<2x6x96xi32, #tpu.memory_space<vmem>> -> memref<1x6x96xi32, #tpu.memory_space<vmem>>
        %dma_start3A_753 = tpu.memref_squeeze %dma_start3A_752 : memref<1x6x96xi32, #tpu.memory_space<vmem>> -> memref<6x96xi32, #tpu.memory_space<vmem>>
        %dma_start3A_754 = arith.constant 0 : i32
        %dma_start3A_755 = arith.constant 0 : i32
        %dma_start3A_756 = tpu.memref_slice %arg3[%dma_start3A_748, %add3A, %add3A_747, %dma_start3A_754, %dma_start3A_755] : memref<2x32x18x6x96xi32, #tpu.memory_space<hbm>> -> memref<1x1x1x6x96xi32, #tpu.memory_space<hbm>>
        %dma_start3A_757 = tpu.memref_squeeze %dma_start3A_756 : memref<1x1x1x6x96xi32, #tpu.memory_space<hbm>> -> memref<6x96xi32, #tpu.memory_space<hbm>>
        %dma_start3A_758 = arith.constant 0 : i32
        %dma_start3A_759 = arith.constant 0 : i32
        %dma_start3A_760 = tpu.memref_slice %arg5[%dma_start3A_749, %dma_start3A_758, %dma_start3A_759] : memref<2x6x96xi32, #tpu.memory_space<vmem>> -> memref<1x6x96xi32, #tpu.memory_space<vmem>>
        %dma_start3A_761 = tpu.memref_squeeze %dma_start3A_760 : memref<1x6x96xi32, #tpu.memory_space<vmem>> -> memref<6x96xi32, #tpu.memory_space<vmem>>
        %dma_start3A_762 = arith.constant 0 : i32
        %dma_start3A_763 = arith.constant 0 : i32
        %dma_start3A_764 = tpu.memref_slice %arg3[%dma_start3A_748, %add3A, %add3A_747, %dma_start3A_762, %dma_start3A_763] : memref<2x32x18x6x96xi32, #tpu.memory_space<hbm>> -> memref<1x1x1x6x96xi32, #tpu.memory_space<hbm>>
        %dma_start3A_765 = tpu.memref_squeeze %dma_start3A_764 : memref<1x1x1x6x96xi32, #tpu.memory_space<hbm>> -> memref<6x96xi32, #tpu.memory_space<hbm>>
        tpu.enqueue_dma source(%dma_start3A_765 : memref<6x96xi32, #tpu.memory_space<hbm>>) target(%dma_start3A_761 : memref<6x96xi32, #tpu.memory_space<vmem>>) target_semaphore(%arg17 : memref<!tpu.dma_semaphore, #tpu.memory_space<semaphore_mem>>)
        %add3A_766 = arith.constant 1 : i32
        %add3A_767 = arith.addi %add3A_527, %add3A_766 : i32
        %dma_start3A_768 = arith.constant 1 : i32
        %dma_start3A_769 = arith.constant 0 : i32
        %dma_start3A_770 = arith.constant 0 : i32
        %dma_start3A_771 = arith.constant 0 : i32
        %dma_start3A_772 = tpu.memref_slice %arg6[%dma_start3A_769, %dma_start3A_770, %dma_start3A_771] : memref<2x6x96xi32, #tpu.memory_space<vmem>> -> memref<1x6x96xi32, #tpu.memory_space<vmem>>
        %dma_start3A_773 = tpu.memref_squeeze %dma_start3A_772 : memref<1x6x96xi32, #tpu.memory_space<vmem>> -> memref<6x96xi32, #tpu.memory_space<vmem>>
        %dma_start3A_774 = arith.constant 0 : i32
        %dma_start3A_775 = arith.constant 0 : i32
        %dma_start3A_776 = tpu.memref_slice %arg3[%dma_start3A_768, %add3A, %add3A_767, %dma_start3A_774, %dma_start3A_775] : memref<2x32x18x6x96xi32, #tpu.memory_space<hbm>> -> memref<1x1x1x6x96xi32, #tpu.memory_space<hbm>>
        %dma_start3A_777 = tpu.memref_squeeze %dma_start3A_776 : memref<1x1x1x6x96xi32, #tpu.memory_space<hbm>> -> memref<6x96xi32, #tpu.memory_space<hbm>>
        %dma_start3A_778 = arith.constant 0 : i32
        %dma_start3A_779 = arith.constant 0 : i32
        %dma_start3A_780 = tpu.memref_slice %arg6[%dma_start3A_769, %dma_start3A_778, %dma_start3A_779] : memref<2x6x96xi32, #tpu.memory_space<vmem>> -> memref<1x6x96xi32, #tpu.memory_space<vmem>>
        %dma_start3A_781 = tpu.memref_squeeze %dma_start3A_780 : memref<1x6x96xi32, #tpu.memory_space<vmem>> -> memref<6x96xi32, #tpu.memory_space<vmem>>
        %dma_start3A_782 = arith.constant 0 : i32
        %dma_start3A_783 = arith.constant 0 : i32
        %dma_start3A_784 = tpu.memref_slice %arg3[%dma_start3A_768, %add3A, %add3A_767, %dma_start3A_782, %dma_start3A_783] : memref<2x32x18x6x96xi32, #tpu.memory_space<hbm>> -> memref<1x1x1x6x96xi32, #tpu.memory_space<hbm>>
        %dma_start3A_785 = tpu.memref_squeeze %dma_start3A_784 : memref<1x1x1x6x96xi32, #tpu.memory_space<hbm>> -> memref<6x96xi32, #tpu.memory_space<hbm>>
        tpu.enqueue_dma source(%dma_start3A_785 : memref<6x96xi32, #tpu.memory_space<hbm>>) target(%dma_start3A_781 : memref<6x96xi32, #tpu.memory_space<vmem>>) target_semaphore(%arg19 : memref<!tpu.dma_semaphore, #tpu.memory_space<semaphore_mem>>)
      } else {
      }
      %dma_start3A_596 = arith.constant 1 : i32
      %dma_start3A_597 = arith.constant 3 : i32
      %dma_start3A_598 = arith.constant 0 : i32
      %dma_start3A_599 = tpu.memref_slice %arg5[%dma_start3A_596, %dma_start3A_597, %dma_start3A_598] : memref<2x6x96xi32, #tpu.memory_space<vmem>> -> memref<1x1x96xi32, #tpu.memory_space<vmem>>
      %dma_start3A_600 = tpu.memref_squeeze %dma_start3A_599 : memref<1x1x96xi32, #tpu.memory_space<vmem>> -> memref<96xi32, #tpu.memory_space<vmem>>
      %dma_start3A_601 = arith.constant 0 : i32
      %dma_start3A_602 = arith.constant 0 : i32
      %dma_start3A_603 = tpu.memref_slice %arg2[%dma_start3A_601, %dma_start3A_602] : memref<10240x128xf32, #tpu.memory_space<hbm>> -> memref<10240x128xf32, #tpu.memory_space<hbm>>
      tpu.enqueue_indirect_dma source(%dma_start3A_603 : memref<10240x128xf32, #tpu.memory_space<hbm>>) target(%arg7 : memref<96x128xf32, #tpu.memory_space<vmem>>) offsets(%dma_start3A_600 : memref<96xi32, #tpu.memory_space<vmem>>) semaphore(%arg11 : memref<!tpu.dma_semaphore, #tpu.memory_space<semaphore_mem>>)
      %mul3A_604 = arith.constant 6 : i32
      %mul3A_605 = arith.muli %add3A_527, %mul3A_604 : i32
      %add3A_606 = arith.constant 2 : i32
      %add3A_607 = arith.addi %mul3A_605, %add3A_606 : i32
      %dma_wait3A_608 = arith.constant 1 : i32
      %dma_wait3A_609 = arith.constant 2 : i32
      %dma_wait3A_610 = arith.constant 0 : i32
      %dma_wait3A_611 = tpu.memref_slice %arg5[%dma_wait3A_608, %dma_wait3A_609, %dma_wait3A_610] : memref<2x6x96xi32, #tpu.memory_space<vmem>> -> memref<1x1x96xi32, #tpu.memory_space<vmem>>
      %dma_wait3A_612 = tpu.memref_squeeze %dma_wait3A_611 : memref<1x1x96xi32, #tpu.memory_space<vmem>> -> memref<96xi32, #tpu.memory_space<vmem>>
      %dma_wait3A_613 = arith.constant 0 : i32
      %dma_wait3A_614 = arith.constant 0 : i32
      %dma_wait3A_615 = tpu.memref_slice %arg2[%dma_wait3A_613, %dma_wait3A_614] : memref<10240x128xf32, #tpu.memory_space<hbm>> -> memref<10240x128xf32, #tpu.memory_space<hbm>>
      tpu.wait_indirect_dma semaphore(%arg13 : memref<!tpu.dma_semaphore, #tpu.memory_space<semaphore_mem>>) src(%dma_wait3A_615 : memref<10240x128xf32, #tpu.memory_space<hbm>>) dst(%arg9 : memref<96x128xf32, #tpu.memory_space<vmem>>)
      %dma_start3A_616 = arith.constant 1 : i32
      %dma_start3A_617 = arith.constant 2 : i32
      %dma_start3A_618 = arith.constant 0 : i32
      %dma_start3A_619 = tpu.memref_slice %arg6[%dma_start3A_616, %dma_start3A_617, %dma_start3A_618] : memref<2x6x96xi32, #tpu.memory_space<vmem>> -> memref<1x1x96xi32, #tpu.memory_space<vmem>>
      %dma_start3A_620 = tpu.memref_squeeze %dma_start3A_619 : memref<1x1x96xi32, #tpu.memory_space<vmem>> -> memref<96xi32, #tpu.memory_space<vmem>>
      %dma_start3A_621 = arith.constant 0 : i32
      %dma_start3A_622 = arith.constant 0 : i32
      %dma_start3A_623 = tpu.memref_slice %arg10[%dma_start3A_621, %dma_start3A_622] : memref<10240x128xf32, #tpu.memory_space<vmem_shared>> -> memref<10240x128xf32, #tpu.memory_space<vmem_shared>>
      tpu.enqueue_indirect_dma source(%arg9 : memref<96x128xf32, #tpu.memory_space<vmem>>) target(%dma_start3A_623 : memref<10240x128xf32, #tpu.memory_space<vmem_shared>>) offsets(%dma_start3A_620 : memref<96xi32, #tpu.memory_space<vmem>>) semaphore(%arg16 : memref<!tpu.dma_semaphore, #tpu.memory_space<semaphore_mem>>) {add = true}
      %dma_wait3A_624 = arith.constant 1 : i32
      %dma_wait3A_625 = arith.constant 1 : i32
      %dma_wait3A_626 = arith.constant 0 : i32
      %dma_wait3A_627 = tpu.memref_slice %arg6[%dma_wait3A_624, %dma_wait3A_625, %dma_wait3A_626] : memref<2x6x96xi32, #tpu.memory_space<vmem>> -> memref<1x1x96xi32, #tpu.memory_space<vmem>>
      %dma_wait3A_628 = tpu.memref_squeeze %dma_wait3A_627 : memref<1x1x96xi32, #tpu.memory_space<vmem>> -> memref<96xi32, #tpu.memory_space<vmem>>
      %dma_wait3A_629 = arith.constant 0 : i32
      %dma_wait3A_630 = arith.constant 0 : i32
      %dma_wait3A_631 = tpu.memref_slice %arg10[%dma_wait3A_629, %dma_wait3A_630] : memref<10240x128xf32, #tpu.memory_space<vmem_shared>> -> memref<10240x128xf32, #tpu.memory_space<vmem_shared>>
      tpu.wait_indirect_dma semaphore(%arg15 : memref<!tpu.dma_semaphore, #tpu.memory_space<semaphore_mem>>) src(%arg8 : memref<96x128xf32, #tpu.memory_space<vmem>>) dst(%dma_wait3A_631 : memref<10240x128xf32, #tpu.memory_space<vmem_shared>>)
      %dma_start3A_632 = arith.constant 1 : i32
      %dma_start3A_633 = arith.constant 4 : i32
      %dma_start3A_634 = arith.constant 0 : i32
      %dma_start3A_635 = tpu.memref_slice %arg5[%dma_start3A_632, %dma_start3A_633, %dma_start3A_634] : memref<2x6x96xi32, #tpu.memory_space<vmem>> -> memref<1x1x96xi32, #tpu.memory_space<vmem>>
      %dma_start3A_636 = tpu.memref_squeeze %dma_start3A_635 : memref<1x1x96xi32, #tpu.memory_space<vmem>> -> memref<96xi32, #tpu.memory_space<vmem>>
      %dma_start3A_637 = arith.constant 0 : i32
      %dma_start3A_638 = arith.constant 0 : i32
      %dma_start3A_639 = tpu.memref_slice %arg2[%dma_start3A_637, %dma_start3A_638] : memref<10240x128xf32, #tpu.memory_space<hbm>> -> memref<10240x128xf32, #tpu.memory_space<hbm>>
      tpu.enqueue_indirect_dma source(%dma_start3A_639 : memref<10240x128xf32, #tpu.memory_space<hbm>>) target(%arg8 : memref<96x128xf32, #tpu.memory_space<vmem>>) offsets(%dma_start3A_636 : memref<96xi32, #tpu.memory_space<vmem>>) semaphore(%arg12 : memref<!tpu.dma_semaphore, #tpu.memory_space<semaphore_mem>>)
      %mul3A_640 = arith.constant 6 : i32
      %mul3A_641 = arith.muli %add3A_527, %mul3A_640 : i32
      %add3A_642 = arith.constant 3 : i32
      %add3A_643 = arith.addi %mul3A_641, %add3A_642 : i32
      %dma_wait3A_644 = arith.constant 1 : i32
      %dma_wait3A_645 = arith.constant 3 : i32
      %dma_wait3A_646 = arith.constant 0 : i32
      %dma_wait3A_647 = tpu.memref_slice %arg5[%dma_wait3A_644, %dma_wait3A_645, %dma_wait3A_646] : memref<2x6x96xi32, #tpu.memory_space<vmem>> -> memref<1x1x96xi32, #tpu.memory_space<vmem>>
      %dma_wait3A_648 = tpu.memref_squeeze %dma_wait3A_647 : memref<1x1x96xi32, #tpu.memory_space<vmem>> -> memref<96xi32, #tpu.memory_space<vmem>>
      %dma_wait3A_649 = arith.constant 0 : i32
      %dma_wait3A_650 = arith.constant 0 : i32
      %dma_wait3A_651 = tpu.memref_slice %arg2[%dma_wait3A_649, %dma_wait3A_650] : memref<10240x128xf32, #tpu.memory_space<hbm>> -> memref<10240x128xf32, #tpu.memory_space<hbm>>
      tpu.wait_indirect_dma semaphore(%arg11 : memref<!tpu.dma_semaphore, #tpu.memory_space<semaphore_mem>>) src(%dma_wait3A_651 : memref<10240x128xf32, #tpu.memory_space<hbm>>) dst(%arg7 : memref<96x128xf32, #tpu.memory_space<vmem>>)
      %dma_start3A_652 = arith.constant 1 : i32
      %dma_start3A_653 = arith.constant 3 : i32
      %dma_start3A_654 = arith.constant 0 : i32
      %dma_start3A_655 = tpu.memref_slice %arg6[%dma_start3A_652, %dma_start3A_653, %dma_start3A_654] : memref<2x6x96xi32, #tpu.memory_space<vmem>> -> memref<1x1x96xi32, #tpu.memory_space<vmem>>
      %dma_start3A_656 = tpu.memref_squeeze %dma_start3A_655 : memref<1x1x96xi32, #tpu.memory_space<vmem>> -> memref<96xi32, #tpu.memory_space<vmem>>
      %dma_start3A_657 = arith.constant 0 : i32
      %dma_start3A_658 = arith.constant 0 : i32
      %dma_start3A_659 = tpu.memref_slice %arg10[%dma_start3A_657, %dma_start3A_658] : memref<10240x128xf32, #tpu.memory_space<vmem_shared>> -> memref<10240x128xf32, #tpu.memory_space<vmem_shared>>
      tpu.enqueue_indirect_dma source(%arg7 : memref<96x128xf32, #tpu.memory_space<vmem>>) target(%dma_start3A_659 : memref<10240x128xf32, #tpu.memory_space<vmem_shared>>) offsets(%dma_start3A_656 : memref<96xi32, #tpu.memory_space<vmem>>) semaphore(%arg14 : memref<!tpu.dma_semaphore, #tpu.memory_space<semaphore_mem>>) {add = true}
      %dma_wait3A_660 = arith.constant 1 : i32
      %dma_wait3A_661 = arith.constant 2 : i32
      %dma_wait3A_662 = arith.constant 0 : i32
      %dma_wait3A_663 = tpu.memref_slice %arg6[%dma_wait3A_660, %dma_wait3A_661, %dma_wait3A_662] : memref<2x6x96xi32, #tpu.memory_space<vmem>> -> memref<1x1x96xi32, #tpu.memory_space<vmem>>
      %dma_wait3A_664 = tpu.memref_squeeze %dma_wait3A_663 : memref<1x1x96xi32, #tpu.memory_space<vmem>> -> memref<96xi32, #tpu.memory_space<vmem>>
      %dma_wait3A_665 = arith.constant 0 : i32
      %dma_wait3A_666 = arith.constant 0 : i32
      %dma_wait3A_667 = tpu.memref_slice %arg10[%dma_wait3A_665, %dma_wait3A_666] : memref<10240x128xf32, #tpu.memory_space<vmem_shared>> -> memref<10240x128xf32, #tpu.memory_space<vmem_shared>>
      tpu.wait_indirect_dma semaphore(%arg16 : memref<!tpu.dma_semaphore, #tpu.memory_space<semaphore_mem>>) src(%arg9 : memref<96x128xf32, #tpu.memory_space<vmem>>) dst(%dma_wait3A_667 : memref<10240x128xf32, #tpu.memory_space<vmem_shared>>)
      %dma_start3A_668 = arith.constant 1 : i32
      %dma_start3A_669 = arith.constant 5 : i32
      %dma_start3A_670 = arith.constant 0 : i32
      %dma_start3A_671 = tpu.memref_slice %arg5[%dma_start3A_668, %dma_start3A_669, %dma_start3A_670] : memref<2x6x96xi32, #tpu.memory_space<vmem>> -> memref<1x1x96xi32, #tpu.memory_space<vmem>>
      %dma_start3A_672 = tpu.memref_squeeze %dma_start3A_671 : memref<1x1x96xi32, #tpu.memory_space<vmem>> -> memref<96xi32, #tpu.memory_space<vmem>>
      %dma_start3A_673 = arith.constant 0 : i32
      %dma_start3A_674 = arith.constant 0 : i32
      %dma_start3A_675 = tpu.memref_slice %arg2[%dma_start3A_673, %dma_start3A_674] : memref<10240x128xf32, #tpu.memory_space<hbm>> -> memref<10240x128xf32, #tpu.memory_space<hbm>>
      tpu.enqueue_indirect_dma source(%dma_start3A_675 : memref<10240x128xf32, #tpu.memory_space<hbm>>) target(%arg9 : memref<96x128xf32, #tpu.memory_space<vmem>>) offsets(%dma_start3A_672 : memref<96xi32, #tpu.memory_space<vmem>>) semaphore(%arg13 : memref<!tpu.dma_semaphore, #tpu.memory_space<semaphore_mem>>)
      %mul3A_676 = arith.constant 6 : i32
      %mul3A_677 = arith.muli %add3A_527, %mul3A_676 : i32
      %add3A_678 = arith.constant 4 : i32
      %add3A_679 = arith.addi %mul3A_677, %add3A_678 : i32
      %dma_wait3A_680 = arith.constant 1 : i32
      %dma_wait3A_681 = arith.constant 4 : i32
      %dma_wait3A_682 = arith.constant 0 : i32
      %dma_wait3A_683 = tpu.memref_slice %arg5[%dma_wait3A_680, %dma_wait3A_681, %dma_wait3A_682] : memref<2x6x96xi32, #tpu.memory_space<vmem>> -> memref<1x1x96xi32, #tpu.memory_space<vmem>>
      %dma_wait3A_684 = tpu.memref_squeeze %dma_wait3A_683 : memref<1x1x96xi32, #tpu.memory_space<vmem>> -> memref<96xi32, #tpu.memory_space<vmem>>
      %dma_wait3A_685 = arith.constant 0 : i32
      %dma_wait3A_686 = arith.constant 0 : i32
      %dma_wait3A_687 = tpu.memref_slice %arg2[%dma_wait3A_685, %dma_wait3A_686] : memref<10240x128xf32, #tpu.memory_space<hbm>> -> memref<10240x128xf32, #tpu.memory_space<hbm>>
      tpu.wait_indirect_dma semaphore(%arg12 : memref<!tpu.dma_semaphore, #tpu.memory_space<semaphore_mem>>) src(%dma_wait3A_687 : memref<10240x128xf32, #tpu.memory_space<hbm>>) dst(%arg8 : memref<96x128xf32, #tpu.memory_space<vmem>>)
      %dma_start3A_688 = arith.constant 1 : i32
      %dma_start3A_689 = arith.constant 4 : i32
      %dma_start3A_690 = arith.constant 0 : i32
      %dma_start3A_691 = tpu.memref_slice %arg6[%dma_start3A_688, %dma_start3A_689, %dma_start3A_690] : memref<2x6x96xi32, #tpu.memory_space<vmem>> -> memref<1x1x96xi32, #tpu.memory_space<vmem>>
      %dma_start3A_692 = tpu.memref_squeeze %dma_start3A_691 : memref<1x1x96xi32, #tpu.memory_space<vmem>> -> memref<96xi32, #tpu.memory_space<vmem>>
      %dma_start3A_693 = arith.constant 0 : i32
      %dma_start3A_694 = arith.constant 0 : i32
      %dma_start3A_695 = tpu.memref_slice %arg10[%dma_start3A_693, %dma_start3A_694] : memref<10240x128xf32, #tpu.memory_space<vmem_shared>> -> memref<10240x128xf32, #tpu.memory_space<vmem_shared>>
      tpu.enqueue_indirect_dma source(%arg8 : memref<96x128xf32, #tpu.memory_space<vmem>>) target(%dma_start3A_695 : memref<10240x128xf32, #tpu.memory_space<vmem_shared>>) offsets(%dma_start3A_692 : memref<96xi32, #tpu.memory_space<vmem>>) semaphore(%arg15 : memref<!tpu.dma_semaphore, #tpu.memory_space<semaphore_mem>>) {add = true}
      %dma_wait3A_696 = arith.constant 1 : i32
      %dma_wait3A_697 = arith.constant 3 : i32
      %dma_wait3A_698 = arith.constant 0 : i32
      %dma_wait3A_699 = tpu.memref_slice %arg6[%dma_wait3A_696, %dma_wait3A_697, %dma_wait3A_698] : memref<2x6x96xi32, #tpu.memory_space<vmem>> -> memref<1x1x96xi32, #tpu.memory_space<vmem>>
      %dma_wait3A_700 = tpu.memref_squeeze %dma_wait3A_699 : memref<1x1x96xi32, #tpu.memory_space<vmem>> -> memref<96xi32, #tpu.memory_space<vmem>>
      %dma_wait3A_701 = arith.constant 0 : i32
      %dma_wait3A_702 = arith.constant 0 : i32
      %dma_wait3A_703 = tpu.memref_slice %arg10[%dma_wait3A_701, %dma_wait3A_702] : memref<10240x128xf32, #tpu.memory_space<vmem_shared>> -> memref<10240x128xf32, #tpu.memory_space<vmem_shared>>
      tpu.wait_indirect_dma semaphore(%arg14 : memref<!tpu.dma_semaphore, #tpu.memory_space<semaphore_mem>>) src(%arg7 : memref<96x128xf32, #tpu.memory_space<vmem>>) dst(%dma_wait3A_703 : memref<10240x128xf32, #tpu.memory_space<vmem_shared>>)
      %add3A_704 = arith.constant 2 : i32
      %add3A_705 = arith.addi %add3A_679, %add3A_704 : i32
      %lt3A_706 = arith.constant 108 : i32
      %lt3A_707 = arith.cmpi slt, %add3A_705, %lt3A_706 : i32
      %convert_element_type3A_708 = arith.extui %lt3A_707 : i1 to i32
      %cond3A_709 = arith.constant 0 : i32
      %cond3A_710 = arith.cmpi ne, %convert_element_type3A_708, %cond3A_709 : i32
      scf.if %cond3A_710 {
        %dma_wait3A_746 = arith.constant 0 : i32
        %dma_wait3A_747 = arith.constant 0 : i32
        %dma_wait3A_748 = arith.constant 0 : i32
        %dma_wait3A_749 = arith.constant 0 : i32
        %dma_wait3A_750 = arith.constant 0 : i32
        %dma_wait3A_751 = tpu.memref_slice %arg5[%dma_wait3A_748, %dma_wait3A_749, %dma_wait3A_750] : memref<2x6x96xi32, #tpu.memory_space<vmem>> -> memref<1x6x96xi32, #tpu.memory_space<vmem>>
        %dma_wait3A_752 = tpu.memref_squeeze %dma_wait3A_751 : memref<1x6x96xi32, #tpu.memory_space<vmem>> -> memref<6x96xi32, #tpu.memory_space<vmem>>
        %dma_wait3A_753 = arith.constant 0 : i32
        %dma_wait3A_754 = arith.constant 0 : i32
        %dma_wait3A_755 = tpu.memref_slice %arg3[%dma_wait3A_746, %add3A, %dma_wait3A_747, %dma_wait3A_753, %dma_wait3A_754] : memref<2x32x18x6x96xi32, #tpu.memory_space<hbm>> -> memref<1x1x1x6x96xi32, #tpu.memory_space<hbm>>
        %dma_wait3A_756 = tpu.memref_squeeze %dma_wait3A_755 : memref<1x1x1x6x96xi32, #tpu.memory_space<hbm>> -> memref<6x96xi32, #tpu.memory_space<hbm>>
        %dma_wait3A_757 = arith.constant 0 : i32
        %dma_wait3A_758 = arith.constant 0 : i32
        %dma_wait3A_759 = tpu.memref_slice %arg5[%dma_wait3A_748, %dma_wait3A_757, %dma_wait3A_758] : memref<2x6x96xi32, #tpu.memory_space<vmem>> -> memref<1x6x96xi32, #tpu.memory_space<vmem>>
        %dma_wait3A_760 = tpu.memref_squeeze %dma_wait3A_759 : memref<1x6x96xi32, #tpu.memory_space<vmem>> -> memref<6x96xi32, #tpu.memory_space<vmem>>
        %dma_wait3A_761 = arith.constant 0 : i32
        %dma_wait3A_762 = arith.constant 0 : i32
        %dma_wait3A_763 = tpu.memref_slice %arg3[%dma_wait3A_746, %add3A, %dma_wait3A_747, %dma_wait3A_761, %dma_wait3A_762] : memref<2x32x18x6x96xi32, #tpu.memory_space<hbm>> -> memref<1x1x1x6x96xi32, #tpu.memory_space<hbm>>
        %dma_wait3A_764 = tpu.memref_squeeze %dma_wait3A_763 : memref<1x1x1x6x96xi32, #tpu.memory_space<hbm>> -> memref<6x96xi32, #tpu.memory_space<hbm>>
        tpu.wait_dma2 semaphore(%arg17 : memref<!tpu.dma_semaphore, #tpu.memory_space<semaphore_mem>>) src(%dma_wait3A_764 : memref<6x96xi32, #tpu.memory_space<hbm>>) dst(%dma_wait3A_760 : memref<6x96xi32, #tpu.memory_space<vmem>>)
        %dma_wait3A_765 = arith.constant 1 : i32
        %dma_wait3A_766 = arith.constant 0 : i32
        %dma_wait3A_767 = arith.constant 0 : i32
        %dma_wait3A_768 = arith.constant 0 : i32
        %dma_wait3A_769 = arith.constant 0 : i32
        %dma_wait3A_770 = tpu.memref_slice %arg6[%dma_wait3A_767, %dma_wait3A_768, %dma_wait3A_769] : memref<2x6x96xi32, #tpu.memory_space<vmem>> -> memref<1x6x96xi32, #tpu.memory_space<vmem>>
        %dma_wait3A_771 = tpu.memref_squeeze %dma_wait3A_770 : memref<1x6x96xi32, #tpu.memory_space<vmem>> -> memref<6x96xi32, #tpu.memory_space<vmem>>
        %dma_wait3A_772 = arith.constant 0 : i32
        %dma_wait3A_773 = arith.constant 0 : i32
        %dma_wait3A_774 = tpu.memref_slice %arg3[%dma_wait3A_765, %add3A, %dma_wait3A_766, %dma_wait3A_772, %dma_wait3A_773] : memref<2x32x18x6x96xi32, #tpu.memory_space<hbm>> -> memref<1x1x1x6x96xi32, #tpu.memory_space<hbm>>
        %dma_wait3A_775 = tpu.memref_squeeze %dma_wait3A_774 : memref<1x1x1x6x96xi32, #tpu.memory_space<hbm>> -> memref<6x96xi32, #tpu.memory_space<hbm>>
        %dma_wait3A_776 = arith.constant 0 : i32
        %dma_wait3A_777 = arith.constant 0 : i32
        %dma_wait3A_778 = tpu.memref_slice %arg6[%dma_wait3A_767, %dma_wait3A_776, %dma_wait3A_777] : memref<2x6x96xi32, #tpu.memory_space<vmem>> -> memref<1x6x96xi32, #tpu.memory_space<vmem>>
        %dma_wait3A_779 = tpu.memref_squeeze %dma_wait3A_778 : memref<1x6x96xi32, #tpu.memory_space<vmem>> -> memref<6x96xi32, #tpu.memory_space<vmem>>
        %dma_wait3A_780 = arith.constant 0 : i32
        %dma_wait3A_781 = arith.constant 0 : i32
        %dma_wait3A_782 = tpu.memref_slice %arg3[%dma_wait3A_765, %add3A, %dma_wait3A_766, %dma_wait3A_780, %dma_wait3A_781] : memref<2x32x18x6x96xi32, #tpu.memory_space<hbm>> -> memref<1x1x1x6x96xi32, #tpu.memory_space<hbm>>
        %dma_wait3A_783 = tpu.memref_squeeze %dma_wait3A_782 : memref<1x1x1x6x96xi32, #tpu.memory_space<hbm>> -> memref<6x96xi32, #tpu.memory_space<hbm>>
        tpu.wait_dma2 semaphore(%arg19 : memref<!tpu.dma_semaphore, #tpu.memory_space<semaphore_mem>>) src(%dma_wait3A_783 : memref<6x96xi32, #tpu.memory_space<hbm>>) dst(%dma_wait3A_779 : memref<6x96xi32, #tpu.memory_space<vmem>>)
        %dma_start3A_784 = arith.constant 0 : i32
        %dma_start3A_785 = arith.constant 0 : i32
        %dma_start3A_786 = arith.constant 0 : i32
        %dma_start3A_787 = tpu.memref_slice %arg5[%dma_start3A_784, %dma_start3A_785, %dma_start3A_786] : memref<2x6x96xi32, #tpu.memory_space<vmem>> -> memref<1x1x96xi32, #tpu.memory_space<vmem>>
        %dma_start3A_788 = tpu.memref_squeeze %dma_start3A_787 : memref<1x1x96xi32, #tpu.memory_space<vmem>> -> memref<96xi32, #tpu.memory_space<vmem>>
        %dma_start3A_789 = arith.constant 0 : i32
        %dma_start3A_790 = arith.constant 0 : i32
        %dma_start3A_791 = tpu.memref_slice %arg2[%dma_start3A_789, %dma_start3A_790] : memref<10240x128xf32, #tpu.memory_space<hbm>> -> memref<10240x128xf32, #tpu.memory_space<hbm>>
        tpu.enqueue_indirect_dma source(%dma_start3A_791 : memref<10240x128xf32, #tpu.memory_space<hbm>>) target(%arg7 : memref<96x128xf32, #tpu.memory_space<vmem>>) offsets(%dma_start3A_788 : memref<96xi32, #tpu.memory_space<vmem>>) semaphore(%arg11 : memref<!tpu.dma_semaphore, #tpu.memory_space<semaphore_mem>>)
      } else {
      }
      %mul3A_711 = arith.constant 6 : i32
      %mul3A_712 = arith.muli %add3A_527, %mul3A_711 : i32
      %add3A_713 = arith.constant 5 : i32
      %add3A_714 = arith.addi %mul3A_712, %add3A_713 : i32
      %dma_wait3A_715 = arith.constant 1 : i32
      %dma_wait3A_716 = arith.constant 5 : i32
      %dma_wait3A_717 = arith.constant 0 : i32
      %dma_wait3A_718 = tpu.memref_slice %arg5[%dma_wait3A_715, %dma_wait3A_716, %dma_wait3A_717] : memref<2x6x96xi32, #tpu.memory_space<vmem>> -> memref<1x1x96xi32, #tpu.memory_space<vmem>>
      %dma_wait3A_719 = tpu.memref_squeeze %dma_wait3A_718 : memref<1x1x96xi32, #tpu.memory_space<vmem>> -> memref<96xi32, #tpu.memory_space<vmem>>
      %dma_wait3A_720 = arith.constant 0 : i32
      %dma_wait3A_721 = arith.constant 0 : i32
      %dma_wait3A_722 = tpu.memref_slice %arg2[%dma_wait3A_720, %dma_wait3A_721] : memref<10240x128xf32, #tpu.memory_space<hbm>> -> memref<10240x128xf32, #tpu.memory_space<hbm>>
      tpu.wait_indirect_dma semaphore(%arg13 : memref<!tpu.dma_semaphore, #tpu.memory_space<semaphore_mem>>) src(%dma_wait3A_722 : memref<10240x128xf32, #tpu.memory_space<hbm>>) dst(%arg9 : memref<96x128xf32, #tpu.memory_space<vmem>>)
      %dma_start3A_723 = arith.constant 1 : i32
      %dma_start3A_724 = arith.constant 5 : i32
      %dma_start3A_725 = arith.constant 0 : i32
      %dma_start3A_726 = tpu.memref_slice %arg6[%dma_start3A_723, %dma_start3A_724, %dma_start3A_725] : memref<2x6x96xi32, #tpu.memory_space<vmem>> -> memref<1x1x96xi32, #tpu.memory_space<vmem>>
      %dma_start3A_727 = tpu.memref_squeeze %dma_start3A_726 : memref<1x1x96xi32, #tpu.memory_space<vmem>> -> memref<96xi32, #tpu.memory_space<vmem>>
      %dma_start3A_728 = arith.constant 0 : i32
      %dma_start3A_729 = arith.constant 0 : i32
      %dma_start3A_730 = tpu.memref_slice %arg10[%dma_start3A_728, %dma_start3A_729] : memref<10240x128xf32, #tpu.memory_space<vmem_shared>> -> memref<10240x128xf32, #tpu.memory_space<vmem_shared>>
      tpu.enqueue_indirect_dma source(%arg9 : memref<96x128xf32, #tpu.memory_space<vmem>>) target(%dma_start3A_730 : memref<10240x128xf32, #tpu.memory_space<vmem_shared>>) offsets(%dma_start3A_727 : memref<96xi32, #tpu.memory_space<vmem>>) semaphore(%arg16 : memref<!tpu.dma_semaphore, #tpu.memory_space<semaphore_mem>>) {add = true}
      %dma_wait3A_731 = arith.constant 1 : i32
      %dma_wait3A_732 = arith.constant 4 : i32
      %dma_wait3A_733 = arith.constant 0 : i32
      %dma_wait3A_734 = tpu.memref_slice %arg6[%dma_wait3A_731, %dma_wait3A_732, %dma_wait3A_733] : memref<2x6x96xi32, #tpu.memory_space<vmem>> -> memref<1x1x96xi32, #tpu.memory_space<vmem>>
      %dma_wait3A_735 = tpu.memref_squeeze %dma_wait3A_734 : memref<1x1x96xi32, #tpu.memory_space<vmem>> -> memref<96xi32, #tpu.memory_space<vmem>>
      %dma_wait3A_736 = arith.constant 0 : i32
      %dma_wait3A_737 = arith.constant 0 : i32
      %dma_wait3A_738 = tpu.memref_slice %arg10[%dma_wait3A_736, %dma_wait3A_737] : memref<10240x128xf32, #tpu.memory_space<vmem_shared>> -> memref<10240x128xf32, #tpu.memory_space<vmem_shared>>
      tpu.wait_indirect_dma semaphore(%arg15 : memref<!tpu.dma_semaphore, #tpu.memory_space<semaphore_mem>>) src(%arg8 : memref<96x128xf32, #tpu.memory_space<vmem>>) dst(%dma_wait3A_738 : memref<10240x128xf32, #tpu.memory_space<vmem_shared>>)
      %add3A_739 = arith.constant 2 : i32
      %add3A_740 = arith.addi %add3A_714, %add3A_739 : i32
      %lt3A_741 = arith.constant 108 : i32
      %lt3A_742 = arith.cmpi slt, %add3A_740, %lt3A_741 : i32
      %convert_element_type3A_743 = arith.extui %lt3A_742 : i1 to i32
      %cond3A_744 = arith.constant 0 : i32
      %cond3A_745 = arith.cmpi ne, %convert_element_type3A_743, %cond3A_744 : i32
      scf.if %cond3A_745 {
        %dma_start3A_746 = arith.constant 0 : i32
        %dma_start3A_747 = arith.constant 1 : i32
        %dma_start3A_748 = arith.constant 0 : i32
        %dma_start3A_749 = tpu.memref_slice %arg5[%dma_start3A_746, %dma_start3A_747, %dma_start3A_748] : memref<2x6x96xi32, #tpu.memory_space<vmem>> -> memref<1x1x96xi32, #tpu.memory_space<vmem>>
        %dma_start3A_750 = tpu.memref_squeeze %dma_start3A_749 : memref<1x1x96xi32, #tpu.memory_space<vmem>> -> memref<96xi32, #tpu.memory_space<vmem>>
        %dma_start3A_751 = arith.constant 0 : i32
        %dma_start3A_752 = arith.constant 0 : i32
        %dma_start3A_753 = tpu.memref_slice %arg2[%dma_start3A_751, %dma_start3A_752] : memref<10240x128xf32, #tpu.memory_space<hbm>> -> memref<10240x128xf32, #tpu.memory_space<hbm>>
        tpu.enqueue_indirect_dma source(%dma_start3A_753 : memref<10240x128xf32, #tpu.memory_space<hbm>>) target(%arg8 : memref<96x128xf32, #tpu.memory_space<vmem>>) offsets(%dma_start3A_750 : memref<96xi32, #tpu.memory_space<vmem>>) semaphore(%arg12 : memref<!tpu.dma_semaphore, #tpu.memory_space<semaphore_mem>>)
      } else {
      }
    }
    %scan3A_295 = arith.constant 9 : i32
    %dma_wait3A_296 = arith.constant 1 : i32
    %dma_wait3A_297 = arith.constant 5 : i32
    %dma_wait3A_298 = arith.constant 0 : i32
    %dma_wait3A_299 = tpu.memref_slice %arg6[%dma_wait3A_296, %dma_wait3A_297, %dma_wait3A_298] : memref<2x6x96xi32, #tpu.memory_space<vmem>> -> memref<1x1x96xi32, #tpu.memory_space<vmem>>
    %dma_wait3A_300 = tpu.memref_squeeze %dma_wait3A_299 : memref<1x1x96xi32, #tpu.memory_space<vmem>> -> memref<96xi32, #tpu.memory_space<vmem>>
    %dma_wait3A_301 = arith.constant 0 : i32
    %dma_wait3A_302 = arith.constant 0 : i32
    %dma_wait3A_303 = tpu.memref_slice %arg10[%dma_wait3A_301, %dma_wait3A_302] : memref<10240x128xf32, #tpu.memory_space<vmem_shared>> -> memref<10240x128xf32, #tpu.memory_space<vmem_shared>>
    tpu.wait_indirect_dma semaphore(%arg16 : memref<!tpu.dma_semaphore, #tpu.memory_space<semaphore_mem>>) src(%arg9 : memref<96x128xf32, #tpu.memory_space<vmem>>) dst(%dma_wait3A_303 : memref<10240x128xf32, #tpu.memory_space<vmem_shared>>)
    %barrier3A_304 = arith.constant 0 : index
    tpu.barrier barrier_id(%barrier3A_304)
    "tpu.region"() ({
      %run_scoped3A = tpu.sem_alloc : memref<!tpu.dma_semaphore, #tpu.memory_space<semaphore_mem>>
      %dma_start3A_305 = arith.constant 0 : i32
      %dma_start3A_306 = tpu.memref_slice %arg4[%arg0, %multiple_of3A, %dma_start3A_305] : memref<2x10240x128xf32, #tpu.memory_space<hbm>> -> memref<1x640x128xf32, #tpu.memory_space<hbm>>
      %dma_start3A_307 = tpu.memref_squeeze %dma_start3A_306 : memref<1x640x128xf32, #tpu.memory_space<hbm>> -> memref<640x128xf32, #tpu.memory_space<hbm>>
      %dma_start3A_308 = arith.constant 0 : i32
      %dma_start3A_309 = tpu.memref_slice %arg10[%multiple_of3A, %dma_start3A_308] : memref<10240x128xf32, #tpu.memory_space<vmem_shared>> -> memref<640x128xf32, #tpu.memory_space<vmem_shared>>
      tpu.enqueue_dma source(%dma_start3A_309 : memref<640x128xf32, #tpu.memory_space<vmem_shared>>) target(%dma_start3A_307 : memref<640x128xf32, #tpu.memory_space<hbm>>) target_semaphore(%run_scoped3A : memref<!tpu.dma_semaphore, #tpu.memory_space<semaphore_mem>>)
      %dma_wait3A_310 = arith.constant 0 : i32
      %dma_wait3A_311 = tpu.memref_slice %arg4[%arg0, %multiple_of3A, %dma_wait3A_310] : memref<2x10240x128xf32, #tpu.memory_space<hbm>> -> memref<1x640x128xf32, #tpu.memory_space<hbm>>
      %dma_wait3A_312 = tpu.memref_squeeze %dma_wait3A_311 : memref<1x640x128xf32, #tpu.memory_space<hbm>> -> memref<640x128xf32, #tpu.memory_space<hbm>>
      %dma_wait3A_313 = arith.constant 0 : i32
      %dma_wait3A_314 = tpu.memref_slice %arg10[%multiple_of3A, %dma_wait3A_313] : memref<10240x128xf32, #tpu.memory_space<vmem_shared>> -> memref<640x128xf32, #tpu.memory_space<vmem_shared>>
      tpu.wait_dma2 semaphore(%run_scoped3A : memref<!tpu.dma_semaphore, #tpu.memory_space<semaphore_mem>>) src(%dma_wait3A_314 : memref<640x128xf32, #tpu.memory_space<vmem_shared>>) dst(%dma_wait3A_312 : memref<640x128xf32, #tpu.memory_space<hbm>>)
      tpu.yield
    }) : () -> ()
    return
  }
}

module attributes {stable_mosaic.version = 14 : i64} {
  func.func @_norms_body(%arg0: memref<2x2x80x128xf32, #tpu.memory_space<vmem>>, %arg1: memref<2x80x128xf32, #tpu.memory_space<vmem>>) attributes {dimension_semantics = [], scalar_prefetch = 0 : i64, scratch_operands = 0 : i64, tpu.core_type = #tpu.core_type<tc>} {
    %get3A = arith.constant 0 : index
    %get3A_0 = arith.constant 0 : index
    %get3A_1 = arith.constant 0 : index
    %get3A_2 = arith.constant 0 : index
    %get3A_3 = vector.load %arg0[%get3A, %get3A_0, %get3A_1, %get3A_2] : memref<2x2x80x128xf32, #tpu.memory_space<vmem>>, vector<1x2x80x128xf32>
    %get3A_4 = vector.shape_cast %get3A_3 : vector<1x2x80x128xf32> to vector<2x80x128xf32>
    %get3A_5 = arith.constant 1 : index
    %get3A_6 = arith.constant 0 : index
    %get3A_7 = arith.constant 0 : index
    %get3A_8 = arith.constant 0 : index
    %get3A_9 = vector.load %arg0[%get3A_5, %get3A_6, %get3A_7, %get3A_8] : memref<2x2x80x128xf32, #tpu.memory_space<vmem>>, vector<1x2x80x128xf32>
    %get3A_10 = vector.shape_cast %get3A_9 : vector<1x2x80x128xf32> to vector<2x80x128xf32>
    %add3A = arith.addf %get3A_4, %get3A_10 : vector<2x80x128xf32>
    %max3A = arith.constant 1.000000e+00 : f32
    %max3A_11 = vector.broadcast %max3A : f32 to vector<2x80x128xf32>
    %max3A_12 = arith.maximumf %add3A, %max3A_11 : vector<2x80x128xf32>
    %rsqrt3A = math.rsqrt %max3A_12 : vector<2x80x128xf32>
    %swap3A = arith.constant 0 : index
    %swap3A_13 = arith.constant 0 : index
    %swap3A_14 = arith.constant 0 : index
    %swap3A_15 = vector.load %arg1[%swap3A, %swap3A_13, %swap3A_14] : memref<2x80x128xf32, #tpu.memory_space<vmem>>, vector<2x80x128xf32>
    tpu.vector_store %arg1[%swap3A, %swap3A_13, %swap3A_14], %rsqrt3A {strides = array<i32>} : memref<2x80x128xf32, #tpu.memory_space<vmem>>, vector<2x80x128xf32>,
    return
  }
}

module attributes {stable_mosaic.version = 14 : i64} {
  func.func @_xw_scale_body(%arg0: memref<10000x128xf32, #tpu.memory_space<vmem>>, %arg1: memref<128x128xf32, #tpu.memory_space<vmem>>, %arg2: memref<10000x1xf32, #tpu.memory_space<vmem>>, %arg3: memref<10240x128xf32, #tpu.memory_space<vmem>>) attributes {dimension_semantics = [], scalar_prefetch = 0 : i64, scratch_operands = 0 : i64, tpu.core_type = #tpu.core_type<tc>} {
    %get3A = arith.constant 0 : index
    %get3A_0 = arith.constant 0 : index
    %get3A_1 = vector.load %arg0[%get3A, %get3A_0] : memref<10000x128xf32, #tpu.memory_space<vmem>>, vector<10000x128xf32>
    %get3A_2 = arith.constant 0 : index
    %get3A_3 = arith.constant 0 : index
    %get3A_4 = vector.load %arg1[%get3A_2, %get3A_3] : memref<128x128xf32, #tpu.memory_space<vmem>>, vector<128x128xf32>
    %dot_general3A = arith.constant dense<0.000000e+00> : vector<10000x128xf32>
    %dot_general3A_5 = tpu.matmul %get3A_1, %get3A_4, %dot_general3A {dimension_numbers = #tpu.dot_dimension_numbers<[1], [0], [0], [1], [0, 0, 1, 1], [], []>, transpose_lhs_hint = false} : vector<10000x128xf32>, vector<128x128xf32>, vector<10000x128xf32> -> vector<10000x128xf32>
    %get3A_6 = arith.constant 0 : index
    %get3A_7 = arith.constant 0 : index
    %get3A_8 = vector.load %arg2[%get3A_6, %get3A_7] : memref<10000x1xf32, #tpu.memory_space<vmem>>, vector<10000x1xf32>
    %mul3A = vector.broadcast %get3A_8 : vector<10000x1xf32> to vector<10000x128xf32>
    %mul3A_9 = arith.mulf %dot_general3A_5, %mul3A : vector<10000x128xf32>
    %swap3A = arith.constant 0 : index
    %swap3A_10 = arith.constant 0 : index
    %swap3A_11 = vector.load %arg3[%swap3A, %swap3A_10] : memref<10240x128xf32, #tpu.memory_space<vmem>>, vector<10000x128xf32>
    tpu.vector_store %arg3[%swap3A, %swap3A_10], %mul3A_9 {strides = array<i32>} : memref<10240x128xf32, #tpu.memory_space<vmem>>, vector<10000x128xf32>,
    %broadcast_in_dim3A = arith.constant 0.000000e+00 : f32
    %broadcast_in_dim3A_12 = vector.broadcast %broadcast_in_dim3A : f32 to vector<240x128xf32>
    %swap3A_13 = arith.constant 10000 : index
    %swap3A_14 = arith.constant 0 : index
    %swap3A_15 = vector.load %arg3[%swap3A_13, %swap3A_14] : memref<10240x128xf32, #tpu.memory_space<vmem>>, vector<240x128xf32>
    tpu.vector_store %arg3[%swap3A_13, %swap3A_14], %broadcast_in_dim3A_12 {strides = array<i32>} : memref<10240x128xf32, #tpu.memory_space<vmem>>, vector<240x128xf32>,
    return
  }
}

module attributes {stable_mosaic.version = 14 : i64} {
  func.func @_mid_body(%arg0: memref<2x10240x128xf32, #tpu.memory_space<vmem>>, %arg1: memref<10000x1xf32, #tpu.memory_space<vmem>>, %arg2: memref<1x128xf32, #tpu.memory_space<vmem>>, %arg3: memref<128x128xf32, #tpu.memory_space<vmem>>, %arg4: memref<10000x1xf32, #tpu.memory_space<vmem>>, %arg5: memref<10240x128xf32, #tpu.memory_space<vmem>>) attributes {dimension_semantics = [], scalar_prefetch = 0 : i64, scratch_operands = 0 : i64, tpu.core_type = #tpu.core_type<tc>} {
    %get3A = arith.constant 0 : index
    %get3A_0 = arith.constant 0 : index
    %get3A_1 = arith.constant 0 : index
    %get3A_2 = vector.load %arg0[%get3A, %get3A_0, %get3A_1] : memref<2x10240x128xf32, #tpu.memory_space<vmem>>, vector<1x10000x128xf32>
    %get3A_3 = vector.shape_cast %get3A_2 : vector<1x10000x128xf32> to vector<10000x128xf32>
    %get3A_4 = arith.constant 1 : index
    %get3A_5 = arith.constant 0 : index
    %get3A_6 = arith.constant 0 : index
    %get3A_7 = vector.load %arg0[%get3A_4, %get3A_5, %get3A_6] : memref<2x10240x128xf32, #tpu.memory_space<vmem>>, vector<1x10000x128xf32>
    %get3A_8 = vector.shape_cast %get3A_7 : vector<1x10000x128xf32> to vector<10000x128xf32>
    %add3A = arith.addf %get3A_3, %get3A_8 : vector<10000x128xf32>
    %get3A_9 = arith.constant 0 : index
    %get3A_10 = arith.constant 0 : index
    %get3A_11 = vector.load %arg1[%get3A_9, %get3A_10] : memref<10000x1xf32, #tpu.memory_space<vmem>>, vector<10000x1xf32>
    %mul3A = vector.broadcast %get3A_11 : vector<10000x1xf32> to vector<10000x128xf32>
    %mul3A_12 = arith.mulf %add3A, %mul3A : vector<10000x128xf32>
    %get3A_13 = arith.constant 0 : index
    %get3A_14 = arith.constant 0 : index
    %get3A_15 = vector.load %arg2[%get3A_13, %get3A_14] : memref<1x128xf32, #tpu.memory_space<vmem>>, vector<1x128xf32>
    %add3A_16 = vector.broadcast %get3A_15 : vector<1x128xf32> to vector<10000x128xf32>
    %add3A_17 = arith.addf %mul3A_12, %add3A_16 : vector<10000x128xf32>
    %max3A = arith.constant 0.000000e+00 : f32
    %max3A_18 = vector.broadcast %max3A : f32 to vector<10000x128xf32>
    %max3A_19 = arith.maximumf %add3A_17, %max3A_18 : vector<10000x128xf32>
    %get3A_20 = arith.constant 0 : index
    %get3A_21 = arith.constant 0 : index
    %get3A_22 = vector.load %arg3[%get3A_20, %get3A_21] : memref<128x128xf32, #tpu.memory_space<vmem>>, vector<128x128xf32>
    %dot_general3A = arith.constant dense<0.000000e+00> : vector<10000x128xf32>
    %dot_general3A_23 = tpu.matmul %max3A_19, %get3A_22, %dot_general3A {dimension_numbers = #tpu.dot_dimension_numbers<[1], [0], [0], [1], [0, 0, 1, 1], [], []>, transpose_lhs_hint = false} : vector<10000x128xf32>, vector<128x128xf32>, vector<10000x128xf32> -> vector<10000x128xf32>
    %get3A_24 = arith.constant 0 : index
    %get3A_25 = arith.constant 0 : index
    %get3A_26 = vector.load %arg4[%get3A_24, %get3A_25] : memref<10000x1xf32, #tpu.memory_space<vmem>>, vector<10000x1xf32>
    %mul3A_27 = vector.broadcast %get3A_26 : vector<10000x1xf32> to vector<10000x128xf32>
    %mul3A_28 = arith.mulf %dot_general3A_23, %mul3A_27 : vector<10000x128xf32>
    %swap3A = arith.constant 0 : index
    %swap3A_29 = arith.constant 0 : index
    %swap3A_30 = vector.load %arg5[%swap3A, %swap3A_29] : memref<10240x128xf32, #tpu.memory_space<vmem>>, vector<10000x128xf32>
    tpu.vector_store %arg5[%swap3A, %swap3A_29], %mul3A_28 {strides = array<i32>} : memref<10240x128xf32, #tpu.memory_space<vmem>>, vector<10000x128xf32>,
    %broadcast_in_dim3A = arith.constant 0.000000e+00 : f32
    %broadcast_in_dim3A_31 = vector.broadcast %broadcast_in_dim3A : f32 to vector<240x128xf32>
    %swap3A_32 = arith.constant 10000 : index
    %swap3A_33 = arith.constant 0 : index
    %swap3A_34 = vector.load %arg5[%swap3A_32, %swap3A_33] : memref<10240x128xf32, #tpu.memory_space<vmem>>, vector<240x128xf32>
    tpu.vector_store %arg5[%swap3A_32, %swap3A_33], %broadcast_in_dim3A_31 {strides = array<i32>} : memref<10240x128xf32, #tpu.memory_space<vmem>>, vector<240x128xf32>,
    return
  }
}

module attributes {stable_mosaic.version = 14 : i64} {
  func.func @_final_body(%arg0: memref<2x10240x128xf32, #tpu.memory_space<vmem>>, %arg1: memref<10000x1xf32, #tpu.memory_space<vmem>>, %arg2: memref<1x128xf32, #tpu.memory_space<vmem>>, %arg3: memref<128x40xf32, #tpu.memory_space<vmem>>, %arg4: memref<1x40xf32, #tpu.memory_space<vmem>>, %arg5: memref<10000x40xf32, #tpu.memory_space<vmem>>) attributes {dimension_semantics = [], scalar_prefetch = 0 : i64, scratch_operands = 0 : i64, tpu.core_type = #tpu.core_type<tc>} {
    %get3A = arith.constant 0 : index
    %get3A_0 = arith.constant 0 : index
    %get3A_1 = arith.constant 0 : index
    %get3A_2 = vector.load %arg0[%get3A, %get3A_0, %get3A_1] : memref<2x10240x128xf32, #tpu.memory_space<vmem>>, vector<1x10000x128xf32>
    %get3A_3 = vector.shape_cast %get3A_2 : vector<1x10000x128xf32> to vector<10000x128xf32>
    %get3A_4 = arith.constant 1 : index
    %get3A_5 = arith.constant 0 : index
    %get3A_6 = arith.constant 0 : index
    %get3A_7 = vector.load %arg0[%get3A_4, %get3A_5, %get3A_6] : memref<2x10240x128xf32, #tpu.memory_space<vmem>>, vector<1x10000x128xf32>
    %get3A_8 = vector.shape_cast %get3A_7 : vector<1x10000x128xf32> to vector<10000x128xf32>
    %add3A = arith.addf %get3A_3, %get3A_8 : vector<10000x128xf32>
    %get3A_9 = arith.constant 0 : index
    %get3A_10 = arith.constant 0 : index
    %get3A_11 = vector.load %arg1[%get3A_9, %get3A_10] : memref<10000x1xf32, #tpu.memory_space<vmem>>, vector<10000x1xf32>
    %mul3A = vector.broadcast %get3A_11 : vector<10000x1xf32> to vector<10000x128xf32>
    %mul3A_12 = arith.mulf %add3A, %mul3A : vector<10000x128xf32>
    %get3A_13 = arith.constant 0 : index
    %get3A_14 = arith.constant 0 : index
    %get3A_15 = vector.load %arg2[%get3A_13, %get3A_14] : memref<1x128xf32, #tpu.memory_space<vmem>>, vector<1x128xf32>
    %add3A_16 = vector.broadcast %get3A_15 : vector<1x128xf32> to vector<10000x128xf32>
    %add3A_17 = arith.addf %mul3A_12, %add3A_16 : vector<10000x128xf32>
    %get3A_18 = arith.constant 0 : index
    %get3A_19 = arith.constant 0 : index
    %get3A_20 = vector.load %arg3[%get3A_18, %get3A_19] : memref<128x40xf32, #tpu.memory_space<vmem>>, vector<128x40xf32>
    %dot_general3A = arith.constant dense<0.000000e+00> : vector<10000x40xf32>
    %dot_general3A_21 = tpu.matmul %add3A_17, %get3A_20, %dot_general3A {dimension_numbers = #tpu.dot_dimension_numbers<[1], [0], [0], [1], [0, 0, 1, 1], [], []>, transpose_lhs_hint = false} : vector<10000x128xf32>, vector<128x40xf32>, vector<10000x40xf32> -> vector<10000x40xf32>
    %get3A_22 = arith.constant 0 : index
    %get3A_23 = arith.constant 0 : index
    %get3A_24 = vector.load %arg4[%get3A_22, %get3A_23] : memref<1x40xf32, #tpu.memory_space<vmem>>, vector<1x40xf32>
    %add3A_25 = vector.broadcast %get3A_24 : vector<1x40xf32> to vector<10000x40xf32>
    %add3A_26 = arith.addf %dot_general3A_21, %add3A_25 : vector<10000x40xf32>
    %swap3A = arith.constant 0 : index
    %swap3A_27 = arith.constant 0 : index
    %swap3A_28 = vector.load %arg5[%swap3A, %swap3A_27] : memref<10000x40xf32, #tpu.memory_space<vmem>>, vector<10000x40xf32>
    tpu.vector_store %arg5[%swap3A, %swap3A_27], %add3A_26 {strides = array<i32>} : memref<10000x40xf32, #tpu.memory_space<vmem>>, vector<10000x40xf32>,
    return
  }
}

</mosaic_0001>

<sc_bundles>
// kernel: kernel.12.cloned.1.call-start
scs
__scs_entry_jumppad:
0x0: {  	(pc) =	sbr.rel $0x88, $3  }
0x1: {  	(tag) =	ssettag $0x0;
	lr =	simm.s32 $0x1  }
0x2: {  	[smem:$0x3F99] =	sst lr;
	_ =	strace $0xD0000000  }
0x3: {  	_ = 	snop  }
0x4: {  	_ = 	snop  }
0x5: {  	_ = 	snop  }
0x6: {  	_ = 	snop  }
0x7: {  	_ = 	snop  }
__scs_overlays_trampoline_lowered:
0x8: {  	[smem:$0x3FA8] =	sst s0  }
0x9: {  	[smem:$0x3FA9] =	sst s1  }
0xa: {  	[smem:$0x3FAA] =	sst s2  }
0xb: {  	[smem:$0x3FAB] =	sst s3  }
0xc: {  	[smem:$0x3FAC] =	sst s4  }
0xd: {  	[smem:$0x3FAD] =	sst s5  }
0xe: {  	[smem:$0x3FAE] =	sst s6  }
0xf: {  	[smem:$0x3FAF] =	sst s7  }
0x10: {  	[smem:$0x3FB0] =	sst s8  }
0x11: {  	[smem:$0x3FB1] =	sst s9;
	s0 =	simm.s32 @!p0 $0x0  }
0x12: {  	s1 =	sld [smem:$0x3F97];
	s0 =	simm.s32 @p0 $0x1  }
0x13: {  	[smem:$0x3FB2] =	sst s0;
	s0 =	simm.s32 @!p1 $0x0  }
0x14: {  	s2 =	sld [smem:$0x3F96];
	s0 =	simm.s32 @p1 $0x1  }
0x15: {  	[smem:$0x3FB3] =	sst s0;
	s0 =	simm.s32 @!p2 $0x0  }
0x16: {  	s3 =	sld [smem:$0x3FDB];
	s0 =	simm.s32 @p2 $0x1  }
0x17: {  	s4 =	simm.s32 $0x1BF5;
	[smem:$0x3FB5] =	sst s0  }
0x18: {  	s0 =	sld [smem:$0x3F98];
	_ =	swait.ge [sflag:s4], $0x0  }
0x19: {  	s7 =	sld [smem:$0x3F99]  }
0x1a: {  	s8 =	sadd.s32 $0xFFFFE003, lr  }
0x1b: {  	s9 =	sadd.s32 $0xFFFFFEF7, lr;
	s5 =	simm.s32 $0xFFFFFFFF;
	p2 =	slt.u32 s8, $0xFFFFF086  }
0x1c: {  	p1 =	slt.u32 s9, $0xF7A;
	s5 =	simm.s32 @!p2 $0x0  }
0x1d: {  	s5 =	simm.s32 @p1 $0x1;
	p0 =	seq.s32 s7, s2  }
0x1e: {  	s7 =	smul.u32 @!p0 $0xF7A, s2;
	p2 =	seq.s32 @!p0 s5, $0x0  }
0x1f: {  	s9 =	smul.u32 $0xF7A, s1;
	s8 =	simm.s32 @!p0 $0x1BF5;
	p2 =	por !p2, p0  }
0x20: {  	[sflag:s8] =	ssyncset.s32 @!p0 $0xFFFFF086;
	s6 =	sadd.s32 @!p0 s3, s7;
	s7 =	simm.s32 @!p0 $0x108  }
0x21: {  	s3 =	sadd.s32 s3, s9;
	s6 =	sadd.s32 @!p0 $0x88, s6;
	s7 =	simm.s32 @p2 $0x1082  }
0x22: {  	[simem:s7], [sflag:s8] =	dma.local @!p0 [hbm:s6], $0xF7A  }
0x23: {  	s9 =	sor.u32 $0xD0000000, s2;
	s6 =	simm.s32 $0x108;
	_ =	swait.ge @!p0 [sflag:s8], $0x0  }
0x24: {  	s3 =	sadd.s32 $0x88, s3;
	s6 =	simm.s32 @!p1 $0x1082;
	[sflag:s4] =	ssyncset.s32 $0xFFFFF086  }
0x25: {  	[simem:s6], [sflag:s4] =	dma.local [hbm:s3], $0xF7A  }
0x26: {  	[smem:$0x3F99] =	sst s1;
	(tag) =	ssettag s2;
	_ =	strace s9  }
0x27: {  	s1 =	sld [smem:$0x3FA9]  }
0x28: {  	s2 =	sld [smem:$0x3FAA]  }
0x29: {  	s4 =	sld [smem:$0x3FAC]  }
0x2a: {  	p0 =	seq.s32 s5, $0x0;
	s5 =	sld [smem:$0x3FAD]  }
0x2b: {  	s6 =	sld [smem:$0x3FAE]  }
0x2c: {  	s7 =	sld [smem:$0x3FAF]  }
0x2d: {  	s3 =	simm.s32 $0x108;
	s8 =	sld [smem:$0x3FB0]  }
0x2e: {  	s3 =	simm.s32 @!p0 $0x1082;
	s9 =	sld [smem:$0x3FB1]  }
0x2f: {  	lr =	sadd.s32 s0, s3;
	s0 =	sld [smem:$0x3FA8]  }
0x30: {  	s3 =	sld [smem:$0x3FAB]  }
0x31: {  	[smem:$0x3FB4] =	sst s10  }
0x32: {  	s10 =	sld [smem:$0x3FB2];
	_ =	sdelay $0x3  }
0x33: {  	p0 =	seq.s32 s10, $0x1;
	s10 =	sld [smem:$0x3FB4];
	_ =	sdelay $0x3  }
0x34: {  	[smem:$0x3FB4] =	sst s10  }
0x35: {  	s10 =	sld [smem:$0x3FB3];
	_ =	sdelay $0x3  }
0x36: {  	p1 =	seq.s32 s10, $0x1;
	s10 =	sld [smem:$0x3FB4];
	_ =	sdelay $0x3  }
0x37: {  	[smem:$0x3FB4] =	sst s10  }
0x38: {  	s10 =	sld [smem:$0x3FB5]  }
0x39: {  	_ = 	snop;
	(pc) =	sbr.ind lr, $3  }
0x3a: {  	_ = 	snop  }
0x3b: {  	_ = 	snop  }
0x3c: {  	p2 =	seq.s32 s10, $0x1;
	s10 =	sld [smem:$0x3FB4]  }
0x3d: {  	_ =	shalt  }
0x3e: {  	_ =	shalt  }
0x3f: {  	_ =	shalt  }
0x40: {  	_ =	shalt  }
0x41: {  	_ =	shalt  }
0x42: {  	_ =	shalt  }
0x43: {  	_ =	shalt  }
0x44: {  	_ =	shalt  }
0x45: {  	_ =	shalt  }
0x46: {  	_ =	shalt  }
0x47: {  	_ =	shalt  }
0x48: {  	_ =	shalt  }
0x49: {  	_ =	shalt  }
0x4a: {  	_ =	shalt  }
0x4b: {  	_ =	shalt  }
0x4c: {  	_ =	shalt  }
0x4d: {  	_ =	shalt  }
0x4e: {  	_ =	shalt  }
0x4f: {  	_ =	shalt  }
0x50: {  	_ =	shalt  }
0x51: {  	_ =	shalt  }
0x52: {  	_ =	shalt  }
0x53: {  	_ =	shalt  }
0x54: {  	_ =	shalt  }
0x55: {  	_ =	shalt  }
0x56: {  	_ =	shalt  }
0x57: {  	_ =	shalt  }
0x58: {  	_ =	shalt  }
0x59: {  	_ =	shalt  }
0x5a: {  	_ =	shalt  }
0x5b: {  	_ =	shalt  }
0x5c: {  	_ =	shalt  }
0x5d: {  	_ =	shalt  }
0x5e: {  	_ =	shalt  }
0x5f: {  	_ =	shalt  }
0x60: {  	_ =	shalt  }
0x61: {  	_ =	shalt  }
0x62: {  	_ =	shalt  }
0x63: {  	_ =	shalt  }
0x64: {  	_ =	shalt  }
0x65: {  	_ =	shalt  }
0x66: {  	_ =	shalt  }
0x67: {  	_ =	shalt  }
0x68: {  	_ =	shalt  }
0x69: {  	_ =	shalt  }
0x6a: {  	_ =	shalt  }
0x6b: {  	_ =	shalt  }
0x6c: {  	_ =	shalt  }
0x6d: {  	_ =	shalt  }
0x6e: {  	_ =	shalt  }
0x6f: {  	_ =	shalt  }
0x70: {  	_ =	shalt  }
0x71: {  	_ =	shalt  }
0x72: {  	_ =	shalt  }
0x73: {  	_ =	shalt  }
0x74: {  	_ =	shalt  }
0x75: {  	_ =	shalt  }
0x76: {  	_ =	shalt  }
0x77: {  	_ =	shalt  }
0x78: {  	_ =	shalt  }
0x79: {  	_ =	shalt  }
0x7a: {  	_ =	shalt  }
0x7b: {  	_ =	shalt  }
0x7c: {  	_ =	shalt  }
0x7d: {  	_ =	shalt  }
0x7e: {  	_ =	shalt  }
0x7f: {  	_ =	shalt  }
0x80: {  	_ =	shalt  }
0x81: {  	_ =	shalt  }
0x82: {  	_ =	shalt  }
0x83: {  	_ =	shalt  }
0x84: {  	_ =	shalt  }
0x85: {  	_ =	shalt  }
0x86: {  	_ =	shalt  }
0x87: {  	_ =	shalt  }
.Lfunc_end0:
.L_simem_size_0:
called_computation.1_lowered:
.L_overlay_start_0:
0x88: {  	s2 =	sld [smem:$0x3FD9]  }
0x89: {  	s3 =	sld [smem:$0x3FFE];
	_ =	sdelay $0x1  }
0x8a: {  	s1 =	srdreg.scid  }
0x8b: {  	s0 =	sand.u32 $0x1, s1  }
0x8c: {  	s16 =	sshll.u32 s0, $0xA;
	s2 =	sadd.s32 s3, s2  }
0x8d: {  	s2 =	sadd.s32 s2, s16  }
0x8e: {  	[smem:$0x3FC0] =	sst s2  }
0x8f: {  	_ = 	snop  }
0x90: {  	(tm) =	ssettm $0x1  }
0x91: {  	s17 =	sld [smem:$0x3FFB];
	_ =	sdelay $0x3  }
0x92: {  	_ =	strace s17  }
0x93: {  	s2 =	sld [smem:$0x3FFC];
	_ =	sdelay $0x3  }
0x94: {  	_ =	strace s2  }
0x95: {  	s2 =	sld [smem:$0x3FFD];
	_ =	sdelay $0x3  }
0x96: {  	_ =	strace s2  }
0x97: {  	_ =	strace $0x8FFFFFFF  }
0x98: {  	s18 =	sld [smem:$0x3FDB];
	_ =	sdelay $0x1  }
0x99: {  	s19 =	simm.s32 $_scs_section_size  }
0x9a: {  	s4 =	simm.s32 $_size__tile_overlayer_lowered;
	s5 =	simm.s32 $_tile_overlayer_lowered  }
0x9b: {  	s22 =	simm.s32 $0x1BFF;
	s21 =	sshll.u32 s5, $0x1;
	s2 =	sadd.s32 s19, s18  }
0x9c: {  	s6 =	simm.s32 $0x0;
	s20 =	sshll.u32 s4, $0x1;
	s4 =	sadd.s32 s21, s2  }
0x9d: {  	[timem:s6], [sflag:s22] =	dma.local [hbm:s4], s20  }
0x9e: {  	_ =	swait.ge [sflag:s22], s20  }
0x9f: {  	s3 =	ssub.s32 $0x0, s20;
	[sflag:s22] =	ssyncset.done $0x0  }
0xa0: {  	[sflag:s22] =	ssyncadd.s32 s3;
	_ =	sdelay $0x1  }
0xa1: {  	s23 =	simm.s32 $0x1B8B  }
0xa2: {  	_ =	swait.ge [sflag:s23], $0x1  }
0xa3: {  	[sflag:s23] =	ssyncset.done $0x0  }
0xa4: {  	s25 =	simm.s32 $0x1B8E;
	s24 =	sld [smem:$0x3FFE];
	[sflag:s23] =	ssyncadd.s32 $0xFFFFFFFF  }
0xa5: {  	s26 =	simm.s32 $execute0_lowered;
	[smem:$0x3FD2] =	sst s25  }
0xa6: {  	s4 =	sshll.u32 s26, $0x1;
	_ =	strace $0x80000049;
	[dreg:$0x1] =	wrdreg $0xFFFFFFFF  }
0xa7: {  	s28 =	simm.s32 $_size_execute0_lowered;
	s2 =	sadd.s32 s2, s4;
	[dreg:$0x0] =	wrdreg $0x0  }
0xa8: {  	s4 =	sshll.u32 s28, $0x1;
	[dreg:$0x2] =	wrdreg s2  }
0xa9: {  	[dreg:$0x3] =	wrdreg s4  }
0xaa: {  	[dreg:$0x4] =	wrdreg $0xC0  }
0xab: {  	_ =	task [dreg:s6], $0x5FFFF  }
0xac: {  	[dreg:$0x1] =	wrdreg $0xFFFFFFFF  }
0xad: {  	[dreg:$0x0] =	wrdreg $0x60  }
0xae: {  	[dreg:$0x2] =	wrdreg s24  }
0xaf: {  	[dreg:$0x3] =	wrdreg $0xA0000  }
0xb0: {  	[dreg:$0x4] =	wrdreg $0x9  }
0xb1: {  	_ =	task.clear_ibuf [dreg:s6], $0x5FFFF;
	_ =	strace $0x90000049  }
0xb2: {  	s29 =	simm.s32 $0x9;
	_ =	strace $0x8000004B  }
0xb3: {  	_ =	swait.ge [sflag:s29], $0x1  }
0xb4: {  	[sflag:s29] =	ssyncadd.s32 $0xFFFFFFFF  }
0xb5: {  	_ =	strace $0x9000004B  }
0xb6: {  	_ =	sfence  }
0xb7: {  	s30 =	sld [smem:$0x0];
	_ =	sdelay $0x2  }
0xb8: {  	s31 =	sshll.u32 s1, $0xD;
	s1 =	sshrl.u32 s1, $0x2  }
0xb9: {  	s3 =	sand.u32 $0x4000, s31;
	s1 =	sadd.s32 s1, s30  }
0xba: {  	s0 =	sor.u32 s3, s0;
	s1 =	sshll.u32 s1, $0x11  }
0xbb: {  	s0 =	sor.u32 s1, s0  }
0xbc: {  	s0 =	sadd.s32 $0x8F2B, s0  }
0xbd: {  	[sflag:s0] =	ssyncadd.remote.s32 $0x1  }
0xbe: {  	_ =	sfence.sel $0xFFFF  }
0xbf: {  	[dreg:$0x0] =	wrdreg $0xFFFFFFFF;
	(pc) =	sbr.abs _section_cstart, $3  }
0xc0: {  	[dreg:$0x1] =	wrdreg $0xFFFFFFFF  }
0xc1: {  	_ =	task.clear_ibuf [dreg:s6], $0x2FFFF;
	_ =	strace $0x9FFFFFFF  }
0xc2: {  	(tm) =	ssettm $0x7FFFFFFF  }
0xc3: {  	_ =	shalt  }
tec
execute0_lowered:
.L_overlay_start_1:
0x0: {  	(tag) =	ssettag $0x1  }
0x1: {  	s0 =	rddreg [dreg:$0x0]  }
0x2: {  	s1 =	rddreg [dreg:$0x1];
	s2 =	srdreg.scid;
	s3 =	simm.s32 $0x0  }
0x3: {  	s12 =	stileid.u32;
	s18 =	simm.s32 $0x100;
	s20 =	simm.s32 $0x880  }
0x4: {  	s22 =	simm.s32 $0x180;
	s24 =	simm.s32 $0x900;
	s25 =	simm.s32 $0x200  }
0x5: {  	s28 =	simm.s32 $0x7000;
	s29 =	simm.s32 $0x2;
	s30 =	simm.s32 $0x4  }
0x6: {  	s31 =	simm.s32 $0x400;
	[smem:$0x7FF] =	sst s3;
	s6 =	smul.u32 $0x14000, s12  }
0x7: {  	s7 =	smul.u32 $0x50000, s12;
	_ =	strace $0x8000004A;
	[dreg:$0x6] =	wrdreg s18  }
0x8: {  	s2 =	sand.u32 $0x1, s2;
	s11 =	smul.u32 $0x4800, s12;
	[dreg:$0x7] =	wrdreg s20  }
0x9: {  	s4 =	sadd.s32 $0x26800, s0;
	s5 =	smul.u32 $0x140000, s2;
	[dreg:$0x8] =	wrdreg s22  }
0xa: {  	s26 =	ssub.s32 $0x2, s2;
	s8 =	smul.u32 $0x48000, s2;
	[dreg:$0x9] =	wrdreg s24  }
0xb: {  	s2 =	sshll.u32 s2, $0x4;
	[dreg:$0xa] =	wrdreg s25;
	s20 =	simm.s32 $0xC80  }
0xc: {  	s22 =	simm.s32 $0xD00;
	s24 =	simm.s32 $0xD80;
	[dreg:$0x11] =	wrdreg s20  }
0xd: {  	s25 =	simm.s32 $0x680;
	[dreg:$0x13] =	wrdreg s22;
	s5 =	sadd.s32 s6, s5  }
0xe: {  	s10 =	sshrl.u32 s26, $0x1;
	[dreg:$0x15] =	wrdreg s24;
	s9 =	sshrl.u32 s5, $0x3  }
0xf: {  	[dreg:$0x16] =	wrdreg s25;
	s5 =	sadd.s32 $0x2800, s0;
	s0 =	sadd.s32 s9, s0  }
0x10: {  	s9 =	ssub.s32 s26, s10;
	s10 =	sshrl.u32 s7, $0x2;
	s0 =	sadd.s32 $0x4E800, s0  }
0x11: {  	s6 =	sadd.s32 s10, s1;
	s18 =	smax.u32 s9, $0x1;
	[smem:$0x7FC] =	sst s0  }
0x12: {  	s7 =	sadd.s32 s11, s8;
	s11 =	sadd.s32 $0x2800, s6;
	[smem:$0x7FD] =	sst s18  }
0x13: {  	s2 =	sor.u32 s12, s2;
	s15 =	sadd.s32 $0x5000, s6;
	[dreg:$0x18] =	wrdreg s11  }
0x14: {  	s20 =	simm.s32 $0x800;
	s17 =	sadd.s32 $0x7800, s6;
	[dreg:$0x19] =	wrdreg s15  }
0x15: {  	s25 =	simm.s32 $0x4000;
	s19 =	sadd.s32 $0xA000, s6;
	[dreg:$0x1a] =	wrdreg s17  }
0x16: {  	s8 =	sadd.s32 $0x90800, s7;
	s21 =	sadd.s32 $0xC800, s6;
	[dreg:$0x1b] =	wrdreg s19  }
0x17: {  	s12 =	sadd.s32 $0x90400, s7;
	s23 =	sadd.s32 $0xF000, s6;
	[dreg:$0x1c] =	wrdreg s21  }
0x18: {  	s8 =	sshrl.u32 s8, $0x3;
	s26 =	sadd.s32 $0x11800, s6;
	[dreg:$0x1d] =	wrdreg s23  }
0x19: {  	s10 =	sshrl.u32 s12, $0x3;
	s12 =	simm.s32 $0x280;
	[dreg:$0x1e] =	wrdreg s26  }
0x1a: {  	s2 =	smul.u32 $0x4800, s2;
	s8 =	sadd.s32 s8, s5;
	[dreg:$0xc] =	wrdreg s12  }
0x1b: {  	s24 =	simm.s32 $0x3;
	s13 =	sadd.s32 s10, s5;
	[dreg:$0x3] =	wrdreg s8  }
0x1c: {  	s2 =	sshrl.u32 s2, $0x3;
	s17 =	simm.s32 $0x480;
	[dreg:$0x4] =	wrdreg s13  }
0x1d: {  	s9 =	simm.s32 $0xA;
	s19 =	simm.s32 $0x500;
	[dreg:$0xf] =	wrdreg s17  }
0x1e: {  	s0 =	simm.s32 $0xC00;
	s21 =	simm.s32 $0x580;
	[dreg:$0x10] =	wrdreg s19  }
0x1f: {  	s11 =	sor.u32 $0x400, s7;
	s23 =	simm.s32 $0x600;
	[dreg:$0x12] =	wrdreg s21  }
0x20: {  	s26 =	simm.s32 $0xE00;
	s14 =	sshrl.u32 s11, $0x3;
	[dreg:$0x14] =	wrdreg s23  }
0x21: {  	s11 =	simm.s32 $0x980;
	s13 =	sadd.s32 s5, s2;
	[dreg:$0x17] =	wrdreg s26  }
0x22: {  	s19 =	simm.s32 $0x1000;
	s23 =	simm.s32 $0x60;
	[dreg:$0xb] =	wrdreg s11  }
0x23: {  	s26 =	simm.s32 $0x1;
	s16 =	sadd.s32 s14, s5;
	[dreg:$0x1f] =	wrdreg s13  }
0x24: {  	s2 =	simm.s32 $0x5;
	s15 =	sadd.s32 $0x12000, s13;
	[dreg:$0x5] =	wrdreg s16  }
0x25: {  	s8 =	simm.s32 $0x8;
	s14 =	simm.s32 $0xA00;
	[smem:$0x7FB] =	sst s15  }
0x26: {  	s11 =	simm.s32 $0x0;
	[dreg:$0xd] =	wrdreg s14;
	s16 =	simm.s32 $0xA80  }
0x27: {  	v0 =	vimm.f32 $0.0e+00;
	s15 =	sadd.s32 $0x800, s7;
	s7 =	simm.s32 $0x6;
	[dreg:$0xe] =	wrdreg s16  }
.LBB2_1:
0x28: {  	s12 =	simm.s32 $0x0;
	s13 =	simm.s32 $0x200  }
.LBB2_2:
0x29: {  	p0 =	sne.s32 s13, $0xBE00;
	[tilespmem:s12+$0x1070] =	vst v0  }
0x2a: {  	[tilespmem:s12+$0x1000] =	vst v0  }
0x2b: {  	[tilespmem:s12+$0x1010] =	vst v0  }
.Ltmp0:
0x2c: {  	[tilespmem:s12+$0x1020] =	vst v0;
	(pc) =	sbr.rel @p0 .LBB2_2-.Ltmp0, $4  }
0x2d: {  	[tilespmem:s12+$0x1030] =	vst v0  }
0x2e: {  	[tilespmem:s12+$0x1040] =	vst v0  }
0x2f: {  	[tilespmem:s12+$0x1050] =	vst v0  }
0x30: {  	[tilespmem:s12+$0x1060] =	vst v0;
	s12 =	sshra.s32 s13, $0x2;
	s13 =	sadd.s32 $0x200, s13  }
0x31: {  	[tilespmem:s12+$0x1070] =	vst v0  }
0x32: {  	[tilespmem:s12+$0x1000] =	vst v0  }
0x33: {  	[tilespmem:s12+$0x1010] =	vst v0  }
0x34: {  	[tilespmem:s12+$0x1020] =	vst v0  }
0x35: {  	[tilespmem:s12+$0x1030] =	vst v0  }
0x36: {  	[tilespmem:s12+$0x1040] =	vst v0  }
0x37: {  	[tilespmem:s12+$0x1050] =	vst v0  }
0x38: {  	[tilespmem:s12+$0x1060] =	vst v0  }
0x39: {  	[spmem:s6] =	stream.linear.scatter [tilespmem:s19], [sflag:$0x1], $0x2800, $0x38;
	[tilespmem:$0x1E000] =	vst v63  }
0x3a: {  	s10 =	rddreg [dreg:$0x18]  }
0x3b: {  	[spmem:s10] =	stream.linear.scatter [tilespmem:s19], [sflag:$0x1], $0x2800, $0x38;
	[tilespmem:$0x1E000] =	vst v63  }
0x3c: {  	s22 =	rddreg [dreg:$0x19]  }
0x3d: {  	[spmem:s22] =	stream.linear.scatter [tilespmem:s19], [sflag:$0x1], $0x2800, $0x38;
	[tilespmem:$0x1E000] =	vst v63  }
0x3e: {  	s12 =	rddreg [dreg:$0x1a]  }
0x3f: {  	[spmem:s12] =	stream.linear.scatter [tilespmem:s19], [sflag:$0x1], $0x2800, $0x38;
	[tilespmem:$0x1E000] =	vst v63  }
0x40: {  	s13 =	rddreg [dreg:$0x1b]  }
0x41: {  	[spmem:s13] =	stream.linear.scatter [tilespmem:s19], [sflag:$0x1], $0x2800, $0x38;
	[tilespmem:$0x1E000] =	vst v63  }
0x42: {  	s14 =	rddreg [dreg:$0x1c]  }
0x43: {  	[spmem:s14] =	stream.linear.scatter [tilespmem:s19], [sflag:$0x1], $0x2800, $0x38;
	[tilespmem:$0x1E000] =	vst v63  }
0x44: {  	s16 =	rddreg [dreg:$0x1d]  }
0x45: {  	[spmem:s16] =	stream.linear.scatter [tilespmem:s19], [sflag:$0x1], $0x2800, $0x38;
	[tilespmem:$0x1E000] =	vst v63  }
0x46: {  	s17 =	rddreg [dreg:$0x1e];
	s18 =	simm.s32 $0x1  }
0x47: {  	[spmem:s17] =	stream.linear.scatter [tilespmem:s19], [sflag:$0x1], $0x2800, $0x38;
	[tilespmem:$0x1E000] =	vst v63  }
0x48: {  	_ =	swait.ge [sflag:s18], $0x2800  }
0x49: {  	[sflag:s18] =	ssyncset.done $0x0  }
0x4a: {  	[sflag:s18] =	ssyncadd.s32 $0xFFFFD800  }
0x4b: {  	_ =	swait.ge [sflag:s18], $0x2800  }
0x4c: {  	[sflag:s18] =	ssyncset.done $0x0  }
0x4d: {  	[sflag:s18] =	ssyncadd.s32 $0xFFFFD800  }
0x4e: {  	_ =	swait.ge [sflag:s18], $0x2800  }
0x4f: {  	[sflag:s18] =	ssyncset.done $0x0  }
0x50: {  	[sflag:s18] =	ssyncadd.s32 $0xFFFFD800  }
0x51: {  	_ =	swait.ge [sflag:s18], $0x2800  }
0x52: {  	[sflag:s18] =	ssyncset.done $0x0  }
0x53: {  	[sflag:s18] =	ssyncadd.s32 $0xFFFFD800  }
0x54: {  	_ =	swait.ge [sflag:s18], $0x2800  }
0x55: {  	[sflag:s18] =	ssyncset.done $0x0  }
0x56: {  	[sflag:s18] =	ssyncadd.s32 $0xFFFFD800  }
0x57: {  	_ =	swait.ge [sflag:s18], $0x2800  }
0x58: {  	[sflag:s18] =	ssyncset.done $0x0  }
0x59: {  	[sflag:s18] =	ssyncadd.s32 $0xFFFFD800  }
0x5a: {  	_ =	swait.ge [sflag:s18], $0x2800  }
0x5b: {  	[sflag:s18] =	ssyncset.done $0x0  }
0x5c: {  	[sflag:s18] =	ssyncadd.s32 $0xFFFFD800  }
0x5d: {  	_ =	swait.ge [sflag:s18], $0x2800  }
0x5e: {  	[sflag:s18] =	ssyncset.done $0x0  }
0x5f: {  	[sflag:s18] =	ssyncadd.s32 $0xFFFFD800  }
0x60: {  	[bflag:$0x0] =	sbarrier.arrive $0xFFFF  }
0x61: {  	s22 =	rddreg [dreg:$0x1f]  }
0x62: {  	s21 =	simm.s32 $0x0;
	s13 =	sld [smem:$0x7FB]  }
0x63: {  	[tilespmem:s21], [sflag:$0x7] =	stream.linear.gather [hbm4b:s22+s21], $0x300, $0x38;
	[tilespmem:$0x1E000] =	vst v63  }
0x64: {  	s14 =	simm.s32 $0x7  }
0x65: {  	[tilespmem:s20], [sflag:$0x9] =	stream.linear.gather [hbm4b:s13+s21], $0x300, $0x38;
	[tilespmem:$0x1E000] =	vst v63  }
0x66: {  	_ =	swait.ge [sflag:s14], $0x300  }
0x67: {  	[sflag:s14] =	ssyncset.done $0x0  }
0x68: {  	s16 =	simm.s32 $0x9;
	[sflag:s14] =	ssyncadd.s32 $0xFFFFFD00  }
0x69: {  	_ =	swait.ge [sflag:s16], $0x300  }
0x6a: {  	[sflag:s16] =	ssyncset.done $0x0  }
0x6b: {  	[sflag:s16] =	ssyncadd.s32 $0xFFFFFD00  }
0x6c: {  	[tilespmem:s19], [sflag:$0x1] =	stream.indirect.gather [hbm4b:s4+s23], $0x80, s21, s23, $0xb8;
	[tilespmem:$0x1E000] =	vst v63  }
0x6d: {  	s17 =	simm.s32 $0x80  }
0x6e: {  	[tilespmem:s25], [sflag:$0x2] =	stream.indirect.gather [hbm4b:s4+s23], $0x80, s17, s23, $0xb8;
	[tilespmem:$0x1E000] =	vst v63  }
0x6f: {  	_ =	swait.ge [sflag:s26], $0x3000  }
0x70: {  	p0 =	por $0x1, $0x1;
	[sflag:s26] =	ssyncset.done $0x0  }
0x71: {  	s12 =	simm.s32 @!p0 $0x6;
	[sflag:s26] =	ssyncadd.s32 $0xFFFFD000  }
0x72: {  	[spmem:s1] =	stream.indirect.scatter.add.f32 [tilespmem:s19], [sflag:$0x4], $0x80, s20, s23, $0xb8;
	[tilespmem:$0x1E000] =	vst v63  }
0x73: {  	_ =	swait.ge @!p0 [sflag:s12], $0x3000  }
0x74: {  	[sflag:s12] =	ssyncset.done @!p0 $0x0  }
0x75: {  	s13 =	rddreg [dreg:$0x6];
	[sflag:s12] =	ssyncadd.s32 @!p0 $0xFFFFD000  }
0x76: {  	[tilespmem:s28], [sflag:$0x3] =	stream.indirect.gather [hbm4b:s4+s23], $0x80, s13, s23, $0xb8;
	[tilespmem:$0x1E000] =	vst v63  }
0x77: {  	_ =	swait.ge [sflag:s29], $0x3000  }
0x78: {  	[sflag:s29] =	ssyncset.done $0x0  }
0x79: {  	s18 =	rddreg [dreg:$0x7];
	[sflag:s29] =	ssyncadd.s32 $0xFFFFD000  }
0x7a: {  	[spmem:s1] =	stream.indirect.scatter.add.f32 [tilespmem:s25], [sflag:$0x5], $0x80, s18, s23, $0xb8;
	[tilespmem:$0x1E000] =	vst v63  }
0x7b: {  	_ =	swait.ge [sflag:s30], $0x3000  }
0x7c: {  	s21 =	rddreg [dreg:$0x5];
	[sflag:s30] =	ssyncset.done $0x0  }
0x7d: {  	s22 =	rddreg [dreg:$0x4];
	[sflag:s30] =	ssyncadd.s32 $0xFFFFD000;
	s12 =	sadd.s32 $0x0, s21  }
0x7e: {  	[tilespmem:s31], [sflag:$0x8] =	stream.linear.gather [hbm4b:s12+s3], $0x300, $0x38;
	[tilespmem:$0x1E000] =	vst v63  }
0x7f: {  	s13 =	sadd.s32 $0x0, s22  }
0x80: {  	[tilespmem:s0], [sflag:$0xA] =	stream.linear.gather [hbm4b:s13+s3], $0x300, $0x38;
	[tilespmem:$0x1E000] =	vst v63  }
0x81: {  	s10 =	rddreg [dreg:$0x8]  }
0x82: {  	[tilespmem:s19], [sflag:$0x1] =	stream.indirect.gather [hbm4b:s4+s23], $0x80, s10, s23, $0xb8;
	[tilespmem:$0x1E000] =	vst v63  }
0x83: {  	_ =	swait.ge [sflag:s24], $0x3000  }
0x84: {  	[sflag:s24] =	ssyncset.done $0x0  }
0x85: {  	s14 =	rddreg [dreg:$0x9];
	[sflag:s24] =	ssyncadd.s32 $0xFFFFD000  }
0x86: {  	[spmem:s1] =	stream.indirect.scatter.add.f32 [tilespmem:s28], [sflag:$0x6], $0x80, s14, s23, $0xb8;
	[tilespmem:$0x1E000] =	vst v63  }
0x87: {  	_ =	swait.ge [sflag:s2], $0x3000  }
0x88: {  	[sflag:s2] =	ssyncset.done $0x0  }
0x89: {  	s16 =	rddreg [dreg:$0xa];
	[sflag:s2] =	ssyncadd.s32 $0xFFFFD000  }
0x8a: {  	[tilespmem:s25], [sflag:$0x2] =	stream.indirect.gather [hbm4b:s4+s23], $0x80, s16, s23, $0xb8;
	[tilespmem:$0x1E000] =	vst v63  }
0x8b: {  	_ =	swait.ge [sflag:s26], $0x3000  }
0x8c: {  	[sflag:s26] =	ssyncset.done $0x0  }
0x8d: {  	s17 =	rddreg [dreg:$0xb];
	[sflag:s26] =	ssyncadd.s32 $0xFFFFD000  }
0x8e: {  	[spmem:s1] =	stream.indirect.scatter.add.f32 [tilespmem:s19], [sflag:$0x4], $0x80, s17, s23, $0xb8;
	[tilespmem:$0x1E000] =	vst v63  }
0x8f: {  	_ =	swait.ge [sflag:s7], $0x3000  }
0x90: {  	[sflag:s7] =	ssyncset.done $0x0  }
0x91: {  	s18 =	rddreg [dreg:$0xc];
	[sflag:s7] =	ssyncadd.s32 $0xFFFFD000  }
0x92: {  	[tilespmem:s28], [sflag:$0x3] =	stream.indirect.gather [hbm4b:s4+s23], $0x80, s18, s23, $0xb8;
	[tilespmem:$0x1E000] =	vst v63  }
0x93: {  	_ =	swait.ge [sflag:s29], $0x3000  }
0x94: {  	[sflag:s29] =	ssyncset.done $0x0  }
0x95: {  	s21 =	rddreg [dreg:$0xd];
	[sflag:s29] =	ssyncadd.s32 $0xFFFFD000  }
0x96: {  	[spmem:s1] =	stream.indirect.scatter.add.f32 [tilespmem:s25], [sflag:$0x5], $0x80, s21, s23, $0xb8;
	[tilespmem:$0x1E000] =	vst v63  }
0x97: {  	_ =	swait.ge [sflag:s30], $0x3000  }
0x98: {  	[sflag:s30] =	ssyncset.done $0x0  }
0x99: {  	[sflag:s30] =	ssyncadd.s32 $0xFFFFD000  }
0x9a: {  	_ =	swait.ge [sflag:s8], $0x300  }
0x9b: {  	[sflag:s8] =	ssyncset.done $0x0  }
0x9c: {  	[sflag:s8] =	ssyncadd.s32 $0xFFFFFD00  }
0x9d: {  	_ =	swait.ge [sflag:s9], $0x300  }
0x9e: {  	[sflag:s9] =	ssyncset.done $0x0  }
0x9f: {  	[sflag:s9] =	ssyncadd.s32 $0xFFFFFD00  }
0xa0: {  	[tilespmem:s19], [sflag:$0x1] =	stream.indirect.gather [hbm4b:s4+s23], $0x80, s31, s23, $0xb8;
	[tilespmem:$0x1E000] =	vst v63  }
0xa1: {  	_ =	swait.ge [sflag:s24], $0x3000  }
0xa2: {  	[sflag:s24] =	ssyncset.done $0x0  }
0xa3: {  	s22 =	rddreg [dreg:$0xe];
	[sflag:s24] =	ssyncadd.s32 $0xFFFFD000  }
0xa4: {  	[spmem:s1] =	stream.indirect.scatter.add.f32 [tilespmem:s28], [sflag:$0x6], $0x80, s22, s23, $0xb8;
	[tilespmem:$0x1E000] =	vst v63  }
0xa5: {  	_ =	swait.ge [sflag:s2], $0x3000  }
0xa6: {  	[sflag:s2] =	ssyncset.done $0x0  }
0xa7: {  	s10 =	rddreg [dreg:$0xf];
	[sflag:s2] =	ssyncadd.s32 $0xFFFFD000  }
0xa8: {  	[tilespmem:s25], [sflag:$0x2] =	stream.indirect.gather [hbm4b:s4+s23], $0x80, s10, s23, $0xb8;
	[tilespmem:$0x1E000] =	vst v63  }
0xa9: {  	_ =	swait.ge [sflag:s26], $0x3000  }
0xaa: {  	[sflag:s26] =	ssyncset.done $0x0  }
0xab: {  	[sflag:s26] =	ssyncadd.s32 $0xFFFFD000  }
0xac: {  	[spmem:s1] =	stream.indirect.scatter.add.f32 [tilespmem:s19], [sflag:$0x4], $0x80, s0, s23, $0xb8;
	[tilespmem:$0x1E000] =	vst v63  }
0xad: {  	_ =	swait.ge [sflag:s7], $0x3000  }
0xae: {  	[sflag:s7] =	ssyncset.done $0x0  }
0xaf: {  	s13 =	rddreg [dreg:$0x10];
	[sflag:s7] =	ssyncadd.s32 $0xFFFFD000  }
0xb0: {  	[tilespmem:s28], [sflag:$0x3] =	stream.indirect.gather [hbm4b:s4+s23], $0x80, s13, s23, $0xb8;
	[tilespmem:$0x1E000] =	vst v63  }
0xb1: {  	_ =	swait.ge [sflag:s29], $0x3000  }
0xb2: {  	[sflag:s29] =	ssyncset.done $0x0  }
0xb3: {  	p0 =	por $0x0, $0x0;
	s14 =	rddreg [dreg:$0x11];
	[sflag:s29] =	ssyncadd.s32 $0xFFFFD000  }
0xb4: {  	[spmem:s1] =	stream.indirect.scatter.add.f32 [tilespmem:s25], [sflag:$0x5], $0x80, s14, s23, $0xb8;
	[tilespmem:$0x1E000] =	vst v63  }
0xb5: {  	s12 =	sshrl.u32 @!p0 s15, $0x3;
	_ =	swait.ge [sflag:s30], $0x3000  }
0xb6: {  	s12 =	sadd.s32 @!p0 s5, s12;
	[sflag:s30] =	ssyncset.done $0x0  }
0xb7: {  	s14 =	simm.s32 @!p0 $0x0;
	s13 =	rddreg [dreg:$0x3];
	[sflag:s30] =	ssyncadd.s32 $0xFFFFD000  }
0xb8: {  	[tilespmem:s14], [sflag:$0x7] =	stream.linear.gather @!p0 [hbm4b:s12+s14], $0x300, $0x38;
	[tilespmem:$0x1E000] =	vst v63  }
0xb9: {  	s13 =	sadd.s32 @!p0 $0x0, s13;
	s12 =	simm.s32 @!p0 $0x800  }
0xba: {  	[tilespmem:s12], [sflag:$0x9] =	stream.linear.gather @!p0 [hbm4b:s13+s14], $0x300, $0x38;
	[tilespmem:$0x1E000] =	vst v63  }
0xbb: {  	s16 =	rddreg [dreg:$0x12]  }
0xbc: {  	[tilespmem:s19], [sflag:$0x1] =	stream.indirect.gather [hbm4b:s4+s23], $0x80, s16, s23, $0xb8;
	[tilespmem:$0x1E000] =	vst v63  }
0xbd: {  	_ =	swait.ge [sflag:s24], $0x3000  }
0xbe: {  	[sflag:s24] =	ssyncset.done $0x0  }
0xbf: {  	s16 =	rddreg [dreg:$0x13];
	[sflag:s24] =	ssyncadd.s32 $0xFFFFD000  }
0xc0: {  	[spmem:s1] =	stream.indirect.scatter.add.f32 [tilespmem:s28], [sflag:$0x6], $0x80, s16, s23, $0xb8;
	[tilespmem:$0x1E000] =	vst v63  }
0xc1: {  	_ =	swait.ge [sflag:s2], $0x3000  }
0xc2: {  	[sflag:s2] =	ssyncset.done $0x0  }
0xc3: {  	s17 =	rddreg [dreg:$0x14];
	[sflag:s2] =	ssyncadd.s32 $0xFFFFD000  }
0xc4: {  	[tilespmem:s25], [sflag:$0x2] =	stream.indirect.gather [hbm4b:s4+s23], $0x80, s17, s23, $0xb8;
	[tilespmem:$0x1E000] =	vst v63  }
0xc5: {  	_ =	swait.ge [sflag:s26], $0x3000  }
0xc6: {  	[sflag:s26] =	ssyncset.done $0x0  }
0xc7: {  	s18 =	rddreg [dreg:$0x15];
	[sflag:s26] =	ssyncadd.s32 $0xFFFFD000  }
0xc8: {  	[spmem:s1] =	stream.indirect.scatter.add.f32 [tilespmem:s19], [sflag:$0x4], $0x80, s18, s23, $0xb8;
	[tilespmem:$0x1E000] =	vst v63  }
0xc9: {  	_ =	swait.ge [sflag:s7], $0x3000  }
0xca: {  	[sflag:s7] =	ssyncset.done $0x0  }
0xcb: {  	s21 =	rddreg [dreg:$0x16];
	[sflag:s7] =	ssyncadd.s32 $0xFFFFD000  }
0xcc: {  	[tilespmem:s28], [sflag:$0x3] =	stream.indirect.gather [hbm4b:s4+s23], $0x80, s21, s23, $0xb8;
	[tilespmem:$0x1E000] =	vst v63  }
0xcd: {  	_ =	swait.ge [sflag:s29], $0x3000  }
0xce: {  	[sflag:s29] =	ssyncset.done $0x0  }
0xcf: {  	s22 =	rddreg [dreg:$0x17];
	[sflag:s29] =	ssyncadd.s32 $0xFFFFD000  }
0xd0: {  	[spmem:s1] =	stream.indirect.scatter.add.f32 [tilespmem:s25], [sflag:$0x5], $0x80, s22, s23, $0xb8;
	[tilespmem:$0x1E000] =	vst v63  }
0xd1: {  	_ =	swait.ge [sflag:s30], $0x3000  }
0xd2: {  	p1 =	por $0x0, $0x0;
	[sflag:s30] =	ssyncset.done $0x0  }
0xd3: {  	s12 =	simm.s32 @p1 $0x3;
	[sflag:s30] =	ssyncadd.s32 $0xFFFFD000  }
0xd4: {  	_ =	swait.ge @p1 [sflag:s12], $0x3000  }
0xd5: {  	s13 =	simm.s32 @p1 $0x7000;
	s14 =	simm.s32 @p1 $0x60;
	[sflag:s12] =	ssyncset.done @p1 $0x0  }
0xd6: {  	s16 =	simm.s32 @p1 $0xE80;
	[sflag:s12] =	ssyncadd.s32 @p1 $0xFFFFD000;
	s12 =	simm.s32 @p1 $0x5  }
0xd7: {  	[spmem:s1] =	stream.indirect.scatter.add.f32 @p1 [tilespmem:s13], [sflag:$0x6], $0x80, s16, s14, $0xb8;
	[tilespmem:$0x1E000] =	vst v63  }
0xd8: {  	_ =	swait.ge @p1 [sflag:s12], $0x3000  }
0xd9: {  	[sflag:s12] =	ssyncset.done @p1 $0x0  }
0xda: {  	s13 =	simm.s32 @!p1 $0x7;
	[sflag:s12] =	ssyncadd.s32 @p1 $0xFFFFD000  }
0xdb: {  	_ =	swait.ge @!p1 [sflag:s13], $0x300  }
0xdc: {  	[sflag:s13] =	ssyncset.done @!p1 $0x0  }
0xdd: {  	s12 =	simm.s32 @!p1 $0x9;
	[sflag:s13] =	ssyncadd.s32 @!p1 $0xFFFFFD00  }
0xde: {  	_ =	swait.ge @!p1 [sflag:s12], $0x300  }
0xdf: {  	s17 =	simm.s32 @!p1 $0x60;
	s14 =	simm.s32 @!p1 $0x0;
	[sflag:s12] =	ssyncset.done @!p1 $0x0  }
0xe0: {  	s13 =	simm.s32 @!p1 $0x1000;
	[sflag:s12] =	ssyncadd.s32 @!p1 $0xFFFFFD00;
	s12 =	simm.s32 @!p1 $0x3  }
0xe1: {  	[tilespmem:s13], [sflag:$0x1] =	stream.indirect.gather @!p1 [hbm4b:s4+s17], $0x80, s14, s17, $0xb8;
	[tilespmem:$0x1E000] =	vst v63  }
0xe2: {  	_ =	swait.ge @!p1 [sflag:s12], $0x3000  }
0xe3: {  	s18 =	smov.u32 s15;
	s16 =	simm.s32 @!p1 $0x5;
	[sflag:s12] =	ssyncset.done @!p1 $0x0  }
0xe4: {  	s13 =	simm.s32 @!p1 $0x7000;
	s14 =	simm.s32 @!p1 $0xE80;
	[sflag:s12] =	ssyncadd.s32 @!p1 $0xFFFFD000  }
0xe5: {  	[spmem:s1] =	stream.indirect.scatter.add.f32 @!p1 [tilespmem:s13], [sflag:$0x6], $0x80, s14, s17, $0xb8;
	[tilespmem:$0x1E000] =	vst v63  }
0xe6: {  	s21 =	simm.s32 @!p1 $0x4000;
	s12 =	simm.s32 $0x100;
	_ =	swait.ge @!p1 [sflag:s16], $0x3000  }
0xe7: {  	s13 =	simm.s32 $0x3;
	s14 =	simm.s32 @!p1 $0x80;
	[sflag:s16] =	ssyncset.done @!p1 $0x0  }
.LBB2_4:
0xe8: {  	[sflag:s16] =	ssyncadd.s32 @!p1 $0xFFFFD000  }
0xe9: {  	[tilespmem:s21], [sflag:$0x2] =	stream.indirect.gather @!p1 [hbm4b:s4+s17], $0x80, s14, s17, $0xb8;
	[tilespmem:$0x1E000] =	vst v63  }
0xea: {  	s16 =	smov.u32 s12;
	_ =	swait.ge [sflag:s26], $0x3000  }
0xeb: {  	p1 =	seq.s32 s16, $0x0;
	[sflag:s26] =	ssyncset.done $0x0  }
0xec: {  	s14 =	simm.s32 @!p1 $0x6;
	[sflag:s26] =	ssyncadd.s32 $0xFFFFD000  }
0xed: {  	[spmem:s1] =	stream.indirect.scatter.add.f32 [tilespmem:s19], [sflag:$0x4], $0x80, s20, s23, $0xb8;
	[tilespmem:$0x1E000] =	vst v63  }
0xee: {  	_ =	swait.ge @!p1 [sflag:s14], $0x3000  }
0xef: {  	[sflag:s14] =	ssyncset.done @!p1 $0x0  }
0xf0: {  	s10 =	rddreg [dreg:$0x6];
	[sflag:s14] =	ssyncadd.s32 @!p1 $0xFFFFD000  }
0xf1: {  	[tilespmem:s28], [sflag:$0x3] =	stream.indirect.gather [hbm4b:s4+s23], $0x80, s10, s23, $0xb8;
	[tilespmem:$0x1E000] =	vst v63  }
0xf2: {  	_ =	swait.ge [sflag:s29], $0x3000  }
0xf3: {  	[sflag:s29] =	ssyncset.done $0x0  }
0xf4: {  	s17 =	rddreg [dreg:$0x7];
	[sflag:s29] =	ssyncadd.s32 $0xFFFFD000  }
0xf5: {  	[spmem:s1] =	stream.indirect.scatter.add.f32 [tilespmem:s25], [sflag:$0x5], $0x80, s17, s23, $0xb8;
	[tilespmem:$0x1E000] =	vst v63  }
0xf6: {  	_ =	swait.ge [sflag:s30], $0x3000  }
0xf7: {  	s21 =	rddreg [dreg:$0x5];
	[sflag:s30] =	ssyncset.done $0x0  }
0xf8: {  	s22 =	rddreg [dreg:$0x4];
	[sflag:s30] =	ssyncadd.s32 $0xFFFFD000;
	s14 =	sadd.s32 s16, s21  }
0xf9: {  	[tilespmem:s31], [sflag:$0x8] =	stream.linear.gather [hbm4b:s14+s3], $0x300, $0x38;
	[tilespmem:$0x1E000] =	vst v63  }
0xfa: {  	s22 =	sadd.s32 s16, s22  }
0xfb: {  	[tilespmem:s0], [sflag:$0xA] =	stream.linear.gather [hbm4b:s22+s3], $0x300, $0x38;
	[tilespmem:$0x1E000] =	vst v63  }
0xfc: {  	s10 =	rddreg [dreg:$0x8]  }
0xfd: {  	[tilespmem:s19], [sflag:$0x1] =	stream.indirect.gather [hbm4b:s4+s23], $0x80, s10, s23, $0xb8;
	[tilespmem:$0x1E000] =	vst v63  }
0xfe: {  	_ =	swait.ge [sflag:s24], $0x3000  }
0xff: {  	[sflag:s24] =	ssyncset.done $0x0  }
0x100: {  	s10 =	rddreg [dreg:$0x9];
	[sflag:s24] =	ssyncadd.s32 $0xFFFFD000  }
0x101: {  	[spmem:s1] =	stream.indirect.scatter.add.f32 [tilespmem:s28], [sflag:$0x6], $0x80, s10, s23, $0xb8;
	[tilespmem:$0x1E000] =	vst v63  }
0x102: {  	_ =	swait.ge [sflag:s2], $0x3000  }
0x103: {  	[sflag:s2] =	ssyncset.done $0x0  }
0x104: {  	s17 =	rddreg [dreg:$0xa];
	[sflag:s2] =	ssyncadd.s32 $0xFFFFD000  }
0x105: {  	[tilespmem:s25], [sflag:$0x2] =	stream.indirect.gather [hbm4b:s4+s23], $0x80, s17, s23, $0xb8;
	[tilespmem:$0x1E000] =	vst v63  }
0x106: {  	_ =	swait.ge [sflag:s26], $0x3000  }
0x107: {  	[sflag:s26] =	ssyncset.done $0x0  }
0x108: {  	s21 =	rddreg [dreg:$0xb];
	[sflag:s26] =	ssyncadd.s32 $0xFFFFD000  }
0x109: {  	[spmem:s1] =	stream.indirect.scatter.add.f32 [tilespmem:s19], [sflag:$0x4], $0x80, s21, s23, $0xb8;
	[tilespmem:$0x1E000] =	vst v63  }
0x10a: {  	_ =	swait.ge [sflag:s7], $0x3000  }
0x10b: {  	[sflag:s7] =	ssyncset.done $0x0  }
0x10c: {  	s22 =	rddreg [dreg:$0xc];
	[sflag:s7] =	ssyncadd.s32 $0xFFFFD000  }
0x10d: {  	[tilespmem:s28], [sflag:$0x3] =	stream.indirect.gather [hbm4b:s4+s23], $0x80, s22, s23, $0xb8;
	[tilespmem:$0x1E000] =	vst v63  }
0x10e: {  	_ =	swait.ge [sflag:s29], $0x3000  }
0x10f: {  	[sflag:s29] =	ssyncset.done $0x0  }
0x110: {  	s10 =	rddreg [dreg:$0xd];
	[sflag:s29] =	ssyncadd.s32 $0xFFFFD000  }
0x111: {  	[spmem:s1] =	stream.indirect.scatter.add.f32 [tilespmem:s25], [sflag:$0x5], $0x80, s10, s23, $0xb8;
	[tilespmem:$0x1E000] =	vst v63  }
0x112: {  	_ =	swait.ge [sflag:s30], $0x3000  }
0x113: {  	[sflag:s30] =	ssyncset.done $0x0  }
0x114: {  	[sflag:s30] =	ssyncadd.s32 $0xFFFFD000  }
0x115: {  	_ =	swait.ge [sflag:s8], $0x300  }
0x116: {  	[sflag:s8] =	ssyncset.done $0x0  }
0x117: {  	[sflag:s8] =	ssyncadd.s32 $0xFFFFFD00  }
0x118: {  	_ =	swait.ge [sflag:s9], $0x300  }
0x119: {  	[sflag:s9] =	ssyncset.done $0x0  }
0x11a: {  	[sflag:s9] =	ssyncadd.s32 $0xFFFFFD00  }
0x11b: {  	[tilespmem:s19], [sflag:$0x1] =	stream.indirect.gather [hbm4b:s4+s23], $0x80, s31, s23, $0xb8;
	[tilespmem:$0x1E000] =	vst v63  }
0x11c: {  	_ =	swait.ge [sflag:s24], $0x3000  }
0x11d: {  	[sflag:s24] =	ssyncset.done $0x0  }
0x11e: {  	s17 =	rddreg [dreg:$0xe];
	[sflag:s24] =	ssyncadd.s32 $0xFFFFD000  }
0x11f: {  	[spmem:s1] =	stream.indirect.scatter.add.f32 [tilespmem:s28], [sflag:$0x6], $0x80, s17, s23, $0xb8;
	[tilespmem:$0x1E000] =	vst v63  }
0x120: {  	_ =	swait.ge [sflag:s2], $0x3000  }
0x121: {  	[sflag:s2] =	ssyncset.done $0x0  }
0x122: {  	s21 =	rddreg [dreg:$0xf];
	[sflag:s2] =	ssyncadd.s32 $0xFFFFD000  }
0x123: {  	[tilespmem:s25], [sflag:$0x2] =	stream.indirect.gather [hbm4b:s4+s23], $0x80, s21, s23, $0xb8;
	[tilespmem:$0x1E000] =	vst v63  }
0x124: {  	_ =	swait.ge [sflag:s26], $0x3000  }
0x125: {  	[sflag:s26] =	ssyncset.done $0x0  }
0x126: {  	[sflag:s26] =	ssyncadd.s32 $0xFFFFD000  }
0x127: {  	[spmem:s1] =	stream.indirect.scatter.add.f32 [tilespmem:s19], [sflag:$0x4], $0x80, s0, s23, $0xb8;
	[tilespmem:$0x1E000] =	vst v63  }
0x128: {  	_ =	swait.ge [sflag:s7], $0x3000  }
0x129: {  	[sflag:s7] =	ssyncset.done $0x0  }
0x12a: {  	s22 =	rddreg [dreg:$0x10];
	[sflag:s7] =	ssyncadd.s32 $0xFFFFD000  }
0x12b: {  	[tilespmem:s28], [sflag:$0x3] =	stream.indirect.gather [hbm4b:s4+s23], $0x80, s22, s23, $0xb8;
	[tilespmem:$0x1E000] =	vst v63  }
0x12c: {  	_ =	swait.ge [sflag:s29], $0x3000  }
0x12d: {  	s18 =	sadd.s32 $0x800, s18;
	[sflag:s29] =	ssyncset.done $0x0  }
0x12e: {  	p1 =	seq.s32 s16, $0x800;
	s10 =	rddreg [dreg:$0x11];
	[sflag:s29] =	ssyncadd.s32 $0xFFFFD000  }
0x12f: {  	[spmem:s1] =	stream.indirect.scatter.add.f32 [tilespmem:s25], [sflag:$0x5], $0x80, s10, s23, $0xb8;
	[tilespmem:$0x1E000] =	vst v63  }
0x130: {  	s14 =	sshrl.u32 @!p1 s18, $0x3;
	_ =	swait.ge [sflag:s30], $0x3000  }
0x131: {  	s14 =	sadd.s32 @!p1 s5, s14;
	[sflag:s30] =	ssyncset.done $0x0  }
0x132: {  	s17 =	simm.s32 @!p1 $0x0;
	s21 =	rddreg [dreg:$0x3];
	[sflag:s30] =	ssyncadd.s32 $0xFFFFD000  }
0x133: {  	[tilespmem:s17], [sflag:$0x7] =	stream.linear.gather @!p1 [hbm4b:s14+s17], $0x300, $0x38;
	[tilespmem:$0x1E000] =	vst v63  }
0x134: {  	s22 =	simm.s32 @!p1 $0x800;
	s14 =	sadd.s32 @!p1 s16, s21  }
0x135: {  	[tilespmem:s22], [sflag:$0x9] =	stream.linear.gather @!p1 [hbm4b:s14+s17], $0x300, $0x38;
	[tilespmem:$0x1E000] =	vst v63  }
0x136: {  	s10 =	rddreg [dreg:$0x12]  }
0x137: {  	[tilespmem:s19], [sflag:$0x1] =	stream.indirect.gather [hbm4b:s4+s23], $0x80, s10, s23, $0xb8;
	[tilespmem:$0x1E000] =	vst v63  }
0x138: {  	_ =	swait.ge [sflag:s24], $0x3000  }
0x139: {  	[sflag:s24] =	ssyncset.done $0x0  }
0x13a: {  	s14 =	rddreg [dreg:$0x13];
	[sflag:s24] =	ssyncadd.s32 $0xFFFFD000  }
0x13b: {  	[spmem:s1] =	stream.indirect.scatter.add.f32 [tilespmem:s28], [sflag:$0x6], $0x80, s14, s23, $0xb8;
	[tilespmem:$0x1E000] =	vst v63  }
0x13c: {  	_ =	swait.ge [sflag:s2], $0x3000  }
0x13d: {  	[sflag:s2] =	ssyncset.done $0x0  }
0x13e: {  	s16 =	rddreg [dreg:$0x14];
	[sflag:s2] =	ssyncadd.s32 $0xFFFFD000  }
0x13f: {  	[tilespmem:s25], [sflag:$0x2] =	stream.indirect.gather [hbm4b:s4+s23], $0x80, s16, s23, $0xb8;
	[tilespmem:$0x1E000] =	vst v63  }
0x140: {  	_ =	swait.ge [sflag:s26], $0x3000  }
0x141: {  	[sflag:s26] =	ssyncset.done $0x0  }
0x142: {  	s17 =	rddreg [dreg:$0x15];
	[sflag:s26] =	ssyncadd.s32 $0xFFFFD000  }
0x143: {  	[spmem:s1] =	stream.indirect.scatter.add.f32 [tilespmem:s19], [sflag:$0x4], $0x80, s17, s23, $0xb8;
	[tilespmem:$0x1E000] =	vst v63  }
0x144: {  	_ =	swait.ge [sflag:s7], $0x3000  }
0x145: {  	[sflag:s7] =	ssyncset.done $0x0  }
0x146: {  	s21 =	rddreg [dreg:$0x16];
	[sflag:s7] =	ssyncadd.s32 $0xFFFFD000  }
0x147: {  	[tilespmem:s28], [sflag:$0x3] =	stream.indirect.gather [hbm4b:s4+s23], $0x80, s21, s23, $0xb8;
	[tilespmem:$0x1E000] =	vst v63  }
0x148: {  	_ =	swait.ge [sflag:s29], $0x3000  }
0x149: {  	[sflag:s29] =	ssyncset.done $0x0  }
0x14a: {  	s22 =	rddreg [dreg:$0x17];
	[sflag:s29] =	ssyncadd.s32 $0xFFFFD000  }
0x14b: {  	[spmem:s1] =	stream.indirect.scatter.add.f32 [tilespmem:s25], [sflag:$0x5], $0x80, s22, s23, $0xb8;
	[tilespmem:$0x1E000] =	vst v63  }
0x14c: {  	_ =	swait.ge [sflag:s30], $0x3000  }
0x14d: {  	p1 =	sgt.u32 s13, $0x10;
	[sflag:s30] =	ssyncset.done $0x0  }
0x14e: {  	s10 =	simm.s32 @p1 $0x3;
	[sflag:s30] =	ssyncadd.s32 $0xFFFFD000  }
0x14f: {  	_ =	swait.ge @p1 [sflag:s10], $0x3000  }
0x150: {  	s14 =	simm.s32 @p1 $0x7000;
	s16 =	simm.s32 @p1 $0x60;
	[sflag:s10] =	ssyncset.done @p1 $0x0  }
0x151: {  	s17 =	simm.s32 @p1 $0xE80;
	[sflag:s10] =	ssyncadd.s32 @p1 $0xFFFFD000;
	s10 =	simm.s32 @p1 $0x5  }
0x152: {  	[spmem:s1] =	stream.indirect.scatter.add.f32 @p1 [tilespmem:s14], [sflag:$0x6], $0x80, s17, s16, $0xb8;
	[tilespmem:$0x1E000] =	vst v63  }
0x153: {  	_ =	swait.ge @p1 [sflag:s10], $0x3000  }
0x154: {  	[sflag:s10] =	ssyncset.done @p1 $0x0  }
0x155: {  	s14 =	simm.s32 @!p1 $0x7;
	[sflag:s10] =	ssyncadd.s32 @p1 $0xFFFFD000  }
0x156: {  	_ =	swait.ge @!p1 [sflag:s14], $0x300  }
0x157: {  	[sflag:s14] =	ssyncset.done @!p1 $0x0  }
0x158: {  	s10 =	simm.s32 @!p1 $0x9;
	[sflag:s14] =	ssyncadd.s32 @!p1 $0xFFFFFD00  }
0x159: {  	s12 =	sadd.s32 $0x100, s12;
	_ =	swait.ge @!p1 [sflag:s10], $0x300  }
0x15a: {  	s17 =	simm.s32 @!p1 $0x60;
	s16 =	simm.s32 @!p1 $0x0;
	[sflag:s10] =	ssyncset.done @!p1 $0x0  }
0x15b: {  	s14 =	simm.s32 @!p1 $0x1000;
	[sflag:s10] =	ssyncadd.s32 @!p1 $0xFFFFFD00;
	s10 =	simm.s32 @!p1 $0x3  }
0x15c: {  	[tilespmem:s14], [sflag:$0x1] =	stream.indirect.gather @!p1 [hbm4b:s4+s17], $0x80, s16, s17, $0xb8;
	[tilespmem:$0x1E000] =	vst v63  }
0x15d: {  	p0 =	sne.s32 s12, $0x900;
	_ =	swait.ge @!p1 [sflag:s10], $0x3000  }
.Ltmp1:
0x15e: {  	s21 =	simm.s32 @!p1 $0xE80;
	[sflag:s10] =	ssyncset.done @!p1 $0x0;
	(pc) =	sbr.rel @p0 .LBB2_4-.Ltmp1, $4  }
0x15f: {  	s14 =	simm.s32 @!p1 $0x7000;
	s16 =	simm.s32 @!p1 $0x5;
	[sflag:s10] =	ssyncadd.s32 @!p1 $0xFFFFD000  }
0x160: {  	[spmem:s1] =	stream.indirect.scatter.add.f32 @!p1 [tilespmem:s14], [sflag:$0x6], $0x80, s21, s17, $0xb8;
	[tilespmem:$0x1E000] =	vst v63  }
0x161: {  	s13 =	sadd.s32 $0x2, s13;
	_ =	swait.ge @!p1 [sflag:s16], $0x3000  }
0x162: {  	s14 =	simm.s32 @!p1 $0x80;
	s21 =	simm.s32 @!p1 $0x4000;
	[sflag:s16] =	ssyncset.done @!p1 $0x0  }
0x163: {  	[sflag:s16] =	ssyncadd.s32 @!p1 $0xFFFFD000  }
0x164: {  	[tilespmem:s21], [sflag:$0x2] =	stream.indirect.gather @!p1 [hbm4b:s4+s17], $0x80, s14, s17, $0xb8;
	[tilespmem:$0x1E000] =	vst v63  }
0x165: {  	_ =	swait.ge [sflag:s7], $0x3000  }
0x166: {  	[sflag:s7] =	ssyncset.done $0x0  }
0x167: {  	[sflag:s7] =	ssyncadd.s32 $0xFFFFD000  }
0x168: {  	[bflag:$0x0] =	sbarrier.arrive $0xFFFF  }
0x169: {  	s10 =	stileid.u32;
	s13 =	sld [smem:$0x7FC]  }
0x16a: {  	s10 =	sshll.u32 s10, $0x6  }
0x16b: {  	s12 =	sshrl.u32 s6, $0x3;
	s21 =	simm.s32 $0xB;
	s10 =	sor.u32 $0x1C0B, s10  }
0x16c: {  	[hbm:s13], [sflag:s10] =	dma.local [spmem:s12], $0x2800  }
0x16d: {  	_ =	swait.ge [sflag:s21], $0x2800  }
0x16e: {  	s22 =	sld [smem:$0x7FD];
	_ =	sdelay $0x1  }
0x16f: {  	s11 =	sadd.s32 $0x1, s11  }
0x170: {  	p0 =	sne.s32 s11, s22  }
.Ltmp2:
0x171: {  	_ = 	snop;
	(pc) =	sbr.rel @p0 .LBB2_1-.Ltmp2, $3  }
0x172: {  	_ =	sdelay $0x1  }
0x173: {  	[sflag:s21] =	ssyncset.done $0x0  }
0x174: {  	[sflag:s21] =	ssyncadd.s32 $0xFFFFD800  }
0x175: {  	_ =	sfence.sel $0x180000  }
0x176: {  	[bflag:$0x0] =	sbarrier.arrive $0xFFFF  }
0x177: {  	_ =	strace $0x9000004A  }
0x178: {  	s0 =	stileid.u32;
	[bflag:$0x2] =	sbarrier.arrive $0xFFFF  }
0x179: {  	p0 =	sne.s32 s0, $0x0;
	s0 =	rddreg [dreg:$0x2]  }
0x17a: {  	s0 =	sadd.s32 @!p0 $0x100000, s0  }
0x17b: {  	[sflag:s0] =	ssyncadd.tile.s32 @!p0 $0x1;
	_ =	shalt  }
.Lfunc_end2:
_tile_overlayer_lowered:
.L_overlay_start_2:
0x17c: {  	(tag) =	ssettag $0x2  }
0x17d: {  	s0 =	rddreg [dreg:$0x0];
	s2 =	stileid.u32  }
0x17e: {  	s1 =	rddreg [dreg:$0x1];
	p0 =	sne.s32 s2, $0x0  }
0x17f: {  	s3 =	rddreg [dreg:$0x2];
	[bflag:$0x3] =	sbarrier.arrive $0xFFFF;
	s2 =	simm.s32 @!p0 $0x1C0B  }
0x180: {  	[timem:s3], [sflag:s2] =	dma.local @!p0 [hbm:s0], s1  }
0x181: {  	s0 =	simm.s32 @!p0 $0xB  }
0x182: {  	_ =	swait.ge @!p0 [sflag:s0], s1  }
0x183: {  	s1 =	ssub.s32 @!p0 $0x0, s1;
	[sflag:s0] =	ssyncset.done @!p0 $0x0  }
0x184: {  	[sflag:s0] =	ssyncadd.s32 @!p0 s1  }
0x185: {  	[bflag:$0x3] =	sbarrier.arrive $0xFFFF  }
0x186: {  	_ =	shalt  }

// kernel: kernel.15.cloned.1.call-start
scs
__scs_entry_jumppad:
0x0: {  	(pc) =	sbr.rel $0x88, $3  }
0x1: {  	(tag) =	ssettag $0x0;
	lr =	simm.s32 $0x1  }
0x2: {  	[smem:$0x3F99] =	sst lr;
	_ =	strace $0xD0000000  }
0x3: {  	_ = 	snop  }
0x4: {  	_ = 	snop  }
0x5: {  	_ = 	snop  }
0x6: {  	_ = 	snop  }
0x7: {  	_ = 	snop  }
__scs_overlays_trampoline_lowered:
0x8: {  	[smem:$0x3FA8] =	sst s0  }
0x9: {  	[smem:$0x3FA9] =	sst s1  }
0xa: {  	[smem:$0x3FAA] =	sst s2  }
0xb: {  	[smem:$0x3FAB] =	sst s3  }
0xc: {  	[smem:$0x3FAC] =	sst s4  }
0xd: {  	[smem:$0x3FAD] =	sst s5  }
0xe: {  	[smem:$0x3FAE] =	sst s6  }
0xf: {  	[smem:$0x3FAF] =	sst s7  }
0x10: {  	[smem:$0x3FB0] =	sst s8  }
0x11: {  	[smem:$0x3FB1] =	sst s9;
	s0 =	simm.s32 @!p0 $0x0  }
0x12: {  	s1 =	sld [smem:$0x3F97];
	s0 =	simm.s32 @p0 $0x1  }
0x13: {  	[smem:$0x3FB2] =	sst s0;
	s0 =	simm.s32 @!p1 $0x0  }
0x14: {  	s2 =	sld [smem:$0x3F96];
	s0 =	simm.s32 @p1 $0x1  }
0x15: {  	[smem:$0x3FB3] =	sst s0;
	s0 =	simm.s32 @!p2 $0x0  }
0x16: {  	s3 =	sld [smem:$0x3FDB];
	s0 =	simm.s32 @p2 $0x1  }
0x17: {  	s4 =	simm.s32 $0x1BF5;
	[smem:$0x3FB5] =	sst s0  }
0x18: {  	s0 =	sld [smem:$0x3F98];
	_ =	swait.ge [sflag:s4], $0x0  }
0x19: {  	s7 =	sld [smem:$0x3F99]  }
0x1a: {  	s8 =	sadd.s32 $0xFFFFE003, lr  }
0x1b: {  	s9 =	sadd.s32 $0xFFFFFEF7, lr;
	s5 =	simm.s32 $0xFFFFFFFF;
	p2 =	slt.u32 s8, $0xFFFFF086  }
0x1c: {  	p1 =	slt.u32 s9, $0xF7A;
	s5 =	simm.s32 @!p2 $0x0  }
0x1d: {  	s5 =	simm.s32 @p1 $0x1;
	p0 =	seq.s32 s7, s2  }
0x1e: {  	s7 =	smul.u32 @!p0 $0xF7A, s2;
	p2 =	seq.s32 @!p0 s5, $0x0  }
0x1f: {  	s9 =	smul.u32 $0xF7A, s1;
	s8 =	simm.s32 @!p0 $0x1BF5;
	p2 =	por !p2, p0  }
0x20: {  	[sflag:s8] =	ssyncset.s32 @!p0 $0xFFFFF086;
	s6 =	sadd.s32 @!p0 s3, s7;
	s7 =	simm.s32 @!p0 $0x108  }
0x21: {  	s3 =	sadd.s32 s3, s9;
	s6 =	sadd.s32 @!p0 $0x88, s6;
	s7 =	simm.s32 @p2 $0x1082  }
0x22: {  	[simem:s7], [sflag:s8] =	dma.local @!p0 [hbm:s6], $0xF7A  }
0x23: {  	s9 =	sor.u32 $0xD0000000, s2;
	s6 =	simm.s32 $0x108;
	_ =	swait.ge @!p0 [sflag:s8], $0x0  }
0x24: {  	s3 =	sadd.s32 $0x88, s3;
	s6 =	simm.s32 @!p1 $0x1082;
	[sflag:s4] =	ssyncset.s32 $0xFFFFF086  }
0x25: {  	[simem:s6], [sflag:s4] =	dma.local [hbm:s3], $0xF7A  }
0x26: {  	[smem:$0x3F99] =	sst s1;
	(tag) =	ssettag s2;
	_ =	strace s9  }
0x27: {  	s1 =	sld [smem:$0x3FA9]  }
0x28: {  	s2 =	sld [smem:$0x3FAA]  }
0x29: {  	s4 =	sld [smem:$0x3FAC]  }
0x2a: {  	p0 =	seq.s32 s5, $0x0;
	s5 =	sld [smem:$0x3FAD]  }
0x2b: {  	s6 =	sld [smem:$0x3FAE]  }
0x2c: {  	s7 =	sld [smem:$0x3FAF]  }
0x2d: {  	s3 =	simm.s32 $0x108;
	s8 =	sld [smem:$0x3FB0]  }
0x2e: {  	s3 =	simm.s32 @!p0 $0x1082;
	s9 =	sld [smem:$0x3FB1]  }
0x2f: {  	lr =	sadd.s32 s0, s3;
	s0 =	sld [smem:$0x3FA8]  }
0x30: {  	s3 =	sld [smem:$0x3FAB]  }
0x31: {  	[smem:$0x3FB4] =	sst s10  }
0x32: {  	s10 =	sld [smem:$0x3FB2];
	_ =	sdelay $0x3  }
0x33: {  	p0 =	seq.s32 s10, $0x1;
	s10 =	sld [smem:$0x3FB4];
	_ =	sdelay $0x3  }
0x34: {  	[smem:$0x3FB4] =	sst s10  }
0x35: {  	s10 =	sld [smem:$0x3FB3];
	_ =	sdelay $0x3  }
0x36: {  	p1 =	seq.s32 s10, $0x1;
	s10 =	sld [smem:$0x3FB4];
	_ =	sdelay $0x3  }
0x37: {  	[smem:$0x3FB4] =	sst s10  }
0x38: {  	s10 =	sld [smem:$0x3FB5]  }
0x39: {  	_ = 	snop;
	(pc) =	sbr.ind lr, $3  }
0x3a: {  	_ = 	snop  }
0x3b: {  	_ = 	snop  }
0x3c: {  	p2 =	seq.s32 s10, $0x1;
	s10 =	sld [smem:$0x3FB4]  }
0x3d: {  	_ =	shalt  }
0x3e: {  	_ =	shalt  }
0x3f: {  	_ =	shalt  }
0x40: {  	_ =	shalt  }
0x41: {  	_ =	shalt  }
0x42: {  	_ =	shalt  }
0x43: {  	_ =	shalt  }
0x44: {  	_ =	shalt  }
0x45: {  	_ =	shalt  }
0x46: {  	_ =	shalt  }
0x47: {  	_ =	shalt  }
0x48: {  	_ =	shalt  }
0x49: {  	_ =	shalt  }
0x4a: {  	_ =	shalt  }
0x4b: {  	_ =	shalt  }
0x4c: {  	_ =	shalt  }
0x4d: {  	_ =	shalt  }
0x4e: {  	_ =	shalt  }
0x4f: {  	_ =	shalt  }
0x50: {  	_ =	shalt  }
0x51: {  	_ =	shalt  }
0x52: {  	_ =	shalt  }
0x53: {  	_ =	shalt  }
0x54: {  	_ =	shalt  }
0x55: {  	_ =	shalt  }
0x56: {  	_ =	shalt  }
0x57: {  	_ =	shalt  }
0x58: {  	_ =	shalt  }
0x59: {  	_ =	shalt  }
0x5a: {  	_ =	shalt  }
0x5b: {  	_ =	shalt  }
0x5c: {  	_ =	shalt  }
0x5d: {  	_ =	shalt  }
0x5e: {  	_ =	shalt  }
0x5f: {  	_ =	shalt  }
0x60: {  	_ =	shalt  }
0x61: {  	_ =	shalt  }
0x62: {  	_ =	shalt  }
0x63: {  	_ =	shalt  }
0x64: {  	_ =	shalt  }
0x65: {  	_ =	shalt  }
0x66: {  	_ =	shalt  }
0x67: {  	_ =	shalt  }
0x68: {  	_ =	shalt  }
0x69: {  	_ =	shalt  }
0x6a: {  	_ =	shalt  }
0x6b: {  	_ =	shalt  }
0x6c: {  	_ =	shalt  }
0x6d: {  	_ =	shalt  }
0x6e: {  	_ =	shalt  }
0x6f: {  	_ =	shalt  }
0x70: {  	_ =	shalt  }
0x71: {  	_ =	shalt  }
0x72: {  	_ =	shalt  }
0x73: {  	_ =	shalt  }
0x74: {  	_ =	shalt  }
0x75: {  	_ =	shalt  }
0x76: {  	_ =	shalt  }
0x77: {  	_ =	shalt  }
0x78: {  	_ =	shalt  }
0x79: {  	_ =	shalt  }
0x7a: {  	_ =	shalt  }
0x7b: {  	_ =	shalt  }
0x7c: {  	_ =	shalt  }
0x7d: {  	_ =	shalt  }
0x7e: {  	_ =	shalt  }
0x7f: {  	_ =	shalt  }
0x80: {  	_ =	shalt  }
0x81: {  	_ =	shalt  }
0x82: {  	_ =	shalt  }
0x83: {  	_ =	shalt  }
0x84: {  	_ =	shalt  }
0x85: {  	_ =	shalt  }
0x86: {  	_ =	shalt  }
0x87: {  	_ =	shalt  }
.Lfunc_end0:
.L_simem_size_0:
called_computation.2_lowered:
.L_overlay_start_0:
0x88: {  	s2 =	sld [smem:$0x3FD9]  }
0x89: {  	s3 =	sld [smem:$0x3FFE];
	_ =	sdelay $0x1  }
0x8a: {  	s1 =	srdreg.scid  }
0x8b: {  	s0 =	sand.u32 $0x1, s1  }
0x8c: {  	s16 =	sshll.u32 s0, $0xA;
	s2 =	sadd.s32 s3, s2  }
0x8d: {  	s2 =	sadd.s32 s2, s16  }
0x8e: {  	[smem:$0x3FC0] =	sst s2  }
0x8f: {  	_ = 	snop  }
0x90: {  	(tm) =	ssettm $0x1  }
0x91: {  	s17 =	sld [smem:$0x3FFB];
	_ =	sdelay $0x3  }
0x92: {  	_ =	strace s17  }
0x93: {  	s2 =	sld [smem:$0x3FFC];
	_ =	sdelay $0x3  }
0x94: {  	_ =	strace s2  }
0x95: {  	s2 =	sld [smem:$0x3FFD];
	_ =	sdelay $0x3  }
0x96: {  	_ =	strace s2  }
0x97: {  	_ =	strace $0x8FFFFFFF  }
0x98: {  	s18 =	sld [smem:$0x3FDB];
	_ =	sdelay $0x1  }
0x99: {  	s19 =	simm.s32 $_scs_section_size  }
0x9a: {  	s4 =	simm.s32 $_size__tile_overlayer_lowered;
	s5 =	simm.s32 $_tile_overlayer_lowered  }
0x9b: {  	s22 =	simm.s32 $0x1BFF;
	s21 =	sshll.u32 s5, $0x1;
	s2 =	sadd.s32 s19, s18  }
0x9c: {  	s6 =	simm.s32 $0x0;
	s20 =	sshll.u32 s4, $0x1;
	s4 =	sadd.s32 s21, s2  }
0x9d: {  	[timem:s6], [sflag:s22] =	dma.local [hbm:s4], s20  }
0x9e: {  	_ =	swait.ge [sflag:s22], s20  }
0x9f: {  	s3 =	ssub.s32 $0x0, s20;
	[sflag:s22] =	ssyncset.done $0x0  }
0xa0: {  	[sflag:s22] =	ssyncadd.s32 s3;
	_ =	sdelay $0x1  }
0xa1: {  	s23 =	simm.s32 $0x1B8B  }
0xa2: {  	_ =	swait.ge [sflag:s23], $0x1  }
0xa3: {  	[sflag:s23] =	ssyncset.done $0x0  }
0xa4: {  	s25 =	simm.s32 $0x1B8E;
	s24 =	sld [smem:$0x3FFE];
	[sflag:s23] =	ssyncadd.s32 $0xFFFFFFFF  }
0xa5: {  	s26 =	simm.s32 $execute0_lowered;
	[smem:$0x3FD2] =	sst s25  }
0xa6: {  	s4 =	sshll.u32 s26, $0x1;
	_ =	strace $0x8000004C;
	[dreg:$0x1] =	wrdreg $0xFFFFFFFF  }
0xa7: {  	s28 =	simm.s32 $_size_execute0_lowered;
	s2 =	sadd.s32 s2, s4;
	[dreg:$0x0] =	wrdreg $0x0  }
0xa8: {  	s4 =	sshll.u32 s28, $0x1;
	[dreg:$0x2] =	wrdreg s2  }
0xa9: {  	[dreg:$0x3] =	wrdreg s4  }
0xaa: {  	[dreg:$0x4] =	wrdreg $0xC0  }
0xab: {  	_ =	task [dreg:s6], $0x5FFFF  }
0xac: {  	[dreg:$0x1] =	wrdreg $0xFFFFFFFF  }
0xad: {  	[dreg:$0x0] =	wrdreg $0x60  }
0xae: {  	[dreg:$0x2] =	wrdreg s24  }
0xaf: {  	[dreg:$0x3] =	wrdreg $0xA0000  }
0xb0: {  	[dreg:$0x4] =	wrdreg $0x9  }
0xb1: {  	_ =	task.clear_ibuf [dreg:s6], $0x5FFFF;
	_ =	strace $0x9000004C  }
0xb2: {  	s29 =	simm.s32 $0x9;
	_ =	strace $0x8000004E  }
0xb3: {  	_ =	swait.ge [sflag:s29], $0x1  }
0xb4: {  	[sflag:s29] =	ssyncadd.s32 $0xFFFFFFFF  }
0xb5: {  	_ =	strace $0x9000004E  }
0xb6: {  	_ =	sfence  }
0xb7: {  	s30 =	sld [smem:$0x0];
	_ =	sdelay $0x2  }
0xb8: {  	s31 =	sshll.u32 s1, $0xD;
	s1 =	sshrl.u32 s1, $0x2  }
0xb9: {  	s3 =	sand.u32 $0x4000, s31;
	s1 =	sadd.s32 s1, s30  }
0xba: {  	s0 =	sor.u32 s3, s0;
	s1 =	sshll.u32 s1, $0x11  }
0xbb: {  	s0 =	sor.u32 s1, s0  }
0xbc: {  	s0 =	sadd.s32 $0x8F2B, s0  }
0xbd: {  	[sflag:s0] =	ssyncadd.remote.s32 $0x1  }
0xbe: {  	_ =	sfence.sel $0xFFFF  }
0xbf: {  	[dreg:$0x0] =	wrdreg $0xFFFFFFFF;
	(pc) =	sbr.abs _section_cstart, $3  }
0xc0: {  	[dreg:$0x1] =	wrdreg $0xFFFFFFFF  }
0xc1: {  	_ =	task.clear_ibuf [dreg:s6], $0x2FFFF;
	_ =	strace $0x9FFFFFFF  }
0xc2: {  	(tm) =	ssettm $0x7FFFFFFF  }
0xc3: {  	_ =	shalt  }
tec
execute0_lowered:
.L_overlay_start_1:
0x0: {  	(tag) =	ssettag $0x1  }
0x1: {  	s0 =	rddreg [dreg:$0x0]  }
0x2: {  	s1 =	rddreg [dreg:$0x1];
	s2 =	srdreg.scid;
	s3 =	simm.s32 $0x0  }
0x3: {  	s12 =	stileid.u32;
	s18 =	simm.s32 $0x100;
	s20 =	simm.s32 $0x880  }
0x4: {  	s22 =	simm.s32 $0x180;
	s24 =	simm.s32 $0x900;
	s25 =	simm.s32 $0x200  }
0x5: {  	s28 =	simm.s32 $0x7000;
	s29 =	simm.s32 $0x2;
	s30 =	simm.s32 $0x4  }
0x6: {  	s31 =	simm.s32 $0x400;
	[smem:$0x7FF] =	sst s3;
	s6 =	smul.u32 $0x14000, s12  }
0x7: {  	s7 =	smul.u32 $0x50000, s12;
	_ =	strace $0x8000004D;
	[dreg:$0x6] =	wrdreg s18  }
0x8: {  	s2 =	sand.u32 $0x1, s2;
	s11 =	smul.u32 $0x4800, s12;
	[dreg:$0x7] =	wrdreg s20  }
0x9: {  	s4 =	sadd.s32 $0x26800, s0;
	s5 =	smul.u32 $0x140000, s2;
	[dreg:$0x8] =	wrdreg s22  }
0xa: {  	s26 =	ssub.s32 $0x2, s2;
	s8 =	smul.u32 $0x48000, s2;
	[dreg:$0x9] =	wrdreg s24  }
0xb: {  	s2 =	sshll.u32 s2, $0x4;
	[dreg:$0xa] =	wrdreg s25;
	s20 =	simm.s32 $0xC80  }
0xc: {  	s22 =	simm.s32 $0xD00;
	s24 =	simm.s32 $0xD80;
	[dreg:$0x11] =	wrdreg s20  }
0xd: {  	s25 =	simm.s32 $0x680;
	[dreg:$0x13] =	wrdreg s22;
	s5 =	sadd.s32 s6, s5  }
0xe: {  	s10 =	sshrl.u32 s26, $0x1;
	[dreg:$0x15] =	wrdreg s24;
	s9 =	sshrl.u32 s5, $0x3  }
0xf: {  	[dreg:$0x16] =	wrdreg s25;
	s5 =	sadd.s32 $0x2800, s0;
	s0 =	sadd.s32 s9, s0  }
0x10: {  	s9 =	ssub.s32 s26, s10;
	s10 =	sshrl.u32 s7, $0x2;
	s0 =	sadd.s32 $0x4E800, s0  }
0x11: {  	s6 =	sadd.s32 s10, s1;
	s18 =	smax.u32 s9, $0x1;
	[smem:$0x7FC] =	sst s0  }
0x12: {  	s7 =	sadd.s32 s11, s8;
	s11 =	sadd.s32 $0x2800, s6;
	[smem:$0x7FD] =	sst s18  }
0x13: {  	s2 =	sor.u32 s12, s2;
	s15 =	sadd.s32 $0x5000, s6;
	[dreg:$0x18] =	wrdreg s11  }
0x14: {  	s20 =	simm.s32 $0x800;
	s17 =	sadd.s32 $0x7800, s6;
	[dreg:$0x19] =	wrdreg s15  }
0x15: {  	s25 =	simm.s32 $0x4000;
	s19 =	sadd.s32 $0xA000, s6;
	[dreg:$0x1a] =	wrdreg s17  }
0x16: {  	s8 =	sadd.s32 $0x90800, s7;
	s21 =	sadd.s32 $0xC800, s6;
	[dreg:$0x1b] =	wrdreg s19  }
0x17: {  	s12 =	sadd.s32 $0x90400, s7;
	s23 =	sadd.s32 $0xF000, s6;
	[dreg:$0x1c] =	wrdreg s21  }
0x18: {  	s8 =	sshrl.u32 s8, $0x3;
	s26 =	sadd.s32 $0x11800, s6;
	[dreg:$0x1d] =	wrdreg s23  }
0x19: {  	s10 =	sshrl.u32 s12, $0x3;
	s12 =	simm.s32 $0x280;
	[dreg:$0x1e] =	wrdreg s26  }
0x1a: {  	s2 =	smul.u32 $0x4800, s2;
	s8 =	sadd.s32 s8, s5;
	[dreg:$0xc] =	wrdreg s12  }
0x1b: {  	s24 =	simm.s32 $0x3;
	s13 =	sadd.s32 s10, s5;
	[dreg:$0x3] =	wrdreg s8  }
0x1c: {  	s2 =	sshrl.u32 s2, $0x3;
	s17 =	simm.s32 $0x480;
	[dreg:$0x4] =	wrdreg s13  }
0x1d: {  	s9 =	simm.s32 $0xA;
	s19 =	simm.s32 $0x500;
	[dreg:$0xf] =	wrdreg s17  }
0x1e: {  	s0 =	simm.s32 $0xC00;
	s21 =	simm.s32 $0x580;
	[dreg:$0x10] =	wrdreg s19  }
0x1f: {  	s11 =	sor.u32 $0x400, s7;
	s23 =	simm.s32 $0x600;
	[dreg:$0x12] =	wrdreg s21  }
0x20: {  	s26 =	simm.s32 $0xE00;
	s14 =	sshrl.u32 s11, $0x3;
	[dreg:$0x14] =	wrdreg s23  }
0x21: {  	s11 =	simm.s32 $0x980;
	s13 =	sadd.s32 s5, s2;
	[dreg:$0x17] =	wrdreg s26  }
0x22: {  	s19 =	simm.s32 $0x1000;
	s23 =	simm.s32 $0x60;
	[dreg:$0xb] =	wrdreg s11  }
0x23: {  	s26 =	simm.s32 $0x1;
	s16 =	sadd.s32 s14, s5;
	[dreg:$0x1f] =	wrdreg s13  }
0x24: {  	s2 =	simm.s32 $0x5;
	s15 =	sadd.s32 $0x12000, s13;
	[dreg:$0x5] =	wrdreg s16  }
0x25: {  	s8 =	simm.s32 $0x8;
	s14 =	simm.s32 $0xA00;
	[smem:$0x7FB] =	sst s15  }
0x26: {  	s11 =	simm.s32 $0x0;
	[dreg:$0xd] =	wrdreg s14;
	s16 =	simm.s32 $0xA80  }
0x27: {  	v0 =	vimm.f32 $0.0e+00;
	s15 =	sadd.s32 $0x800, s7;
	s7 =	simm.s32 $0x6;
	[dreg:$0xe] =	wrdreg s16  }
.LBB2_1:
0x28: {  	s12 =	simm.s32 $0x0;
	s13 =	simm.s32 $0x200  }
.LBB2_2:
0x29: {  	p0 =	sne.s32 s13, $0xBE00;
	[tilespmem:s12+$0x1070] =	vst v0  }
0x2a: {  	[tilespmem:s12+$0x1000] =	vst v0  }
0x2b: {  	[tilespmem:s12+$0x1010] =	vst v0  }
.Ltmp0:
0x2c: {  	[tilespmem:s12+$0x1020] =	vst v0;
	(pc) =	sbr.rel @p0 .LBB2_2-.Ltmp0, $4  }
0x2d: {  	[tilespmem:s12+$0x1030] =	vst v0  }
0x2e: {  	[tilespmem:s12+$0x1040] =	vst v0  }
0x2f: {  	[tilespmem:s12+$0x1050] =	vst v0  }
0x30: {  	[tilespmem:s12+$0x1060] =	vst v0;
	s12 =	sshra.s32 s13, $0x2;
	s13 =	sadd.s32 $0x200, s13  }
0x31: {  	[tilespmem:s12+$0x1070] =	vst v0  }
0x32: {  	[tilespmem:s12+$0x1000] =	vst v0  }
0x33: {  	[tilespmem:s12+$0x1010] =	vst v0  }
0x34: {  	[tilespmem:s12+$0x1020] =	vst v0  }
0x35: {  	[tilespmem:s12+$0x1030] =	vst v0  }
0x36: {  	[tilespmem:s12+$0x1040] =	vst v0  }
0x37: {  	[tilespmem:s12+$0x1050] =	vst v0  }
0x38: {  	[tilespmem:s12+$0x1060] =	vst v0  }
0x39: {  	[spmem:s6] =	stream.linear.scatter [tilespmem:s19], [sflag:$0x1], $0x2800, $0x38;
	[tilespmem:$0x1E000] =	vst v63  }
0x3a: {  	s10 =	rddreg [dreg:$0x18]  }
0x3b: {  	[spmem:s10] =	stream.linear.scatter [tilespmem:s19], [sflag:$0x1], $0x2800, $0x38;
	[tilespmem:$0x1E000] =	vst v63  }
0x3c: {  	s22 =	rddreg [dreg:$0x19]  }
0x3d: {  	[spmem:s22] =	stream.linear.scatter [tilespmem:s19], [sflag:$0x1], $0x2800, $0x38;
	[tilespmem:$0x1E000] =	vst v63  }
0x3e: {  	s12 =	rddreg [dreg:$0x1a]  }
0x3f: {  	[spmem:s12] =	stream.linear.scatter [tilespmem:s19], [sflag:$0x1], $0x2800, $0x38;
	[tilespmem:$0x1E000] =	vst v63  }
0x40: {  	s13 =	rddreg [dreg:$0x1b]  }
0x41: {  	[spmem:s13] =	stream.linear.scatter [tilespmem:s19], [sflag:$0x1], $0x2800, $0x38;
	[tilespmem:$0x1E000] =	vst v63  }
0x42: {  	s14 =	rddreg [dreg:$0x1c]  }
0x43: {  	[spmem:s14] =	stream.linear.scatter [tilespmem:s19], [sflag:$0x1], $0x2800, $0x38;
	[tilespmem:$0x1E000] =	vst v63  }
0x44: {  	s16 =	rddreg [dreg:$0x1d]  }
0x45: {  	[spmem:s16] =	stream.linear.scatter [tilespmem:s19], [sflag:$0x1], $0x2800, $0x38;
	[tilespmem:$0x1E000] =	vst v63  }
0x46: {  	s17 =	rddreg [dreg:$0x1e];
	s18 =	simm.s32 $0x1  }
0x47: {  	[spmem:s17] =	stream.linear.scatter [tilespmem:s19], [sflag:$0x1], $0x2800, $0x38;
	[tilespmem:$0x1E000] =	vst v63  }
0x48: {  	_ =	swait.ge [sflag:s18], $0x2800  }
0x49: {  	[sflag:s18] =	ssyncset.done $0x0  }
0x4a: {  	[sflag:s18] =	ssyncadd.s32 $0xFFFFD800  }
0x4b: {  	_ =	swait.ge [sflag:s18], $0x2800  }
0x4c: {  	[sflag:s18] =	ssyncset.done $0x0  }
0x4d: {  	[sflag:s18] =	ssyncadd.s32 $0xFFFFD800  }
0x4e: {  	_ =	swait.ge [sflag:s18], $0x2800  }
0x4f: {  	[sflag:s18] =	ssyncset.done $0x0  }
0x50: {  	[sflag:s18] =	ssyncadd.s32 $0xFFFFD800  }
0x51: {  	_ =	swait.ge [sflag:s18], $0x2800  }
0x52: {  	[sflag:s18] =	ssyncset.done $0x0  }
0x53: {  	[sflag:s18] =	ssyncadd.s32 $0xFFFFD800  }
0x54: {  	_ =	swait.ge [sflag:s18], $0x2800  }
0x55: {  	[sflag:s18] =	ssyncset.done $0x0  }
0x56: {  	[sflag:s18] =	ssyncadd.s32 $0xFFFFD800  }
0x57: {  	_ =	swait.ge [sflag:s18], $0x2800  }
0x58: {  	[sflag:s18] =	ssyncset.done $0x0  }
0x59: {  	[sflag:s18] =	ssyncadd.s32 $0xFFFFD800  }
0x5a: {  	_ =	swait.ge [sflag:s18], $0x2800  }
0x5b: {  	[sflag:s18] =	ssyncset.done $0x0  }
0x5c: {  	[sflag:s18] =	ssyncadd.s32 $0xFFFFD800  }
0x5d: {  	_ =	swait.ge [sflag:s18], $0x2800  }
0x5e: {  	[sflag:s18] =	ssyncset.done $0x0  }
0x5f: {  	[sflag:s18] =	ssyncadd.s32 $0xFFFFD800  }
0x60: {  	[bflag:$0x0] =	sbarrier.arrive $0xFFFF  }
0x61: {  	s22 =	rddreg [dreg:$0x1f]  }
0x62: {  	s21 =	simm.s32 $0x0;
	s13 =	sld [smem:$0x7FB]  }
0x63: {  	[tilespmem:s21], [sflag:$0x7] =	stream.linear.gather [hbm4b:s22+s21], $0x300, $0x38;
	[tilespmem:$0x1E000] =	vst v63  }
0x64: {  	s14 =	simm.s32 $0x7  }
0x65: {  	[tilespmem:s20], [sflag:$0x9] =	stream.linear.gather [hbm4b:s13+s21], $0x300, $0x38;
	[tilespmem:$0x1E000] =	vst v63  }
0x66: {  	_ =	swait.ge [sflag:s14], $0x300  }
0x67: {  	[sflag:s14] =	ssyncset.done $0x0  }
0x68: {  	s16 =	simm.s32 $0x9;
	[sflag:s14] =	ssyncadd.s32 $0xFFFFFD00  }
0x69: {  	_ =	swait.ge [sflag:s16], $0x300  }
0x6a: {  	[sflag:s16] =	ssyncset.done $0x0  }
0x6b: {  	[sflag:s16] =	ssyncadd.s32 $0xFFFFFD00  }
0x6c: {  	[tilespmem:s19], [sflag:$0x1] =	stream.indirect.gather [hbm4b:s4+s23], $0x80, s21, s23, $0xb8;
	[tilespmem:$0x1E000] =	vst v63  }
0x6d: {  	s17 =	simm.s32 $0x80  }
0x6e: {  	[tilespmem:s25], [sflag:$0x2] =	stream.indirect.gather [hbm4b:s4+s23], $0x80, s17, s23, $0xb8;
	[tilespmem:$0x1E000] =	vst v63  }
0x6f: {  	_ =	swait.ge [sflag:s26], $0x3000  }
0x70: {  	p0 =	por $0x1, $0x1;
	[sflag:s26] =	ssyncset.done $0x0  }
0x71: {  	s12 =	simm.s32 @!p0 $0x6;
	[sflag:s26] =	ssyncadd.s32 $0xFFFFD000  }
0x72: {  	[spmem:s1] =	stream.indirect.scatter.add.f32 [tilespmem:s19], [sflag:$0x4], $0x80, s20, s23, $0xb8;
	[tilespmem:$0x1E000] =	vst v63  }
0x73: {  	_ =	swait.ge @!p0 [sflag:s12], $0x3000  }
0x74: {  	[sflag:s12] =	ssyncset.done @!p0 $0x0  }
0x75: {  	s13 =	rddreg [dreg:$0x6];
	[sflag:s12] =	ssyncadd.s32 @!p0 $0xFFFFD000  }
0x76: {  	[tilespmem:s28], [sflag:$0x3] =	stream.indirect.gather [hbm4b:s4+s23], $0x80, s13, s23, $0xb8;
	[tilespmem:$0x1E000] =	vst v63  }
0x77: {  	_ =	swait.ge [sflag:s29], $0x3000  }
0x78: {  	[sflag:s29] =	ssyncset.done $0x0  }
0x79: {  	s18 =	rddreg [dreg:$0x7];
	[sflag:s29] =	ssyncadd.s32 $0xFFFFD000  }
0x7a: {  	[spmem:s1] =	stream.indirect.scatter.add.f32 [tilespmem:s25], [sflag:$0x5], $0x80, s18, s23, $0xb8;
	[tilespmem:$0x1E000] =	vst v63  }
0x7b: {  	_ =	swait.ge [sflag:s30], $0x3000  }
0x7c: {  	s21 =	rddreg [dreg:$0x5];
	[sflag:s30] =	ssyncset.done $0x0  }
0x7d: {  	s22 =	rddreg [dreg:$0x4];
	[sflag:s30] =	ssyncadd.s32 $0xFFFFD000;
	s12 =	sadd.s32 $0x0, s21  }
0x7e: {  	[tilespmem:s31], [sflag:$0x8] =	stream.linear.gather [hbm4b:s12+s3], $0x300, $0x38;
	[tilespmem:$0x1E000] =	vst v63  }
0x7f: {  	s13 =	sadd.s32 $0x0, s22  }
0x80: {  	[tilespmem:s0], [sflag:$0xA] =	stream.linear.gather [hbm4b:s13+s3], $0x300, $0x38;
	[tilespmem:$0x1E000] =	vst v63  }
0x81: {  	s10 =	rddreg [dreg:$0x8]  }
0x82: {  	[tilespmem:s19], [sflag:$0x1] =	stream.indirect.gather [hbm4b:s4+s23], $0x80, s10, s23, $0xb8;
	[tilespmem:$0x1E000] =	vst v63  }
0x83: {  	_ =	swait.ge [sflag:s24], $0x3000  }
0x84: {  	[sflag:s24] =	ssyncset.done $0x0  }
0x85: {  	s14 =	rddreg [dreg:$0x9];
	[sflag:s24] =	ssyncadd.s32 $0xFFFFD000  }
0x86: {  	[spmem:s1] =	stream.indirect.scatter.add.f32 [tilespmem:s28], [sflag:$0x6], $0x80, s14, s23, $0xb8;
	[tilespmem:$0x1E000] =	vst v63  }
0x87: {  	_ =	swait.ge [sflag:s2], $0x3000  }
0x88: {  	[sflag:s2] =	ssyncset.done $0x0  }
0x89: {  	s16 =	rddreg [dreg:$0xa];
	[sflag:s2] =	ssyncadd.s32 $0xFFFFD000  }
0x8a: {  	[tilespmem:s25], [sflag:$0x2] =	stream.indirect.gather [hbm4b:s4+s23], $0x80, s16, s23, $0xb8;
	[tilespmem:$0x1E000] =	vst v63  }
0x8b: {  	_ =	swait.ge [sflag:s26], $0x3000  }
0x8c: {  	[sflag:s26] =	ssyncset.done $0x0  }
0x8d: {  	s17 =	rddreg [dreg:$0xb];
	[sflag:s26] =	ssyncadd.s32 $0xFFFFD000  }
0x8e: {  	[spmem:s1] =	stream.indirect.scatter.add.f32 [tilespmem:s19], [sflag:$0x4], $0x80, s17, s23, $0xb8;
	[tilespmem:$0x1E000] =	vst v63  }
0x8f: {  	_ =	swait.ge [sflag:s7], $0x3000  }
0x90: {  	[sflag:s7] =	ssyncset.done $0x0  }
0x91: {  	s18 =	rddreg [dreg:$0xc];
	[sflag:s7] =	ssyncadd.s32 $0xFFFFD000  }
0x92: {  	[tilespmem:s28], [sflag:$0x3] =	stream.indirect.gather [hbm4b:s4+s23], $0x80, s18, s23, $0xb8;
	[tilespmem:$0x1E000] =	vst v63  }
0x93: {  	_ =	swait.ge [sflag:s29], $0x3000  }
0x94: {  	[sflag:s29] =	ssyncset.done $0x0  }
0x95: {  	s21 =	rddreg [dreg:$0xd];
	[sflag:s29] =	ssyncadd.s32 $0xFFFFD000  }
0x96: {  	[spmem:s1] =	stream.indirect.scatter.add.f32 [tilespmem:s25], [sflag:$0x5], $0x80, s21, s23, $0xb8;
	[tilespmem:$0x1E000] =	vst v63  }
0x97: {  	_ =	swait.ge [sflag:s30], $0x3000  }
0x98: {  	[sflag:s30] =	ssyncset.done $0x0  }
0x99: {  	[sflag:s30] =	ssyncadd.s32 $0xFFFFD000  }
0x9a: {  	_ =	swait.ge [sflag:s8], $0x300  }
0x9b: {  	[sflag:s8] =	ssyncset.done $0x0  }
0x9c: {  	[sflag:s8] =	ssyncadd.s32 $0xFFFFFD00  }
0x9d: {  	_ =	swait.ge [sflag:s9], $0x300  }
0x9e: {  	[sflag:s9] =	ssyncset.done $0x0  }
0x9f: {  	[sflag:s9] =	ssyncadd.s32 $0xFFFFFD00  }
0xa0: {  	[tilespmem:s19], [sflag:$0x1] =	stream.indirect.gather [hbm4b:s4+s23], $0x80, s31, s23, $0xb8;
	[tilespmem:$0x1E000] =	vst v63  }
0xa1: {  	_ =	swait.ge [sflag:s24], $0x3000  }
0xa2: {  	[sflag:s24] =	ssyncset.done $0x0  }
0xa3: {  	s22 =	rddreg [dreg:$0xe];
	[sflag:s24] =	ssyncadd.s32 $0xFFFFD000  }
0xa4: {  	[spmem:s1] =	stream.indirect.scatter.add.f32 [tilespmem:s28], [sflag:$0x6], $0x80, s22, s23, $0xb8;
	[tilespmem:$0x1E000] =	vst v63  }
0xa5: {  	_ =	swait.ge [sflag:s2], $0x3000  }
0xa6: {  	[sflag:s2] =	ssyncset.done $0x0  }
0xa7: {  	s10 =	rddreg [dreg:$0xf];
	[sflag:s2] =	ssyncadd.s32 $0xFFFFD000  }
0xa8: {  	[tilespmem:s25], [sflag:$0x2] =	stream.indirect.gather [hbm4b:s4+s23], $0x80, s10, s23, $0xb8;
	[tilespmem:$0x1E000] =	vst v63  }
0xa9: {  	_ =	swait.ge [sflag:s26], $0x3000  }
0xaa: {  	[sflag:s26] =	ssyncset.done $0x0  }
0xab: {  	[sflag:s26] =	ssyncadd.s32 $0xFFFFD000  }
0xac: {  	[spmem:s1] =	stream.indirect.scatter.add.f32 [tilespmem:s19], [sflag:$0x4], $0x80, s0, s23, $0xb8;
	[tilespmem:$0x1E000] =	vst v63  }
0xad: {  	_ =	swait.ge [sflag:s7], $0x3000  }
0xae: {  	[sflag:s7] =	ssyncset.done $0x0  }
0xaf: {  	s13 =	rddreg [dreg:$0x10];
	[sflag:s7] =	ssyncadd.s32 $0xFFFFD000  }
0xb0: {  	[tilespmem:s28], [sflag:$0x3] =	stream.indirect.gather [hbm4b:s4+s23], $0x80, s13, s23, $0xb8;
	[tilespmem:$0x1E000] =	vst v63  }
0xb1: {  	_ =	swait.ge [sflag:s29], $0x3000  }
0xb2: {  	[sflag:s29] =	ssyncset.done $0x0  }
0xb3: {  	p0 =	por $0x0, $0x0;
	s14 =	rddreg [dreg:$0x11];
	[sflag:s29] =	ssyncadd.s32 $0xFFFFD000  }
0xb4: {  	[spmem:s1] =	stream.indirect.scatter.add.f32 [tilespmem:s25], [sflag:$0x5], $0x80, s14, s23, $0xb8;
	[tilespmem:$0x1E000] =	vst v63  }
0xb5: {  	s12 =	sshrl.u32 @!p0 s15, $0x3;
	_ =	swait.ge [sflag:s30], $0x3000  }
0xb6: {  	s12 =	sadd.s32 @!p0 s5, s12;
	[sflag:s30] =	ssyncset.done $0x0  }
0xb7: {  	s14 =	simm.s32 @!p0 $0x0;
	s13 =	rddreg [dreg:$0x3];
	[sflag:s30] =	ssyncadd.s32 $0xFFFFD000  }
0xb8: {  	[tilespmem:s14], [sflag:$0x7] =	stream.linear.gather @!p0 [hbm4b:s12+s14], $0x300, $0x38;
	[tilespmem:$0x1E000] =	vst v63  }
0xb9: {  	s13 =	sadd.s32 @!p0 $0x0, s13;
	s12 =	simm.s32 @!p0 $0x800  }
0xba: {  	[tilespmem:s12], [sflag:$0x9] =	stream.linear.gather @!p0 [hbm4b:s13+s14], $0x300, $0x38;
	[tilespmem:$0x1E000] =	vst v63  }
0xbb: {  	s16 =	rddreg [dreg:$0x12]  }
0xbc: {  	[tilespmem:s19], [sflag:$0x1] =	stream.indirect.gather [hbm4b:s4+s23], $0x80, s16, s23, $0xb8;
	[tilespmem:$0x1E000] =	vst v63  }
0xbd: {  	_ =	swait.ge [sflag:s24], $0x3000  }
0xbe: {  	[sflag:s24] =	ssyncset.done $0x0  }
0xbf: {  	s16 =	rddreg [dreg:$0x13];
	[sflag:s24] =	ssyncadd.s32 $0xFFFFD000  }
0xc0: {  	[spmem:s1] =	stream.indirect.scatter.add.f32 [tilespmem:s28], [sflag:$0x6], $0x80, s16, s23, $0xb8;
	[tilespmem:$0x1E000] =	vst v63  }
0xc1: {  	_ =	swait.ge [sflag:s2], $0x3000  }
0xc2: {  	[sflag:s2] =	ssyncset.done $0x0  }
0xc3: {  	s17 =	rddreg [dreg:$0x14];
	[sflag:s2] =	ssyncadd.s32 $0xFFFFD000  }
0xc4: {  	[tilespmem:s25], [sflag:$0x2] =	stream.indirect.gather [hbm4b:s4+s23], $0x80, s17, s23, $0xb8;
	[tilespmem:$0x1E000] =	vst v63  }
0xc5: {  	_ =	swait.ge [sflag:s26], $0x3000  }
0xc6: {  	[sflag:s26] =	ssyncset.done $0x0  }
0xc7: {  	s18 =	rddreg [dreg:$0x15];
	[sflag:s26] =	ssyncadd.s32 $0xFFFFD000  }
0xc8: {  	[spmem:s1] =	stream.indirect.scatter.add.f32 [tilespmem:s19], [sflag:$0x4], $0x80, s18, s23, $0xb8;
	[tilespmem:$0x1E000] =	vst v63  }
0xc9: {  	_ =	swait.ge [sflag:s7], $0x3000  }
0xca: {  	[sflag:s7] =	ssyncset.done $0x0  }
0xcb: {  	s21 =	rddreg [dreg:$0x16];
	[sflag:s7] =	ssyncadd.s32 $0xFFFFD000  }
0xcc: {  	[tilespmem:s28], [sflag:$0x3] =	stream.indirect.gather [hbm4b:s4+s23], $0x80, s21, s23, $0xb8;
	[tilespmem:$0x1E000] =	vst v63  }
0xcd: {  	_ =	swait.ge [sflag:s29], $0x3000  }
0xce: {  	[sflag:s29] =	ssyncset.done $0x0  }
0xcf: {  	s22 =	rddreg [dreg:$0x17];
	[sflag:s29] =	ssyncadd.s32 $0xFFFFD000  }
0xd0: {  	[spmem:s1] =	stream.indirect.scatter.add.f32 [tilespmem:s25], [sflag:$0x5], $0x80, s22, s23, $0xb8;
	[tilespmem:$0x1E000] =	vst v63  }
0xd1: {  	_ =	swait.ge [sflag:s30], $0x3000  }
0xd2: {  	p1 =	por $0x0, $0x0;
	[sflag:s30] =	ssyncset.done $0x0  }
0xd3: {  	s12 =	simm.s32 @p1 $0x3;
	[sflag:s30] =	ssyncadd.s32 $0xFFFFD000  }
0xd4: {  	_ =	swait.ge @p1 [sflag:s12], $0x3000  }
0xd5: {  	s13 =	simm.s32 @p1 $0x7000;
	s14 =	simm.s32 @p1 $0x60;
	[sflag:s12] =	ssyncset.done @p1 $0x0  }
0xd6: {  	s16 =	simm.s32 @p1 $0xE80;
	[sflag:s12] =	ssyncadd.s32 @p1 $0xFFFFD000;
	s12 =	simm.s32 @p1 $0x5  }
0xd7: {  	[spmem:s1] =	stream.indirect.scatter.add.f32 @p1 [tilespmem:s13], [sflag:$0x6], $0x80, s16, s14, $0xb8;
	[tilespmem:$0x1E000] =	vst v63  }
0xd8: {  	_ =	swait.ge @p1 [sflag:s12], $0x3000  }
0xd9: {  	[sflag:s12] =	ssyncset.done @p1 $0x0  }
0xda: {  	s13 =	simm.s32 @!p1 $0x7;
	[sflag:s12] =	ssyncadd.s32 @p1 $0xFFFFD000  }
0xdb: {  	_ =	swait.ge @!p1 [sflag:s13], $0x300  }
0xdc: {  	[sflag:s13] =	ssyncset.done @!p1 $0x0  }
0xdd: {  	s12 =	simm.s32 @!p1 $0x9;
	[sflag:s13] =	ssyncadd.s32 @!p1 $0xFFFFFD00  }
0xde: {  	_ =	swait.ge @!p1 [sflag:s12], $0x300  }
0xdf: {  	s17 =	simm.s32 @!p1 $0x60;
	s14 =	simm.s32 @!p1 $0x0;
	[sflag:s12] =	ssyncset.done @!p1 $0x0  }
0xe0: {  	s13 =	simm.s32 @!p1 $0x1000;
	[sflag:s12] =	ssyncadd.s32 @!p1 $0xFFFFFD00;
	s12 =	simm.s32 @!p1 $0x3  }
0xe1: {  	[tilespmem:s13], [sflag:$0x1] =	stream.indirect.gather @!p1 [hbm4b:s4+s17], $0x80, s14, s17, $0xb8;
	[tilespmem:$0x1E000] =	vst v63  }
0xe2: {  	_ =	swait.ge @!p1 [sflag:s12], $0x3000  }
0xe3: {  	s18 =	smov.u32 s15;
	s16 =	simm.s32 @!p1 $0x5;
	[sflag:s12] =	ssyncset.done @!p1 $0x0  }
0xe4: {  	s13 =	simm.s32 @!p1 $0x7000;
	s14 =	simm.s32 @!p1 $0xE80;
	[sflag:s12] =	ssyncadd.s32 @!p1 $0xFFFFD000  }
0xe5: {  	[spmem:s1] =	stream.indirect.scatter.add.f32 @!p1 [tilespmem:s13], [sflag:$0x6], $0x80, s14, s17, $0xb8;
	[tilespmem:$0x1E000] =	vst v63  }
0xe6: {  	s21 =	simm.s32 @!p1 $0x4000;
	s12 =	simm.s32 $0x100;
	_ =	swait.ge @!p1 [sflag:s16], $0x3000  }
0xe7: {  	s13 =	simm.s32 $0x3;
	s14 =	simm.s32 @!p1 $0x80;
	[sflag:s16] =	ssyncset.done @!p1 $0x0  }
.LBB2_4:
0xe8: {  	[sflag:s16] =	ssyncadd.s32 @!p1 $0xFFFFD000  }
0xe9: {  	[tilespmem:s21], [sflag:$0x2] =	stream.indirect.gather @!p1 [hbm4b:s4+s17], $0x80, s14, s17, $0xb8;
	[tilespmem:$0x1E000] =	vst v63  }
0xea: {  	s16 =	smov.u32 s12;
	_ =	swait.ge [sflag:s26], $0x3000  }
0xeb: {  	p1 =	seq.s32 s16, $0x0;
	[sflag:s26] =	ssyncset.done $0x0  }
0xec: {  	s14 =	simm.s32 @!p1 $0x6;
	[sflag:s26] =	ssyncadd.s32 $0xFFFFD000  }
0xed: {  	[spmem:s1] =	stream.indirect.scatter.add.f32 [tilespmem:s19], [sflag:$0x4], $0x80, s20, s23, $0xb8;
	[tilespmem:$0x1E000] =	vst v63  }
0xee: {  	_ =	swait.ge @!p1 [sflag:s14], $0x3000  }
0xef: {  	[sflag:s14] =	ssyncset.done @!p1 $0x0  }
0xf0: {  	s10 =	rddreg [dreg:$0x6];
	[sflag:s14] =	ssyncadd.s32 @!p1 $0xFFFFD000  }
0xf1: {  	[tilespmem:s28], [sflag:$0x3] =	stream.indirect.gather [hbm4b:s4+s23], $0x80, s10, s23, $0xb8;
	[tilespmem:$0x1E000] =	vst v63  }
0xf2: {  	_ =	swait.ge [sflag:s29], $0x3000  }
0xf3: {  	[sflag:s29] =	ssyncset.done $0x0  }
0xf4: {  	s17 =	rddreg [dreg:$0x7];
	[sflag:s29] =	ssyncadd.s32 $0xFFFFD000  }
0xf5: {  	[spmem:s1] =	stream.indirect.scatter.add.f32 [tilespmem:s25], [sflag:$0x5], $0x80, s17, s23, $0xb8;
	[tilespmem:$0x1E000] =	vst v63  }
0xf6: {  	_ =	swait.ge [sflag:s30], $0x3000  }
0xf7: {  	s21 =	rddreg [dreg:$0x5];
	[sflag:s30] =	ssyncset.done $0x0  }
0xf8: {  	s22 =	rddreg [dreg:$0x4];
	[sflag:s30] =	ssyncadd.s32 $0xFFFFD000;
	s14 =	sadd.s32 s16, s21  }
0xf9: {  	[tilespmem:s31], [sflag:$0x8] =	stream.linear.gather [hbm4b:s14+s3], $0x300, $0x38;
	[tilespmem:$0x1E000] =	vst v63  }
0xfa: {  	s22 =	sadd.s32 s16, s22  }
0xfb: {  	[tilespmem:s0], [sflag:$0xA] =	stream.linear.gather [hbm4b:s22+s3], $0x300, $0x38;
	[tilespmem:$0x1E000] =	vst v63  }
0xfc: {  	s10 =	rddreg [dreg:$0x8]  }
0xfd: {  	[tilespmem:s19], [sflag:$0x1] =	stream.indirect.gather [hbm4b:s4+s23], $0x80, s10, s23, $0xb8;
	[tilespmem:$0x1E000] =	vst v63  }
0xfe: {  	_ =	swait.ge [sflag:s24], $0x3000  }
0xff: {  	[sflag:s24] =	ssyncset.done $0x0  }
0x100: {  	s10 =	rddreg [dreg:$0x9];
	[sflag:s24] =	ssyncadd.s32 $0xFFFFD000  }
0x101: {  	[spmem:s1] =	stream.indirect.scatter.add.f32 [tilespmem:s28], [sflag:$0x6], $0x80, s10, s23, $0xb8;
	[tilespmem:$0x1E000] =	vst v63  }
0x102: {  	_ =	swait.ge [sflag:s2], $0x3000  }
0x103: {  	[sflag:s2] =	ssyncset.done $0x0  }
0x104: {  	s17 =	rddreg [dreg:$0xa];
	[sflag:s2] =	ssyncadd.s32 $0xFFFFD000  }
0x105: {  	[tilespmem:s25], [sflag:$0x2] =	stream.indirect.gather [hbm4b:s4+s23], $0x80, s17, s23, $0xb8;
	[tilespmem:$0x1E000] =	vst v63  }
0x106: {  	_ =	swait.ge [sflag:s26], $0x3000  }
0x107: {  	[sflag:s26] =	ssyncset.done $0x0  }
0x108: {  	s21 =	rddreg [dreg:$0xb];
	[sflag:s26] =	ssyncadd.s32 $0xFFFFD000  }
0x109: {  	[spmem:s1] =	stream.indirect.scatter.add.f32 [tilespmem:s19], [sflag:$0x4], $0x80, s21, s23, $0xb8;
	[tilespmem:$0x1E000] =	vst v63  }
0x10a: {  	_ =	swait.ge [sflag:s7], $0x3000  }
0x10b: {  	[sflag:s7] =	ssyncset.done $0x0  }
0x10c: {  	s22 =	rddreg [dreg:$0xc];
	[sflag:s7] =	ssyncadd.s32 $0xFFFFD000  }
0x10d: {  	[tilespmem:s28], [sflag:$0x3] =	stream.indirect.gather [hbm4b:s4+s23], $0x80, s22, s23, $0xb8;
	[tilespmem:$0x1E000] =	vst v63  }
0x10e: {  	_ =	swait.ge [sflag:s29], $0x3000  }
0x10f: {  	[sflag:s29] =	ssyncset.done $0x0  }
0x110: {  	s10 =	rddreg [dreg:$0xd];
	[sflag:s29] =	ssyncadd.s32 $0xFFFFD000  }
0x111: {  	[spmem:s1] =	stream.indirect.scatter.add.f32 [tilespmem:s25], [sflag:$0x5], $0x80, s10, s23, $0xb8;
	[tilespmem:$0x1E000] =	vst v63  }
0x112: {  	_ =	swait.ge [sflag:s30], $0x3000  }
0x113: {  	[sflag:s30] =	ssyncset.done $0x0  }
0x114: {  	[sflag:s30] =	ssyncadd.s32 $0xFFFFD000  }
0x115: {  	_ =	swait.ge [sflag:s8], $0x300  }
0x116: {  	[sflag:s8] =	ssyncset.done $0x0  }
0x117: {  	[sflag:s8] =	ssyncadd.s32 $0xFFFFFD00  }
0x118: {  	_ =	swait.ge [sflag:s9], $0x300  }
0x119: {  	[sflag:s9] =	ssyncset.done $0x0  }
0x11a: {  	[sflag:s9] =	ssyncadd.s32 $0xFFFFFD00  }
0x11b: {  	[tilespmem:s19], [sflag:$0x1] =	stream.indirect.gather [hbm4b:s4+s23], $0x80, s31, s23, $0xb8;
	[tilespmem:$0x1E000] =	vst v63  }
0x11c: {  	_ =	swait.ge [sflag:s24], $0x3000  }
0x11d: {  	[sflag:s24] =	ssyncset.done $0x0  }
0x11e: {  	s17 =	rddreg [dreg:$0xe];
	[sflag:s24] =	ssyncadd.s32 $0xFFFFD000  }
0x11f: {  	[spmem:s1] =	stream.indirect.scatter.add.f32 [tilespmem:s28], [sflag:$0x6], $0x80, s17, s23, $0xb8;
	[tilespmem:$0x1E000] =	vst v63  }
0x120: {  	_ =	swait.ge [sflag:s2], $0x3000  }
0x121: {  	[sflag:s2] =	ssyncset.done $0x0  }
0x122: {  	s21 =	rddreg [dreg:$0xf];
	[sflag:s2] =	ssyncadd.s32 $0xFFFFD000  }
0x123: {  	[tilespmem:s25], [sflag:$0x2] =	stream.indirect.gather [hbm4b:s4+s23], $0x80, s21, s23, $0xb8;
	[tilespmem:$0x1E000] =	vst v63  }
0x124: {  	_ =	swait.ge [sflag:s26], $0x3000  }
0x125: {  	[sflag:s26] =	ssyncset.done $0x0  }
0x126: {  	[sflag:s26] =	ssyncadd.s32 $0xFFFFD000  }
0x127: {  	[spmem:s1] =	stream.indirect.scatter.add.f32 [tilespmem:s19], [sflag:$0x4], $0x80, s0, s23, $0xb8;
	[tilespmem:$0x1E000] =	vst v63  }
0x128: {  	_ =	swait.ge [sflag:s7], $0x3000  }
0x129: {  	[sflag:s7] =	ssyncset.done $0x0  }
0x12a: {  	s22 =	rddreg [dreg:$0x10];
	[sflag:s7] =	ssyncadd.s32 $0xFFFFD000  }
0x12b: {  	[tilespmem:s28], [sflag:$0x3] =	stream.indirect.gather [hbm4b:s4+s23], $0x80, s22, s23, $0xb8;
	[tilespmem:$0x1E000] =	vst v63  }
0x12c: {  	_ =	swait.ge [sflag:s29], $0x3000  }
0x12d: {  	s18 =	sadd.s32 $0x800, s18;
	[sflag:s29] =	ssyncset.done $0x0  }
0x12e: {  	p1 =	seq.s32 s16, $0x800;
	s10 =	rddreg [dreg:$0x11];
	[sflag:s29] =	ssyncadd.s32 $0xFFFFD000  }
0x12f: {  	[spmem:s1] =	stream.indirect.scatter.add.f32 [tilespmem:s25], [sflag:$0x5], $0x80, s10, s23, $0xb8;
	[tilespmem:$0x1E000] =	vst v63  }
0x130: {  	s14 =	sshrl.u32 @!p1 s18, $0x3;
	_ =	swait.ge [sflag:s30], $0x3000  }
0x131: {  	s14 =	sadd.s32 @!p1 s5, s14;
	[sflag:s30] =	ssyncset.done $0x0  }
0x132: {  	s17 =	simm.s32 @!p1 $0x0;
	s21 =	rddreg [dreg:$0x3];
	[sflag:s30] =	ssyncadd.s32 $0xFFFFD000  }
0x133: {  	[tilespmem:s17], [sflag:$0x7] =	stream.linear.gather @!p1 [hbm4b:s14+s17], $0x300, $0x38;
	[tilespmem:$0x1E000] =	vst v63  }
0x134: {  	s22 =	simm.s32 @!p1 $0x800;
	s14 =	sadd.s32 @!p1 s16, s21  }
0x135: {  	[tilespmem:s22], [sflag:$0x9] =	stream.linear.gather @!p1 [hbm4b:s14+s17], $0x300, $0x38;
	[tilespmem:$0x1E000] =	vst v63  }
0x136: {  	s10 =	rddreg [dreg:$0x12]  }
0x137: {  	[tilespmem:s19], [sflag:$0x1] =	stream.indirect.gather [hbm4b:s4+s23], $0x80, s10, s23, $0xb8;
	[tilespmem:$0x1E000] =	vst v63  }
0x138: {  	_ =	swait.ge [sflag:s24], $0x3000  }
0x139: {  	[sflag:s24] =	ssyncset.done $0x0  }
0x13a: {  	s14 =	rddreg [dreg:$0x13];
	[sflag:s24] =	ssyncadd.s32 $0xFFFFD000  }
0x13b: {  	[spmem:s1] =	stream.indirect.scatter.add.f32 [tilespmem:s28], [sflag:$0x6], $0x80, s14, s23, $0xb8;
	[tilespmem:$0x1E000] =	vst v63  }
0x13c: {  	_ =	swait.ge [sflag:s2], $0x3000  }
0x13d: {  	[sflag:s2] =	ssyncset.done $0x0  }
0x13e: {  	s16 =	rddreg [dreg:$0x14];
	[sflag:s2] =	ssyncadd.s32 $0xFFFFD000  }
0x13f: {  	[tilespmem:s25], [sflag:$0x2] =	stream.indirect.gather [hbm4b:s4+s23], $0x80, s16, s23, $0xb8;
	[tilespmem:$0x1E000] =	vst v63  }
0x140: {  	_ =	swait.ge [sflag:s26], $0x3000  }
0x141: {  	[sflag:s26] =	ssyncset.done $0x0  }
0x142: {  	s17 =	rddreg [dreg:$0x15];
	[sflag:s26] =	ssyncadd.s32 $0xFFFFD000  }
0x143: {  	[spmem:s1] =	stream.indirect.scatter.add.f32 [tilespmem:s19], [sflag:$0x4], $0x80, s17, s23, $0xb8;
	[tilespmem:$0x1E000] =	vst v63  }
0x144: {  	_ =	swait.ge [sflag:s7], $0x3000  }
0x145: {  	[sflag:s7] =	ssyncset.done $0x0  }
0x146: {  	s21 =	rddreg [dreg:$0x16];
	[sflag:s7] =	ssyncadd.s32 $0xFFFFD000  }
0x147: {  	[tilespmem:s28], [sflag:$0x3] =	stream.indirect.gather [hbm4b:s4+s23], $0x80, s21, s23, $0xb8;
	[tilespmem:$0x1E000] =	vst v63  }
0x148: {  	_ =	swait.ge [sflag:s29], $0x3000  }
0x149: {  	[sflag:s29] =	ssyncset.done $0x0  }
0x14a: {  	s22 =	rddreg [dreg:$0x17];
	[sflag:s29] =	ssyncadd.s32 $0xFFFFD000  }
0x14b: {  	[spmem:s1] =	stream.indirect.scatter.add.f32 [tilespmem:s25], [sflag:$0x5], $0x80, s22, s23, $0xb8;
	[tilespmem:$0x1E000] =	vst v63  }
0x14c: {  	_ =	swait.ge [sflag:s30], $0x3000  }
0x14d: {  	p1 =	sgt.u32 s13, $0x10;
	[sflag:s30] =	ssyncset.done $0x0  }
0x14e: {  	s10 =	simm.s32 @p1 $0x3;
	[sflag:s30] =	ssyncadd.s32 $0xFFFFD000  }
0x14f: {  	_ =	swait.ge @p1 [sflag:s10], $0x3000  }
0x150: {  	s14 =	simm.s32 @p1 $0x7000;
	s16 =	simm.s32 @p1 $0x60;
	[sflag:s10] =	ssyncset.done @p1 $0x0  }
0x151: {  	s17 =	simm.s32 @p1 $0xE80;
	[sflag:s10] =	ssyncadd.s32 @p1 $0xFFFFD000;
	s10 =	simm.s32 @p1 $0x5  }
0x152: {  	[spmem:s1] =	stream.indirect.scatter.add.f32 @p1 [tilespmem:s14], [sflag:$0x6], $0x80, s17, s16, $0xb8;
	[tilespmem:$0x1E000] =	vst v63  }
0x153: {  	_ =	swait.ge @p1 [sflag:s10], $0x3000  }
0x154: {  	[sflag:s10] =	ssyncset.done @p1 $0x0  }
0x155: {  	s14 =	simm.s32 @!p1 $0x7;
	[sflag:s10] =	ssyncadd.s32 @p1 $0xFFFFD000  }
0x156: {  	_ =	swait.ge @!p1 [sflag:s14], $0x300  }
0x157: {  	[sflag:s14] =	ssyncset.done @!p1 $0x0  }
0x158: {  	s10 =	simm.s32 @!p1 $0x9;
	[sflag:s14] =	ssyncadd.s32 @!p1 $0xFFFFFD00  }
0x159: {  	s12 =	sadd.s32 $0x100, s12;
	_ =	swait.ge @!p1 [sflag:s10], $0x300  }
0x15a: {  	s17 =	simm.s32 @!p1 $0x60;
	s16 =	simm.s32 @!p1 $0x0;
	[sflag:s10] =	ssyncset.done @!p1 $0x0  }
0x15b: {  	s14 =	simm.s32 @!p1 $0x1000;
	[sflag:s10] =	ssyncadd.s32 @!p1 $0xFFFFFD00;
	s10 =	simm.s32 @!p1 $0x3  }
0x15c: {  	[tilespmem:s14], [sflag:$0x1] =	stream.indirect.gather @!p1 [hbm4b:s4+s17], $0x80, s16, s17, $0xb8;
	[tilespmem:$0x1E000] =	vst v63  }
0x15d: {  	p0 =	sne.s32 s12, $0x900;
	_ =	swait.ge @!p1 [sflag:s10], $0x3000  }
.Ltmp1:
0x15e: {  	s21 =	simm.s32 @!p1 $0xE80;
	[sflag:s10] =	ssyncset.done @!p1 $0x0;
	(pc) =	sbr.rel @p0 .LBB2_4-.Ltmp1, $4  }
0x15f: {  	s14 =	simm.s32 @!p1 $0x7000;
	s16 =	simm.s32 @!p1 $0x5;
	[sflag:s10] =	ssyncadd.s32 @!p1 $0xFFFFD000  }
0x160: {  	[spmem:s1] =	stream.indirect.scatter.add.f32 @!p1 [tilespmem:s14], [sflag:$0x6], $0x80, s21, s17, $0xb8;
	[tilespmem:$0x1E000] =	vst v63  }
0x161: {  	s13 =	sadd.s32 $0x2, s13;
	_ =	swait.ge @!p1 [sflag:s16], $0x3000  }
0x162: {  	s14 =	simm.s32 @!p1 $0x80;
	s21 =	simm.s32 @!p1 $0x4000;
	[sflag:s16] =	ssyncset.done @!p1 $0x0  }
0x163: {  	[sflag:s16] =	ssyncadd.s32 @!p1 $0xFFFFD000  }
0x164: {  	[tilespmem:s21], [sflag:$0x2] =	stream.indirect.gather @!p1 [hbm4b:s4+s17], $0x80, s14, s17, $0xb8;
	[tilespmem:$0x1E000] =	vst v63  }
0x165: {  	_ =	swait.ge [sflag:s7], $0x3000  }
0x166: {  	[sflag:s7] =	ssyncset.done $0x0  }
0x167: {  	[sflag:s7] =	ssyncadd.s32 $0xFFFFD000  }
0x168: {  	[bflag:$0x0] =	sbarrier.arrive $0xFFFF  }
0x169: {  	s10 =	stileid.u32;
	s13 =	sld [smem:$0x7FC]  }
0x16a: {  	s10 =	sshll.u32 s10, $0x6  }
0x16b: {  	s12 =	sshrl.u32 s6, $0x3;
	s21 =	simm.s32 $0xB;
	s10 =	sor.u32 $0x1C0B, s10  }
0x16c: {  	[hbm:s13], [sflag:s10] =	dma.local [spmem:s12], $0x2800  }
0x16d: {  	_ =	swait.ge [sflag:s21], $0x2800  }
0x16e: {  	s22 =	sld [smem:$0x7FD];
	_ =	sdelay $0x1  }
0x16f: {  	s11 =	sadd.s32 $0x1, s11  }
0x170: {  	p0 =	sne.s32 s11, s22  }
.Ltmp2:
0x171: {  	_ = 	snop;
	(pc) =	sbr.rel @p0 .LBB2_1-.Ltmp2, $3  }
0x172: {  	_ =	sdelay $0x1  }
0x173: {  	[sflag:s21] =	ssyncset.done $0x0  }
0x174: {  	[sflag:s21] =	ssyncadd.s32 $0xFFFFD800  }
0x175: {  	_ =	sfence.sel $0x180000  }
0x176: {  	[bflag:$0x0] =	sbarrier.arrive $0xFFFF  }
0x177: {  	_ =	strace $0x9000004D  }
0x178: {  	s0 =	stileid.u32;
	[bflag:$0x2] =	sbarrier.arrive $0xFFFF  }
0x179: {  	p0 =	sne.s32 s0, $0x0;
	s0 =	rddreg [dreg:$0x2]  }
0x17a: {  	s0 =	sadd.s32 @!p0 $0x100000, s0  }
0x17b: {  	[sflag:s0] =	ssyncadd.tile.s32 @!p0 $0x1;
	_ =	shalt  }
.Lfunc_end2:
_tile_overlayer_lowered:
.L_overlay_start_2:
0x17c: {  	(tag) =	ssettag $0x2  }
0x17d: {  	s0 =	rddreg [dreg:$0x0];
	s2 =	stileid.u32  }
0x17e: {  	s1 =	rddreg [dreg:$0x1];
	p0 =	sne.s32 s2, $0x0  }
0x17f: {  	s3 =	rddreg [dreg:$0x2];
	[bflag:$0x3] =	sbarrier.arrive $0xFFFF;
	s2 =	simm.s32 @!p0 $0x1C0B  }
0x180: {  	[timem:s3], [sflag:s2] =	dma.local @!p0 [hbm:s0], s1  }
0x181: {  	s0 =	simm.s32 @!p0 $0xB  }
0x182: {  	_ =	swait.ge @!p0 [sflag:s0], s1  }
0x183: {  	s1 =	ssub.s32 @!p0 $0x0, s1;
	[sflag:s0] =	ssyncset.done @!p0 $0x0  }
0x184: {  	[sflag:s0] =	ssyncadd.s32 @!p0 s1  }
0x185: {  	[bflag:$0x3] =	sbarrier.arrive $0xFFFF  }
0x186: {  	_ =	shalt  }

// kernel: kernel.9.cloned.1.call-start
scs
__scs_entry_jumppad:
0x0: {  	(pc) =	sbr.rel $0x88, $3  }
0x1: {  	(tag) =	ssettag $0x0;
	lr =	simm.s32 $0x1  }
0x2: {  	[smem:$0x3F99] =	sst lr;
	_ =	strace $0xD0000000  }
0x3: {  	_ = 	snop  }
0x4: {  	_ = 	snop  }
0x5: {  	_ = 	snop  }
0x6: {  	_ = 	snop  }
0x7: {  	_ = 	snop  }
__scs_overlays_trampoline_lowered:
0x8: {  	[smem:$0x3FA8] =	sst s0  }
0x9: {  	[smem:$0x3FA9] =	sst s1  }
0xa: {  	[smem:$0x3FAA] =	sst s2  }
0xb: {  	[smem:$0x3FAB] =	sst s3  }
0xc: {  	[smem:$0x3FAC] =	sst s4  }
0xd: {  	[smem:$0x3FAD] =	sst s5  }
0xe: {  	[smem:$0x3FAE] =	sst s6  }
0xf: {  	[smem:$0x3FAF] =	sst s7  }
0x10: {  	[smem:$0x3FB0] =	sst s8  }
0x11: {  	[smem:$0x3FB1] =	sst s9;
	s0 =	simm.s32 @!p0 $0x0  }
0x12: {  	s1 =	sld [smem:$0x3F97];
	s0 =	simm.s32 @p0 $0x1  }
0x13: {  	[smem:$0x3FB2] =	sst s0;
	s0 =	simm.s32 @!p1 $0x0  }
0x14: {  	s2 =	sld [smem:$0x3F96];
	s0 =	simm.s32 @p1 $0x1  }
0x15: {  	[smem:$0x3FB3] =	sst s0;
	s0 =	simm.s32 @!p2 $0x0  }
0x16: {  	s3 =	sld [smem:$0x3FDB];
	s0 =	simm.s32 @p2 $0x1  }
0x17: {  	s4 =	simm.s32 $0x1BF5;
	[smem:$0x3FB5] =	sst s0  }
0x18: {  	s0 =	sld [smem:$0x3F98];
	_ =	swait.ge [sflag:s4], $0x0  }
0x19: {  	s7 =	sld [smem:$0x3F99]  }
0x1a: {  	s8 =	sadd.s32 $0xFFFFE003, lr  }
0x1b: {  	s9 =	sadd.s32 $0xFFFFFEF7, lr;
	s5 =	simm.s32 $0xFFFFFFFF;
	p2 =	slt.u32 s8, $0xFFFFF086  }
0x1c: {  	p1 =	slt.u32 s9, $0xF7A;
	s5 =	simm.s32 @!p2 $0x0  }
0x1d: {  	s5 =	simm.s32 @p1 $0x1;
	p0 =	seq.s32 s7, s2  }
0x1e: {  	s7 =	smul.u32 @!p0 $0xF7A, s2;
	p2 =	seq.s32 @!p0 s5, $0x0  }
0x1f: {  	s9 =	smul.u32 $0xF7A, s1;
	s8 =	simm.s32 @!p0 $0x1BF5;
	p2 =	por !p2, p0  }
0x20: {  	[sflag:s8] =	ssyncset.s32 @!p0 $0xFFFFF086;
	s6 =	sadd.s32 @!p0 s3, s7;
	s7 =	simm.s32 @!p0 $0x108  }
0x21: {  	s3 =	sadd.s32 s3, s9;
	s6 =	sadd.s32 @!p0 $0x88, s6;
	s7 =	simm.s32 @p2 $0x1082  }
0x22: {  	[simem:s7], [sflag:s8] =	dma.local @!p0 [hbm:s6], $0xF7A  }
0x23: {  	s9 =	sor.u32 $0xD0000000, s2;
	s6 =	simm.s32 $0x108;
	_ =	swait.ge @!p0 [sflag:s8], $0x0  }
0x24: {  	s3 =	sadd.s32 $0x88, s3;
	s6 =	simm.s32 @!p1 $0x1082;
	[sflag:s4] =	ssyncset.s32 $0xFFFFF086  }
0x25: {  	[simem:s6], [sflag:s4] =	dma.local [hbm:s3], $0xF7A  }
0x26: {  	[smem:$0x3F99] =	sst s1;
	(tag) =	ssettag s2;
	_ =	strace s9  }
0x27: {  	s1 =	sld [smem:$0x3FA9]  }
0x28: {  	s2 =	sld [smem:$0x3FAA]  }
0x29: {  	s4 =	sld [smem:$0x3FAC]  }
0x2a: {  	p0 =	seq.s32 s5, $0x0;
	s5 =	sld [smem:$0x3FAD]  }
0x2b: {  	s6 =	sld [smem:$0x3FAE]  }
0x2c: {  	s7 =	sld [smem:$0x3FAF]  }
0x2d: {  	s3 =	simm.s32 $0x108;
	s8 =	sld [smem:$0x3FB0]  }
0x2e: {  	s3 =	simm.s32 @!p0 $0x1082;
	s9 =	sld [smem:$0x3FB1]  }
0x2f: {  	lr =	sadd.s32 s0, s3;
	s0 =	sld [smem:$0x3FA8]  }
0x30: {  	s3 =	sld [smem:$0x3FAB]  }
0x31: {  	[smem:$0x3FB4] =	sst s10  }
0x32: {  	s10 =	sld [smem:$0x3FB2];
	_ =	sdelay $0x3  }
0x33: {  	p0 =	seq.s32 s10, $0x1;
	s10 =	sld [smem:$0x3FB4];
	_ =	sdelay $0x3  }
0x34: {  	[smem:$0x3FB4] =	sst s10  }
0x35: {  	s10 =	sld [smem:$0x3FB3];
	_ =	sdelay $0x3  }
0x36: {  	p1 =	seq.s32 s10, $0x1;
	s10 =	sld [smem:$0x3FB4];
	_ =	sdelay $0x3  }
0x37: {  	[smem:$0x3FB4] =	sst s10  }
0x38: {  	s10 =	sld [smem:$0x3FB5]  }
0x39: {  	_ = 	snop;
	(pc) =	sbr.ind lr, $3  }
0x3a: {  	_ = 	snop  }
0x3b: {  	_ = 	snop  }
0x3c: {  	p2 =	seq.s32 s10, $0x1;
	s10 =	sld [smem:$0x3FB4]  }
0x3d: {  	_ =	shalt  }
0x3e: {  	_ =	shalt  }
0x3f: {  	_ =	shalt  }
0x40: {  	_ =	shalt  }
0x41: {  	_ =	shalt  }
0x42: {  	_ =	shalt  }
0x43: {  	_ =	shalt  }
0x44: {  	_ =	shalt  }
0x45: {  	_ =	shalt  }
0x46: {  	_ =	shalt  }
0x47: {  	_ =	shalt  }
0x48: {  	_ =	shalt  }
0x49: {  	_ =	shalt  }
0x4a: {  	_ =	shalt  }
0x4b: {  	_ =	shalt  }
0x4c: {  	_ =	shalt  }
0x4d: {  	_ =	shalt  }
0x4e: {  	_ =	shalt  }
0x4f: {  	_ =	shalt  }
0x50: {  	_ =	shalt  }
0x51: {  	_ =	shalt  }
0x52: {  	_ =	shalt  }
0x53: {  	_ =	shalt  }
0x54: {  	_ =	shalt  }
0x55: {  	_ =	shalt  }
0x56: {  	_ =	shalt  }
0x57: {  	_ =	shalt  }
0x58: {  	_ =	shalt  }
0x59: {  	_ =	shalt  }
0x5a: {  	_ =	shalt  }
0x5b: {  	_ =	shalt  }
0x5c: {  	_ =	shalt  }
0x5d: {  	_ =	shalt  }
0x5e: {  	_ =	shalt  }
0x5f: {  	_ =	shalt  }
0x60: {  	_ =	shalt  }
0x61: {  	_ =	shalt  }
0x62: {  	_ =	shalt  }
0x63: {  	_ =	shalt  }
0x64: {  	_ =	shalt  }
0x65: {  	_ =	shalt  }
0x66: {  	_ =	shalt  }
0x67: {  	_ =	shalt  }
0x68: {  	_ =	shalt  }
0x69: {  	_ =	shalt  }
0x6a: {  	_ =	shalt  }
0x6b: {  	_ =	shalt  }
0x6c: {  	_ =	shalt  }
0x6d: {  	_ =	shalt  }
0x6e: {  	_ =	shalt  }
0x6f: {  	_ =	shalt  }
0x70: {  	_ =	shalt  }
0x71: {  	_ =	shalt  }
0x72: {  	_ =	shalt  }
0x73: {  	_ =	shalt  }
0x74: {  	_ =	shalt  }
0x75: {  	_ =	shalt  }
0x76: {  	_ =	shalt  }
0x77: {  	_ =	shalt  }
0x78: {  	_ =	shalt  }
0x79: {  	_ =	shalt  }
0x7a: {  	_ =	shalt  }
0x7b: {  	_ =	shalt  }
0x7c: {  	_ =	shalt  }
0x7d: {  	_ =	shalt  }
0x7e: {  	_ =	shalt  }
0x7f: {  	_ =	shalt  }
0x80: {  	_ =	shalt  }
0x81: {  	_ =	shalt  }
0x82: {  	_ =	shalt  }
0x83: {  	_ =	shalt  }
0x84: {  	_ =	shalt  }
0x85: {  	_ =	shalt  }
0x86: {  	_ =	shalt  }
0x87: {  	_ =	shalt  }
.Lfunc_end0:
.L_simem_size_0:
called_computation_lowered:
.L_overlay_start_0:
0x88: {  	s2 =	sld [smem:$0x3FD9]  }
0x89: {  	s3 =	sld [smem:$0x3FFE];
	_ =	sdelay $0x1  }
0x8a: {  	s1 =	srdreg.scid  }
0x8b: {  	s0 =	sand.u32 $0x1, s1  }
0x8c: {  	s17 =	sshll.u32 s0, $0xA;
	s2 =	sadd.s32 s3, s2  }
0x8d: {  	s2 =	sadd.s32 s2, s17  }
0x8e: {  	[smem:$0x3FC0] =	sst s2  }
0x8f: {  	_ = 	snop  }
0x90: {  	s2 =	sld [smem:$0x3FD0];
	(tm) =	ssettm $0x1  }
0x91: {  	s18 =	sld [smem:$0x3FFB];
	_ =	sdelay $0x3  }
0x92: {  	_ =	strace s18  }
0x93: {  	s3 =	sld [smem:$0x3FFC];
	_ =	sdelay $0x3  }
0x94: {  	_ =	strace s3  }
0x95: {  	s3 =	sld [smem:$0x3FFD];
	_ =	sdelay $0x3  }
0x96: {  	_ =	strace s3  }
0x97: {  	_ =	strace $0x8FFFFFFF  }
0x98: {  	s19 =	sld [smem:$0x3FDB];
	_ =	sdelay $0x1  }
0x99: {  	s4 =	simm.s32 $_scs_section_size  }
0x9a: {  	s5 =	simm.s32 $_size__tile_overlayer_lowered;
	s6 =	simm.s32 $_tile_overlayer_lowered  }
0x9b: {  	s22 =	simm.s32 $0x1BFF;
	s21 =	sshll.u32 s6, $0x1;
	s3 =	sadd.s32 s4, s19  }
0x9c: {  	s7 =	simm.s32 $0x0;
	s20 =	sshll.u32 s5, $0x1;
	s5 =	sadd.s32 s21, s3  }
0x9d: {  	[timem:s7], [sflag:s22] =	dma.local [hbm:s5], s20  }
0x9e: {  	_ =	swait.ge [sflag:s22], s20  }
0x9f: {  	s4 =	ssub.s32 $0x0, s20;
	[sflag:s22] =	ssyncset.done $0x0  }
0xa0: {  	[sflag:s22] =	ssyncadd.s32 s4;
	_ =	sdelay $0x1  }
0xa1: {  	s23 =	simm.s32 $0x1B8B  }
0xa2: {  	_ =	swait.ge [sflag:s23], $0x1  }
0xa3: {  	[sflag:s23] =	ssyncset.done $0x0  }
0xa4: {  	s25 =	simm.s32 $0x1B8E;
	s24 =	sld [smem:$0x3FFE];
	[sflag:s23] =	ssyncadd.s32 $0xFFFFFFFF  }
0xa5: {  	s26 =	simm.s32 $execute0_lowered;
	[smem:$0x3FD2] =	sst s25  }
0xa6: {  	s5 =	sshll.u32 s26, $0x1;
	_ =	strace $0x80000046;
	[dreg:$0x1] =	wrdreg $0xFFFFFFFF  }
0xa7: {  	s28 =	simm.s32 $_size_execute0_lowered;
	s3 =	sadd.s32 s3, s5;
	[dreg:$0x0] =	wrdreg $0x0  }
0xa8: {  	s5 =	sshll.u32 s28, $0x1;
	[dreg:$0x2] =	wrdreg s3  }
0xa9: {  	[dreg:$0x3] =	wrdreg s5  }
0xaa: {  	[dreg:$0x4] =	wrdreg $0xC0  }
0xab: {  	_ =	task [dreg:s7], $0x5FFFF  }
0xac: {  	[dreg:$0x1] =	wrdreg $0xFFFFFFFF  }
0xad: {  	[dreg:$0x0] =	wrdreg $0x60  }
0xae: {  	[dreg:$0x2] =	wrdreg s24  }
0xaf: {  	[dreg:$0x3] =	wrdreg s2  }
0xb0: {  	[dreg:$0x4] =	wrdreg $0x13000  }
0xb1: {  	[dreg:$0x5] =	wrdreg $0x15800  }
0xb2: {  	[dreg:$0x6] =	wrdreg $0x9  }
0xb3: {  	_ =	task.clear_ibuf [dreg:s7], $0x7FFFF;
	_ =	strace $0x90000046  }
0xb4: {  	s29 =	simm.s32 $0x9;
	_ =	strace $0x80000048  }
0xb5: {  	_ =	swait.ge [sflag:s29], $0x1  }
0xb6: {  	[sflag:s29] =	ssyncadd.s32 $0xFFFFFFFF  }
0xb7: {  	_ =	strace $0x90000048  }
0xb8: {  	_ =	sfence  }
0xb9: {  	s30 =	sld [smem:$0x0];
	_ =	sdelay $0x2  }
0xba: {  	s31 =	sshll.u32 s1, $0xD;
	s1 =	sshrl.u32 s1, $0x2  }
0xbb: {  	s3 =	sand.u32 $0x4000, s31;
	s1 =	sadd.s32 s1, s30  }
0xbc: {  	s0 =	sor.u32 s3, s0;
	s1 =	sshll.u32 s1, $0x11  }
0xbd: {  	s0 =	sor.u32 s1, s0  }
0xbe: {  	s0 =	sadd.s32 $0x8F2B, s0  }
0xbf: {  	[sflag:s0] =	ssyncadd.remote.s32 $0x1  }
0xc0: {  	_ =	sfence.sel $0xFFFF  }
0xc1: {  	[dreg:$0x0] =	wrdreg $0xFFFFFFFF;
	(pc) =	sbr.abs _section_cstart, $3  }
0xc2: {  	[dreg:$0x1] =	wrdreg $0xFFFFFFFF  }
0xc3: {  	_ =	task.clear_ibuf [dreg:s7], $0x2FFFF;
	_ =	strace $0x9FFFFFFF  }
0xc4: {  	(tm) =	ssettm $0x7FFFFFFF  }
0xc5: {  	_ =	shalt  }
tec
execute0_lowered:
.L_overlay_start_1:
0x0: {  	(tag) =	ssettag $0x1  }
0x1: {  	s0 =	rddreg [dreg:$0x0]  }
0x2: {  	s2 =	rddreg [dreg:$0x1]  }
0x3: {  	s1 =	rddreg [dreg:$0x2];
	s4 =	srdreg.scid  }
0x4: {  	s3 =	rddreg [dreg:$0x3];
	s12 =	stileid.u32  }
0x5: {  	s14 =	simm.s32 $0x900;
	s15 =	simm.s32 $0x180;
	s28 =	simm.s32 $0x4  }
0x6: {  	s29 =	simm.s32 $0xD80;
	s30 =	simm.s32 $0x600;
	s8 =	smul.u32 $0x280, s12  }
0x7: {  	s31 =	simm.s32 $0xE00;
	s7 =	sand.u32 $0x1, s4;
	s18 =	smul.u32 $0x4800, s12  }
0x8: {  	s4 =	simm.s32 $0x0;
	s19 =	smul.u32 $0x500, s12;
	s5 =	sshll.u32 s7, $0x4  }
0x9: {  	[smem:$0x7FF] =	sst s4;
	s6 =	ssub.s32 $0x2, s7;
	s11 =	smul.u32 $0x48000, s7  }
0xa: {  	s7 =	smul.u32 $0x5000, s7;
	_ =	strace $0x80000047;
	[dreg:$0x9] =	wrdreg s14  }
0xb: {  	s5 =	sor.u32 s12, s5;
	s10 =	sshrl.u32 s6, $0x1;
	[dreg:$0xa] =	wrdreg s15  }
0xc: {  	s14 =	simm.s32 $0x1080;
	s15 =	simm.s32 $0x6;
	s9 =	smul.u32 $0x4800, s5  }
0xd: {  	s5 =	sadd.s32 $0x2800, s0;
	s17 =	ssub.s32 s6, s10;
	s6 =	sadd.s32 s8, s1  }
0xe: {  	s11 =	sadd.s32 s18, s11;
	s8 =	sadd.s32 s8, s3;
	s18 =	simm.s32 $0x200  }
0xf: {  	s7 =	sadd.s32 s19, s7;
	s19 =	simm.s32 $0xA00;
	[dreg:$0xc] =	wrdreg s18  }
0x10: {  	s21 =	sadd.s32 $0x90800, s11;
	s23 =	sadd.s32 $0x90400, s11;
	[dreg:$0xd] =	wrdreg s19  }
0x11: {  	s24 =	sor.u32 $0x400, s11;
	s0 =	smax.u32 s17, $0x1;
	[dreg:$0x16] =	wrdreg s8  }
0x12: {  	s7 =	sshrl.u32 s7, $0x3;
	s16 =	sadd.s32 $0x800, s11;
	[dreg:$0x1a] =	wrdreg s0  }
0x13: {  	s17 =	simm.s32 $0x980;
	s18 =	simm.s32 $0x3;
	[dreg:$0x1b] =	wrdreg s16  }
0x14: {  	s9 =	sshrl.u32 s9, $0x3;
	s7 =	sadd.s32 s2, s7;
	[dreg:$0xb] =	wrdreg s17  }
0x15: {  	s22 =	sshrl.u32 s21, $0x3;
	s21 =	simm.s32 $0xA80;
	[dreg:$0x18] =	wrdreg s7  }
0x16: {  	s10 =	sshrl.u32 s23, $0x3;
	s23 =	simm.s32 $0xC80;
	[dreg:$0xf] =	wrdreg s21  }
0x17: {  	s26 =	sshrl.u32 s24, $0x3;
	s24 =	simm.s32 $0x500;
	[dreg:$0x11] =	wrdreg s23  }
0x18: {  	s19 =	simm.s32 $0x60;
	s13 =	sadd.s32 s5, s9;
	[dreg:$0x12] =	wrdreg s24  }
0x19: {  	s16 =	simm.s32 $0x800;
	s9 =	sadd.s32 s22, s5;
	[dreg:$0x15] =	wrdreg s13  }
0x1a: {  	s17 =	simm.s32 $0x1;
	s25 =	sadd.s32 s10, s5;
	[dreg:$0x5] =	wrdreg s9  }
0x1b: {  	s0 =	simm.s32 $0x680;
	s12 =	sadd.s32 s26, s5;
	[dreg:$0x6] =	wrdreg s25  }
0x1c: {  	s2 =	simm.s32 $0xE80;
	s7 =	sadd.s32 $0x10, s7;
	[dreg:$0x7] =	wrdreg s12  }
0x1d: {  	s22 =	simm.s32 $0x480;
	s21 =	simm.s32 $0x80;
	[dreg:$0x19] =	wrdreg s7  }
0x1e: {  	s26 =	simm.s32 $0x580;
	s23 =	simm.s32 $0x400;
	[dreg:$0x10] =	wrdreg s22  }
0x1f: {  	s24 =	simm.s32 $0xC00;
	s20 =	sadd.s32 $0x12000, s13;
	[dreg:$0x14] =	wrdreg s26  }
0x20: {  	s13 =	simm.s32 $0x880;
	s25 =	simm.s32 $0xD00;
	[dreg:$0x17] =	wrdreg s20  }
0x21: {  	s22 =	simm.s32 $0x100;
	s26 =	simm.s32 $0x2;
	[dreg:$0x8] =	wrdreg s13  }
0x22: {  	s9 =	simm.s32 $0x0;
	s20 =	simm.s32 $0x280;
	[dreg:$0x13] =	wrdreg s25  }
0x23: {  	v0 =	vimm.f32 $0.0e+00;
	v1 =	vimm.f32 $1.000000000e+00;
	s25 =	simm.s32 $0x5;
	[dreg:$0xe] =	wrdreg s20;
	s20 =	simm.s32 $0x1000  }
.LBB2_1:
0x24: {  	[tilespmem:$0x1080] =	vst v0  }
0x25: {  	[tilespmem:$0x1090] =	vst v0  }
0x26: {  	[tilespmem:$0x10A0] =	vst v0  }
0x27: {  	[tilespmem:$0x10B0] =	vst v0  }
0x28: {  	[tilespmem:$0x10C0] =	vst v0  }
0x29: {  	[tilespmem:$0x10D0] =	vst v0  }
0x2a: {  	[tilespmem:$0x10E0] =	vst v0  }
0x2b: {  	[tilespmem:$0x10F0] =	vst v0  }
0x2c: {  	[tilespmem:$0x1100] =	vst v0  }
0x2d: {  	[tilespmem:$0x1110] =	vst v0  }
0x2e: {  	[tilespmem:$0x1120] =	vst v0  }
0x2f: {  	[tilespmem:$0x1130] =	vst v0  }
0x30: {  	[tilespmem:$0x1140] =	vst v0  }
0x31: {  	[tilespmem:$0x1150] =	vst v0  }
0x32: {  	[tilespmem:$0x1160] =	vst v0  }
0x33: {  	[tilespmem:$0x1170] =	vst v0  }
0x34: {  	[tilespmem:$0x1180] =	vst v0  }
0x35: {  	[tilespmem:$0x1190] =	vst v0  }
0x36: {  	[tilespmem:$0x11A0] =	vst v0  }
0x37: {  	[tilespmem:$0x11B0] =	vst v0  }
0x38: {  	[tilespmem:$0x11C0] =	vst v0  }
0x39: {  	[tilespmem:$0x11D0] =	vst v0  }
0x3a: {  	[tilespmem:$0x11E0] =	vst v0  }
0x3b: {  	[tilespmem:$0x11F0] =	vst v0  }
0x3c: {  	[tilespmem:$0x1200] =	vst v0  }
0x3d: {  	[tilespmem:$0x1210] =	vst v0  }
0x3e: {  	[tilespmem:$0x1220] =	vst v0  }
0x3f: {  	[tilespmem:$0x1230] =	vst v0  }
0x40: {  	[tilespmem:$0x1240] =	vst v0  }
0x41: {  	[tilespmem:$0x1250] =	vst v0  }
0x42: {  	[tilespmem:$0x1260] =	vst v0  }
0x43: {  	[tilespmem:$0x1270] =	vst v0  }
0x44: {  	[tilespmem:$0x1280] =	vst v0  }
0x45: {  	[tilespmem:$0x1290] =	vst v0  }
0x46: {  	[tilespmem:$0x12A0] =	vst v0  }
0x47: {  	[tilespmem:$0x12B0] =	vst v0  }
0x48: {  	[tilespmem:$0x12C0] =	vst v0  }
0x49: {  	[tilespmem:$0x12D0] =	vst v0  }
0x4a: {  	[tilespmem:$0x12E0] =	vst v0  }
0x4b: {  	[tilespmem:$0x12F0] =	vst v0  }
0x4c: {  	[spmem:s6] =	stream.linear.scatter [tilespmem:s14], [sflag:$0x6], $0x280, $0x38;
	[tilespmem:$0x1800] =	vst v63  }
0x4d: {  	_ =	swait.ge [sflag:s15], $0x280  }
0x4e: {  	[sflag:s15] =	ssyncset.done $0x0  }
0x4f: {  	[sflag:s15] =	ssyncadd.s32 $0xFFFFFD80  }
0x50: {  	[spmem:s8] =	stream.linear.scatter [tilespmem:s14], [sflag:$0x6], $0x280, $0x38;
	[tilespmem:$0x1800] =	vst v63  }
0x51: {  	_ =	swait.ge [sflag:s15], $0x280  }
0x52: {  	[sflag:s15] =	ssyncset.done $0x0  }
0x53: {  	[sflag:s15] =	ssyncadd.s32 $0xFFFFFD80  }
0x54: {  	[tilespmem:$0x1000] =	vst v1  }
0x55: {  	[tilespmem:$0x1010] =	vst v1  }
0x56: {  	[tilespmem:$0x1020] =	vst v1  }
0x57: {  	[tilespmem:$0x1030] =	vst v1  }
0x58: {  	[tilespmem:$0x1040] =	vst v1  }
0x59: {  	[tilespmem:$0x1050] =	vst v1  }
0x5a: {  	[bflag:$0x0] =	sbarrier.arrive $0xFFFF  }
0x5b: {  	s13 =	rddreg [dreg:$0x15]  }
0x5c: {  	[tilespmem:s4], [sflag:$0x1] =	stream.linear.gather [hbm4b:s13+s4], $0x300, $0x38;
	[tilespmem:$0x1800] =	vst v63  }
0x5d: {  	s7 =	rddreg [dreg:$0x17]  }
0x5e: {  	[tilespmem:s16], [sflag:$0x3] =	stream.linear.gather [hbm4b:s7+s4], $0x300, $0x38;
	[tilespmem:$0x1800] =	vst v63  }
0x5f: {  	_ =	swait.ge [sflag:s17], $0x300  }
0x60: {  	[sflag:s17] =	ssyncset.done $0x0  }
0x61: {  	[sflag:s17] =	ssyncadd.s32 $0xFFFFFD00  }
0x62: {  	_ =	swait.ge [sflag:s18], $0x300  }
0x63: {  	[sflag:s18] =	ssyncset.done $0x0  }
0x64: {  	[sflag:s18] =	ssyncadd.s32 $0xFFFFFD00  }
0x65: {  	[spmem:s1] =	stream.indirect.scatter.add.f32 [tilespmem:s20], [sflag:$0x5], $0x1, s4, s19, $0xb8;
	[tilespmem:$0x1800] =	vst v63  }
0x66: {  	_ = 	snop  }
0x67: {  	[spmem:s3] =	stream.indirect.scatter.add.f32 [tilespmem:s20], [sflag:$0x5], $0x1, s16, s19, $0xb8;
	[tilespmem:$0x1800] =	vst v63  }
0x68: {  	_ = 	snop  }
0x69: {  	[spmem:s1] =	stream.indirect.scatter.add.f32 [tilespmem:s20], [sflag:$0x5], $0x1, s21, s19, $0xb8;
	[tilespmem:$0x1800] =	vst v63  }
0x6a: {  	s7 =	rddreg [dreg:$0x8]  }
0x6b: {  	[spmem:s3] =	stream.indirect.scatter.add.f32 [tilespmem:s20], [sflag:$0x5], $0x1, s7, s19, $0xb8;
	[tilespmem:$0x1800] =	vst v63  }
0x6c: {  	s12 =	rddreg [dreg:$0x7]  }
0x6d: {  	[spmem:s1] =	stream.indirect.scatter.add.f32 [tilespmem:s20], [sflag:$0x5], $0x1, s22, s19, $0xb8;
	[tilespmem:$0x1800] =	vst v63  }
0x6e: {  	s8 =	rddreg [dreg:$0x9]  }
0x6f: {  	[spmem:s3] =	stream.indirect.scatter.add.f32 [tilespmem:s20], [sflag:$0x5], $0x1, s8, s19, $0xb8;
	[tilespmem:$0x1800] =	vst v63  }
0x70: {  	s13 =	rddreg [dreg:$0xa]  }
0x71: {  	[spmem:s1] =	stream.indirect.scatter.add.f32 [tilespmem:s20], [sflag:$0x5], $0x1, s13, s19, $0xb8;
	[tilespmem:$0x1800] =	vst v63  }
0x72: {  	s10 =	rddreg [dreg:$0xb]  }
0x73: {  	[spmem:s3] =	stream.indirect.scatter.add.f32 [tilespmem:s20], [sflag:$0x5], $0x1, s10, s19, $0xb8;
	[tilespmem:$0x1800] =	vst v63  }
0x74: {  	s11 =	smov.u32 s6;
	s6 =	rddreg [dreg:$0xc]  }
0x75: {  	[spmem:s1] =	stream.indirect.scatter.add.f32 [tilespmem:s20], [sflag:$0x5], $0x1, s6, s19, $0xb8;
	[tilespmem:$0x1800] =	vst v63  }
0x76: {  	s8 =	rddreg [dreg:$0xd]  }
0x77: {  	[spmem:s3] =	stream.indirect.scatter.add.f32 [tilespmem:s20], [sflag:$0x5], $0x1, s8, s19, $0xb8;
	[tilespmem:$0x1800] =	vst v63  }
0x78: {  	s10 =	rddreg [dreg:$0xe]  }
0x79: {  	[spmem:s1] =	stream.indirect.scatter.add.f32 [tilespmem:s20], [sflag:$0x5], $0x1, s10, s19, $0xb8;
	[tilespmem:$0x1800] =	vst v63  }
0x7a: {  	s6 =	rddreg [dreg:$0xf]  }
0x7b: {  	[spmem:s3] =	stream.indirect.scatter.add.f32 [tilespmem:s20], [sflag:$0x5], $0x1, s6, s19, $0xb8;
	[tilespmem:$0x1800] =	vst v63  }
0x7c: {  	s8 =	rddreg [dreg:$0x6];
	s10 =	sadd.s32 $0x0, s12  }
0x7d: {  	[tilespmem:s23], [sflag:$0x2] =	stream.linear.gather [hbm4b:s10+s4], $0x300, $0x38;
	[tilespmem:$0x1800] =	vst v63  }
0x7e: {  	s12 =	sadd.s32 $0x0, s8  }
0x7f: {  	[tilespmem:s24], [sflag:$0x4] =	stream.linear.gather [hbm4b:s12+s4], $0x300, $0x38;
	[tilespmem:$0x1800] =	vst v63  }
0x80: {  	_ =	swait.ge [sflag:s25], $0x60  }
0x81: {  	[sflag:s25] =	ssyncset.done $0x0  }
0x82: {  	[sflag:s25] =	ssyncadd.s32 $0xFFFFFFA0  }
0x83: {  	_ =	swait.ge [sflag:s25], $0x60  }
0x84: {  	[sflag:s25] =	ssyncset.done $0x0  }
0x85: {  	[sflag:s25] =	ssyncadd.s32 $0xFFFFFFA0  }
0x86: {  	_ =	swait.ge [sflag:s25], $0x60  }
0x87: {  	[sflag:s25] =	ssyncset.done $0x0  }
0x88: {  	[sflag:s25] =	ssyncadd.s32 $0xFFFFFFA0  }
0x89: {  	_ =	swait.ge [sflag:s25], $0x60  }
0x8a: {  	[sflag:s25] =	ssyncset.done $0x0  }
0x8b: {  	[sflag:s25] =	ssyncadd.s32 $0xFFFFFFA0  }
0x8c: {  	_ =	swait.ge [sflag:s25], $0x60  }
0x8d: {  	[sflag:s25] =	ssyncset.done $0x0  }
0x8e: {  	[sflag:s25] =	ssyncadd.s32 $0xFFFFFFA0  }
0x8f: {  	_ =	swait.ge [sflag:s25], $0x60  }
0x90: {  	[sflag:s25] =	ssyncset.done $0x0  }
0x91: {  	[sflag:s25] =	ssyncadd.s32 $0xFFFFFFA0  }
0x92: {  	_ =	swait.ge [sflag:s25], $0x60  }
0x93: {  	[sflag:s25] =	ssyncset.done $0x0  }
0x94: {  	[sflag:s25] =	ssyncadd.s32 $0xFFFFFFA0  }
0x95: {  	_ =	swait.ge [sflag:s25], $0x60  }
0x96: {  	[sflag:s25] =	ssyncset.done $0x0  }
0x97: {  	[sflag:s25] =	ssyncadd.s32 $0xFFFFFFA0  }
0x98: {  	_ =	swait.ge [sflag:s25], $0x60  }
0x99: {  	[sflag:s25] =	ssyncset.done $0x0  }
0x9a: {  	[sflag:s25] =	ssyncadd.s32 $0xFFFFFFA0  }
0x9b: {  	_ =	swait.ge [sflag:s25], $0x60  }
0x9c: {  	[sflag:s25] =	ssyncset.done $0x0  }
0x9d: {  	[sflag:s25] =	ssyncadd.s32 $0xFFFFFFA0  }
0x9e: {  	_ =	swait.ge [sflag:s25], $0x60  }
0x9f: {  	[sflag:s25] =	ssyncset.done $0x0  }
0xa0: {  	[sflag:s25] =	ssyncadd.s32 $0xFFFFFFA0  }
0xa1: {  	_ =	swait.ge [sflag:s25], $0x60  }
0xa2: {  	[sflag:s25] =	ssyncset.done $0x0  }
0xa3: {  	[sflag:s25] =	ssyncadd.s32 $0xFFFFFFA0  }
0xa4: {  	_ =	swait.ge [sflag:s26], $0x300  }
0xa5: {  	[sflag:s26] =	ssyncset.done $0x0  }
0xa6: {  	[sflag:s26] =	ssyncadd.s32 $0xFFFFFD00  }
0xa7: {  	_ =	swait.ge [sflag:s28], $0x300  }
0xa8: {  	[sflag:s28] =	ssyncset.done $0x0  }
0xa9: {  	[sflag:s28] =	ssyncadd.s32 $0xFFFFFD00  }
0xaa: {  	[spmem:s1] =	stream.indirect.scatter.add.f32 [tilespmem:s20], [sflag:$0x5], $0x1, s23, s19, $0xb8;
	[tilespmem:$0x1800] =	vst v63  }
0xab: {  	_ = 	snop  }
0xac: {  	[spmem:s3] =	stream.indirect.scatter.add.f32 [tilespmem:s20], [sflag:$0x5], $0x1, s24, s19, $0xb8;
	[tilespmem:$0x1800] =	vst v63  }
0xad: {  	s13 =	rddreg [dreg:$0x10]  }
0xae: {  	[spmem:s1] =	stream.indirect.scatter.add.f32 [tilespmem:s20], [sflag:$0x5], $0x1, s13, s19, $0xb8;
	[tilespmem:$0x1800] =	vst v63  }
0xaf: {  	s6 =	rddreg [dreg:$0x11]  }
0xb0: {  	[spmem:s3] =	stream.indirect.scatter.add.f32 [tilespmem:s20], [sflag:$0x5], $0x1, s6, s19, $0xb8;
	[tilespmem:$0x1800] =	vst v63  }
0xb1: {  	s8 =	rddreg [dreg:$0x12]  }
0xb2: {  	[spmem:s1] =	stream.indirect.scatter.add.f32 [tilespmem:s20], [sflag:$0x5], $0x1, s8, s19, $0xb8;
	[tilespmem:$0x1800] =	vst v63  }
0xb3: {  	s10 =	rddreg [dreg:$0x13]  }
0xb4: {  	[spmem:s3] =	stream.indirect.scatter.add.f32 [tilespmem:s20], [sflag:$0x5], $0x1, s10, s19, $0xb8;
	[tilespmem:$0x1800] =	vst v63  }
0xb5: {  	s13 =	rddreg [dreg:$0x14]  }
0xb6: {  	[spmem:s1] =	stream.indirect.scatter.add.f32 [tilespmem:s20], [sflag:$0x5], $0x1, s13, s19, $0xb8;
	[tilespmem:$0x1800] =	vst v63  }
0xb7: {  	_ = 	snop  }
0xb8: {  	[spmem:s3] =	stream.indirect.scatter.add.f32 [tilespmem:s20], [sflag:$0x5], $0x1, s29, s19, $0xb8;
	[tilespmem:$0x1800] =	vst v63  }
0xb9: {  	_ = 	snop  }
0xba: {  	[spmem:s1] =	stream.indirect.scatter.add.f32 [tilespmem:s20], [sflag:$0x5], $0x1, s30, s19, $0xb8;
	[tilespmem:$0x1800] =	vst v63  }
0xbb: {  	_ = 	snop  }
0xbc: {  	[spmem:s3] =	stream.indirect.scatter.add.f32 [tilespmem:s20], [sflag:$0x5], $0x1, s31, s19, $0xb8;
	[tilespmem:$0x1800] =	vst v63  }
0xbd: {  	p0 =	por $0x0, $0x0;
	s6 =	rddreg [dreg:$0x1b]  }
0xbe: {  	[spmem:s1] =	stream.indirect.scatter.add.f32 [tilespmem:s20], [sflag:$0x5], $0x1, s0, s19, $0xb8;
	[tilespmem:$0x1800] =	vst v63  }
0xbf: {  	s12 =	sshrl.u32 @!p0 s6, $0x3  }
0xc0: {  	[spmem:s3] =	stream.indirect.scatter.add.f32 [tilespmem:s20], [sflag:$0x5], $0x1, s2, s19, $0xb8;
	[tilespmem:$0x1800] =	vst v63  }
0xc1: {  	s7 =	rddreg [dreg:$0x5];
	s12 =	sadd.s32 @!p0 s5, s12;
	s13 =	simm.s32 @!p0 $0x0  }
0xc2: {  	[tilespmem:s13], [sflag:$0x1] =	stream.linear.gather @!p0 [hbm4b:s12+s13], $0x300, $0x38;
	[tilespmem:$0x1800] =	vst v63  }
0xc3: {  	s7 =	sadd.s32 @!p0 $0x0, s7;
	s12 =	simm.s32 @!p0 $0x800  }
0xc4: {  	[tilespmem:s12], [sflag:$0x3] =	stream.linear.gather @!p0 [hbm4b:s7+s13], $0x300, $0x38;
	[tilespmem:$0x1800] =	vst v63  }
0xc5: {  	_ =	swait.ge [sflag:s25], $0x60  }
0xc6: {  	[sflag:s25] =	ssyncset.done $0x0  }
0xc7: {  	[sflag:s25] =	ssyncadd.s32 $0xFFFFFFA0  }
0xc8: {  	_ =	swait.ge [sflag:s25], $0x60  }
0xc9: {  	[sflag:s25] =	ssyncset.done $0x0  }
0xca: {  	[sflag:s25] =	ssyncadd.s32 $0xFFFFFFA0  }
0xcb: {  	_ =	swait.ge [sflag:s25], $0x60  }
0xcc: {  	[sflag:s25] =	ssyncset.done $0x0  }
0xcd: {  	[sflag:s25] =	ssyncadd.s32 $0xFFFFFFA0  }
0xce: {  	_ =	swait.ge [sflag:s25], $0x60  }
0xcf: {  	[sflag:s25] =	ssyncset.done $0x0  }
0xd0: {  	[sflag:s25] =	ssyncadd.s32 $0xFFFFFFA0  }
0xd1: {  	_ =	swait.ge [sflag:s25], $0x60  }
0xd2: {  	[sflag:s25] =	ssyncset.done $0x0  }
0xd3: {  	[sflag:s25] =	ssyncadd.s32 $0xFFFFFFA0  }
0xd4: {  	_ =	swait.ge [sflag:s25], $0x60  }
0xd5: {  	[sflag:s25] =	ssyncset.done $0x0  }
0xd6: {  	[sflag:s25] =	ssyncadd.s32 $0xFFFFFFA0  }
0xd7: {  	_ =	swait.ge [sflag:s25], $0x60  }
0xd8: {  	[sflag:s25] =	ssyncset.done $0x0  }
0xd9: {  	[sflag:s25] =	ssyncadd.s32 $0xFFFFFFA0  }
0xda: {  	_ =	swait.ge [sflag:s25], $0x60  }
0xdb: {  	[sflag:s25] =	ssyncset.done $0x0  }
0xdc: {  	[sflag:s25] =	ssyncadd.s32 $0xFFFFFFA0  }
0xdd: {  	_ =	swait.ge [sflag:s25], $0x60  }
0xde: {  	[sflag:s25] =	ssyncset.done $0x0  }
0xdf: {  	[sflag:s25] =	ssyncadd.s32 $0xFFFFFFA0  }
0xe0: {  	_ =	swait.ge [sflag:s25], $0x60  }
0xe1: {  	[sflag:s25] =	ssyncset.done $0x0  }
0xe2: {  	[sflag:s25] =	ssyncadd.s32 $0xFFFFFFA0  }
0xe3: {  	_ =	swait.ge [sflag:s25], $0x60  }
0xe4: {  	[sflag:s25] =	ssyncset.done $0x0  }
0xe5: {  	[sflag:s25] =	ssyncadd.s32 $0xFFFFFFA0  }
0xe6: {  	s7 =	simm.s32 $0x100;
	s13 =	smov.u32 s6;
	_ =	swait.ge [sflag:s25], $0x60  }
.LBB2_2:
0xe7: {  	[sflag:s25] =	ssyncset.done $0x0  }
0xe8: {  	[sflag:s25] =	ssyncadd.s32 $0xFFFFFFA0  }
0xe9: {  	_ =	swait.ge [sflag:s17], $0x300  }
0xea: {  	[sflag:s17] =	ssyncset.done $0x0  }
0xeb: {  	[sflag:s17] =	ssyncadd.s32 $0xFFFFFD00  }
0xec: {  	_ =	swait.ge [sflag:s18], $0x300  }
0xed: {  	[sflag:s18] =	ssyncset.done $0x0  }
0xee: {  	[sflag:s18] =	ssyncadd.s32 $0xFFFFFD00  }
0xef: {  	[spmem:s1] =	stream.indirect.scatter.add.f32 [tilespmem:s20], [sflag:$0x5], $0x1, s4, s19, $0xb8;
	[tilespmem:$0x1800] =	vst v63  }
0xf0: {  	_ = 	snop  }
0xf1: {  	[spmem:s3] =	stream.indirect.scatter.add.f32 [tilespmem:s20], [sflag:$0x5], $0x1, s16, s19, $0xb8;
	[tilespmem:$0x1800] =	vst v63  }
0xf2: {  	_ = 	snop  }
0xf3: {  	[spmem:s1] =	stream.indirect.scatter.add.f32 [tilespmem:s20], [sflag:$0x5], $0x1, s21, s19, $0xb8;
	[tilespmem:$0x1800] =	vst v63  }
0xf4: {  	s10 =	rddreg [dreg:$0x8]  }
0xf5: {  	[spmem:s3] =	stream.indirect.scatter.add.f32 [tilespmem:s20], [sflag:$0x5], $0x1, s10, s19, $0xb8;
	[tilespmem:$0x1800] =	vst v63  }
0xf6: {  	s6 =	rddreg [dreg:$0x7]  }
0xf7: {  	[spmem:s1] =	stream.indirect.scatter.add.f32 [tilespmem:s20], [sflag:$0x5], $0x1, s22, s19, $0xb8;
	[tilespmem:$0x1800] =	vst v63  }
0xf8: {  	s10 =	rddreg [dreg:$0x9]  }
0xf9: {  	[spmem:s3] =	stream.indirect.scatter.add.f32 [tilespmem:s20], [sflag:$0x5], $0x1, s10, s19, $0xb8;
	[tilespmem:$0x1800] =	vst v63  }
0xfa: {  	s8 =	rddreg [dreg:$0xa]  }
0xfb: {  	[spmem:s1] =	stream.indirect.scatter.add.f32 [tilespmem:s20], [sflag:$0x5], $0x1, s8, s19, $0xb8;
	[tilespmem:$0x1800] =	vst v63  }
0xfc: {  	s10 =	rddreg [dreg:$0xb]  }
0xfd: {  	[spmem:s3] =	stream.indirect.scatter.add.f32 [tilespmem:s20], [sflag:$0x5], $0x1, s10, s19, $0xb8;
	[tilespmem:$0x1800] =	vst v63  }
0xfe: {  	s8 =	rddreg [dreg:$0xc]  }
0xff: {  	[spmem:s1] =	stream.indirect.scatter.add.f32 [tilespmem:s20], [sflag:$0x5], $0x1, s8, s19, $0xb8;
	[tilespmem:$0x1800] =	vst v63  }
0x100: {  	s10 =	rddreg [dreg:$0xd]  }
0x101: {  	[spmem:s3] =	stream.indirect.scatter.add.f32 [tilespmem:s20], [sflag:$0x5], $0x1, s10, s19, $0xb8;
	[tilespmem:$0x1800] =	vst v63  }
0x102: {  	s8 =	rddreg [dreg:$0xe]  }
0x103: {  	[spmem:s1] =	stream.indirect.scatter.add.f32 [tilespmem:s20], [sflag:$0x5], $0x1, s8, s19, $0xb8;
	[tilespmem:$0x1800] =	vst v63  }
0x104: {  	s12 =	smov.u32 s7;
	s10 =	rddreg [dreg:$0xf]  }
0x105: {  	[spmem:s3] =	stream.indirect.scatter.add.f32 [tilespmem:s20], [sflag:$0x5], $0x1, s10, s19, $0xb8;
	[tilespmem:$0x1800] =	vst v63  }
0x106: {  	s6 =	sadd.s32 s12, s6;
	s8 =	rddreg [dreg:$0x6]  }
0x107: {  	[tilespmem:s23], [sflag:$0x2] =	stream.linear.gather [hbm4b:s6+s4], $0x300, $0x38;
	[tilespmem:$0x1800] =	vst v63  }
0x108: {  	s8 =	sadd.s32 s12, s8  }
0x109: {  	[tilespmem:s24], [sflag:$0x4] =	stream.linear.gather [hbm4b:s8+s4], $0x300, $0x38;
	[tilespmem:$0x1800] =	vst v63  }
0x10a: {  	_ =	swait.ge [sflag:s25], $0x60  }
0x10b: {  	[sflag:s25] =	ssyncset.done $0x0  }
0x10c: {  	[sflag:s25] =	ssyncadd.s32 $0xFFFFFFA0  }
0x10d: {  	_ =	swait.ge [sflag:s25], $0x60  }
0x10e: {  	[sflag:s25] =	ssyncset.done $0x0  }
0x10f: {  	[sflag:s25] =	ssyncadd.s32 $0xFFFFFFA0  }
0x110: {  	_ =	swait.ge [sflag:s25], $0x60  }
0x111: {  	[sflag:s25] =	ssyncset.done $0x0  }
0x112: {  	[sflag:s25] =	ssyncadd.s32 $0xFFFFFFA0  }
0x113: {  	_ =	swait.ge [sflag:s25], $0x60  }
0x114: {  	[sflag:s25] =	ssyncset.done $0x0  }
0x115: {  	[sflag:s25] =	ssyncadd.s32 $0xFFFFFFA0  }
0x116: {  	_ =	swait.ge [sflag:s25], $0x60  }
0x117: {  	[sflag:s25] =	ssyncset.done $0x0  }
0x118: {  	[sflag:s25] =	ssyncadd.s32 $0xFFFFFFA0  }
0x119: {  	_ =	swait.ge [sflag:s25], $0x60  }
0x11a: {  	[sflag:s25] =	ssyncset.done $0x0  }
0x11b: {  	[sflag:s25] =	ssyncadd.s32 $0xFFFFFFA0  }
0x11c: {  	_ =	swait.ge [sflag:s25], $0x60  }
0x11d: {  	[sflag:s25] =	ssyncset.done $0x0  }
0x11e: {  	[sflag:s25] =	ssyncadd.s32 $0xFFFFFFA0  }
0x11f: {  	_ =	swait.ge [sflag:s25], $0x60  }
0x120: {  	[sflag:s25] =	ssyncset.done $0x0  }
0x121: {  	[sflag:s25] =	ssyncadd.s32 $0xFFFFFFA0  }
0x122: {  	_ =	swait.ge [sflag:s25], $0x60  }
0x123: {  	[sflag:s25] =	ssyncset.done $0x0  }
0x124: {  	[sflag:s25] =	ssyncadd.s32 $0xFFFFFFA0  }
0x125: {  	_ =	swait.ge [sflag:s25], $0x60  }
0x126: {  	[sflag:s25] =	ssyncset.done $0x0  }
0x127: {  	[sflag:s25] =	ssyncadd.s32 $0xFFFFFFA0  }
0x128: {  	_ =	swait.ge [sflag:s25], $0x60  }
0x129: {  	[sflag:s25] =	ssyncset.done $0x0  }
0x12a: {  	[sflag:s25] =	ssyncadd.s32 $0xFFFFFFA0  }
0x12b: {  	_ =	swait.ge [sflag:s25], $0x60  }
0x12c: {  	[sflag:s25] =	ssyncset.done $0x0  }
0x12d: {  	[sflag:s25] =	ssyncadd.s32 $0xFFFFFFA0  }
0x12e: {  	_ =	swait.ge [sflag:s26], $0x300  }
0x12f: {  	[sflag:s26] =	ssyncset.done $0x0  }
0x130: {  	[sflag:s26] =	ssyncadd.s32 $0xFFFFFD00  }
0x131: {  	_ =	swait.ge [sflag:s28], $0x300  }
0x132: {  	[sflag:s28] =	ssyncset.done $0x0  }
0x133: {  	[sflag:s28] =	ssyncadd.s32 $0xFFFFFD00  }
0x134: {  	[spmem:s1] =	stream.indirect.scatter.add.f32 [tilespmem:s20], [sflag:$0x5], $0x1, s23, s19, $0xb8;
	[tilespmem:$0x1800] =	vst v63  }
0x135: {  	_ = 	snop  }
0x136: {  	[spmem:s3] =	stream.indirect.scatter.add.f32 [tilespmem:s20], [sflag:$0x5], $0x1, s24, s19, $0xb8;
	[tilespmem:$0x1800] =	vst v63  }
0x137: {  	s10 =	rddreg [dreg:$0x10]  }
0x138: {  	[spmem:s1] =	stream.indirect.scatter.add.f32 [tilespmem:s20], [sflag:$0x5], $0x1, s10, s19, $0xb8;
	[tilespmem:$0x1800] =	vst v63  }
0x139: {  	s8 =	rddreg [dreg:$0x11]  }
0x13a: {  	[spmem:s3] =	stream.indirect.scatter.add.f32 [tilespmem:s20], [sflag:$0x5], $0x1, s8, s19, $0xb8;
	[tilespmem:$0x1800] =	vst v63  }
0x13b: {  	s10 =	rddreg [dreg:$0x12]  }
0x13c: {  	[spmem:s1] =	stream.indirect.scatter.add.f32 [tilespmem:s20], [sflag:$0x5], $0x1, s10, s19, $0xb8;
	[tilespmem:$0x1800] =	vst v63  }
0x13d: {  	s8 =	rddreg [dreg:$0x13]  }
0x13e: {  	[spmem:s3] =	stream.indirect.scatter.add.f32 [tilespmem:s20], [sflag:$0x5], $0x1, s8, s19, $0xb8;
	[tilespmem:$0x1800] =	vst v63  }
0x13f: {  	s10 =	rddreg [dreg:$0x14]  }
0x140: {  	[spmem:s1] =	stream.indirect.scatter.add.f32 [tilespmem:s20], [sflag:$0x5], $0x1, s10, s19, $0xb8;
	[tilespmem:$0x1800] =	vst v63  }
0x141: {  	_ = 	snop  }
0x142: {  	[spmem:s3] =	stream.indirect.scatter.add.f32 [tilespmem:s20], [sflag:$0x5], $0x1, s29, s19, $0xb8;
	[tilespmem:$0x1800] =	vst v63  }
0x143: {  	_ = 	snop  }
0x144: {  	[spmem:s1] =	stream.indirect.scatter.add.f32 [tilespmem:s20], [sflag:$0x5], $0x1, s30, s19, $0xb8;
	[tilespmem:$0x1800] =	vst v63  }
0x145: {  	_ = 	snop  }
0x146: {  	[spmem:s3] =	stream.indirect.scatter.add.f32 [tilespmem:s20], [sflag:$0x5], $0x1, s31, s19, $0xb8;
	[tilespmem:$0x1800] =	vst v63  }
0x147: {  	s13 =	sadd.s32 $0x800, s13;
	p1 =	seq.s32 s12, $0x800  }
0x148: {  	[spmem:s1] =	stream.indirect.scatter.add.f32 [tilespmem:s20], [sflag:$0x5], $0x1, s0, s19, $0xb8;
	[tilespmem:$0x1800] =	vst v63  }
0x149: {  	s8 =	sshrl.u32 @!p1 s13, $0x3  }
0x14a: {  	[spmem:s3] =	stream.indirect.scatter.add.f32 [tilespmem:s20], [sflag:$0x5], $0x1, s2, s19, $0xb8;
	[tilespmem:$0x1800] =	vst v63  }
0x14b: {  	s6 =	rddreg [dreg:$0x5];
	s8 =	sadd.s32 @!p1 s5, s8;
	s10 =	simm.s32 @!p1 $0x0  }
0x14c: {  	[tilespmem:s10], [sflag:$0x1] =	stream.linear.gather @!p1 [hbm4b:s8+s10], $0x300, $0x38;
	[tilespmem:$0x1800] =	vst v63  }
0x14d: {  	s6 =	sadd.s32 @!p1 s12, s6;
	s12 =	simm.s32 @!p1 $0x800  }
0x14e: {  	[tilespmem:s12], [sflag:$0x3] =	stream.linear.gather @!p1 [hbm4b:s6+s10], $0x300, $0x38;
	[tilespmem:$0x1800] =	vst v63  }
0x14f: {  	_ =	swait.ge [sflag:s25], $0x60  }
0x150: {  	[sflag:s25] =	ssyncset.done $0x0  }
0x151: {  	[sflag:s25] =	ssyncadd.s32 $0xFFFFFFA0  }
0x152: {  	_ =	swait.ge [sflag:s25], $0x60  }
0x153: {  	[sflag:s25] =	ssyncset.done $0x0  }
0x154: {  	[sflag:s25] =	ssyncadd.s32 $0xFFFFFFA0  }
0x155: {  	_ =	swait.ge [sflag:s25], $0x60  }
0x156: {  	[sflag:s25] =	ssyncset.done $0x0  }
0x157: {  	[sflag:s25] =	ssyncadd.s32 $0xFFFFFFA0  }
0x158: {  	_ =	swait.ge [sflag:s25], $0x60  }
0x159: {  	[sflag:s25] =	ssyncset.done $0x0  }
0x15a: {  	[sflag:s25] =	ssyncadd.s32 $0xFFFFFFA0  }
0x15b: {  	_ =	swait.ge [sflag:s25], $0x60  }
0x15c: {  	[sflag:s25] =	ssyncset.done $0x0  }
0x15d: {  	[sflag:s25] =	ssyncadd.s32 $0xFFFFFFA0  }
0x15e: {  	_ =	swait.ge [sflag:s25], $0x60  }
0x15f: {  	[sflag:s25] =	ssyncset.done $0x0  }
0x160: {  	[sflag:s25] =	ssyncadd.s32 $0xFFFFFFA0  }
0x161: {  	_ =	swait.ge [sflag:s25], $0x60  }
0x162: {  	[sflag:s25] =	ssyncset.done $0x0  }
0x163: {  	[sflag:s25] =	ssyncadd.s32 $0xFFFFFFA0  }
0x164: {  	_ =	swait.ge [sflag:s25], $0x60  }
0x165: {  	[sflag:s25] =	ssyncset.done $0x0  }
0x166: {  	[sflag:s25] =	ssyncadd.s32 $0xFFFFFFA0  }
0x167: {  	_ =	swait.ge [sflag:s25], $0x60  }
0x168: {  	[sflag:s25] =	ssyncset.done $0x0  }
0x169: {  	[sflag:s25] =	ssyncadd.s32 $0xFFFFFFA0  }
0x16a: {  	s7 =	sadd.s32 $0x100, s7;
	_ =	swait.ge [sflag:s25], $0x60  }
0x16b: {  	p0 =	sne.s32 s7, $0x900;
	[sflag:s25] =	ssyncset.done $0x0  }
.Ltmp0:
0x16c: {  	[sflag:s25] =	ssyncadd.s32 $0xFFFFFFA0;
	(pc) =	sbr.rel @p0 .LBB2_2-.Ltmp0, $4  }
0x16d: {  	_ =	swait.ge [sflag:s25], $0x60  }
0x16e: {  	[sflag:s25] =	ssyncset.done $0x0  }
0x16f: {  	[sflag:s25] =	ssyncadd.s32 $0xFFFFFFA0  }
0x170: {  	_ =	swait.ge [sflag:s25], $0x60  }
0x171: {  	[sflag:s25] =	ssyncset.done $0x0  }
0x172: {  	[sflag:s25] =	ssyncadd.s32 $0xFFFFFFA0  }
0x173: {  	[bflag:$0x0] =	sbarrier.arrive $0xFFFF  }
0x174: {  	[tilespmem:s14], [sflag:$0x6] =	stream.linear.gather [spmem:s11], $0x280, $0x38;
	[tilespmem:$0x1800] =	vst v63  }
0x175: {  	_ =	swait.ge [sflag:s15], $0x280  }
0x176: {  	[sflag:s15] =	ssyncset.done $0x0  }
0x177: {  	s7 =	rddreg [dreg:$0x18];
	[sflag:s15] =	ssyncadd.s32 $0xFFFFFD80  }
0x178: {  	[hbm4b:s7+s21] =	stream.strided.scatter [tilespmem:s14], [sflag:$0x6], $0x280, s22, s21, $0x38;
	[tilespmem:$0x1800] =	vst v63  }
0x179: {  	_ =	swait.ge [sflag:s15], $0x280  }
0x17a: {  	[sflag:s15] =	ssyncset.done $0x0  }
0x17b: {  	s8 =	rddreg [dreg:$0x16];
	[sflag:s15] =	ssyncadd.s32 $0xFFFFFD80  }
0x17c: {  	[tilespmem:s14], [sflag:$0x6] =	stream.linear.gather [spmem:s8], $0x280, $0x38;
	[tilespmem:$0x1800] =	vst v63  }
0x17d: {  	_ =	swait.ge [sflag:s15], $0x280  }
0x17e: {  	[sflag:s15] =	ssyncset.done $0x0  }
0x17f: {  	s12 =	rddreg [dreg:$0x19];
	[sflag:s15] =	ssyncadd.s32 $0xFFFFFD80  }
0x180: {  	[hbm4b:s12+s21] =	stream.strided.scatter [tilespmem:s14], [sflag:$0x6], $0x280, s22, s21, $0x38;
	[tilespmem:$0x1800] =	vst v63  }
0x181: {  	_ =	swait.ge [sflag:s15], $0x280  }
0x182: {  	s9 =	sadd.s32 $0x1, s9;
	s13 =	rddreg [dreg:$0x1a]  }
0x183: {  	p0 =	sne.s32 s9, s13  }
.Ltmp1:
0x184: {  	_ = 	snop;
	(pc) =	sbr.rel @p0 .LBB2_1-.Ltmp1, $3  }
0x185: {  	_ =	sdelay $0x1  }
0x186: {  	[sflag:s15] =	ssyncset.done $0x0  }
0x187: {  	s6 =	smov.u32 s11;
	[sflag:s15] =	ssyncadd.s32 $0xFFFFFD80  }
0x188: {  	_ =	sfence.sel $0x180000  }
0x189: {  	[bflag:$0x0] =	sbarrier.arrive $0xFFFF  }
0x18a: {  	_ =	strace $0x90000047  }
0x18b: {  	s0 =	stileid.u32;
	[bflag:$0x2] =	sbarrier.arrive $0xFFFF  }
0x18c: {  	p0 =	sne.s32 s0, $0x0;
	s0 =	rddreg [dreg:$0x4]  }
0x18d: {  	s0 =	sadd.s32 @!p0 $0x100000, s0  }
0x18e: {  	[sflag:s0] =	ssyncadd.tile.s32 @!p0 $0x1;
	_ =	shalt  }
.Lfunc_end2:
_tile_overlayer_lowered:
.L_overlay_start_2:
0x18f: {  	(tag) =	ssettag $0x2  }
0x190: {  	s0 =	rddreg [dreg:$0x0];
	s2 =	stileid.u32  }
0x191: {  	s1 =	rddreg [dreg:$0x1];
	p0 =	sne.s32 s2, $0x0  }
0x192: {  	s3 =	rddreg [dreg:$0x2];
	[bflag:$0x3] =	sbarrier.arrive $0xFFFF;
	s2 =	simm.s32 @!p0 $0x1C06  }
0x193: {  	[timem:s3], [sflag:s2] =	dma.local @!p0 [hbm:s0], s1  }
0x194: {  	s0 =	simm.s32 @!p0 $0x6  }
0x195: {  	_ =	swait.ge @!p0 [sflag:s0], s1  }
0x196: {  	s1 =	ssub.s32 @!p0 $0x0, s1;
	[sflag:s0] =	ssyncset.done @!p0 $0x0  }
0x197: {  	[sflag:s0] =	ssyncadd.s32 @!p0 s1  }
0x198: {  	[bflag:$0x3] =	sbarrier.arrive $0xFFFF  }
0x199: {  	_ =	shalt  }

</sc_bundles>
